<compile_context>
chip_gen: v7x
topology: tpu7x:2x2x1
jax: 0.10.2.dev20260603
libtpu: 0.0.44.dev20260713+nightly
codegen_flags: <defaults>
</compile_context>

<pallas_src>
import functools

import jax
import jax.numpy as jnp
from jax import lax
from jax.experimental import pallas as pl
from jax.experimental.pallas import tpu as pltpu
from jax.experimental.pallas import tpu_sc as plsc

DIM = 768
B = 4
S = 8192
H = DIM // 2
Q = DIM // 4
NT = S // 2
SBLK = 2048
NBITS = 10
NBINS = 1 << NBITS
DMASK = NBINS - 1
LSTRIDE = S // 16
NW = 32
RPW = B * NT // NW
CH = 64
import numpy as _np

RINV_H = _np.float32(0.00260416674)
RINV_NT = _np.float32(1.0 / 4096.0)
RMAGIC = _np.float32(12582912.0)

_sc_mesh = plsc.VectorSubcoreMesh(core_axis_name="c", subcore_axis_name="s")
_sc_params = pltpu.CompilerParams(needs_layout_passes=False)


def _score_body(x_ref, W1_ref, b1_ref, g_ref, be_ref, w2_ref, b2_ref, o_ref):
    x = x_ref[0]
    dn = (((1,), (1,)), ((), ()))
    hT = lax.dot_general(W1_ref[...], x, dn, preferred_element_type=jnp.float32)
    hT = hT + b1_ref[...][:, None]
    mu = jnp.sum(hT, axis=0, keepdims=True) * RINV_H
    cen = hT - mu
    var = jnp.sum(cen * cen, axis=0, keepdims=True) * RINV_H
    rsd = jnp.sqrt(var + 1e-5)
    hn = cen / rsd * g_ref[...][:, None] + be_ref[...][:, None]
    r = jnp.maximum(hn, 0.0)
    w2 = w2_ref[...]
    cd = (((1,), (0,)), ((), ()))
    z = (lax.dot_general(w2[:, 0:128], r[0:128], cd, preferred_element_type=jnp.float32)
         + lax.dot_general(w2[:, 128:256], r[128:256], cd, preferred_element_type=jnp.float32)
         + lax.dot_general(w2[:, 256:384], r[256:384], cd, preferred_element_type=jnp.float32))
    z = z + b2_ref[...][0]
    s = 1.0 / (1.0 + jnp.exp(-z))
    key = jnp.int32(0x3F800000) - lax.bitcast_convert_type(s, jnp.int32)
    o_ref[...] = key.reshape(1, SBLK // 128, 128)


def _score_keys(x, W1, b1, ln_g, ln_b, W2, b2):
    out = pl.pallas_call(
        _score_body,
        out_shape=jax.ShapeDtypeStruct((B, S // 128, 128), jnp.int32),
        grid=(B, S // SBLK),
        in_specs=[
            pl.BlockSpec((1, SBLK, DIM), lambda b, s: (b, s, 0)),
            pl.BlockSpec((H, DIM), lambda b, s: (0, 0)),
            pl.BlockSpec((H,), lambda b, s: (0,)),
            pl.BlockSpec((H,), lambda b, s: (0,)),
            pl.BlockSpec((H,), lambda b, s: (0,)),
            pl.BlockSpec((1, H), lambda b, s: (0, 0)),
            pl.BlockSpec((1,), lambda b, s: (0,)),
        ],
        out_specs=pl.BlockSpec((1, SBLK // 128, 128), lambda b, s: (b, s, 0)),
    )(x, W1, b1, ln_g, ln_b, W2, b2)
    return out.reshape(B, S)


def _sort_body(keys_hbm, idx_hbm, k0, v0, k1, v1, cnt):
    wid = lax.axis_index("s") * 2 + lax.axis_index("c")

    @pl.when(wid < B)
    def _():
        b = wid
        pltpu.sync_copy(keys_hbm.at[b], k0)
        lane = lax.broadcasted_iota(jnp.int32, (16,), 0)
        gbase = b * S

        def one_pass(shift, src_k, src_v, dst_k, dst_v, first):
            def zero_body(i):
                cnt[pl.ds(i * 16, 16)] = jnp.zeros((16,), jnp.int32)
            pl.loop(0, NBINS)(zero_body)

            def hist_body(i):
                k = plsc.load_gather(src_k, [i + lane * LSTRIDE])
                d = lax.shift_right_logical(k, shift) & DMASK
                ci = d * 16 + lane
                c = plsc.load_gather(cnt, [ci])
                plsc.store_scatter(cnt, [ci], c + 1)
            pl.loop(0, LSTRIDE)(hist_body)

            def pfx_body(i, carry):
                v = cnt[pl.ds(i * 16, 16)]
                c = plsc.cumsum(v)
                cnt[pl.ds(i * 16, 16)] = c - v + carry
                return carry + lax.reduce_sum(v, (0,))
            lax.fori_loop(0, NBINS, pfx_body, jnp.int32(0), unroll=False)

            def scat_body(i):
                src_i = i + lane * LSTRIDE
                k = plsc.load_gather(src_k, [src_i])
                if first:
                    v = src_i + gbase
                else:
                    v = plsc.load_gather(src_v, [src_i])
                d = lax.shift_right_logical(k, shift) & DMASK
                ci = d * 16 + lane
                pos = plsc.load_gather(cnt, [ci])
                plsc.store_scatter(dst_k, [pos], k)
                plsc.store_scatter(dst_v, [pos], v)
                plsc.store_scatter(cnt, [ci], pos + 1)
            pl.loop(0, LSTRIDE)(scat_body)

        one_pass(0, k0, k0, k1, v1, True)
        one_pass(NBITS, k1, v1, k0, v0, False)
        one_pass(2 * NBITS, k0, v0, k1, v1, False)
        pltpu.sync_copy(v1.at[pl.ds(0, NT)], idx_hbm.at[b])


_sort_topk = functools.partial(
    pl.kernel, mesh=_sc_mesh, compiler_params=_sc_params,
    out_type=jax.ShapeDtypeStruct((B, NT), jnp.int32),
    scratch_types=[pltpu.VMEM((S,), jnp.int32),
                   pltpu.VMEM((S,), jnp.int32),
                   pltpu.VMEM((S,), jnp.int32),
                   pltpu.VMEM((S,), jnp.int32),
                   pltpu.VMEM((NBINS * 16,), jnp.int32)],
)(_sort_body)


def _greduce_body(xf_hbm, idx_hbm, part_hbm, idxv, rows, acc, sem):
    wid = lax.axis_index("s") * 2 + lax.axis_index("c")
    pltpu.sync_copy(idx_hbm.at[pl.ds(wid * RPW, RPW)], idxv)

    def zero_body(j):
        acc[0, pl.ds(j * 16, 16)] = jnp.zeros((16,), jnp.float32)
        acc[1, pl.ds(j * 16, 16)] = jnp.zeros((16,), jnp.float32)
    pl.loop(0, DIM // 16)(zero_body)

    def chunk_body(c):
        pltpu.async_copy(xf_hbm.at[idxv.at[pl.ds(c * CH, CH)]], rows, sem).wait()

        def row_body(r):
            for j in range(DIM // 16):
                ds = pl.ds(j * 16, 16)
                v = rows[r, ds]
                acc[0, ds] += v
                acc[1, ds] = jnp.maximum(acc[1, ds], jnp.abs(v))
        pl.loop(0, CH)(row_body)
    pl.loop(0, RPW // CH)(chunk_body)
    pltpu.sync_copy(acc, part_hbm.at[wid])


_gather_reduce = functools.partial(
    pl.kernel, mesh=_sc_mesh, compiler_params=_sc_params,
    out_type=jax.ShapeDtypeStruct((NW, 2, DIM), jnp.float32),
    scratch_types=[pltpu.VMEM((RPW,), jnp.int32),
                   pltpu.VMEM((CH, DIM), jnp.float32),
                   pltpu.VMEM((2, DIM), jnp.float32),
                   pltpu.SemaphoreType.DMA],
)(_greduce_body)


def _final_body(part_ref, Wq1_ref, bq1_ref, Wq2_ref, bq2_ref, step_ref):
    p = part_ref[...]
    p4 = p.reshape(B, NW // B, 2, DIM)
    pooled = jnp.sum(p4[:, :, 0, :], axis=1) * RINV_NT
    scale = jnp.max(p4[:, :, 1, :], axis=1)
    dn = (((1,), (1,)), ((), ()))
    qh = jnp.maximum(
        lax.dot_general(pooled, Wq1_ref[...], dn, preferred_element_type=jnp.float32)
        + bq1_ref[...][None, :], 0.0)
    logits = (lax.dot_general(qh, Wq2_ref[...], dn, preferred_element_type=jnp.float32)
              + bq2_ref[...][None, :])
    maxv = jnp.max(logits, axis=1, keepdims=True)
    io = lax.broadcasted_iota(jnp.int32, (B, 8), 1)
    bits = jnp.min(jnp.where(logits == maxv, io, 8), axis=1) + 1
    pw = jnp.exp2(bits.astype(jnp.float32))
    step_ref[...] = scale / pw[:, None]


def _finalize(partials, Wq1, bq1, Wq2, bq2):
    return pl.pallas_call(
        _final_body,
        out_shape=jax.ShapeDtypeStruct((B, DIM), jnp.float32),
    )(partials, Wq1, bq1, Wq2, bq2)


def _gquant_body(xf_hbm, idx_hbm, step_hbm, out_hbm, idxv, rows, stepv, sem):
    wid = lax.axis_index("s") * 2 + lax.axis_index("c")
    b = wid // (NW // B)
    pltpu.sync_copy(idx_hbm.at[pl.ds(wid * RPW, RPW)], idxv)
    pltpu.sync_copy(step_hbm.at[b], stepv)

    def chunk_body(c):
        pltpu.async_copy(xf_hbm.at[idxv.at[pl.ds(c * CH, CH)]], rows, sem).wait()

        for j in range(DIM // 16):
            ds = pl.ds(j * 16, 16)
            sv = stepv[ds]

            def col_body(r, sv=sv, ds=ds):
                q = rows[r, ds] / sv
                qr = (q + RMAGIC) - RMAGIC
                rows[r, ds] = qr * sv
            pl.loop(0, CH)(col_body)
        pltpu.sync_copy(rows, out_hbm.at[pl.ds(wid * RPW + c * CH, CH)])
    pl.loop(0, RPW // CH)(chunk_body)


_gather_quant = functools.partial(
    pl.kernel, mesh=_sc_mesh, compiler_params=_sc_params,
    out_type=jax.ShapeDtypeStruct((B * NT, DIM), jnp.float32),
    scratch_types=[pltpu.VMEM((RPW,), jnp.int32),
                   pltpu.VMEM((CH, DIM), jnp.float32),
                   pltpu.VMEM((DIM,), jnp.float32),
                   pltpu.SemaphoreType.DMA],
)(_gquant_body)


def kernel(x, W1, b1, ln_g, ln_b, W2, b2, Wq1, bq1, Wq2, bq2):
    keys = _score_keys(x, W1, b1, ln_g, ln_b, W2, b2)
    idx = _sort_topk(keys)
    idxf = idx.reshape(B * NT)
    xf = x.reshape(B * S, DIM)
    partials = _gather_reduce(xf, idxf)
    step = _finalize(partials, Wq1, bq1, Wq2, bq2)
    out = _gather_quant(xf, idxf, step)
    return out.reshape(B, NT, DIM)

# --- scband reference (transcript-rebuilt; emitter-appended) ---
"""Pipeline reference for scband-dynamic-compression-87754771792448 (READ-ONLY COPY).

The authoritative reference and input builder live on the scoring server;
editing this copy changes nothing except your own understanding.
"""

import jax, jax.numpy as jnp
import numpy as np

DIM = 768
B = 4
S = 8192
H = DIM // 2
Q = DIM // 4
MIN_R = 0.1
MAX_R = 0.9
# enable_adaptive_compression=False -> fixed ratio = (min+max)/2 = 0.5
NUM_TOKENS = int(S * (MIN_R + MAX_R) / 2.0)


def _lin(k, out_f, in_f):
    bound = 1.0 / np.sqrt(in_f)
    kw, kb = jax.random.split(k)
    W = jax.random.uniform(kw, (out_f, in_f), minval=-bound, maxval=bound, dtype=jnp.float32)
    b = jax.random.uniform(kb, (out_f,), minval=-bound, maxval=bound, dtype=jnp.float32)
    return W, b


def setup_inputs(seed: int = 0) -> dict:
    key = jax.random.key(seed)
    ks = jax.random.split(key, 6)
    x = jax.random.normal(ks[0], (B, S, DIM), dtype=jnp.float32)
    W1, b1 = _lin(ks[1], H, DIM)
    ln_g = jnp.ones((H,), dtype=jnp.float32)
    ln_b = jnp.zeros((H,), dtype=jnp.float32)
    W2, b2 = _lin(ks[2], 1, H)
    Wq1, bq1 = _lin(ks[3], Q, DIM)
    Wq2, bq2 = _lin(ks[4], 8, Q)
    return {"x": x, "W1": W1, "b1": b1, "ln_g": ln_g, "ln_b": ln_b,
            "W2": W2, "b2": b2, "Wq1": Wq1, "bq1": bq1, "Wq2": Wq2, "bq2": bq2}


def reference(x, W1, b1, ln_g, ln_b, W2, b2, Wq1, bq1, Wq2, bq2):
    # importance_scorer: Linear -> LayerNorm -> ReLU -> Linear -> Sigmoid
    h = x @ W1.T + b1
    mu = jnp.mean(h, axis=-1, keepdims=True)
    var = jnp.var(h, axis=-1, keepdims=True)
    h = (h - mu) / jnp.sqrt(var + 1e-5) * ln_g + ln_b
    h = jax.nn.relu(h)
    importance = jax.nn.sigmoid(h @ W2.T + b2)  # [B, S, 1]
    scores = importance[..., 0]  # squeeze(-1)
    # fixed compression ratio (adaptive disabled): keep NUM_TOKENS tokens
    _, idx = jax.lax.top_k(scores, NUM_TOKENS)  # [B, NUM_TOKENS]
    selected = jnp.take_along_axis(x, idx[:, :, None], axis=1)  # [B, NUM_TOKENS, DIM]
    # adaptive quantization
    pooled = jnp.mean(selected, axis=1)  # [B, DIM]
    qh = jax.nn.relu(pooled @ Wq1.T + bq1)
    quant_probs = jax.nn.softmax(qh @ Wq2.T + bq2, axis=-1)  # [B, 8]
    num_bits = jnp.argmax(quant_probs, axis=1) + 1  # [B]
    scale = jnp.max(jnp.abs(selected), axis=1, keepdims=True)  # [B, 1, DIM]
    step = scale / jnp.power(2.0, num_bits.astype(jnp.float32)).reshape(-1, 1, 1)
    x_quant = jnp.round(selected / step) * step
    return x_quant

if __name__ == "__main__":
    import jax
    _d = setup_inputs()
    print(jax.jit(kernel)(*tuple(_d.values())))

</pallas_src>

<mosaic_0001>
#map = affine_map<(d0, d1) -> (0, 0)>
#map1 = affine_map<(d0, d1) -> (0)>
#map2 = affine_map<(d0, d1) -> (0, 0, 0)>
module attributes {stable_mosaic.version = 14 : i64} {
  func.func @_greduce_body(%arg0: i32, %arg1: i32, %arg2: memref<32768x768xf32, #tpu.memory_space<hbm>>, %arg3: memref<16384xi32, #tpu.memory_space<hbm>>, %arg4: memref<32x2x768xf32, #tpu.memory_space<hbm>>, %arg5: memref<512xi32, #tpu.memory_space<vmem>>, %arg6: memref<64x768xf32, #tpu.memory_space<vmem>>, %arg7: memref<2x768xf32, #tpu.memory_space<vmem>>, %arg8: memref<!tpu.dma_semaphore, #tpu.memory_space<semaphore_mem>>) attributes {dimension_semantics = [#tpu.dimension_semantics<core_parallel>, #tpu.dimension_semantics<subcore_parallel>], iteration_bounds = array<i64: 2, 16>, scalar_prefetch = 0 : i64, scratch_operands = 4 : i64, tpu.core_type = #tpu.core_type<sc_vector_subcore>, window_params = [{transform_indices = #map}, {transform_indices = #map1}, {transform_indices = #map2}]} {
    %mul3A = arith.constant 2 : i32
    %mul3A_0 = arith.muli %arg1, %mul3A : i32
    %add3A = arith.addi %mul3A_0, %arg0 : i32
    %mul3A_1 = arith.constant 512 : i32
    %mul3A_2 = arith.muli %add3A, %mul3A_1 : i32
    "tpu.region"() ({
      %run_scoped3A = tpu.sem_alloc : memref<!tpu.dma_semaphore, #tpu.memory_space<semaphore_mem>>
      %dma_start3A = tpu.memref_slice %arg3[%mul3A_2] : memref<16384xi32, #tpu.memory_space<hbm>> -> memref<512xi32, #tpu.memory_space<hbm>>
      %dma_start3A_12 = tpu.memref_slice %arg3[%mul3A_2] : memref<16384xi32, #tpu.memory_space<hbm>> -> memref<512xi32, #tpu.memory_space<hbm>>
      tpu.enqueue_dma source(%dma_start3A_12 : memref<512xi32, #tpu.memory_space<hbm>>) target(%arg5 : memref<512xi32, #tpu.memory_space<vmem>>) target_semaphore(%run_scoped3A : memref<!tpu.dma_semaphore, #tpu.memory_space<semaphore_mem>>)
      %dma_wait3A = tpu.memref_slice %arg3[%mul3A_2] : memref<16384xi32, #tpu.memory_space<hbm>> -> memref<512xi32, #tpu.memory_space<hbm>>
      %dma_wait3A_13 = tpu.memref_slice %arg3[%mul3A_2] : memref<16384xi32, #tpu.memory_space<hbm>> -> memref<512xi32, #tpu.memory_space<hbm>>
      tpu.wait_dma2 semaphore(%run_scoped3A : memref<!tpu.dma_semaphore, #tpu.memory_space<semaphore_mem>>) src(%dma_wait3A_13 : memref<512xi32, #tpu.memory_space<hbm>>) dst(%arg5 : memref<512xi32, #tpu.memory_space<vmem>>)
      tpu.yield
    }) : () -> ()
    %scan3A = arith.constant 0 : i32
    %scan3A_3 = arith.constant 48 : i32
    %scan3A_4 = arith.addi %scan3A, %scan3A_3 : i32
    %scan3A_5 = arith.constant 1 : i32
    scf.for %scan3A_12 = %scan3A to %scan3A_4 step %scan3A_5  : i32 {
      %mul3A_13 = arith.constant 1 : i32
      %mul3A_14 = arith.muli %scan3A_12, %mul3A_13 : i32
      %add3A_15 = arith.constant 0 : i32
      %add3A_16 = arith.addi %add3A_15, %mul3A_14 : i32
      %broadcast_in_dim3A = arith.constant 0.000000e+00 : f32
      %broadcast_in_dim3A_17 = vector.broadcast %broadcast_in_dim3A : f32 to vector<16xf32>
      %mul3A_18 = arith.constant 16 : i32
      %mul3A_19 = arith.muli %add3A_16, %mul3A_18 : i32
      %swap3A = arith.constant 0 : i32
      %swap3A_20 = arith.index_cast %swap3A : i32 to index
      %swap3A_21 = arith.index_cast %mul3A_19 : i32 to index
      %swap3A_22 = tpu.vector_load %arg7[%swap3A_20, %swap3A_21] {strides = array<i32>} : memref<2x768xf32, #tpu.memory_space<vmem>>, vector<16xf32>,
      tpu.vector_store %arg7[%swap3A_20, %swap3A_21], %broadcast_in_dim3A_17 {strides = array<i32>} : memref<2x768xf32, #tpu.memory_space<vmem>>, vector<16xf32>,
      %broadcast_in_dim3A_23 = arith.constant 0.000000e+00 : f32
      %broadcast_in_dim3A_24 = vector.broadcast %broadcast_in_dim3A_23 : f32 to vector<16xf32>
      %mul3A_25 = arith.constant 16 : i32
      %mul3A_26 = arith.muli %add3A_16, %mul3A_25 : i32
      %swap3A_27 = arith.constant 1 : i32
      %swap3A_28 = arith.index_cast %swap3A_27 : i32 to index
      %swap3A_29 = arith.index_cast %mul3A_26 : i32 to index
      %swap3A_30 = tpu.vector_load %arg7[%swap3A_28, %swap3A_29] {strides = array<i32>} : memref<2x768xf32, #tpu.memory_space<vmem>>, vector<16xf32>,
      tpu.vector_store %arg7[%swap3A_28, %swap3A_29], %broadcast_in_dim3A_24 {strides = array<i32>} : memref<2x768xf32, #tpu.memory_space<vmem>>, vector<16xf32>,
    }
    %scan3A_6 = arith.constant 48 : i32
    %scan3A_7 = arith.constant 0 : i32
    %scan3A_8 = arith.constant 8 : i32
    %scan3A_9 = arith.addi %scan3A_7, %scan3A_8 : i32
    %scan3A_10 = arith.constant 1 : i32
    scf.for %scan3A_12 = %scan3A_7 to %scan3A_9 step %scan3A_10  : i32 {
      %mul3A_13 = arith.constant 1 : i32
      %mul3A_14 = arith.muli %scan3A_12, %mul3A_13 : i32
      %add3A_15 = arith.constant 0 : i32
      %add3A_16 = arith.addi %add3A_15, %mul3A_14 : i32
      %mul3A_17 = arith.constant 64 : i32
      %mul3A_18 = arith.muli %add3A_16, %mul3A_17 : i32
      %dma_start3A = tpu.memref_slice %arg5[%mul3A_18] : memref<512xi32, #tpu.memory_space<vmem>> -> memref<64xi32, #tpu.memory_space<vmem>>
      %dma_start3A_19 = arith.constant 0 : i32
      %dma_start3A_20 = arith.constant 0 : i32
      %dma_start3A_21 = tpu.memref_slice %arg2[%dma_start3A_19, %dma_start3A_20] : memref<32768x768xf32, #tpu.memory_space<hbm>> -> memref<32768x768xf32, #tpu.memory_space<hbm>>
      tpu.enqueue_indirect_dma source(%dma_start3A_21 : memref<32768x768xf32, #tpu.memory_space<hbm>>) target(%arg6 : memref<64x768xf32, #tpu.memory_space<vmem>>) offsets(%dma_start3A : memref<64xi32, #tpu.memory_space<vmem>>) semaphore(%arg8 : memref<!tpu.dma_semaphore, #tpu.memory_space<semaphore_mem>>)
      %dma_wait3A = tpu.memref_slice %arg5[%mul3A_18] : memref<512xi32, #tpu.memory_space<vmem>> -> memref<64xi32, #tpu.memory_space<vmem>>
      %dma_wait3A_22 = arith.constant 0 : i32
      %dma_wait3A_23 = arith.constant 0 : i32
      %dma_wait3A_24 = tpu.memref_slice %arg2[%dma_wait3A_22, %dma_wait3A_23] : memref<32768x768xf32, #tpu.memory_space<hbm>> -> memref<32768x768xf32, #tpu.memory_space<hbm>>
      tpu.wait_indirect_dma semaphore(%arg8 : memref<!tpu.dma_semaphore, #tpu.memory_space<semaphore_mem>>) src(%dma_wait3A_24 : memref<32768x768xf32, #tpu.memory_space<hbm>>) dst(%arg6 : memref<64x768xf32, #tpu.memory_space<vmem>>)
      %scan3A_25 = arith.constant 0 : i32
      %scan3A_26 = arith.constant 64 : i32
      %scan3A_27 = arith.addi %scan3A_25, %scan3A_26 : i32
      %scan3A_28 = arith.constant 1 : i32
      scf.for %scan3A_30 = %scan3A_25 to %scan3A_27 step %scan3A_28  : i32 {
        %mul3A_31 = arith.constant 1 : i32
        %mul3A_32 = arith.muli %scan3A_30, %mul3A_31 : i32
        %add3A_33 = arith.constant 0 : i32
        %add3A_34 = arith.addi %add3A_33, %mul3A_32 : i32
        %get3A = arith.index_cast %add3A_34 : i32 to index
        %get3A_35 = arith.constant 0 : index
        %get3A_36 = tpu.vector_load %arg6[%get3A, %get3A_35] {strides = array<i32>} : memref<64x768xf32, #tpu.memory_space<vmem>>, vector<16xf32>,
        %get3A_37 = arith.constant 0 : i32
        %get3A_38 = arith.index_cast %get3A_37 : i32 to index
        %get3A_39 = arith.constant 0 : index
        %get3A_40 = tpu.vector_load %arg7[%get3A_38, %get3A_39] {strides = array<i32>} : memref<2x768xf32, #tpu.memory_space<vmem>>, vector<16xf32>,
        %add3A_41 = arith.addf %get3A_40, %get3A_36 : vector<16xf32>
        %swap3A = arith.constant 0 : i32
        %swap3A_42 = arith.index_cast %swap3A : i32 to index
        %swap3A_43 = arith.constant 0 : index
        %swap3A_44 = tpu.vector_load %arg7[%swap3A_42, %swap3A_43] {strides = array<i32>} : memref<2x768xf32, #tpu.memory_space<vmem>>, vector<16xf32>,
        tpu.vector_store %arg7[%swap3A_42, %swap3A_43], %add3A_41 {strides = array<i32>} : memref<2x768xf32, #tpu.memory_space<vmem>>, vector<16xf32>,
        %get3A_45 = arith.constant 1 : i32
        %get3A_46 = arith.index_cast %get3A_45 : i32 to index
        %get3A_47 = arith.constant 0 : index
        %get3A_48 = tpu.vector_load %arg7[%get3A_46, %get3A_47] {strides = array<i32>} : memref<2x768xf32, #tpu.memory_space<vmem>>, vector<16xf32>,
        %abs3A = math.absf %get3A_36 : vector<16xf32>
        %max3A = arith.maximumf %get3A_48, %abs3A : vector<16xf32>
        %swap3A_49 = arith.constant 1 : i32
        %swap3A_50 = arith.index_cast %swap3A_49 : i32 to index
        %swap3A_51 = arith.constant 0 : index
        %swap3A_52 = tpu.vector_load %arg7[%swap3A_50, %swap3A_51] {strides = array<i32>} : memref<2x768xf32, #tpu.memory_space<vmem>>, vector<16xf32>,
        tpu.vector_store %arg7[%swap3A_50, %swap3A_51], %max3A {strides = array<i32>} : memref<2x768xf32, #tpu.memory_space<vmem>>, vector<16xf32>,
        %get3A_53 = arith.index_cast %add3A_34 : i32 to index
        %get3A_54 = arith.constant 16 : index
        %get3A_55 = tpu.vector_load %arg6[%get3A_53, %get3A_54] {strides = array<i32>} : memref<64x768xf32, #tpu.memory_space<vmem>>, vector<16xf32>,
        %get3A_56 = arith.constant 0 : i32
        %get3A_57 = arith.index_cast %get3A_56 : i32 to index
        %get3A_58 = arith.constant 16 : index
        %get3A_59 = tpu.vector_load %arg7[%get3A_57, %get3A_58] {strides = array<i32>} : memref<2x768xf32, #tpu.memory_space<vmem>>, vector<16xf32>,
        %add3A_60 = arith.addf %get3A_59, %get3A_55 : vector<16xf32>
        %swap3A_61 = arith.constant 0 : i32
        %swap3A_62 = arith.index_cast %swap3A_61 : i32 to index
        %swap3A_63 = arith.constant 16 : index
        %swap3A_64 = tpu.vector_load %arg7[%swap3A_62, %swap3A_63] {strides = array<i32>} : memref<2x768xf32, #tpu.memory_space<vmem>>, vector<16xf32>,
        tpu.vector_store %arg7[%swap3A_62, %swap3A_63], %add3A_60 {strides = array<i32>} : memref<2x768xf32, #tpu.memory_space<vmem>>, vector<16xf32>,
        %get3A_65 = arith.constant 1 : i32
        %get3A_66 = arith.index_cast %get3A_65 : i32 to index
        %get3A_67 = arith.constant 16 : index
        %get3A_68 = tpu.vector_load %arg7[%get3A_66, %get3A_67] {strides = array<i32>} : memref<2x768xf32, #tpu.memory_space<vmem>>, vector<16xf32>,
        %abs3A_69 = math.absf %get3A_55 : vector<16xf32>
        %max3A_70 = arith.maximumf %get3A_68, %abs3A_69 : vector<16xf32>
        %swap3A_71 = arith.constant 1 : i32
        %swap3A_72 = arith.index_cast %swap3A_71 : i32 to index
        %swap3A_73 = arith.constant 16 : index
        %swap3A_74 = tpu.vector_load %arg7[%swap3A_72, %swap3A_73] {strides = array<i32>} : memref<2x768xf32, #tpu.memory_space<vmem>>, vector<16xf32>,
        tpu.vector_store %arg7[%swap3A_72, %swap3A_73], %max3A_70 {strides = array<i32>} : memref<2x768xf32, #tpu.memory_space<vmem>>, vector<16xf32>,
        %get3A_75 = arith.index_cast %add3A_34 : i32 to index
        %get3A_76 = arith.constant 32 : index
        %get3A_77 = tpu.vector_load %arg6[%get3A_75, %get3A_76] {strides = array<i32>} : memref<64x768xf32, #tpu.memory_space<vmem>>, vector<16xf32>,
        %get3A_78 = arith.constant 0 : i32
        %get3A_79 = arith.index_cast %get3A_78 : i32 to index
        %get3A_80 = arith.constant 32 : index
        %get3A_81 = tpu.vector_load %arg7[%get3A_79, %get3A_80] {strides = array<i32>} : memref<2x768xf32, #tpu.memory_space<vmem>>, vector<16xf32>,
        %add3A_82 = arith.addf %get3A_81, %get3A_77 : vector<16xf32>
        %swap3A_83 = arith.constant 0 : i32
        %swap3A_84 = arith.index_cast %swap3A_83 : i32 to index
        %swap3A_85 = arith.constant 32 : index
        %swap3A_86 = tpu.vector_load %arg7[%swap3A_84, %swap3A_85] {strides = array<i32>} : memref<2x768xf32, #tpu.memory_space<vmem>>, vector<16xf32>,
        tpu.vector_store %arg7[%swap3A_84, %swap3A_85], %add3A_82 {strides = array<i32>} : memref<2x768xf32, #tpu.memory_space<vmem>>, vector<16xf32>,
        %get3A_87 = arith.constant 1 : i32
        %get3A_88 = arith.index_cast %get3A_87 : i32 to index
        %get3A_89 = arith.constant 32 : index
        %get3A_90 = tpu.vector_load %arg7[%get3A_88, %get3A_89] {strides = array<i32>} : memref<2x768xf32, #tpu.memory_space<vmem>>, vector<16xf32>,
        %abs3A_91 = math.absf %get3A_77 : vector<16xf32>
        %max3A_92 = arith.maximumf %get3A_90, %abs3A_91 : vector<16xf32>
        %swap3A_93 = arith.constant 1 : i32
        %swap3A_94 = arith.index_cast %swap3A_93 : i32 to index
        %swap3A_95 = arith.constant 32 : index
        %swap3A_96 = tpu.vector_load %arg7[%swap3A_94, %swap3A_95] {strides = array<i32>} : memref<2x768xf32, #tpu.memory_space<vmem>>, vector<16xf32>,
        tpu.vector_store %arg7[%swap3A_94, %swap3A_95], %max3A_92 {strides = array<i32>} : memref<2x768xf32, #tpu.memory_space<vmem>>, vector<16xf32>,
        %get3A_97 = arith.index_cast %add3A_34 : i32 to index
        %get3A_98 = arith.constant 48 : index
        %get3A_99 = tpu.vector_load %arg6[%get3A_97, %get3A_98] {strides = array<i32>} : memref<64x768xf32, #tpu.memory_space<vmem>>, vector<16xf32>,
        %get3A_100 = arith.constant 0 : i32
        %get3A_101 = arith.index_cast %get3A_100 : i32 to index
        %get3A_102 = arith.constant 48 : index
        %get3A_103 = tpu.vector_load %arg7[%get3A_101, %get3A_102] {strides = array<i32>} : memref<2x768xf32, #tpu.memory_space<vmem>>, vector<16xf32>,
        %add3A_104 = arith.addf %get3A_103, %get3A_99 : vector<16xf32>
        %swap3A_105 = arith.constant 0 : i32
        %swap3A_106 = arith.index_cast %swap3A_105 : i32 to index
        %swap3A_107 = arith.constant 48 : index
        %swap3A_108 = tpu.vector_load %arg7[%swap3A_106, %swap3A_107] {strides = array<i32>} : memref<2x768xf32, #tpu.memory_space<vmem>>, vector<16xf32>,
        tpu.vector_store %arg7[%swap3A_106, %swap3A_107], %add3A_104 {strides = array<i32>} : memref<2x768xf32, #tpu.memory_space<vmem>>, vector<16xf32>,
        %get3A_109 = arith.constant 1 : i32
        %get3A_110 = arith.index_cast %get3A_109 : i32 to index
        %get3A_111 = arith.constant 48 : index
        %get3A_112 = tpu.vector_load %arg7[%get3A_110, %get3A_111] {strides = array<i32>} : memref<2x768xf32, #tpu.memory_space<vmem>>, vector<16xf32>,
        %abs3A_113 = math.absf %get3A_99 : vector<16xf32>
        %max3A_114 = arith.maximumf %get3A_112, %abs3A_113 : vector<16xf32>
        %swap3A_115 = arith.constant 1 : i32
        %swap3A_116 = arith.index_cast %swap3A_115 : i32 to index
        %swap3A_117 = arith.constant 48 : index
        %swap3A_118 = tpu.vector_load %arg7[%swap3A_116, %swap3A_117] {strides = array<i32>} : memref<2x768xf32, #tpu.memory_space<vmem>>, vector<16xf32>,
        tpu.vector_store %arg7[%swap3A_116, %swap3A_117], %max3A_114 {strides = array<i32>} : memref<2x768xf32, #tpu.memory_space<vmem>>, vector<16xf32>,
        %get3A_119 = arith.index_cast %add3A_34 : i32 to index
        %get3A_120 = arith.constant 64 : index
        %get3A_121 = tpu.vector_load %arg6[%get3A_119, %get3A_120] {strides = array<i32>} : memref<64x768xf32, #tpu.memory_space<vmem>>, vector<16xf32>,
        %get3A_122 = arith.constant 0 : i32
        %get3A_123 = arith.index_cast %get3A_122 : i32 to index
        %get3A_124 = arith.constant 64 : index
        %get3A_125 = tpu.vector_load %arg7[%get3A_123, %get3A_124] {strides = array<i32>} : memref<2x768xf32, #tpu.memory_space<vmem>>, vector<16xf32>,
        %add3A_126 = arith.addf %get3A_125, %get3A_121 : vector<16xf32>
        %swap3A_127 = arith.constant 0 : i32
        %swap3A_128 = arith.index_cast %swap3A_127 : i32 to index
        %swap3A_129 = arith.constant 64 : index
        %swap3A_130 = tpu.vector_load %arg7[%swap3A_128, %swap3A_129] {strides = array<i32>} : memref<2x768xf32, #tpu.memory_space<vmem>>, vector<16xf32>,
        tpu.vector_store %arg7[%swap3A_128, %swap3A_129], %add3A_126 {strides = array<i32>} : memref<2x768xf32, #tpu.memory_space<vmem>>, vector<16xf32>,
        %get3A_131 = arith.constant 1 : i32
        %get3A_132 = arith.index_cast %get3A_131 : i32 to index
        %get3A_133 = arith.constant 64 : index
        %get3A_134 = tpu.vector_load %arg7[%get3A_132, %get3A_133] {strides = array<i32>} : memref<2x768xf32, #tpu.memory_space<vmem>>, vector<16xf32>,
        %abs3A_135 = math.absf %get3A_121 : vector<16xf32>
        %max3A_136 = arith.maximumf %get3A_134, %abs3A_135 : vector<16xf32>
        %swap3A_137 = arith.constant 1 : i32
        %swap3A_138 = arith.index_cast %swap3A_137 : i32 to index
        %swap3A_139 = arith.constant 64 : index
        %swap3A_140 = tpu.vector_load %arg7[%swap3A_138, %swap3A_139] {strides = array<i32>} : memref<2x768xf32, #tpu.memory_space<vmem>>, vector<16xf32>,
        tpu.vector_store %arg7[%swap3A_138, %swap3A_139], %max3A_136 {strides = array<i32>} : memref<2x768xf32, #tpu.memory_space<vmem>>, vector<16xf32>,
        %get3A_141 = arith.index_cast %add3A_34 : i32 to index
        %get3A_142 = arith.constant 80 : index
        %get3A_143 = tpu.vector_load %arg6[%get3A_141, %get3A_142] {strides = array<i32>} : memref<64x768xf32, #tpu.memory_space<vmem>>, vector<16xf32>,
        %get3A_144 = arith.constant 0 : i32
        %get3A_145 = arith.index_cast %get3A_144 : i32 to index
        %get3A_146 = arith.constant 80 : index
        %get3A_147 = tpu.vector_load %arg7[%get3A_145, %get3A_146] {strides = array<i32>} : memref<2x768xf32, #tpu.memory_space<vmem>>, vector<16xf32>,
        %add3A_148 = arith.addf %get3A_147, %get3A_143 : vector<16xf32>
        %swap3A_149 = arith.constant 0 : i32
        %swap3A_150 = arith.index_cast %swap3A_149 : i32 to index
        %swap3A_151 = arith.constant 80 : index
        %swap3A_152 = tpu.vector_load %arg7[%swap3A_150, %swap3A_151] {strides = array<i32>} : memref<2x768xf32, #tpu.memory_space<vmem>>, vector<16xf32>,
        tpu.vector_store %arg7[%swap3A_150, %swap3A_151], %add3A_148 {strides = array<i32>} : memref<2x768xf32, #tpu.memory_space<vmem>>, vector<16xf32>,
        %get3A_153 = arith.constant 1 : i32
        %get3A_154 = arith.index_cast %get3A_153 : i32 to index
        %get3A_155 = arith.constant 80 : index
        %get3A_156 = tpu.vector_load %arg7[%get3A_154, %get3A_155] {strides = array<i32>} : memref<2x768xf32, #tpu.memory_space<vmem>>, vector<16xf32>,
        %abs3A_157 = math.absf %get3A_143 : vector<16xf32>
        %max3A_158 = arith.maximumf %get3A_156, %abs3A_157 : vector<16xf32>
        %swap3A_159 = arith.constant 1 : i32
        %swap3A_160 = arith.index_cast %swap3A_159 : i32 to index
        %swap3A_161 = arith.constant 80 : index
        %swap3A_162 = tpu.vector_load %arg7[%swap3A_160, %swap3A_161] {strides = array<i32>} : memref<2x768xf32, #tpu.memory_space<vmem>>, vector<16xf32>,
        tpu.vector_store %arg7[%swap3A_160, %swap3A_161], %max3A_158 {strides = array<i32>} : memref<2x768xf32, #tpu.memory_space<vmem>>, vector<16xf32>,
        %get3A_163 = arith.index_cast %add3A_34 : i32 to index
        %get3A_164 = arith.constant 96 : index
        %get3A_165 = tpu.vector_load %arg6[%get3A_163, %get3A_164] {strides = array<i32>} : memref<64x768xf32, #tpu.memory_space<vmem>>, vector<16xf32>,
        %get3A_166 = arith.constant 0 : i32
        %get3A_167 = arith.index_cast %get3A_166 : i32 to index
        %get3A_168 = arith.constant 96 : index
        %get3A_169 = tpu.vector_load %arg7[%get3A_167, %get3A_168] {strides = array<i32>} : memref<2x768xf32, #tpu.memory_space<vmem>>, vector<16xf32>,
        %add3A_170 = arith.addf %get3A_169, %get3A_165 : vector<16xf32>
        %swap3A_171 = arith.constant 0 : i32
        %swap3A_172 = arith.index_cast %swap3A_171 : i32 to index
        %swap3A_173 = arith.constant 96 : index
        %swap3A_174 = tpu.vector_load %arg7[%swap3A_172, %swap3A_173] {strides = array<i32>} : memref<2x768xf32, #tpu.memory_space<vmem>>, vector<16xf32>,
        tpu.vector_store %arg7[%swap3A_172, %swap3A_173], %add3A_170 {strides = array<i32>} : memref<2x768xf32, #tpu.memory_space<vmem>>, vector<16xf32>,
        %get3A_175 = arith.constant 1 : i32
        %get3A_176 = arith.index_cast %get3A_175 : i32 to index
        %get3A_177 = arith.constant 96 : index
        %get3A_178 = tpu.vector_load %arg7[%get3A_176, %get3A_177] {strides = array<i32>} : memref<2x768xf32, #tpu.memory_space<vmem>>, vector<16xf32>,
        %abs3A_179 = math.absf %get3A_165 : vector<16xf32>
        %max3A_180 = arith.maximumf %get3A_178, %abs3A_179 : vector<16xf32>
        %swap3A_181 = arith.constant 1 : i32
        %swap3A_182 = arith.index_cast %swap3A_181 : i32 to index
        %swap3A_183 = arith.constant 96 : index
        %swap3A_184 = tpu.vector_load %arg7[%swap3A_182, %swap3A_183] {strides = array<i32>} : memref<2x768xf32, #tpu.memory_space<vmem>>, vector<16xf32>,
        tpu.vector_store %arg7[%swap3A_182, %swap3A_183], %max3A_180 {strides = array<i32>} : memref<2x768xf32, #tpu.memory_space<vmem>>, vector<16xf32>,
        %get3A_185 = arith.index_cast %add3A_34 : i32 to index
        %get3A_186 = arith.constant 112 : index
        %get3A_187 = tpu.vector_load %arg6[%get3A_185, %get3A_186] {strides = array<i32>} : memref<64x768xf32, #tpu.memory_space<vmem>>, vector<16xf32>,
        %get3A_188 = arith.constant 0 : i32
        %get3A_189 = arith.index_cast %get3A_188 : i32 to index
        %get3A_190 = arith.constant 112 : index
        %get3A_191 = tpu.vector_load %arg7[%get3A_189, %get3A_190] {strides = array<i32>} : memref<2x768xf32, #tpu.memory_space<vmem>>, vector<16xf32>,
        %add3A_192 = arith.addf %get3A_191, %get3A_187 : vector<16xf32>
        %swap3A_193 = arith.constant 0 : i32
        %swap3A_194 = arith.index_cast %swap3A_193 : i32 to index
        %swap3A_195 = arith.constant 112 : index
        %swap3A_196 = tpu.vector_load %arg7[%swap3A_194, %swap3A_195] {strides = array<i32>} : memref<2x768xf32, #tpu.memory_space<vmem>>, vector<16xf32>,
        tpu.vector_store %arg7[%swap3A_194, %swap3A_195], %add3A_192 {strides = array<i32>} : memref<2x768xf32, #tpu.memory_space<vmem>>, vector<16xf32>,
        %get3A_197 = arith.constant 1 : i32
        %get3A_198 = arith.index_cast %get3A_197 : i32 to index
        %get3A_199 = arith.constant 112 : index
        %get3A_200 = tpu.vector_load %arg7[%get3A_198, %get3A_199] {strides = array<i32>} : memref<2x768xf32, #tpu.memory_space<vmem>>, vector<16xf32>,
        %abs3A_201 = math.absf %get3A_187 : vector<16xf32>
        %max3A_202 = arith.maximumf %get3A_200, %abs3A_201 : vector<16xf32>
        %swap3A_203 = arith.constant 1 : i32
        %swap3A_204 = arith.index_cast %swap3A_203 : i32 to index
        %swap3A_205 = arith.constant 112 : index
        %swap3A_206 = tpu.vector_load %arg7[%swap3A_204, %swap3A_205] {strides = array<i32>} : memref<2x768xf32, #tpu.memory_space<vmem>>, vector<16xf32>,
        tpu.vector_store %arg7[%swap3A_204, %swap3A_205], %max3A_202 {strides = array<i32>} : memref<2x768xf32, #tpu.memory_space<vmem>>, vector<16xf32>,
        %get3A_207 = arith.index_cast %add3A_34 : i32 to index
        %get3A_208 = arith.constant 128 : index
        %get3A_209 = tpu.vector_load %arg6[%get3A_207, %get3A_208] {strides = array<i32>} : memref<64x768xf32, #tpu.memory_space<vmem>>, vector<16xf32>,
        %get3A_210 = arith.constant 0 : i32
        %get3A_211 = arith.index_cast %get3A_210 : i32 to index
        %get3A_212 = arith.constant 128 : index
        %get3A_213 = tpu.vector_load %arg7[%get3A_211, %get3A_212] {strides = array<i32>} : memref<2x768xf32, #tpu.memory_space<vmem>>, vector<16xf32>,
        %add3A_214 = arith.addf %get3A_213, %get3A_209 : vector<16xf32>
        %swap3A_215 = arith.constant 0 : i32
        %swap3A_216 = arith.index_cast %swap3A_215 : i32 to index
        %swap3A_217 = arith.constant 128 : index
        %swap3A_218 = tpu.vector_load %arg7[%swap3A_216, %swap3A_217] {strides = array<i32>} : memref<2x768xf32, #tpu.memory_space<vmem>>, vector<16xf32>,
        tpu.vector_store %arg7[%swap3A_216, %swap3A_217], %add3A_214 {strides = array<i32>} : memref<2x768xf32, #tpu.memory_space<vmem>>, vector<16xf32>,
        %get3A_219 = arith.constant 1 : i32
        %get3A_220 = arith.index_cast %get3A_219 : i32 to index
        %get3A_221 = arith.constant 128 : index
        %get3A_222 = tpu.vector_load %arg7[%get3A_220, %get3A_221] {strides = array<i32>} : memref<2x768xf32, #tpu.memory_space<vmem>>, vector<16xf32>,
        %abs3A_223 = math.absf %get3A_209 : vector<16xf32>
        %max3A_224 = arith.maximumf %get3A_222, %abs3A_223 : vector<16xf32>
        %swap3A_225 = arith.constant 1 : i32
        %swap3A_226 = arith.index_cast %swap3A_225 : i32 to index
        %swap3A_227 = arith.constant 128 : index
        %swap3A_228 = tpu.vector_load %arg7[%swap3A_226, %swap3A_227] {strides = array<i32>} : memref<2x768xf32, #tpu.memory_space<vmem>>, vector<16xf32>,
        tpu.vector_store %arg7[%swap3A_226, %swap3A_227], %max3A_224 {strides = array<i32>} : memref<2x768xf32, #tpu.memory_space<vmem>>, vector<16xf32>,
        %get3A_229 = arith.index_cast %add3A_34 : i32 to index
        %get3A_230 = arith.constant 144 : index
        %get3A_231 = tpu.vector_load %arg6[%get3A_229, %get3A_230] {strides = array<i32>} : memref<64x768xf32, #tpu.memory_space<vmem>>, vector<16xf32>,
        %get3A_232 = arith.constant 0 : i32
        %get3A_233 = arith.index_cast %get3A_232 : i32 to index
        %get3A_234 = arith.constant 144 : index
        %get3A_235 = tpu.vector_load %arg7[%get3A_233, %get3A_234] {strides = array<i32>} : memref<2x768xf32, #tpu.memory_space<vmem>>, vector<16xf32>,
        %add3A_236 = arith.addf %get3A_235, %get3A_231 : vector<16xf32>
        %swap3A_237 = arith.constant 0 : i32
        %swap3A_238 = arith.index_cast %swap3A_237 : i32 to index
        %swap3A_239 = arith.constant 144 : index
        %swap3A_240 = tpu.vector_load %arg7[%swap3A_238, %swap3A_239] {strides = array<i32>} : memref<2x768xf32, #tpu.memory_space<vmem>>, vector<16xf32>,
        tpu.vector_store %arg7[%swap3A_238, %swap3A_239], %add3A_236 {strides = array<i32>} : memref<2x768xf32, #tpu.memory_space<vmem>>, vector<16xf32>,
        %get3A_241 = arith.constant 1 : i32
        %get3A_242 = arith.index_cast %get3A_241 : i32 to index
        %get3A_243 = arith.constant 144 : index
        %get3A_244 = tpu.vector_load %arg7[%get3A_242, %get3A_243] {strides = array<i32>} : memref<2x768xf32, #tpu.memory_space<vmem>>, vector<16xf32>,
        %abs3A_245 = math.absf %get3A_231 : vector<16xf32>
        %max3A_246 = arith.maximumf %get3A_244, %abs3A_245 : vector<16xf32>
        %swap3A_247 = arith.constant 1 : i32
        %swap3A_248 = arith.index_cast %swap3A_247 : i32 to index
        %swap3A_249 = arith.constant 144 : index
        %swap3A_250 = tpu.vector_load %arg7[%swap3A_248, %swap3A_249] {strides = array<i32>} : memref<2x768xf32, #tpu.memory_space<vmem>>, vector<16xf32>,
        tpu.vector_store %arg7[%swap3A_248, %swap3A_249], %max3A_246 {strides = array<i32>} : memref<2x768xf32, #tpu.memory_space<vmem>>, vector<16xf32>,
        %get3A_251 = arith.index_cast %add3A_34 : i32 to index
        %get3A_252 = arith.constant 160 : index
        %get3A_253 = tpu.vector_load %arg6[%get3A_251, %get3A_252] {strides = array<i32>} : memref<64x768xf32, #tpu.memory_space<vmem>>, vector<16xf32>,
        %get3A_254 = arith.constant 0 : i32
        %get3A_255 = arith.index_cast %get3A_254 : i32 to index
        %get3A_256 = arith.constant 160 : index
        %get3A_257 = tpu.vector_load %arg7[%get3A_255, %get3A_256] {strides = array<i32>} : memref<2x768xf32, #tpu.memory_space<vmem>>, vector<16xf32>,
        %add3A_258 = arith.addf %get3A_257, %get3A_253 : vector<16xf32>
        %swap3A_259 = arith.constant 0 : i32
        %swap3A_260 = arith.index_cast %swap3A_259 : i32 to index
        %swap3A_261 = arith.constant 160 : index
        %swap3A_262 = tpu.vector_load %arg7[%swap3A_260, %swap3A_261] {strides = array<i32>} : memref<2x768xf32, #tpu.memory_space<vmem>>, vector<16xf32>,
        tpu.vector_store %arg7[%swap3A_260, %swap3A_261], %add3A_258 {strides = array<i32>} : memref<2x768xf32, #tpu.memory_space<vmem>>, vector<16xf32>,
        %get3A_263 = arith.constant 1 : i32
        %get3A_264 = arith.index_cast %get3A_263 : i32 to index
        %get3A_265 = arith.constant 160 : index
        %get3A_266 = tpu.vector_load %arg7[%get3A_264, %get3A_265] {strides = array<i32>} : memref<2x768xf32, #tpu.memory_space<vmem>>, vector<16xf32>,
        %abs3A_267 = math.absf %get3A_253 : vector<16xf32>
        %max3A_268 = arith.maximumf %get3A_266, %abs3A_267 : vector<16xf32>
        %swap3A_269 = arith.constant 1 : i32
        %swap3A_270 = arith.index_cast %swap3A_269 : i32 to index
        %swap3A_271 = arith.constant 160 : index
        %swap3A_272 = tpu.vector_load %arg7[%swap3A_270, %swap3A_271] {strides = array<i32>} : memref<2x768xf32, #tpu.memory_space<vmem>>, vector<16xf32>,
        tpu.vector_store %arg7[%swap3A_270, %swap3A_271], %max3A_268 {strides = array<i32>} : memref<2x768xf32, #tpu.memory_space<vmem>>, vector<16xf32>,
        %get3A_273 = arith.index_cast %add3A_34 : i32 to index
        %get3A_274 = arith.constant 176 : index
        %get3A_275 = tpu.vector_load %arg6[%get3A_273, %get3A_274] {strides = array<i32>} : memref<64x768xf32, #tpu.memory_space<vmem>>, vector<16xf32>,
        %get3A_276 = arith.constant 0 : i32
        %get3A_277 = arith.index_cast %get3A_276 : i32 to index
        %get3A_278 = arith.constant 176 : index
        %get3A_279 = tpu.vector_load %arg7[%get3A_277, %get3A_278] {strides = array<i32>} : memref<2x768xf32, #tpu.memory_space<vmem>>, vector<16xf32>,
        %add3A_280 = arith.addf %get3A_279, %get3A_275 : vector<16xf32>
        %swap3A_281 = arith.constant 0 : i32
        %swap3A_282 = arith.index_cast %swap3A_281 : i32 to index
        %swap3A_283 = arith.constant 176 : index
        %swap3A_284 = tpu.vector_load %arg7[%swap3A_282, %swap3A_283] {strides = array<i32>} : memref<2x768xf32, #tpu.memory_space<vmem>>, vector<16xf32>,
        tpu.vector_store %arg7[%swap3A_282, %swap3A_283], %add3A_280 {strides = array<i32>} : memref<2x768xf32, #tpu.memory_space<vmem>>, vector<16xf32>,
        %get3A_285 = arith.constant 1 : i32
        %get3A_286 = arith.index_cast %get3A_285 : i32 to index
        %get3A_287 = arith.constant 176 : index
        %get3A_288 = tpu.vector_load %arg7[%get3A_286, %get3A_287] {strides = array<i32>} : memref<2x768xf32, #tpu.memory_space<vmem>>, vector<16xf32>,
        %abs3A_289 = math.absf %get3A_275 : vector<16xf32>
        %max3A_290 = arith.maximumf %get3A_288, %abs3A_289 : vector<16xf32>
        %swap3A_291 = arith.constant 1 : i32
        %swap3A_292 = arith.index_cast %swap3A_291 : i32 to index
        %swap3A_293 = arith.constant 176 : index
        %swap3A_294 = tpu.vector_load %arg7[%swap3A_292, %swap3A_293] {strides = array<i32>} : memref<2x768xf32, #tpu.memory_space<vmem>>, vector<16xf32>,
        tpu.vector_store %arg7[%swap3A_292, %swap3A_293], %max3A_290 {strides = array<i32>} : memref<2x768xf32, #tpu.memory_space<vmem>>, vector<16xf32>,
        %get3A_295 = arith.index_cast %add3A_34 : i32 to index
        %get3A_296 = arith.constant 192 : index
        %get3A_297 = tpu.vector_load %arg6[%get3A_295, %get3A_296] {strides = array<i32>} : memref<64x768xf32, #tpu.memory_space<vmem>>, vector<16xf32>,
        %get3A_298 = arith.constant 0 : i32
        %get3A_299 = arith.index_cast %get3A_298 : i32 to index
        %get3A_300 = arith.constant 192 : index
        %get3A_301 = tpu.vector_load %arg7[%get3A_299, %get3A_300] {strides = array<i32>} : memref<2x768xf32, #tpu.memory_space<vmem>>, vector<16xf32>,
        %add3A_302 = arith.addf %get3A_301, %get3A_297 : vector<16xf32>
        %swap3A_303 = arith.constant 0 : i32
        %swap3A_304 = arith.index_cast %swap3A_303 : i32 to index
        %swap3A_305 = arith.constant 192 : index
        %swap3A_306 = tpu.vector_load %arg7[%swap3A_304, %swap3A_305] {strides = array<i32>} : memref<2x768xf32, #tpu.memory_space<vmem>>, vector<16xf32>,
        tpu.vector_store %arg7[%swap3A_304, %swap3A_305], %add3A_302 {strides = array<i32>} : memref<2x768xf32, #tpu.memory_space<vmem>>, vector<16xf32>,
        %get3A_307 = arith.constant 1 : i32
        %get3A_308 = arith.index_cast %get3A_307 : i32 to index
        %get3A_309 = arith.constant 192 : index
        %get3A_310 = tpu.vector_load %arg7[%get3A_308, %get3A_309] {strides = array<i32>} : memref<2x768xf32, #tpu.memory_space<vmem>>, vector<16xf32>,
        %abs3A_311 = math.absf %get3A_297 : vector<16xf32>
        %max3A_312 = arith.maximumf %get3A_310, %abs3A_311 : vector<16xf32>
        %swap3A_313 = arith.constant 1 : i32
        %swap3A_314 = arith.index_cast %swap3A_313 : i32 to index
        %swap3A_315 = arith.constant 192 : index
        %swap3A_316 = tpu.vector_load %arg7[%swap3A_314, %swap3A_315] {strides = array<i32>} : memref<2x768xf32, #tpu.memory_space<vmem>>, vector<16xf32>,
        tpu.vector_store %arg7[%swap3A_314, %swap3A_315], %max3A_312 {strides = array<i32>} : memref<2x768xf32, #tpu.memory_space<vmem>>, vector<16xf32>,
        %get3A_317 = arith.index_cast %add3A_34 : i32 to index
        %get3A_318 = arith.constant 208 : index
        %get3A_319 = tpu.vector_load %arg6[%get3A_317, %get3A_318] {strides = array<i32>} : memref<64x768xf32, #tpu.memory_space<vmem>>, vector<16xf32>,
        %get3A_320 = arith.constant 0 : i32
        %get3A_321 = arith.index_cast %get3A_320 : i32 to index
        %get3A_322 = arith.constant 208 : index
        %get3A_323 = tpu.vector_load %arg7[%get3A_321, %get3A_322] {strides = array<i32>} : memref<2x768xf32, #tpu.memory_space<vmem>>, vector<16xf32>,
        %add3A_324 = arith.addf %get3A_323, %get3A_319 : vector<16xf32>
        %swap3A_325 = arith.constant 0 : i32
        %swap3A_326 = arith.index_cast %swap3A_325 : i32 to index
        %swap3A_327 = arith.constant 208 : index
        %swap3A_328 = tpu.vector_load %arg7[%swap3A_326, %swap3A_327] {strides = array<i32>} : memref<2x768xf32, #tpu.memory_space<vmem>>, vector<16xf32>,
        tpu.vector_store %arg7[%swap3A_326, %swap3A_327], %add3A_324 {strides = array<i32>} : memref<2x768xf32, #tpu.memory_space<vmem>>, vector<16xf32>,
        %get3A_329 = arith.constant 1 : i32
        %get3A_330 = arith.index_cast %get3A_329 : i32 to index
        %get3A_331 = arith.constant 208 : index
        %get3A_332 = tpu.vector_load %arg7[%get3A_330, %get3A_331] {strides = array<i32>} : memref<2x768xf32, #tpu.memory_space<vmem>>, vector<16xf32>,
        %abs3A_333 = math.absf %get3A_319 : vector<16xf32>
        %max3A_334 = arith.maximumf %get3A_332, %abs3A_333 : vector<16xf32>
        %swap3A_335 = arith.constant 1 : i32
        %swap3A_336 = arith.index_cast %swap3A_335 : i32 to index
        %swap3A_337 = arith.constant 208 : index
        %swap3A_338 = tpu.vector_load %arg7[%swap3A_336, %swap3A_337] {strides = array<i32>} : memref<2x768xf32, #tpu.memory_space<vmem>>, vector<16xf32>,
        tpu.vector_store %arg7[%swap3A_336, %swap3A_337], %max3A_334 {strides = array<i32>} : memref<2x768xf32, #tpu.memory_space<vmem>>, vector<16xf32>,
        %get3A_339 = arith.index_cast %add3A_34 : i32 to index
        %get3A_340 = arith.constant 224 : index
        %get3A_341 = tpu.vector_load %arg6[%get3A_339, %get3A_340] {strides = array<i32>} : memref<64x768xf32, #tpu.memory_space<vmem>>, vector<16xf32>,
        %get3A_342 = arith.constant 0 : i32
        %get3A_343 = arith.index_cast %get3A_342 : i32 to index
        %get3A_344 = arith.constant 224 : index
        %get3A_345 = tpu.vector_load %arg7[%get3A_343, %get3A_344] {strides = array<i32>} : memref<2x768xf32, #tpu.memory_space<vmem>>, vector<16xf32>,
        %add3A_346 = arith.addf %get3A_345, %get3A_341 : vector<16xf32>
        %swap3A_347 = arith.constant 0 : i32
        %swap3A_348 = arith.index_cast %swap3A_347 : i32 to index
        %swap3A_349 = arith.constant 224 : index
        %swap3A_350 = tpu.vector_load %arg7[%swap3A_348, %swap3A_349] {strides = array<i32>} : memref<2x768xf32, #tpu.memory_space<vmem>>, vector<16xf32>,
        tpu.vector_store %arg7[%swap3A_348, %swap3A_349], %add3A_346 {strides = array<i32>} : memref<2x768xf32, #tpu.memory_space<vmem>>, vector<16xf32>,
        %get3A_351 = arith.constant 1 : i32
        %get3A_352 = arith.index_cast %get3A_351 : i32 to index
        %get3A_353 = arith.constant 224 : index
        %get3A_354 = tpu.vector_load %arg7[%get3A_352, %get3A_353] {strides = array<i32>} : memref<2x768xf32, #tpu.memory_space<vmem>>, vector<16xf32>,
        %abs3A_355 = math.absf %get3A_341 : vector<16xf32>
        %max3A_356 = arith.maximumf %get3A_354, %abs3A_355 : vector<16xf32>
        %swap3A_357 = arith.constant 1 : i32
        %swap3A_358 = arith.index_cast %swap3A_357 : i32 to index
        %swap3A_359 = arith.constant 224 : index
        %swap3A_360 = tpu.vector_load %arg7[%swap3A_358, %swap3A_359] {strides = array<i32>} : memref<2x768xf32, #tpu.memory_space<vmem>>, vector<16xf32>,
        tpu.vector_store %arg7[%swap3A_358, %swap3A_359], %max3A_356 {strides = array<i32>} : memref<2x768xf32, #tpu.memory_space<vmem>>, vector<16xf32>,
        %get3A_361 = arith.index_cast %add3A_34 : i32 to index
        %get3A_362 = arith.constant 240 : index
        %get3A_363 = tpu.vector_load %arg6[%get3A_361, %get3A_362] {strides = array<i32>} : memref<64x768xf32, #tpu.memory_space<vmem>>, vector<16xf32>,
        %get3A_364 = arith.constant 0 : i32
        %get3A_365 = arith.index_cast %get3A_364 : i32 to index
        %get3A_366 = arith.constant 240 : index
        %get3A_367 = tpu.vector_load %arg7[%get3A_365, %get3A_366] {strides = array<i32>} : memref<2x768xf32, #tpu.memory_space<vmem>>, vector<16xf32>,
        %add3A_368 = arith.addf %get3A_367, %get3A_363 : vector<16xf32>
        %swap3A_369 = arith.constant 0 : i32
        %swap3A_370 = arith.index_cast %swap3A_369 : i32 to index
        %swap3A_371 = arith.constant 240 : index
        %swap3A_372 = tpu.vector_load %arg7[%swap3A_370, %swap3A_371] {strides = array<i32>} : memref<2x768xf32, #tpu.memory_space<vmem>>, vector<16xf32>,
        tpu.vector_store %arg7[%swap3A_370, %swap3A_371], %add3A_368 {strides = array<i32>} : memref<2x768xf32, #tpu.memory_space<vmem>>, vector<16xf32>,
        %get3A_373 = arith.constant 1 : i32
        %get3A_374 = arith.index_cast %get3A_373 : i32 to index
        %get3A_375 = arith.constant 240 : index
        %get3A_376 = tpu.vector_load %arg7[%get3A_374, %get3A_375] {strides = array<i32>} : memref<2x768xf32, #tpu.memory_space<vmem>>, vector<16xf32>,
        %abs3A_377 = math.absf %get3A_363 : vector<16xf32>
        %max3A_378 = arith.maximumf %get3A_376, %abs3A_377 : vector<16xf32>
        %swap3A_379 = arith.constant 1 : i32
        %swap3A_380 = arith.index_cast %swap3A_379 : i32 to index
        %swap3A_381 = arith.constant 240 : index
        %swap3A_382 = tpu.vector_load %arg7[%swap3A_380, %swap3A_381] {strides = array<i32>} : memref<2x768xf32, #tpu.memory_space<vmem>>, vector<16xf32>,
        tpu.vector_store %arg7[%swap3A_380, %swap3A_381], %max3A_378 {strides = array<i32>} : memref<2x768xf32, #tpu.memory_space<vmem>>, vector<16xf32>,
        %get3A_383 = arith.index_cast %add3A_34 : i32 to index
        %get3A_384 = arith.constant 256 : index
        %get3A_385 = tpu.vector_load %arg6[%get3A_383, %get3A_384] {strides = array<i32>} : memref<64x768xf32, #tpu.memory_space<vmem>>, vector<16xf32>,
        %get3A_386 = arith.constant 0 : i32
        %get3A_387 = arith.index_cast %get3A_386 : i32 to index
        %get3A_388 = arith.constant 256 : index
        %get3A_389 = tpu.vector_load %arg7[%get3A_387, %get3A_388] {strides = array<i32>} : memref<2x768xf32, #tpu.memory_space<vmem>>, vector<16xf32>,
        %add3A_390 = arith.addf %get3A_389, %get3A_385 : vector<16xf32>
        %swap3A_391 = arith.constant 0 : i32
        %swap3A_392 = arith.index_cast %swap3A_391 : i32 to index
        %swap3A_393 = arith.constant 256 : index
        %swap3A_394 = tpu.vector_load %arg7[%swap3A_392, %swap3A_393] {strides = array<i32>} : memref<2x768xf32, #tpu.memory_space<vmem>>, vector<16xf32>,
        tpu.vector_store %arg7[%swap3A_392, %swap3A_393], %add3A_390 {strides = array<i32>} : memref<2x768xf32, #tpu.memory_space<vmem>>, vector<16xf32>,
        %get3A_395 = arith.constant 1 : i32
        %get3A_396 = arith.index_cast %get3A_395 : i32 to index
        %get3A_397 = arith.constant 256 : index
        %get3A_398 = tpu.vector_load %arg7[%get3A_396, %get3A_397] {strides = array<i32>} : memref<2x768xf32, #tpu.memory_space<vmem>>, vector<16xf32>,
        %abs3A_399 = math.absf %get3A_385 : vector<16xf32>
        %max3A_400 = arith.maximumf %get3A_398, %abs3A_399 : vector<16xf32>
        %swap3A_401 = arith.constant 1 : i32
        %swap3A_402 = arith.index_cast %swap3A_401 : i32 to index
        %swap3A_403 = arith.constant 256 : index
        %swap3A_404 = tpu.vector_load %arg7[%swap3A_402, %swap3A_403] {strides = array<i32>} : memref<2x768xf32, #tpu.memory_space<vmem>>, vector<16xf32>,
        tpu.vector_store %arg7[%swap3A_402, %swap3A_403], %max3A_400 {strides = array<i32>} : memref<2x768xf32, #tpu.memory_space<vmem>>, vector<16xf32>,
        %get3A_405 = arith.index_cast %add3A_34 : i32 to index
        %get3A_406 = arith.constant 272 : index
        %get3A_407 = tpu.vector_load %arg6[%get3A_405, %get3A_406] {strides = array<i32>} : memref<64x768xf32, #tpu.memory_space<vmem>>, vector<16xf32>,
        %get3A_408 = arith.constant 0 : i32
        %get3A_409 = arith.index_cast %get3A_408 : i32 to index
        %get3A_410 = arith.constant 272 : index
        %get3A_411 = tpu.vector_load %arg7[%get3A_409, %get3A_410] {strides = array<i32>} : memref<2x768xf32, #tpu.memory_space<vmem>>, vector<16xf32>,
        %add3A_412 = arith.addf %get3A_411, %get3A_407 : vector<16xf32>
        %swap3A_413 = arith.constant 0 : i32
        %swap3A_414 = arith.index_cast %swap3A_413 : i32 to index
        %swap3A_415 = arith.constant 272 : index
        %swap3A_416 = tpu.vector_load %arg7[%swap3A_414, %swap3A_415] {strides = array<i32>} : memref<2x768xf32, #tpu.memory_space<vmem>>, vector<16xf32>,
        tpu.vector_store %arg7[%swap3A_414, %swap3A_415], %add3A_412 {strides = array<i32>} : memref<2x768xf32, #tpu.memory_space<vmem>>, vector<16xf32>,
        %get3A_417 = arith.constant 1 : i32
        %get3A_418 = arith.index_cast %get3A_417 : i32 to index
        %get3A_419 = arith.constant 272 : index
        %get3A_420 = tpu.vector_load %arg7[%get3A_418, %get3A_419] {strides = array<i32>} : memref<2x768xf32, #tpu.memory_space<vmem>>, vector<16xf32>,
        %abs3A_421 = math.absf %get3A_407 : vector<16xf32>
        %max3A_422 = arith.maximumf %get3A_420, %abs3A_421 : vector<16xf32>
        %swap3A_423 = arith.constant 1 : i32
        %swap3A_424 = arith.index_cast %swap3A_423 : i32 to index
        %swap3A_425 = arith.constant 272 : index
        %swap3A_426 = tpu.vector_load %arg7[%swap3A_424, %swap3A_425] {strides = array<i32>} : memref<2x768xf32, #tpu.memory_space<vmem>>, vector<16xf32>,
        tpu.vector_store %arg7[%swap3A_424, %swap3A_425], %max3A_422 {strides = array<i32>} : memref<2x768xf32, #tpu.memory_space<vmem>>, vector<16xf32>,
        %get3A_427 = arith.index_cast %add3A_34 : i32 to index
        %get3A_428 = arith.constant 288 : index
        %get3A_429 = tpu.vector_load %arg6[%get3A_427, %get3A_428] {strides = array<i32>} : memref<64x768xf32, #tpu.memory_space<vmem>>, vector<16xf32>,
        %get3A_430 = arith.constant 0 : i32
        %get3A_431 = arith.index_cast %get3A_430 : i32 to index
        %get3A_432 = arith.constant 288 : index
        %get3A_433 = tpu.vector_load %arg7[%get3A_431, %get3A_432] {strides = array<i32>} : memref<2x768xf32, #tpu.memory_space<vmem>>, vector<16xf32>,
        %add3A_434 = arith.addf %get3A_433, %get3A_429 : vector<16xf32>
        %swap3A_435 = arith.constant 0 : i32
        %swap3A_436 = arith.index_cast %swap3A_435 : i32 to index
        %swap3A_437 = arith.constant 288 : index
        %swap3A_438 = tpu.vector_load %arg7[%swap3A_436, %swap3A_437] {strides = array<i32>} : memref<2x768xf32, #tpu.memory_space<vmem>>, vector<16xf32>,
        tpu.vector_store %arg7[%swap3A_436, %swap3A_437], %add3A_434 {strides = array<i32>} : memref<2x768xf32, #tpu.memory_space<vmem>>, vector<16xf32>,
        %get3A_439 = arith.constant 1 : i32
        %get3A_440 = arith.index_cast %get3A_439 : i32 to index
        %get3A_441 = arith.constant 288 : index
        %get3A_442 = tpu.vector_load %arg7[%get3A_440, %get3A_441] {strides = array<i32>} : memref<2x768xf32, #tpu.memory_space<vmem>>, vector<16xf32>,
        %abs3A_443 = math.absf %get3A_429 : vector<16xf32>
        %max3A_444 = arith.maximumf %get3A_442, %abs3A_443 : vector<16xf32>
        %swap3A_445 = arith.constant 1 : i32
        %swap3A_446 = arith.index_cast %swap3A_445 : i32 to index
        %swap3A_447 = arith.constant 288 : index
        %swap3A_448 = tpu.vector_load %arg7[%swap3A_446, %swap3A_447] {strides = array<i32>} : memref<2x768xf32, #tpu.memory_space<vmem>>, vector<16xf32>,
        tpu.vector_store %arg7[%swap3A_446, %swap3A_447], %max3A_444 {strides = array<i32>} : memref<2x768xf32, #tpu.memory_space<vmem>>, vector<16xf32>,
        %get3A_449 = arith.index_cast %add3A_34 : i32 to index
        %get3A_450 = arith.constant 304 : index
        %get3A_451 = tpu.vector_load %arg6[%get3A_449, %get3A_450] {strides = array<i32>} : memref<64x768xf32, #tpu.memory_space<vmem>>, vector<16xf32>,
        %get3A_452 = arith.constant 0 : i32
        %get3A_453 = arith.index_cast %get3A_452 : i32 to index
        %get3A_454 = arith.constant 304 : index
        %get3A_455 = tpu.vector_load %arg7[%get3A_453, %get3A_454] {strides = array<i32>} : memref<2x768xf32, #tpu.memory_space<vmem>>, vector<16xf32>,
        %add3A_456 = arith.addf %get3A_455, %get3A_451 : vector<16xf32>
        %swap3A_457 = arith.constant 0 : i32
        %swap3A_458 = arith.index_cast %swap3A_457 : i32 to index
        %swap3A_459 = arith.constant 304 : index
        %swap3A_460 = tpu.vector_load %arg7[%swap3A_458, %swap3A_459] {strides = array<i32>} : memref<2x768xf32, #tpu.memory_space<vmem>>, vector<16xf32>,
        tpu.vector_store %arg7[%swap3A_458, %swap3A_459], %add3A_456 {strides = array<i32>} : memref<2x768xf32, #tpu.memory_space<vmem>>, vector<16xf32>,
        %get3A_461 = arith.constant 1 : i32
        %get3A_462 = arith.index_cast %get3A_461 : i32 to index
        %get3A_463 = arith.constant 304 : index
        %get3A_464 = tpu.vector_load %arg7[%get3A_462, %get3A_463] {strides = array<i32>} : memref<2x768xf32, #tpu.memory_space<vmem>>, vector<16xf32>,
        %abs3A_465 = math.absf %get3A_451 : vector<16xf32>
        %max3A_466 = arith.maximumf %get3A_464, %abs3A_465 : vector<16xf32>
        %swap3A_467 = arith.constant 1 : i32
        %swap3A_468 = arith.index_cast %swap3A_467 : i32 to index
        %swap3A_469 = arith.constant 304 : index
        %swap3A_470 = tpu.vector_load %arg7[%swap3A_468, %swap3A_469] {strides = array<i32>} : memref<2x768xf32, #tpu.memory_space<vmem>>, vector<16xf32>,
        tpu.vector_store %arg7[%swap3A_468, %swap3A_469], %max3A_466 {strides = array<i32>} : memref<2x768xf32, #tpu.memory_space<vmem>>, vector<16xf32>,
        %get3A_471 = arith.index_cast %add3A_34 : i32 to index
        %get3A_472 = arith.constant 320 : index
        %get3A_473 = tpu.vector_load %arg6[%get3A_471, %get3A_472] {strides = array<i32>} : memref<64x768xf32, #tpu.memory_space<vmem>>, vector<16xf32>,
        %get3A_474 = arith.constant 0 : i32
        %get3A_475 = arith.index_cast %get3A_474 : i32 to index
        %get3A_476 = arith.constant 320 : index
        %get3A_477 = tpu.vector_load %arg7[%get3A_475, %get3A_476] {strides = array<i32>} : memref<2x768xf32, #tpu.memory_space<vmem>>, vector<16xf32>,
        %add3A_478 = arith.addf %get3A_477, %get3A_473 : vector<16xf32>
        %swap3A_479 = arith.constant 0 : i32
        %swap3A_480 = arith.index_cast %swap3A_479 : i32 to index
        %swap3A_481 = arith.constant 320 : index
        %swap3A_482 = tpu.vector_load %arg7[%swap3A_480, %swap3A_481] {strides = array<i32>} : memref<2x768xf32, #tpu.memory_space<vmem>>, vector<16xf32>,
        tpu.vector_store %arg7[%swap3A_480, %swap3A_481], %add3A_478 {strides = array<i32>} : memref<2x768xf32, #tpu.memory_space<vmem>>, vector<16xf32>,
        %get3A_483 = arith.constant 1 : i32
        %get3A_484 = arith.index_cast %get3A_483 : i32 to index
        %get3A_485 = arith.constant 320 : index
        %get3A_486 = tpu.vector_load %arg7[%get3A_484, %get3A_485] {strides = array<i32>} : memref<2x768xf32, #tpu.memory_space<vmem>>, vector<16xf32>,
        %abs3A_487 = math.absf %get3A_473 : vector<16xf32>
        %max3A_488 = arith.maximumf %get3A_486, %abs3A_487 : vector<16xf32>
        %swap3A_489 = arith.constant 1 : i32
        %swap3A_490 = arith.index_cast %swap3A_489 : i32 to index
        %swap3A_491 = arith.constant 320 : index
        %swap3A_492 = tpu.vector_load %arg7[%swap3A_490, %swap3A_491] {strides = array<i32>} : memref<2x768xf32, #tpu.memory_space<vmem>>, vector<16xf32>,
        tpu.vector_store %arg7[%swap3A_490, %swap3A_491], %max3A_488 {strides = array<i32>} : memref<2x768xf32, #tpu.memory_space<vmem>>, vector<16xf32>,
        %get3A_493 = arith.index_cast %add3A_34 : i32 to index
        %get3A_494 = arith.constant 336 : index
        %get3A_495 = tpu.vector_load %arg6[%get3A_493, %get3A_494] {strides = array<i32>} : memref<64x768xf32, #tpu.memory_space<vmem>>, vector<16xf32>,
        %get3A_496 = arith.constant 0 : i32
        %get3A_497 = arith.index_cast %get3A_496 : i32 to index
        %get3A_498 = arith.constant 336 : index
        %get3A_499 = tpu.vector_load %arg7[%get3A_497, %get3A_498] {strides = array<i32>} : memref<2x768xf32, #tpu.memory_space<vmem>>, vector<16xf32>,
        %add3A_500 = arith.addf %get3A_499, %get3A_495 : vector<16xf32>
        %swap3A_501 = arith.constant 0 : i32
        %swap3A_502 = arith.index_cast %swap3A_501 : i32 to index
        %swap3A_503 = arith.constant 336 : index
        %swap3A_504 = tpu.vector_load %arg7[%swap3A_502, %swap3A_503] {strides = array<i32>} : memref<2x768xf32, #tpu.memory_space<vmem>>, vector<16xf32>,
        tpu.vector_store %arg7[%swap3A_502, %swap3A_503], %add3A_500 {strides = array<i32>} : memref<2x768xf32, #tpu.memory_space<vmem>>, vector<16xf32>,
        %get3A_505 = arith.constant 1 : i32
        %get3A_506 = arith.index_cast %get3A_505 : i32 to index
        %get3A_507 = arith.constant 336 : index
        %get3A_508 = tpu.vector_load %arg7[%get3A_506, %get3A_507] {strides = array<i32>} : memref<2x768xf32, #tpu.memory_space<vmem>>, vector<16xf32>,
        %abs3A_509 = math.absf %get3A_495 : vector<16xf32>
        %max3A_510 = arith.maximumf %get3A_508, %abs3A_509 : vector<16xf32>
        %swap3A_511 = arith.constant 1 : i32
        %swap3A_512 = arith.index_cast %swap3A_511 : i32 to index
        %swap3A_513 = arith.constant 336 : index
        %swap3A_514 = tpu.vector_load %arg7[%swap3A_512, %swap3A_513] {strides = array<i32>} : memref<2x768xf32, #tpu.memory_space<vmem>>, vector<16xf32>,
        tpu.vector_store %arg7[%swap3A_512, %swap3A_513], %max3A_510 {strides = array<i32>} : memref<2x768xf32, #tpu.memory_space<vmem>>, vector<16xf32>,
        %get3A_515 = arith.index_cast %add3A_34 : i32 to index
        %get3A_516 = arith.constant 352 : index
        %get3A_517 = tpu.vector_load %arg6[%get3A_515, %get3A_516] {strides = array<i32>} : memref<64x768xf32, #tpu.memory_space<vmem>>, vector<16xf32>,
        %get3A_518 = arith.constant 0 : i32
        %get3A_519 = arith.index_cast %get3A_518 : i32 to index
        %get3A_520 = arith.constant 352 : index
        %get3A_521 = tpu.vector_load %arg7[%get3A_519, %get3A_520] {strides = array<i32>} : memref<2x768xf32, #tpu.memory_space<vmem>>, vector<16xf32>,
        %add3A_522 = arith.addf %get3A_521, %get3A_517 : vector<16xf32>
        %swap3A_523 = arith.constant 0 : i32
        %swap3A_524 = arith.index_cast %swap3A_523 : i32 to index
        %swap3A_525 = arith.constant 352 : index
        %swap3A_526 = tpu.vector_load %arg7[%swap3A_524, %swap3A_525] {strides = array<i32>} : memref<2x768xf32, #tpu.memory_space<vmem>>, vector<16xf32>,
        tpu.vector_store %arg7[%swap3A_524, %swap3A_525], %add3A_522 {strides = array<i32>} : memref<2x768xf32, #tpu.memory_space<vmem>>, vector<16xf32>,
        %get3A_527 = arith.constant 1 : i32
        %get3A_528 = arith.index_cast %get3A_527 : i32 to index
        %get3A_529 = arith.constant 352 : index
        %get3A_530 = tpu.vector_load %arg7[%get3A_528, %get3A_529] {strides = array<i32>} : memref<2x768xf32, #tpu.memory_space<vmem>>, vector<16xf32>,
        %abs3A_531 = math.absf %get3A_517 : vector<16xf32>
        %max3A_532 = arith.maximumf %get3A_530, %abs3A_531 : vector<16xf32>
        %swap3A_533 = arith.constant 1 : i32
        %swap3A_534 = arith.index_cast %swap3A_533 : i32 to index
        %swap3A_535 = arith.constant 352 : index
        %swap3A_536 = tpu.vector_load %arg7[%swap3A_534, %swap3A_535] {strides = array<i32>} : memref<2x768xf32, #tpu.memory_space<vmem>>, vector<16xf32>,
        tpu.vector_store %arg7[%swap3A_534, %swap3A_535], %max3A_532 {strides = array<i32>} : memref<2x768xf32, #tpu.memory_space<vmem>>, vector<16xf32>,
        %get3A_537 = arith.index_cast %add3A_34 : i32 to index
        %get3A_538 = arith.constant 368 : index
        %get3A_539 = tpu.vector_load %arg6[%get3A_537, %get3A_538] {strides = array<i32>} : memref<64x768xf32, #tpu.memory_space<vmem>>, vector<16xf32>,
        %get3A_540 = arith.constant 0 : i32
        %get3A_541 = arith.index_cast %get3A_540 : i32 to index
        %get3A_542 = arith.constant 368 : index
        %get3A_543 = tpu.vector_load %arg7[%get3A_541, %get3A_542] {strides = array<i32>} : memref<2x768xf32, #tpu.memory_space<vmem>>, vector<16xf32>,
        %add3A_544 = arith.addf %get3A_543, %get3A_539 : vector<16xf32>
        %swap3A_545 = arith.constant 0 : i32
        %swap3A_546 = arith.index_cast %swap3A_545 : i32 to index
        %swap3A_547 = arith.constant 368 : index
        %swap3A_548 = tpu.vector_load %arg7[%swap3A_546, %swap3A_547] {strides = array<i32>} : memref<2x768xf32, #tpu.memory_space<vmem>>, vector<16xf32>,
        tpu.vector_store %arg7[%swap3A_546, %swap3A_547], %add3A_544 {strides = array<i32>} : memref<2x768xf32, #tpu.memory_space<vmem>>, vector<16xf32>,
        %get3A_549 = arith.constant 1 : i32
        %get3A_550 = arith.index_cast %get3A_549 : i32 to index
        %get3A_551 = arith.constant 368 : index
        %get3A_552 = tpu.vector_load %arg7[%get3A_550, %get3A_551] {strides = array<i32>} : memref<2x768xf32, #tpu.memory_space<vmem>>, vector<16xf32>,
        %abs3A_553 = math.absf %get3A_539 : vector<16xf32>
        %max3A_554 = arith.maximumf %get3A_552, %abs3A_553 : vector<16xf32>
        %swap3A_555 = arith.constant 1 : i32
        %swap3A_556 = arith.index_cast %swap3A_555 : i32 to index
        %swap3A_557 = arith.constant 368 : index
        %swap3A_558 = tpu.vector_load %arg7[%swap3A_556, %swap3A_557] {strides = array<i32>} : memref<2x768xf32, #tpu.memory_space<vmem>>, vector<16xf32>,
        tpu.vector_store %arg7[%swap3A_556, %swap3A_557], %max3A_554 {strides = array<i32>} : memref<2x768xf32, #tpu.memory_space<vmem>>, vector<16xf32>,
        %get3A_559 = arith.index_cast %add3A_34 : i32 to index
        %get3A_560 = arith.constant 384 : index
        %get3A_561 = tpu.vector_load %arg6[%get3A_559, %get3A_560] {strides = array<i32>} : memref<64x768xf32, #tpu.memory_space<vmem>>, vector<16xf32>,
        %get3A_562 = arith.constant 0 : i32
        %get3A_563 = arith.index_cast %get3A_562 : i32 to index
        %get3A_564 = arith.constant 384 : index
        %get3A_565 = tpu.vector_load %arg7[%get3A_563, %get3A_564] {strides = array<i32>} : memref<2x768xf32, #tpu.memory_space<vmem>>, vector<16xf32>,
        %add3A_566 = arith.addf %get3A_565, %get3A_561 : vector<16xf32>
        %swap3A_567 = arith.constant 0 : i32
        %swap3A_568 = arith.index_cast %swap3A_567 : i32 to index
        %swap3A_569 = arith.constant 384 : index
        %swap3A_570 = tpu.vector_load %arg7[%swap3A_568, %swap3A_569] {strides = array<i32>} : memref<2x768xf32, #tpu.memory_space<vmem>>, vector<16xf32>,
        tpu.vector_store %arg7[%swap3A_568, %swap3A_569], %add3A_566 {strides = array<i32>} : memref<2x768xf32, #tpu.memory_space<vmem>>, vector<16xf32>,
        %get3A_571 = arith.constant 1 : i32
        %get3A_572 = arith.index_cast %get3A_571 : i32 to index
        %get3A_573 = arith.constant 384 : index
        %get3A_574 = tpu.vector_load %arg7[%get3A_572, %get3A_573] {strides = array<i32>} : memref<2x768xf32, #tpu.memory_space<vmem>>, vector<16xf32>,
        %abs3A_575 = math.absf %get3A_561 : vector<16xf32>
        %max3A_576 = arith.maximumf %get3A_574, %abs3A_575 : vector<16xf32>
        %swap3A_577 = arith.constant 1 : i32
        %swap3A_578 = arith.index_cast %swap3A_577 : i32 to index
        %swap3A_579 = arith.constant 384 : index
        %swap3A_580 = tpu.vector_load %arg7[%swap3A_578, %swap3A_579] {strides = array<i32>} : memref<2x768xf32, #tpu.memory_space<vmem>>, vector<16xf32>,
        tpu.vector_store %arg7[%swap3A_578, %swap3A_579], %max3A_576 {strides = array<i32>} : memref<2x768xf32, #tpu.memory_space<vmem>>, vector<16xf32>,
        %get3A_581 = arith.index_cast %add3A_34 : i32 to index
        %get3A_582 = arith.constant 400 : index
        %get3A_583 = tpu.vector_load %arg6[%get3A_581, %get3A_582] {strides = array<i32>} : memref<64x768xf32, #tpu.memory_space<vmem>>, vector<16xf32>,
        %get3A_584 = arith.constant 0 : i32
        %get3A_585 = arith.index_cast %get3A_584 : i32 to index
        %get3A_586 = arith.constant 400 : index
        %get3A_587 = tpu.vector_load %arg7[%get3A_585, %get3A_586] {strides = array<i32>} : memref<2x768xf32, #tpu.memory_space<vmem>>, vector<16xf32>,
        %add3A_588 = arith.addf %get3A_587, %get3A_583 : vector<16xf32>
        %swap3A_589 = arith.constant 0 : i32
        %swap3A_590 = arith.index_cast %swap3A_589 : i32 to index
        %swap3A_591 = arith.constant 400 : index
        %swap3A_592 = tpu.vector_load %arg7[%swap3A_590, %swap3A_591] {strides = array<i32>} : memref<2x768xf32, #tpu.memory_space<vmem>>, vector<16xf32>,
        tpu.vector_store %arg7[%swap3A_590, %swap3A_591], %add3A_588 {strides = array<i32>} : memref<2x768xf32, #tpu.memory_space<vmem>>, vector<16xf32>,
        %get3A_593 = arith.constant 1 : i32
        %get3A_594 = arith.index_cast %get3A_593 : i32 to index
        %get3A_595 = arith.constant 400 : index
        %get3A_596 = tpu.vector_load %arg7[%get3A_594, %get3A_595] {strides = array<i32>} : memref<2x768xf32, #tpu.memory_space<vmem>>, vector<16xf32>,
        %abs3A_597 = math.absf %get3A_583 : vector<16xf32>
        %max3A_598 = arith.maximumf %get3A_596, %abs3A_597 : vector<16xf32>
        %swap3A_599 = arith.constant 1 : i32
        %swap3A_600 = arith.index_cast %swap3A_599 : i32 to index
        %swap3A_601 = arith.constant 400 : index
        %swap3A_602 = tpu.vector_load %arg7[%swap3A_600, %swap3A_601] {strides = array<i32>} : memref<2x768xf32, #tpu.memory_space<vmem>>, vector<16xf32>,
        tpu.vector_store %arg7[%swap3A_600, %swap3A_601], %max3A_598 {strides = array<i32>} : memref<2x768xf32, #tpu.memory_space<vmem>>, vector<16xf32>,
        %get3A_603 = arith.index_cast %add3A_34 : i32 to index
        %get3A_604 = arith.constant 416 : index
        %get3A_605 = tpu.vector_load %arg6[%get3A_603, %get3A_604] {strides = array<i32>} : memref<64x768xf32, #tpu.memory_space<vmem>>, vector<16xf32>,
        %get3A_606 = arith.constant 0 : i32
        %get3A_607 = arith.index_cast %get3A_606 : i32 to index
        %get3A_608 = arith.constant 416 : index
        %get3A_609 = tpu.vector_load %arg7[%get3A_607, %get3A_608] {strides = array<i32>} : memref<2x768xf32, #tpu.memory_space<vmem>>, vector<16xf32>,
        %add3A_610 = arith.addf %get3A_609, %get3A_605 : vector<16xf32>
        %swap3A_611 = arith.constant 0 : i32
        %swap3A_612 = arith.index_cast %swap3A_611 : i32 to index
        %swap3A_613 = arith.constant 416 : index
        %swap3A_614 = tpu.vector_load %arg7[%swap3A_612, %swap3A_613] {strides = array<i32>} : memref<2x768xf32, #tpu.memory_space<vmem>>, vector<16xf32>,
        tpu.vector_store %arg7[%swap3A_612, %swap3A_613], %add3A_610 {strides = array<i32>} : memref<2x768xf32, #tpu.memory_space<vmem>>, vector<16xf32>,
        %get3A_615 = arith.constant 1 : i32
        %get3A_616 = arith.index_cast %get3A_615 : i32 to index
        %get3A_617 = arith.constant 416 : index
        %get3A_618 = tpu.vector_load %arg7[%get3A_616, %get3A_617] {strides = array<i32>} : memref<2x768xf32, #tpu.memory_space<vmem>>, vector<16xf32>,
        %abs3A_619 = math.absf %get3A_605 : vector<16xf32>
        %max3A_620 = arith.maximumf %get3A_618, %abs3A_619 : vector<16xf32>
        %swap3A_621 = arith.constant 1 : i32
        %swap3A_622 = arith.index_cast %swap3A_621 : i32 to index
        %swap3A_623 = arith.constant 416 : index
        %swap3A_624 = tpu.vector_load %arg7[%swap3A_622, %swap3A_623] {strides = array<i32>} : memref<2x768xf32, #tpu.memory_space<vmem>>, vector<16xf32>,
        tpu.vector_store %arg7[%swap3A_622, %swap3A_623], %max3A_620 {strides = array<i32>} : memref<2x768xf32, #tpu.memory_space<vmem>>, vector<16xf32>,
        %get3A_625 = arith.index_cast %add3A_34 : i32 to index
        %get3A_626 = arith.constant 432 : index
        %get3A_627 = tpu.vector_load %arg6[%get3A_625, %get3A_626] {strides = array<i32>} : memref<64x768xf32, #tpu.memory_space<vmem>>, vector<16xf32>,
        %get3A_628 = arith.constant 0 : i32
        %get3A_629 = arith.index_cast %get3A_628 : i32 to index
        %get3A_630 = arith.constant 432 : index
        %get3A_631 = tpu.vector_load %arg7[%get3A_629, %get3A_630] {strides = array<i32>} : memref<2x768xf32, #tpu.memory_space<vmem>>, vector<16xf32>,
        %add3A_632 = arith.addf %get3A_631, %get3A_627 : vector<16xf32>
        %swap3A_633 = arith.constant 0 : i32
        %swap3A_634 = arith.index_cast %swap3A_633 : i32 to index
        %swap3A_635 = arith.constant 432 : index
        %swap3A_636 = tpu.vector_load %arg7[%swap3A_634, %swap3A_635] {strides = array<i32>} : memref<2x768xf32, #tpu.memory_space<vmem>>, vector<16xf32>,
        tpu.vector_store %arg7[%swap3A_634, %swap3A_635], %add3A_632 {strides = array<i32>} : memref<2x768xf32, #tpu.memory_space<vmem>>, vector<16xf32>,
        %get3A_637 = arith.constant 1 : i32
        %get3A_638 = arith.index_cast %get3A_637 : i32 to index
        %get3A_639 = arith.constant 432 : index
        %get3A_640 = tpu.vector_load %arg7[%get3A_638, %get3A_639] {strides = array<i32>} : memref<2x768xf32, #tpu.memory_space<vmem>>, vector<16xf32>,
        %abs3A_641 = math.absf %get3A_627 : vector<16xf32>
        %max3A_642 = arith.maximumf %get3A_640, %abs3A_641 : vector<16xf32>
        %swap3A_643 = arith.constant 1 : i32
        %swap3A_644 = arith.index_cast %swap3A_643 : i32 to index
        %swap3A_645 = arith.constant 432 : index
        %swap3A_646 = tpu.vector_load %arg7[%swap3A_644, %swap3A_645] {strides = array<i32>} : memref<2x768xf32, #tpu.memory_space<vmem>>, vector<16xf32>,
        tpu.vector_store %arg7[%swap3A_644, %swap3A_645], %max3A_642 {strides = array<i32>} : memref<2x768xf32, #tpu.memory_space<vmem>>, vector<16xf32>,
        %get3A_647 = arith.index_cast %add3A_34 : i32 to index
        %get3A_648 = arith.constant 448 : index
        %get3A_649 = tpu.vector_load %arg6[%get3A_647, %get3A_648] {strides = array<i32>} : memref<64x768xf32, #tpu.memory_space<vmem>>, vector<16xf32>,
        %get3A_650 = arith.constant 0 : i32
        %get3A_651 = arith.index_cast %get3A_650 : i32 to index
        %get3A_652 = arith.constant 448 : index
        %get3A_653 = tpu.vector_load %arg7[%get3A_651, %get3A_652] {strides = array<i32>} : memref<2x768xf32, #tpu.memory_space<vmem>>, vector<16xf32>,
        %add3A_654 = arith.addf %get3A_653, %get3A_649 : vector<16xf32>
        %swap3A_655 = arith.constant 0 : i32
        %swap3A_656 = arith.index_cast %swap3A_655 : i32 to index
        %swap3A_657 = arith.constant 448 : index
        %swap3A_658 = tpu.vector_load %arg7[%swap3A_656, %swap3A_657] {strides = array<i32>} : memref<2x768xf32, #tpu.memory_space<vmem>>, vector<16xf32>,
        tpu.vector_store %arg7[%swap3A_656, %swap3A_657], %add3A_654 {strides = array<i32>} : memref<2x768xf32, #tpu.memory_space<vmem>>, vector<16xf32>,
        %get3A_659 = arith.constant 1 : i32
        %get3A_660 = arith.index_cast %get3A_659 : i32 to index
        %get3A_661 = arith.constant 448 : index
        %get3A_662 = tpu.vector_load %arg7[%get3A_660, %get3A_661] {strides = array<i32>} : memref<2x768xf32, #tpu.memory_space<vmem>>, vector<16xf32>,
        %abs3A_663 = math.absf %get3A_649 : vector<16xf32>
        %max3A_664 = arith.maximumf %get3A_662, %abs3A_663 : vector<16xf32>
        %swap3A_665 = arith.constant 1 : i32
        %swap3A_666 = arith.index_cast %swap3A_665 : i32 to index
        %swap3A_667 = arith.constant 448 : index
        %swap3A_668 = tpu.vector_load %arg7[%swap3A_666, %swap3A_667] {strides = array<i32>} : memref<2x768xf32, #tpu.memory_space<vmem>>, vector<16xf32>,
        tpu.vector_store %arg7[%swap3A_666, %swap3A_667], %max3A_664 {strides = array<i32>} : memref<2x768xf32, #tpu.memory_space<vmem>>, vector<16xf32>,
        %get3A_669 = arith.index_cast %add3A_34 : i32 to index
        %get3A_670 = arith.constant 464 : index
        %get3A_671 = tpu.vector_load %arg6[%get3A_669, %get3A_670] {strides = array<i32>} : memref<64x768xf32, #tpu.memory_space<vmem>>, vector<16xf32>,
        %get3A_672 = arith.constant 0 : i32
        %get3A_673 = arith.index_cast %get3A_672 : i32 to index
        %get3A_674 = arith.constant 464 : index
        %get3A_675 = tpu.vector_load %arg7[%get3A_673, %get3A_674] {strides = array<i32>} : memref<2x768xf32, #tpu.memory_space<vmem>>, vector<16xf32>,
        %add3A_676 = arith.addf %get3A_675, %get3A_671 : vector<16xf32>
        %swap3A_677 = arith.constant 0 : i32
        %swap3A_678 = arith.index_cast %swap3A_677 : i32 to index
        %swap3A_679 = arith.constant 464 : index
        %swap3A_680 = tpu.vector_load %arg7[%swap3A_678, %swap3A_679] {strides = array<i32>} : memref<2x768xf32, #tpu.memory_space<vmem>>, vector<16xf32>,
        tpu.vector_store %arg7[%swap3A_678, %swap3A_679], %add3A_676 {strides = array<i32>} : memref<2x768xf32, #tpu.memory_space<vmem>>, vector<16xf32>,
        %get3A_681 = arith.constant 1 : i32
        %get3A_682 = arith.index_cast %get3A_681 : i32 to index
        %get3A_683 = arith.constant 464 : index
        %get3A_684 = tpu.vector_load %arg7[%get3A_682, %get3A_683] {strides = array<i32>} : memref<2x768xf32, #tpu.memory_space<vmem>>, vector<16xf32>,
        %abs3A_685 = math.absf %get3A_671 : vector<16xf32>
        %max3A_686 = arith.maximumf %get3A_684, %abs3A_685 : vector<16xf32>
        %swap3A_687 = arith.constant 1 : i32
        %swap3A_688 = arith.index_cast %swap3A_687 : i32 to index
        %swap3A_689 = arith.constant 464 : index
        %swap3A_690 = tpu.vector_load %arg7[%swap3A_688, %swap3A_689] {strides = array<i32>} : memref<2x768xf32, #tpu.memory_space<vmem>>, vector<16xf32>,
        tpu.vector_store %arg7[%swap3A_688, %swap3A_689], %max3A_686 {strides = array<i32>} : memref<2x768xf32, #tpu.memory_space<vmem>>, vector<16xf32>,
        %get3A_691 = arith.index_cast %add3A_34 : i32 to index
        %get3A_692 = arith.constant 480 : index
        %get3A_693 = tpu.vector_load %arg6[%get3A_691, %get3A_692] {strides = array<i32>} : memref<64x768xf32, #tpu.memory_space<vmem>>, vector<16xf32>,
        %get3A_694 = arith.constant 0 : i32
        %get3A_695 = arith.index_cast %get3A_694 : i32 to index
        %get3A_696 = arith.constant 480 : index
        %get3A_697 = tpu.vector_load %arg7[%get3A_695, %get3A_696] {strides = array<i32>} : memref<2x768xf32, #tpu.memory_space<vmem>>, vector<16xf32>,
        %add3A_698 = arith.addf %get3A_697, %get3A_693 : vector<16xf32>
        %swap3A_699 = arith.constant 0 : i32
        %swap3A_700 = arith.index_cast %swap3A_699 : i32 to index
        %swap3A_701 = arith.constant 480 : index
        %swap3A_702 = tpu.vector_load %arg7[%swap3A_700, %swap3A_701] {strides = array<i32>} : memref<2x768xf32, #tpu.memory_space<vmem>>, vector<16xf32>,
        tpu.vector_store %arg7[%swap3A_700, %swap3A_701], %add3A_698 {strides = array<i32>} : memref<2x768xf32, #tpu.memory_space<vmem>>, vector<16xf32>,
        %get3A_703 = arith.constant 1 : i32
        %get3A_704 = arith.index_cast %get3A_703 : i32 to index
        %get3A_705 = arith.constant 480 : index
        %get3A_706 = tpu.vector_load %arg7[%get3A_704, %get3A_705] {strides = array<i32>} : memref<2x768xf32, #tpu.memory_space<vmem>>, vector<16xf32>,
        %abs3A_707 = math.absf %get3A_693 : vector<16xf32>
        %max3A_708 = arith.maximumf %get3A_706, %abs3A_707 : vector<16xf32>
        %swap3A_709 = arith.constant 1 : i32
        %swap3A_710 = arith.index_cast %swap3A_709 : i32 to index
        %swap3A_711 = arith.constant 480 : index
        %swap3A_712 = tpu.vector_load %arg7[%swap3A_710, %swap3A_711] {strides = array<i32>} : memref<2x768xf32, #tpu.memory_space<vmem>>, vector<16xf32>,
        tpu.vector_store %arg7[%swap3A_710, %swap3A_711], %max3A_708 {strides = array<i32>} : memref<2x768xf32, #tpu.memory_space<vmem>>, vector<16xf32>,
        %get3A_713 = arith.index_cast %add3A_34 : i32 to index
        %get3A_714 = arith.constant 496 : index
        %get3A_715 = tpu.vector_load %arg6[%get3A_713, %get3A_714] {strides = array<i32>} : memref<64x768xf32, #tpu.memory_space<vmem>>, vector<16xf32>,
        %get3A_716 = arith.constant 0 : i32
        %get3A_717 = arith.index_cast %get3A_716 : i32 to index
        %get3A_718 = arith.constant 496 : index
        %get3A_719 = tpu.vector_load %arg7[%get3A_717, %get3A_718] {strides = array<i32>} : memref<2x768xf32, #tpu.memory_space<vmem>>, vector<16xf32>,
        %add3A_720 = arith.addf %get3A_719, %get3A_715 : vector<16xf32>
        %swap3A_721 = arith.constant 0 : i32
        %swap3A_722 = arith.index_cast %swap3A_721 : i32 to index
        %swap3A_723 = arith.constant 496 : index
        %swap3A_724 = tpu.vector_load %arg7[%swap3A_722, %swap3A_723] {strides = array<i32>} : memref<2x768xf32, #tpu.memory_space<vmem>>, vector<16xf32>,
        tpu.vector_store %arg7[%swap3A_722, %swap3A_723], %add3A_720 {strides = array<i32>} : memref<2x768xf32, #tpu.memory_space<vmem>>, vector<16xf32>,
        %get3A_725 = arith.constant 1 : i32
        %get3A_726 = arith.index_cast %get3A_725 : i32 to index
        %get3A_727 = arith.constant 496 : index
        %get3A_728 = tpu.vector_load %arg7[%get3A_726, %get3A_727] {strides = array<i32>} : memref<2x768xf32, #tpu.memory_space<vmem>>, vector<16xf32>,
        %abs3A_729 = math.absf %get3A_715 : vector<16xf32>
        %max3A_730 = arith.maximumf %get3A_728, %abs3A_729 : vector<16xf32>
        %swap3A_731 = arith.constant 1 : i32
        %swap3A_732 = arith.index_cast %swap3A_731 : i32 to index
        %swap3A_733 = arith.constant 496 : index
        %swap3A_734 = tpu.vector_load %arg7[%swap3A_732, %swap3A_733] {strides = array<i32>} : memref<2x768xf32, #tpu.memory_space<vmem>>, vector<16xf32>,
        tpu.vector_store %arg7[%swap3A_732, %swap3A_733], %max3A_730 {strides = array<i32>} : memref<2x768xf32, #tpu.memory_space<vmem>>, vector<16xf32>,
        %get3A_735 = arith.index_cast %add3A_34 : i32 to index
        %get3A_736 = arith.constant 512 : index
        %get3A_737 = tpu.vector_load %arg6[%get3A_735, %get3A_736] {strides = array<i32>} : memref<64x768xf32, #tpu.memory_space<vmem>>, vector<16xf32>,
        %get3A_738 = arith.constant 0 : i32
        %get3A_739 = arith.index_cast %get3A_738 : i32 to index
        %get3A_740 = arith.constant 512 : index
        %get3A_741 = tpu.vector_load %arg7[%get3A_739, %get3A_740] {strides = array<i32>} : memref<2x768xf32, #tpu.memory_space<vmem>>, vector<16xf32>,
        %add3A_742 = arith.addf %get3A_741, %get3A_737 : vector<16xf32>
        %swap3A_743 = arith.constant 0 : i32
        %swap3A_744 = arith.index_cast %swap3A_743 : i32 to index
        %swap3A_745 = arith.constant 512 : index
        %swap3A_746 = tpu.vector_load %arg7[%swap3A_744, %swap3A_745] {strides = array<i32>} : memref<2x768xf32, #tpu.memory_space<vmem>>, vector<16xf32>,
        tpu.vector_store %arg7[%swap3A_744, %swap3A_745], %add3A_742 {strides = array<i32>} : memref<2x768xf32, #tpu.memory_space<vmem>>, vector<16xf32>,
        %get3A_747 = arith.constant 1 : i32
        %get3A_748 = arith.index_cast %get3A_747 : i32 to index
        %get3A_749 = arith.constant 512 : index
        %get3A_750 = tpu.vector_load %arg7[%get3A_748, %get3A_749] {strides = array<i32>} : memref<2x768xf32, #tpu.memory_space<vmem>>, vector<16xf32>,
        %abs3A_751 = math.absf %get3A_737 : vector<16xf32>
        %max3A_752 = arith.maximumf %get3A_750, %abs3A_751 : vector<16xf32>
        %swap3A_753 = arith.constant 1 : i32
        %swap3A_754 = arith.index_cast %swap3A_753 : i32 to index
        %swap3A_755 = arith.constant 512 : index
        %swap3A_756 = tpu.vector_load %arg7[%swap3A_754, %swap3A_755] {strides = array<i32>} : memref<2x768xf32, #tpu.memory_space<vmem>>, vector<16xf32>,
        tpu.vector_store %arg7[%swap3A_754, %swap3A_755], %max3A_752 {strides = array<i32>} : memref<2x768xf32, #tpu.memory_space<vmem>>, vector<16xf32>,
        %get3A_757 = arith.index_cast %add3A_34 : i32 to index
        %get3A_758 = arith.constant 528 : index
        %get3A_759 = tpu.vector_load %arg6[%get3A_757, %get3A_758] {strides = array<i32>} : memref<64x768xf32, #tpu.memory_space<vmem>>, vector<16xf32>,
        %get3A_760 = arith.constant 0 : i32
        %get3A_761 = arith.index_cast %get3A_760 : i32 to index
        %get3A_762 = arith.constant 528 : index
        %get3A_763 = tpu.vector_load %arg7[%get3A_761, %get3A_762] {strides = array<i32>} : memref<2x768xf32, #tpu.memory_space<vmem>>, vector<16xf32>,
        %add3A_764 = arith.addf %get3A_763, %get3A_759 : vector<16xf32>
        %swap3A_765 = arith.constant 0 : i32
        %swap3A_766 = arith.index_cast %swap3A_765 : i32 to index
        %swap3A_767 = arith.constant 528 : index
        %swap3A_768 = tpu.vector_load %arg7[%swap3A_766, %swap3A_767] {strides = array<i32>} : memref<2x768xf32, #tpu.memory_space<vmem>>, vector<16xf32>,
        tpu.vector_store %arg7[%swap3A_766, %swap3A_767], %add3A_764 {strides = array<i32>} : memref<2x768xf32, #tpu.memory_space<vmem>>, vector<16xf32>,
        %get3A_769 = arith.constant 1 : i32
        %get3A_770 = arith.index_cast %get3A_769 : i32 to index
        %get3A_771 = arith.constant 528 : index
        %get3A_772 = tpu.vector_load %arg7[%get3A_770, %get3A_771] {strides = array<i32>} : memref<2x768xf32, #tpu.memory_space<vmem>>, vector<16xf32>,
        %abs3A_773 = math.absf %get3A_759 : vector<16xf32>
        %max3A_774 = arith.maximumf %get3A_772, %abs3A_773 : vector<16xf32>
        %swap3A_775 = arith.constant 1 : i32
        %swap3A_776 = arith.index_cast %swap3A_775 : i32 to index
        %swap3A_777 = arith.constant 528 : index
        %swap3A_778 = tpu.vector_load %arg7[%swap3A_776, %swap3A_777] {strides = array<i32>} : memref<2x768xf32, #tpu.memory_space<vmem>>, vector<16xf32>,
        tpu.vector_store %arg7[%swap3A_776, %swap3A_777], %max3A_774 {strides = array<i32>} : memref<2x768xf32, #tpu.memory_space<vmem>>, vector<16xf32>,
        %get3A_779 = arith.index_cast %add3A_34 : i32 to index
        %get3A_780 = arith.constant 544 : index
        %get3A_781 = tpu.vector_load %arg6[%get3A_779, %get3A_780] {strides = array<i32>} : memref<64x768xf32, #tpu.memory_space<vmem>>, vector<16xf32>,
        %get3A_782 = arith.constant 0 : i32
        %get3A_783 = arith.index_cast %get3A_782 : i32 to index
        %get3A_784 = arith.constant 544 : index
        %get3A_785 = tpu.vector_load %arg7[%get3A_783, %get3A_784] {strides = array<i32>} : memref<2x768xf32, #tpu.memory_space<vmem>>, vector<16xf32>,
        %add3A_786 = arith.addf %get3A_785, %get3A_781 : vector<16xf32>
        %swap3A_787 = arith.constant 0 : i32
        %swap3A_788 = arith.index_cast %swap3A_787 : i32 to index
        %swap3A_789 = arith.constant 544 : index
        %swap3A_790 = tpu.vector_load %arg7[%swap3A_788, %swap3A_789] {strides = array<i32>} : memref<2x768xf32, #tpu.memory_space<vmem>>, vector<16xf32>,
        tpu.vector_store %arg7[%swap3A_788, %swap3A_789], %add3A_786 {strides = array<i32>} : memref<2x768xf32, #tpu.memory_space<vmem>>, vector<16xf32>,
        %get3A_791 = arith.constant 1 : i32
        %get3A_792 = arith.index_cast %get3A_791 : i32 to index
        %get3A_793 = arith.constant 544 : index
        %get3A_794 = tpu.vector_load %arg7[%get3A_792, %get3A_793] {strides = array<i32>} : memref<2x768xf32, #tpu.memory_space<vmem>>, vector<16xf32>,
        %abs3A_795 = math.absf %get3A_781 : vector<16xf32>
        %max3A_796 = arith.maximumf %get3A_794, %abs3A_795 : vector<16xf32>
        %swap3A_797 = arith.constant 1 : i32
        %swap3A_798 = arith.index_cast %swap3A_797 : i32 to index
        %swap3A_799 = arith.constant 544 : index
        %swap3A_800 = tpu.vector_load %arg7[%swap3A_798, %swap3A_799] {strides = array<i32>} : memref<2x768xf32, #tpu.memory_space<vmem>>, vector<16xf32>,
        tpu.vector_store %arg7[%swap3A_798, %swap3A_799], %max3A_796 {strides = array<i32>} : memref<2x768xf32, #tpu.memory_space<vmem>>, vector<16xf32>,
        %get3A_801 = arith.index_cast %add3A_34 : i32 to index
        %get3A_802 = arith.constant 560 : index
        %get3A_803 = tpu.vector_load %arg6[%get3A_801, %get3A_802] {strides = array<i32>} : memref<64x768xf32, #tpu.memory_space<vmem>>, vector<16xf32>,
        %get3A_804 = arith.constant 0 : i32
        %get3A_805 = arith.index_cast %get3A_804 : i32 to index
        %get3A_806 = arith.constant 560 : index
        %get3A_807 = tpu.vector_load %arg7[%get3A_805, %get3A_806] {strides = array<i32>} : memref<2x768xf32, #tpu.memory_space<vmem>>, vector<16xf32>,
        %add3A_808 = arith.addf %get3A_807, %get3A_803 : vector<16xf32>
        %swap3A_809 = arith.constant 0 : i32
        %swap3A_810 = arith.index_cast %swap3A_809 : i32 to index
        %swap3A_811 = arith.constant 560 : index
        %swap3A_812 = tpu.vector_load %arg7[%swap3A_810, %swap3A_811] {strides = array<i32>} : memref<2x768xf32, #tpu.memory_space<vmem>>, vector<16xf32>,
        tpu.vector_store %arg7[%swap3A_810, %swap3A_811], %add3A_808 {strides = array<i32>} : memref<2x768xf32, #tpu.memory_space<vmem>>, vector<16xf32>,
        %get3A_813 = arith.constant 1 : i32
        %get3A_814 = arith.index_cast %get3A_813 : i32 to index
        %get3A_815 = arith.constant 560 : index
        %get3A_816 = tpu.vector_load %arg7[%get3A_814, %get3A_815] {strides = array<i32>} : memref<2x768xf32, #tpu.memory_space<vmem>>, vector<16xf32>,
        %abs3A_817 = math.absf %get3A_803 : vector<16xf32>
        %max3A_818 = arith.maximumf %get3A_816, %abs3A_817 : vector<16xf32>
        %swap3A_819 = arith.constant 1 : i32
        %swap3A_820 = arith.index_cast %swap3A_819 : i32 to index
        %swap3A_821 = arith.constant 560 : index
        %swap3A_822 = tpu.vector_load %arg7[%swap3A_820, %swap3A_821] {strides = array<i32>} : memref<2x768xf32, #tpu.memory_space<vmem>>, vector<16xf32>,
        tpu.vector_store %arg7[%swap3A_820, %swap3A_821], %max3A_818 {strides = array<i32>} : memref<2x768xf32, #tpu.memory_space<vmem>>, vector<16xf32>,
        %get3A_823 = arith.index_cast %add3A_34 : i32 to index
        %get3A_824 = arith.constant 576 : index
        %get3A_825 = tpu.vector_load %arg6[%get3A_823, %get3A_824] {strides = array<i32>} : memref<64x768xf32, #tpu.memory_space<vmem>>, vector<16xf32>,
        %get3A_826 = arith.constant 0 : i32
        %get3A_827 = arith.index_cast %get3A_826 : i32 to index
        %get3A_828 = arith.constant 576 : index
        %get3A_829 = tpu.vector_load %arg7[%get3A_827, %get3A_828] {strides = array<i32>} : memref<2x768xf32, #tpu.memory_space<vmem>>, vector<16xf32>,
        %add3A_830 = arith.addf %get3A_829, %get3A_825 : vector<16xf32>
        %swap3A_831 = arith.constant 0 : i32
        %swap3A_832 = arith.index_cast %swap3A_831 : i32 to index
        %swap3A_833 = arith.constant 576 : index
        %swap3A_834 = tpu.vector_load %arg7[%swap3A_832, %swap3A_833] {strides = array<i32>} : memref<2x768xf32, #tpu.memory_space<vmem>>, vector<16xf32>,
        tpu.vector_store %arg7[%swap3A_832, %swap3A_833], %add3A_830 {strides = array<i32>} : memref<2x768xf32, #tpu.memory_space<vmem>>, vector<16xf32>,
        %get3A_835 = arith.constant 1 : i32
        %get3A_836 = arith.index_cast %get3A_835 : i32 to index
        %get3A_837 = arith.constant 576 : index
        %get3A_838 = tpu.vector_load %arg7[%get3A_836, %get3A_837] {strides = array<i32>} : memref<2x768xf32, #tpu.memory_space<vmem>>, vector<16xf32>,
        %abs3A_839 = math.absf %get3A_825 : vector<16xf32>
        %max3A_840 = arith.maximumf %get3A_838, %abs3A_839 : vector<16xf32>
        %swap3A_841 = arith.constant 1 : i32
        %swap3A_842 = arith.index_cast %swap3A_841 : i32 to index
        %swap3A_843 = arith.constant 576 : index
        %swap3A_844 = tpu.vector_load %arg7[%swap3A_842, %swap3A_843] {strides = array<i32>} : memref<2x768xf32, #tpu.memory_space<vmem>>, vector<16xf32>,
        tpu.vector_store %arg7[%swap3A_842, %swap3A_843], %max3A_840 {strides = array<i32>} : memref<2x768xf32, #tpu.memory_space<vmem>>, vector<16xf32>,
        %get3A_845 = arith.index_cast %add3A_34 : i32 to index
        %get3A_846 = arith.constant 592 : index
        %get3A_847 = tpu.vector_load %arg6[%get3A_845, %get3A_846] {strides = array<i32>} : memref<64x768xf32, #tpu.memory_space<vmem>>, vector<16xf32>,
        %get3A_848 = arith.constant 0 : i32
        %get3A_849 = arith.index_cast %get3A_848 : i32 to index
        %get3A_850 = arith.constant 592 : index
        %get3A_851 = tpu.vector_load %arg7[%get3A_849, %get3A_850] {strides = array<i32>} : memref<2x768xf32, #tpu.memory_space<vmem>>, vector<16xf32>,
        %add3A_852 = arith.addf %get3A_851, %get3A_847 : vector<16xf32>
        %swap3A_853 = arith.constant 0 : i32
        %swap3A_854 = arith.index_cast %swap3A_853 : i32 to index
        %swap3A_855 = arith.constant 592 : index
        %swap3A_856 = tpu.vector_load %arg7[%swap3A_854, %swap3A_855] {strides = array<i32>} : memref<2x768xf32, #tpu.memory_space<vmem>>, vector<16xf32>,
        tpu.vector_store %arg7[%swap3A_854, %swap3A_855], %add3A_852 {strides = array<i32>} : memref<2x768xf32, #tpu.memory_space<vmem>>, vector<16xf32>,
        %get3A_857 = arith.constant 1 : i32
        %get3A_858 = arith.index_cast %get3A_857 : i32 to index
        %get3A_859 = arith.constant 592 : index
        %get3A_860 = tpu.vector_load %arg7[%get3A_858, %get3A_859] {strides = array<i32>} : memref<2x768xf32, #tpu.memory_space<vmem>>, vector<16xf32>,
        %abs3A_861 = math.absf %get3A_847 : vector<16xf32>
        %max3A_862 = arith.maximumf %get3A_860, %abs3A_861 : vector<16xf32>
        %swap3A_863 = arith.constant 1 : i32
        %swap3A_864 = arith.index_cast %swap3A_863 : i32 to index
        %swap3A_865 = arith.constant 592 : index
        %swap3A_866 = tpu.vector_load %arg7[%swap3A_864, %swap3A_865] {strides = array<i32>} : memref<2x768xf32, #tpu.memory_space<vmem>>, vector<16xf32>,
        tpu.vector_store %arg7[%swap3A_864, %swap3A_865], %max3A_862 {strides = array<i32>} : memref<2x768xf32, #tpu.memory_space<vmem>>, vector<16xf32>,
        %get3A_867 = arith.index_cast %add3A_34 : i32 to index
        %get3A_868 = arith.constant 608 : index
        %get3A_869 = tpu.vector_load %arg6[%get3A_867, %get3A_868] {strides = array<i32>} : memref<64x768xf32, #tpu.memory_space<vmem>>, vector<16xf32>,
        %get3A_870 = arith.constant 0 : i32
        %get3A_871 = arith.index_cast %get3A_870 : i32 to index
        %get3A_872 = arith.constant 608 : index
        %get3A_873 = tpu.vector_load %arg7[%get3A_871, %get3A_872] {strides = array<i32>} : memref<2x768xf32, #tpu.memory_space<vmem>>, vector<16xf32>,
        %add3A_874 = arith.addf %get3A_873, %get3A_869 : vector<16xf32>
        %swap3A_875 = arith.constant 0 : i32
        %swap3A_876 = arith.index_cast %swap3A_875 : i32 to index
        %swap3A_877 = arith.constant 608 : index
        %swap3A_878 = tpu.vector_load %arg7[%swap3A_876, %swap3A_877] {strides = array<i32>} : memref<2x768xf32, #tpu.memory_space<vmem>>, vector<16xf32>,
        tpu.vector_store %arg7[%swap3A_876, %swap3A_877], %add3A_874 {strides = array<i32>} : memref<2x768xf32, #tpu.memory_space<vmem>>, vector<16xf32>,
        %get3A_879 = arith.constant 1 : i32
        %get3A_880 = arith.index_cast %get3A_879 : i32 to index
        %get3A_881 = arith.constant 608 : index
        %get3A_882 = tpu.vector_load %arg7[%get3A_880, %get3A_881] {strides = array<i32>} : memref<2x768xf32, #tpu.memory_space<vmem>>, vector<16xf32>,
        %abs3A_883 = math.absf %get3A_869 : vector<16xf32>
        %max3A_884 = arith.maximumf %get3A_882, %abs3A_883 : vector<16xf32>
        %swap3A_885 = arith.constant 1 : i32
        %swap3A_886 = arith.index_cast %swap3A_885 : i32 to index
        %swap3A_887 = arith.constant 608 : index
        %swap3A_888 = tpu.vector_load %arg7[%swap3A_886, %swap3A_887] {strides = array<i32>} : memref<2x768xf32, #tpu.memory_space<vmem>>, vector<16xf32>,
        tpu.vector_store %arg7[%swap3A_886, %swap3A_887], %max3A_884 {strides = array<i32>} : memref<2x768xf32, #tpu.memory_space<vmem>>, vector<16xf32>,
        %get3A_889 = arith.index_cast %add3A_34 : i32 to index
        %get3A_890 = arith.constant 624 : index
        %get3A_891 = tpu.vector_load %arg6[%get3A_889, %get3A_890] {strides = array<i32>} : memref<64x768xf32, #tpu.memory_space<vmem>>, vector<16xf32>,
        %get3A_892 = arith.constant 0 : i32
        %get3A_893 = arith.index_cast %get3A_892 : i32 to index
        %get3A_894 = arith.constant 624 : index
        %get3A_895 = tpu.vector_load %arg7[%get3A_893, %get3A_894] {strides = array<i32>} : memref<2x768xf32, #tpu.memory_space<vmem>>, vector<16xf32>,
        %add3A_896 = arith.addf %get3A_895, %get3A_891 : vector<16xf32>
        %swap3A_897 = arith.constant 0 : i32
        %swap3A_898 = arith.index_cast %swap3A_897 : i32 to index
        %swap3A_899 = arith.constant 624 : index
        %swap3A_900 = tpu.vector_load %arg7[%swap3A_898, %swap3A_899] {strides = array<i32>} : memref<2x768xf32, #tpu.memory_space<vmem>>, vector<16xf32>,
        tpu.vector_store %arg7[%swap3A_898, %swap3A_899], %add3A_896 {strides = array<i32>} : memref<2x768xf32, #tpu.memory_space<vmem>>, vector<16xf32>,
        %get3A_901 = arith.constant 1 : i32
        %get3A_902 = arith.index_cast %get3A_901 : i32 to index
        %get3A_903 = arith.constant 624 : index
        %get3A_904 = tpu.vector_load %arg7[%get3A_902, %get3A_903] {strides = array<i32>} : memref<2x768xf32, #tpu.memory_space<vmem>>, vector<16xf32>,
        %abs3A_905 = math.absf %get3A_891 : vector<16xf32>
        %max3A_906 = arith.maximumf %get3A_904, %abs3A_905 : vector<16xf32>
        %swap3A_907 = arith.constant 1 : i32
        %swap3A_908 = arith.index_cast %swap3A_907 : i32 to index
        %swap3A_909 = arith.constant 624 : index
        %swap3A_910 = tpu.vector_load %arg7[%swap3A_908, %swap3A_909] {strides = array<i32>} : memref<2x768xf32, #tpu.memory_space<vmem>>, vector<16xf32>,
        tpu.vector_store %arg7[%swap3A_908, %swap3A_909], %max3A_906 {strides = array<i32>} : memref<2x768xf32, #tpu.memory_space<vmem>>, vector<16xf32>,
        %get3A_911 = arith.index_cast %add3A_34 : i32 to index
        %get3A_912 = arith.constant 640 : index
        %get3A_913 = tpu.vector_load %arg6[%get3A_911, %get3A_912] {strides = array<i32>} : memref<64x768xf32, #tpu.memory_space<vmem>>, vector<16xf32>,
        %get3A_914 = arith.constant 0 : i32
        %get3A_915 = arith.index_cast %get3A_914 : i32 to index
        %get3A_916 = arith.constant 640 : index
        %get3A_917 = tpu.vector_load %arg7[%get3A_915, %get3A_916] {strides = array<i32>} : memref<2x768xf32, #tpu.memory_space<vmem>>, vector<16xf32>,
        %add3A_918 = arith.addf %get3A_917, %get3A_913 : vector<16xf32>
        %swap3A_919 = arith.constant 0 : i32
        %swap3A_920 = arith.index_cast %swap3A_919 : i32 to index
        %swap3A_921 = arith.constant 640 : index
        %swap3A_922 = tpu.vector_load %arg7[%swap3A_920, %swap3A_921] {strides = array<i32>} : memref<2x768xf32, #tpu.memory_space<vmem>>, vector<16xf32>,
        tpu.vector_store %arg7[%swap3A_920, %swap3A_921], %add3A_918 {strides = array<i32>} : memref<2x768xf32, #tpu.memory_space<vmem>>, vector<16xf32>,
        %get3A_923 = arith.constant 1 : i32
        %get3A_924 = arith.index_cast %get3A_923 : i32 to index
        %get3A_925 = arith.constant 640 : index
        %get3A_926 = tpu.vector_load %arg7[%get3A_924, %get3A_925] {strides = array<i32>} : memref<2x768xf32, #tpu.memory_space<vmem>>, vector<16xf32>,
        %abs3A_927 = math.absf %get3A_913 : vector<16xf32>
        %max3A_928 = arith.maximumf %get3A_926, %abs3A_927 : vector<16xf32>
        %swap3A_929 = arith.constant 1 : i32
        %swap3A_930 = arith.index_cast %swap3A_929 : i32 to index
        %swap3A_931 = arith.constant 640 : index
        %swap3A_932 = tpu.vector_load %arg7[%swap3A_930, %swap3A_931] {strides = array<i32>} : memref<2x768xf32, #tpu.memory_space<vmem>>, vector<16xf32>,
        tpu.vector_store %arg7[%swap3A_930, %swap3A_931], %max3A_928 {strides = array<i32>} : memref<2x768xf32, #tpu.memory_space<vmem>>, vector<16xf32>,
        %get3A_933 = arith.index_cast %add3A_34 : i32 to index
        %get3A_934 = arith.constant 656 : index
        %get3A_935 = tpu.vector_load %arg6[%get3A_933, %get3A_934] {strides = array<i32>} : memref<64x768xf32, #tpu.memory_space<vmem>>, vector<16xf32>,
        %get3A_936 = arith.constant 0 : i32
        %get3A_937 = arith.index_cast %get3A_936 : i32 to index
        %get3A_938 = arith.constant 656 : index
        %get3A_939 = tpu.vector_load %arg7[%get3A_937, %get3A_938] {strides = array<i32>} : memref<2x768xf32, #tpu.memory_space<vmem>>, vector<16xf32>,
        %add3A_940 = arith.addf %get3A_939, %get3A_935 : vector<16xf32>
        %swap3A_941 = arith.constant 0 : i32
        %swap3A_942 = arith.index_cast %swap3A_941 : i32 to index
        %swap3A_943 = arith.constant 656 : index
        %swap3A_944 = tpu.vector_load %arg7[%swap3A_942, %swap3A_943] {strides = array<i32>} : memref<2x768xf32, #tpu.memory_space<vmem>>, vector<16xf32>,
        tpu.vector_store %arg7[%swap3A_942, %swap3A_943], %add3A_940 {strides = array<i32>} : memref<2x768xf32, #tpu.memory_space<vmem>>, vector<16xf32>,
        %get3A_945 = arith.constant 1 : i32
        %get3A_946 = arith.index_cast %get3A_945 : i32 to index
        %get3A_947 = arith.constant 656 : index
        %get3A_948 = tpu.vector_load %arg7[%get3A_946, %get3A_947] {strides = array<i32>} : memref<2x768xf32, #tpu.memory_space<vmem>>, vector<16xf32>,
        %abs3A_949 = math.absf %get3A_935 : vector<16xf32>
        %max3A_950 = arith.maximumf %get3A_948, %abs3A_949 : vector<16xf32>
        %swap3A_951 = arith.constant 1 : i32
        %swap3A_952 = arith.index_cast %swap3A_951 : i32 to index
        %swap3A_953 = arith.constant 656 : index
        %swap3A_954 = tpu.vector_load %arg7[%swap3A_952, %swap3A_953] {strides = array<i32>} : memref<2x768xf32, #tpu.memory_space<vmem>>, vector<16xf32>,
        tpu.vector_store %arg7[%swap3A_952, %swap3A_953], %max3A_950 {strides = array<i32>} : memref<2x768xf32, #tpu.memory_space<vmem>>, vector<16xf32>,
        %get3A_955 = arith.index_cast %add3A_34 : i32 to index
        %get3A_956 = arith.constant 672 : index
        %get3A_957 = tpu.vector_load %arg6[%get3A_955, %get3A_956] {strides = array<i32>} : memref<64x768xf32, #tpu.memory_space<vmem>>, vector<16xf32>,
        %get3A_958 = arith.constant 0 : i32
        %get3A_959 = arith.index_cast %get3A_958 : i32 to index
        %get3A_960 = arith.constant 672 : index
        %get3A_961 = tpu.vector_load %arg7[%get3A_959, %get3A_960] {strides = array<i32>} : memref<2x768xf32, #tpu.memory_space<vmem>>, vector<16xf32>,
        %add3A_962 = arith.addf %get3A_961, %get3A_957 : vector<16xf32>
        %swap3A_963 = arith.constant 0 : i32
        %swap3A_964 = arith.index_cast %swap3A_963 : i32 to index
        %swap3A_965 = arith.constant 672 : index
        %swap3A_966 = tpu.vector_load %arg7[%swap3A_964, %swap3A_965] {strides = array<i32>} : memref<2x768xf32, #tpu.memory_space<vmem>>, vector<16xf32>,
        tpu.vector_store %arg7[%swap3A_964, %swap3A_965], %add3A_962 {strides = array<i32>} : memref<2x768xf32, #tpu.memory_space<vmem>>, vector<16xf32>,
        %get3A_967 = arith.constant 1 : i32
        %get3A_968 = arith.index_cast %get3A_967 : i32 to index
        %get3A_969 = arith.constant 672 : index
        %get3A_970 = tpu.vector_load %arg7[%get3A_968, %get3A_969] {strides = array<i32>} : memref<2x768xf32, #tpu.memory_space<vmem>>, vector<16xf32>,
        %abs3A_971 = math.absf %get3A_957 : vector<16xf32>
        %max3A_972 = arith.maximumf %get3A_970, %abs3A_971 : vector<16xf32>
        %swap3A_973 = arith.constant 1 : i32
        %swap3A_974 = arith.index_cast %swap3A_973 : i32 to index
        %swap3A_975 = arith.constant 672 : index
        %swap3A_976 = tpu.vector_load %arg7[%swap3A_974, %swap3A_975] {strides = array<i32>} : memref<2x768xf32, #tpu.memory_space<vmem>>, vector<16xf32>,
        tpu.vector_store %arg7[%swap3A_974, %swap3A_975], %max3A_972 {strides = array<i32>} : memref<2x768xf32, #tpu.memory_space<vmem>>, vector<16xf32>,
        %get3A_977 = arith.index_cast %add3A_34 : i32 to index
        %get3A_978 = arith.constant 688 : index
        %get3A_979 = tpu.vector_load %arg6[%get3A_977, %get3A_978] {strides = array<i32>} : memref<64x768xf32, #tpu.memory_space<vmem>>, vector<16xf32>,
        %get3A_980 = arith.constant 0 : i32
        %get3A_981 = arith.index_cast %get3A_980 : i32 to index
        %get3A_982 = arith.constant 688 : index
        %get3A_983 = tpu.vector_load %arg7[%get3A_981, %get3A_982] {strides = array<i32>} : memref<2x768xf32, #tpu.memory_space<vmem>>, vector<16xf32>,
        %add3A_984 = arith.addf %get3A_983, %get3A_979 : vector<16xf32>
        %swap3A_985 = arith.constant 0 : i32
        %swap3A_986 = arith.index_cast %swap3A_985 : i32 to index
        %swap3A_987 = arith.constant 688 : index
        %swap3A_988 = tpu.vector_load %arg7[%swap3A_986, %swap3A_987] {strides = array<i32>} : memref<2x768xf32, #tpu.memory_space<vmem>>, vector<16xf32>,
        tpu.vector_store %arg7[%swap3A_986, %swap3A_987], %add3A_984 {strides = array<i32>} : memref<2x768xf32, #tpu.memory_space<vmem>>, vector<16xf32>,
        %get3A_989 = arith.constant 1 : i32
        %get3A_990 = arith.index_cast %get3A_989 : i32 to index
        %get3A_991 = arith.constant 688 : index
        %get3A_992 = tpu.vector_load %arg7[%get3A_990, %get3A_991] {strides = array<i32>} : memref<2x768xf32, #tpu.memory_space<vmem>>, vector<16xf32>,
        %abs3A_993 = math.absf %get3A_979 : vector<16xf32>
        %max3A_994 = arith.maximumf %get3A_992, %abs3A_993 : vector<16xf32>
        %swap3A_995 = arith.constant 1 : i32
        %swap3A_996 = arith.index_cast %swap3A_995 : i32 to index
        %swap3A_997 = arith.constant 688 : index
        %swap3A_998 = tpu.vector_load %arg7[%swap3A_996, %swap3A_997] {strides = array<i32>} : memref<2x768xf32, #tpu.memory_space<vmem>>, vector<16xf32>,
        tpu.vector_store %arg7[%swap3A_996, %swap3A_997], %max3A_994 {strides = array<i32>} : memref<2x768xf32, #tpu.memory_space<vmem>>, vector<16xf32>,
        %get3A_999 = arith.index_cast %add3A_34 : i32 to index
        %get3A_1000 = arith.constant 704 : index
        %get3A_1001 = tpu.vector_load %arg6[%get3A_999, %get3A_1000] {strides = array<i32>} : memref<64x768xf32, #tpu.memory_space<vmem>>, vector<16xf32>,
        %get3A_1002 = arith.constant 0 : i32
        %get3A_1003 = arith.index_cast %get3A_1002 : i32 to index
        %get3A_1004 = arith.constant 704 : index
        %get3A_1005 = tpu.vector_load %arg7[%get3A_1003, %get3A_1004] {strides = array<i32>} : memref<2x768xf32, #tpu.memory_space<vmem>>, vector<16xf32>,
        %add3A_1006 = arith.addf %get3A_1005, %get3A_1001 : vector<16xf32>
        %swap3A_1007 = arith.constant 0 : i32
        %swap3A_1008 = arith.index_cast %swap3A_1007 : i32 to index
        %swap3A_1009 = arith.constant 704 : index
        %swap3A_1010 = tpu.vector_load %arg7[%swap3A_1008, %swap3A_1009] {strides = array<i32>} : memref<2x768xf32, #tpu.memory_space<vmem>>, vector<16xf32>,
        tpu.vector_store %arg7[%swap3A_1008, %swap3A_1009], %add3A_1006 {strides = array<i32>} : memref<2x768xf32, #tpu.memory_space<vmem>>, vector<16xf32>,
        %get3A_1011 = arith.constant 1 : i32
        %get3A_1012 = arith.index_cast %get3A_1011 : i32 to index
        %get3A_1013 = arith.constant 704 : index
        %get3A_1014 = tpu.vector_load %arg7[%get3A_1012, %get3A_1013] {strides = array<i32>} : memref<2x768xf32, #tpu.memory_space<vmem>>, vector<16xf32>,
        %abs3A_1015 = math.absf %get3A_1001 : vector<16xf32>
        %max3A_1016 = arith.maximumf %get3A_1014, %abs3A_1015 : vector<16xf32>
        %swap3A_1017 = arith.constant 1 : i32
        %swap3A_1018 = arith.index_cast %swap3A_1017 : i32 to index
        %swap3A_1019 = arith.constant 704 : index
        %swap3A_1020 = tpu.vector_load %arg7[%swap3A_1018, %swap3A_1019] {strides = array<i32>} : memref<2x768xf32, #tpu.memory_space<vmem>>, vector<16xf32>,
        tpu.vector_store %arg7[%swap3A_1018, %swap3A_1019], %max3A_1016 {strides = array<i32>} : memref<2x768xf32, #tpu.memory_space<vmem>>, vector<16xf32>,
        %get3A_1021 = arith.index_cast %add3A_34 : i32 to index
        %get3A_1022 = arith.constant 720 : index
        %get3A_1023 = tpu.vector_load %arg6[%get3A_1021, %get3A_1022] {strides = array<i32>} : memref<64x768xf32, #tpu.memory_space<vmem>>, vector<16xf32>,
        %get3A_1024 = arith.constant 0 : i32
        %get3A_1025 = arith.index_cast %get3A_1024 : i32 to index
        %get3A_1026 = arith.constant 720 : index
        %get3A_1027 = tpu.vector_load %arg7[%get3A_1025, %get3A_1026] {strides = array<i32>} : memref<2x768xf32, #tpu.memory_space<vmem>>, vector<16xf32>,
        %add3A_1028 = arith.addf %get3A_1027, %get3A_1023 : vector<16xf32>
        %swap3A_1029 = arith.constant 0 : i32
        %swap3A_1030 = arith.index_cast %swap3A_1029 : i32 to index
        %swap3A_1031 = arith.constant 720 : index
        %swap3A_1032 = tpu.vector_load %arg7[%swap3A_1030, %swap3A_1031] {strides = array<i32>} : memref<2x768xf32, #tpu.memory_space<vmem>>, vector<16xf32>,
        tpu.vector_store %arg7[%swap3A_1030, %swap3A_1031], %add3A_1028 {strides = array<i32>} : memref<2x768xf32, #tpu.memory_space<vmem>>, vector<16xf32>,
        %get3A_1033 = arith.constant 1 : i32
        %get3A_1034 = arith.index_cast %get3A_1033 : i32 to index
        %get3A_1035 = arith.constant 720 : index
        %get3A_1036 = tpu.vector_load %arg7[%get3A_1034, %get3A_1035] {strides = array<i32>} : memref<2x768xf32, #tpu.memory_space<vmem>>, vector<16xf32>,
        %abs3A_1037 = math.absf %get3A_1023 : vector<16xf32>
        %max3A_1038 = arith.maximumf %get3A_1036, %abs3A_1037 : vector<16xf32>
        %swap3A_1039 = arith.constant 1 : i32
        %swap3A_1040 = arith.index_cast %swap3A_1039 : i32 to index
        %swap3A_1041 = arith.constant 720 : index
        %swap3A_1042 = tpu.vector_load %arg7[%swap3A_1040, %swap3A_1041] {strides = array<i32>} : memref<2x768xf32, #tpu.memory_space<vmem>>, vector<16xf32>,
        tpu.vector_store %arg7[%swap3A_1040, %swap3A_1041], %max3A_1038 {strides = array<i32>} : memref<2x768xf32, #tpu.memory_space<vmem>>, vector<16xf32>,
        %get3A_1043 = arith.index_cast %add3A_34 : i32 to index
        %get3A_1044 = arith.constant 736 : index
        %get3A_1045 = tpu.vector_load %arg6[%get3A_1043, %get3A_1044] {strides = array<i32>} : memref<64x768xf32, #tpu.memory_space<vmem>>, vector<16xf32>,
        %get3A_1046 = arith.constant 0 : i32
        %get3A_1047 = arith.index_cast %get3A_1046 : i32 to index
        %get3A_1048 = arith.constant 736 : index
        %get3A_1049 = tpu.vector_load %arg7[%get3A_1047, %get3A_1048] {strides = array<i32>} : memref<2x768xf32, #tpu.memory_space<vmem>>, vector<16xf32>,
        %add3A_1050 = arith.addf %get3A_1049, %get3A_1045 : vector<16xf32>
        %swap3A_1051 = arith.constant 0 : i32
        %swap3A_1052 = arith.index_cast %swap3A_1051 : i32 to index
        %swap3A_1053 = arith.constant 736 : index
        %swap3A_1054 = tpu.vector_load %arg7[%swap3A_1052, %swap3A_1053] {strides = array<i32>} : memref<2x768xf32, #tpu.memory_space<vmem>>, vector<16xf32>,
        tpu.vector_store %arg7[%swap3A_1052, %swap3A_1053], %add3A_1050 {strides = array<i32>} : memref<2x768xf32, #tpu.memory_space<vmem>>, vector<16xf32>,
        %get3A_1055 = arith.constant 1 : i32
        %get3A_1056 = arith.index_cast %get3A_1055 : i32 to index
        %get3A_1057 = arith.constant 736 : index
        %get3A_1058 = tpu.vector_load %arg7[%get3A_1056, %get3A_1057] {strides = array<i32>} : memref<2x768xf32, #tpu.memory_space<vmem>>, vector<16xf32>,
        %abs3A_1059 = math.absf %get3A_1045 : vector<16xf32>
        %max3A_1060 = arith.maximumf %get3A_1058, %abs3A_1059 : vector<16xf32>
        %swap3A_1061 = arith.constant 1 : i32
        %swap3A_1062 = arith.index_cast %swap3A_1061 : i32 to index
        %swap3A_1063 = arith.constant 736 : index
        %swap3A_1064 = tpu.vector_load %arg7[%swap3A_1062, %swap3A_1063] {strides = array<i32>} : memref<2x768xf32, #tpu.memory_space<vmem>>, vector<16xf32>,
        tpu.vector_store %arg7[%swap3A_1062, %swap3A_1063], %max3A_1060 {strides = array<i32>} : memref<2x768xf32, #tpu.memory_space<vmem>>, vector<16xf32>,
        %get3A_1065 = arith.index_cast %add3A_34 : i32 to index
        %get3A_1066 = arith.constant 752 : index
        %get3A_1067 = tpu.vector_load %arg6[%get3A_1065, %get3A_1066] {strides = array<i32>} : memref<64x768xf32, #tpu.memory_space<vmem>>, vector<16xf32>,
        %get3A_1068 = arith.constant 0 : i32
        %get3A_1069 = arith.index_cast %get3A_1068 : i32 to index
        %get3A_1070 = arith.constant 752 : index
        %get3A_1071 = tpu.vector_load %arg7[%get3A_1069, %get3A_1070] {strides = array<i32>} : memref<2x768xf32, #tpu.memory_space<vmem>>, vector<16xf32>,
        %add3A_1072 = arith.addf %get3A_1071, %get3A_1067 : vector<16xf32>
        %swap3A_1073 = arith.constant 0 : i32
        %swap3A_1074 = arith.index_cast %swap3A_1073 : i32 to index
        %swap3A_1075 = arith.constant 752 : index
        %swap3A_1076 = tpu.vector_load %arg7[%swap3A_1074, %swap3A_1075] {strides = array<i32>} : memref<2x768xf32, #tpu.memory_space<vmem>>, vector<16xf32>,
        tpu.vector_store %arg7[%swap3A_1074, %swap3A_1075], %add3A_1072 {strides = array<i32>} : memref<2x768xf32, #tpu.memory_space<vmem>>, vector<16xf32>,
        %get3A_1077 = arith.constant 1 : i32
        %get3A_1078 = arith.index_cast %get3A_1077 : i32 to index
        %get3A_1079 = arith.constant 752 : index
        %get3A_1080 = tpu.vector_load %arg7[%get3A_1078, %get3A_1079] {strides = array<i32>} : memref<2x768xf32, #tpu.memory_space<vmem>>, vector<16xf32>,
        %abs3A_1081 = math.absf %get3A_1067 : vector<16xf32>
        %max3A_1082 = arith.maximumf %get3A_1080, %abs3A_1081 : vector<16xf32>
        %swap3A_1083 = arith.constant 1 : i32
        %swap3A_1084 = arith.index_cast %swap3A_1083 : i32 to index
        %swap3A_1085 = arith.constant 752 : index
        %swap3A_1086 = tpu.vector_load %arg7[%swap3A_1084, %swap3A_1085] {strides = array<i32>} : memref<2x768xf32, #tpu.memory_space<vmem>>, vector<16xf32>,
        tpu.vector_store %arg7[%swap3A_1084, %swap3A_1085], %max3A_1082 {strides = array<i32>} : memref<2x768xf32, #tpu.memory_space<vmem>>, vector<16xf32>,
      }
      %scan3A_29 = arith.constant 64 : i32
    }
    %scan3A_11 = arith.constant 8 : i32
    "tpu.region"() ({
      %run_scoped3A = tpu.sem_alloc : memref<!tpu.dma_semaphore, #tpu.memory_space<semaphore_mem>>
      %dma_start3A = arith.constant 0 : i32
      %dma_start3A_12 = arith.constant 0 : i32
      %dma_start3A_13 = tpu.memref_slice %arg4[%add3A, %dma_start3A, %dma_start3A_12] : memref<32x2x768xf32, #tpu.memory_space<hbm>> -> memref<1x2x768xf32, #tpu.memory_space<hbm>>
      %dma_start3A_14 = tpu.memref_squeeze %dma_start3A_13 : memref<1x2x768xf32, #tpu.memory_space<hbm>> -> memref<2x768xf32, #tpu.memory_space<hbm>>
      %dma_start3A_15 = arith.constant 0 : i32
      %dma_start3A_16 = arith.constant 0 : i32
      %dma_start3A_17 = tpu.memref_slice %arg4[%add3A, %dma_start3A_15, %dma_start3A_16] : memref<32x2x768xf32, #tpu.memory_space<hbm>> -> memref<1x2x768xf32, #tpu.memory_space<hbm>>
      %dma_start3A_18 = tpu.memref_squeeze %dma_start3A_17 : memref<1x2x768xf32, #tpu.memory_space<hbm>> -> memref<2x768xf32, #tpu.memory_space<hbm>>
      tpu.enqueue_dma source(%arg7 : memref<2x768xf32, #tpu.memory_space<vmem>>) target(%dma_start3A_18 : memref<2x768xf32, #tpu.memory_space<hbm>>) target_semaphore(%run_scoped3A : memref<!tpu.dma_semaphore, #tpu.memory_space<semaphore_mem>>)
      %dma_wait3A = arith.constant 0 : i32
      %dma_wait3A_19 = arith.constant 0 : i32
      %dma_wait3A_20 = tpu.memref_slice %arg4[%add3A, %dma_wait3A, %dma_wait3A_19] : memref<32x2x768xf32, #tpu.memory_space<hbm>> -> memref<1x2x768xf32, #tpu.memory_space<hbm>>
      %dma_wait3A_21 = tpu.memref_squeeze %dma_wait3A_20 : memref<1x2x768xf32, #tpu.memory_space<hbm>> -> memref<2x768xf32, #tpu.memory_space<hbm>>
      %dma_wait3A_22 = arith.constant 0 : i32
      %dma_wait3A_23 = arith.constant 0 : i32
      %dma_wait3A_24 = tpu.memref_slice %arg4[%add3A, %dma_wait3A_22, %dma_wait3A_23] : memref<32x2x768xf32, #tpu.memory_space<hbm>> -> memref<1x2x768xf32, #tpu.memory_space<hbm>>
      %dma_wait3A_25 = tpu.memref_squeeze %dma_wait3A_24 : memref<1x2x768xf32, #tpu.memory_space<hbm>> -> memref<2x768xf32, #tpu.memory_space<hbm>>
      tpu.wait_dma2 semaphore(%run_scoped3A : memref<!tpu.dma_semaphore, #tpu.memory_space<semaphore_mem>>) src(%arg7 : memref<2x768xf32, #tpu.memory_space<vmem>>) dst(%dma_wait3A_25 : memref<2x768xf32, #tpu.memory_space<hbm>>)
      tpu.yield
    }) : () -> ()
    return
  }
}

#map = affine_map<(d0, d1) -> (0, 0)>
#map1 = affine_map<(d0, d1) -> (0)>
module attributes {stable_mosaic.version = 14 : i64} {
  func.func @_gquant_body(%arg0: i32, %arg1: i32, %arg2: memref<32768x768xf32, #tpu.memory_space<hbm>>, %arg3: memref<16384xi32, #tpu.memory_space<hbm>>, %arg4: memref<4x768xf32, #tpu.memory_space<hbm>>, %arg5: memref<16384x768xf32, #tpu.memory_space<hbm>>, %arg6: memref<512xi32, #tpu.memory_space<vmem>>, %arg7: memref<64x768xf32, #tpu.memory_space<vmem>>, %arg8: memref<768xf32, #tpu.memory_space<vmem>>, %arg9: memref<!tpu.dma_semaphore, #tpu.memory_space<semaphore_mem>>) attributes {dimension_semantics = [#tpu.dimension_semantics<core_parallel>, #tpu.dimension_semantics<subcore_parallel>], iteration_bounds = array<i64: 2, 16>, scalar_prefetch = 0 : i64, scratch_operands = 4 : i64, tpu.core_type = #tpu.core_type<sc_vector_subcore>, window_params = [{transform_indices = #map}, {transform_indices = #map1}, {transform_indices = #map}, {transform_indices = #map}]} {
    %mul3A = arith.constant 2 : i32
    %mul3A_0 = arith.muli %arg1, %mul3A : i32
    %add3A = arith.addi %mul3A_0, %arg0 : i32
    %jit3A = arith.constant 8 : i32
    %div3A = arith.divsi %add3A, %jit3A : i32
    %sign3A = arith.constant 0 : i32
    %sign3A_1 = arith.cmpi sgt, %add3A, %sign3A : i32
    %sign3A_2 = arith.extui %sign3A_1 : i1 to i32
    %sign3A_3 = arith.constant 0 : i32
    %sign3A_4 = arith.cmpi slt, %add3A, %sign3A_3 : i32
    %sign3A_5 = arith.extui %sign3A_4 : i1 to i32
    %sign3A_6 = arith.subi %sign3A_2, %sign3A_5 : i32
    %sign3A_7 = arith.constant 0 : i32
    %sign3A_8 = arith.cmpi sgt, %jit3A, %sign3A_7 : i32
    %sign3A_9 = arith.extui %sign3A_8 : i1 to i32
    %sign3A_10 = arith.constant 0 : i32
    %sign3A_11 = arith.cmpi slt, %jit3A, %sign3A_10 : i32
    %sign3A_12 = arith.extui %sign3A_11 : i1 to i32
    %sign3A_13 = arith.subi %sign3A_9, %sign3A_12 : i32
    %ne3A = arith.cmpi ne, %sign3A_6, %sign3A_13 : i32
    %rem3A = arith.remsi %add3A, %jit3A : i32
    %ne3A_14 = arith.constant 0 : i32
    %ne3A_15 = arith.cmpi ne, %rem3A, %ne3A_14 : i32
    %and3A = arith.andi %ne3A, %ne3A_15 : i1
    %sub3A = arith.constant 1 : i32
    %sub3A_16 = arith.subi %div3A, %sub3A : i32
    %select_n3A = arith.select %and3A, %sub3A_16, %div3A : i32
    %mul3A_17 = arith.constant 512 : i32
    %mul3A_18 = arith.muli %add3A, %mul3A_17 : i32
    "tpu.region"() ({
      %run_scoped3A = tpu.sem_alloc : memref<!tpu.dma_semaphore, #tpu.memory_space<semaphore_mem>>
      %dma_start3A = tpu.memref_slice %arg3[%mul3A_18] : memref<16384xi32, #tpu.memory_space<hbm>> -> memref<512xi32, #tpu.memory_space<hbm>>
      %dma_start3A_23 = tpu.memref_slice %arg3[%mul3A_18] : memref<16384xi32, #tpu.memory_space<hbm>> -> memref<512xi32, #tpu.memory_space<hbm>>
      tpu.enqueue_dma source(%dma_start3A_23 : memref<512xi32, #tpu.memory_space<hbm>>) target(%arg6 : memref<512xi32, #tpu.memory_space<vmem>>) target_semaphore(%run_scoped3A : memref<!tpu.dma_semaphore, #tpu.memory_space<semaphore_mem>>)
      %dma_wait3A = tpu.memref_slice %arg3[%mul3A_18] : memref<16384xi32, #tpu.memory_space<hbm>> -> memref<512xi32, #tpu.memory_space<hbm>>
      %dma_wait3A_24 = tpu.memref_slice %arg3[%mul3A_18] : memref<16384xi32, #tpu.memory_space<hbm>> -> memref<512xi32, #tpu.memory_space<hbm>>
      tpu.wait_dma2 semaphore(%run_scoped3A : memref<!tpu.dma_semaphore, #tpu.memory_space<semaphore_mem>>) src(%dma_wait3A_24 : memref<512xi32, #tpu.memory_space<hbm>>) dst(%arg6 : memref<512xi32, #tpu.memory_space<vmem>>)
      tpu.yield
    }) : () -> ()
    "tpu.region"() ({
      %run_scoped3A = tpu.sem_alloc : memref<!tpu.dma_semaphore, #tpu.memory_space<semaphore_mem>>
      %dma_start3A = arith.constant 0 : i32
      %dma_start3A_23 = tpu.memref_slice %arg4[%select_n3A, %dma_start3A] : memref<4x768xf32, #tpu.memory_space<hbm>> -> memref<1x768xf32, #tpu.memory_space<hbm>>
      %dma_start3A_24 = tpu.memref_squeeze %dma_start3A_23 : memref<1x768xf32, #tpu.memory_space<hbm>> -> memref<768xf32, #tpu.memory_space<hbm>>
      %dma_start3A_25 = arith.constant 0 : i32
      %dma_start3A_26 = tpu.memref_slice %arg4[%select_n3A, %dma_start3A_25] : memref<4x768xf32, #tpu.memory_space<hbm>> -> memref<1x768xf32, #tpu.memory_space<hbm>>
      %dma_start3A_27 = tpu.memref_squeeze %dma_start3A_26 : memref<1x768xf32, #tpu.memory_space<hbm>> -> memref<768xf32, #tpu.memory_space<hbm>>
      tpu.enqueue_dma source(%dma_start3A_27 : memref<768xf32, #tpu.memory_space<hbm>>) target(%arg8 : memref<768xf32, #tpu.memory_space<vmem>>) target_semaphore(%run_scoped3A : memref<!tpu.dma_semaphore, #tpu.memory_space<semaphore_mem>>)
      %dma_wait3A = arith.constant 0 : i32
      %dma_wait3A_28 = tpu.memref_slice %arg4[%select_n3A, %dma_wait3A] : memref<4x768xf32, #tpu.memory_space<hbm>> -> memref<1x768xf32, #tpu.memory_space<hbm>>
      %dma_wait3A_29 = tpu.memref_squeeze %dma_wait3A_28 : memref<1x768xf32, #tpu.memory_space<hbm>> -> memref<768xf32, #tpu.memory_space<hbm>>
      %dma_wait3A_30 = arith.constant 0 : i32
      %dma_wait3A_31 = tpu.memref_slice %arg4[%select_n3A, %dma_wait3A_30] : memref<4x768xf32, #tpu.memory_space<hbm>> -> memref<1x768xf32, #tpu.memory_space<hbm>>
      %dma_wait3A_32 = tpu.memref_squeeze %dma_wait3A_31 : memref<1x768xf32, #tpu.memory_space<hbm>> -> memref<768xf32, #tpu.memory_space<hbm>>
      tpu.wait_dma2 semaphore(%run_scoped3A : memref<!tpu.dma_semaphore, #tpu.memory_space<semaphore_mem>>) src(%dma_wait3A_32 : memref<768xf32, #tpu.memory_space<hbm>>) dst(%arg8 : memref<768xf32, #tpu.memory_space<vmem>>)
      tpu.yield
    }) : () -> ()
    %scan3A = arith.constant 0 : i32
    %scan3A_19 = arith.constant 8 : i32
    %scan3A_20 = arith.addi %scan3A, %scan3A_19 : i32
    %scan3A_21 = arith.constant 1 : i32
    scf.for %scan3A_23 = %scan3A to %scan3A_20 step %scan3A_21  : i32 {
      %mul3A_24 = arith.constant 1 : i32
      %mul3A_25 = arith.muli %scan3A_23, %mul3A_24 : i32
      %add3A_26 = arith.constant 0 : i32
      %add3A_27 = arith.addi %add3A_26, %mul3A_25 : i32
      %mul3A_28 = arith.constant 64 : i32
      %mul3A_29 = arith.muli %add3A_27, %mul3A_28 : i32
      %dma_start3A = tpu.memref_slice %arg6[%mul3A_29] : memref<512xi32, #tpu.memory_space<vmem>> -> memref<64xi32, #tpu.memory_space<vmem>>
      %dma_start3A_30 = arith.constant 0 : i32
      %dma_start3A_31 = arith.constant 0 : i32
      %dma_start3A_32 = tpu.memref_slice %arg2[%dma_start3A_30, %dma_start3A_31] : memref<32768x768xf32, #tpu.memory_space<hbm>> -> memref<32768x768xf32, #tpu.memory_space<hbm>>
      tpu.enqueue_indirect_dma source(%dma_start3A_32 : memref<32768x768xf32, #tpu.memory_space<hbm>>) target(%arg7 : memref<64x768xf32, #tpu.memory_space<vmem>>) offsets(%dma_start3A : memref<64xi32, #tpu.memory_space<vmem>>) semaphore(%arg9 : memref<!tpu.dma_semaphore, #tpu.memory_space<semaphore_mem>>)
      %dma_wait3A = tpu.memref_slice %arg6[%mul3A_29] : memref<512xi32, #tpu.memory_space<vmem>> -> memref<64xi32, #tpu.memory_space<vmem>>
      %dma_wait3A_33 = arith.constant 0 : i32
      %dma_wait3A_34 = arith.constant 0 : i32
      %dma_wait3A_35 = tpu.memref_slice %arg2[%dma_wait3A_33, %dma_wait3A_34] : memref<32768x768xf32, #tpu.memory_space<hbm>> -> memref<32768x768xf32, #tpu.memory_space<hbm>>
      tpu.wait_indirect_dma semaphore(%arg9 : memref<!tpu.dma_semaphore, #tpu.memory_space<semaphore_mem>>) src(%dma_wait3A_35 : memref<32768x768xf32, #tpu.memory_space<hbm>>) dst(%arg7 : memref<64x768xf32, #tpu.memory_space<vmem>>)
      %get3A = arith.constant 0 : index
      %get3A_36 = tpu.vector_load %arg8[%get3A] {strides = array<i32>} : memref<768xf32, #tpu.memory_space<vmem>>, vector<16xf32>,
      %scan3A_37 = arith.constant 0 : i32
      %scan3A_38 = arith.constant 64 : i32
      %scan3A_39 = arith.addi %scan3A_37, %scan3A_38 : i32
      %scan3A_40 = arith.constant 1 : i32
      scf.for %scan3A_376 = %scan3A_37 to %scan3A_39 step %scan3A_40  : i32 {
        %mul3A_377 = arith.constant 1 : i32
        %mul3A_378 = arith.muli %scan3A_376, %mul3A_377 : i32
        %add3A_379 = arith.constant 0 : i32
        %add3A_380 = arith.addi %add3A_379, %mul3A_378 : i32
        %get3A_381 = arith.index_cast %add3A_380 : i32 to index
        %get3A_382 = arith.constant 0 : index
        %get3A_383 = tpu.vector_load %arg7[%get3A_381, %get3A_382] {strides = array<i32>} : memref<64x768xf32, #tpu.memory_space<vmem>>, vector<16xf32>,
        %div3A_384 = arith.divf %get3A_383, %get3A_36 : vector<16xf32>
        %add3A_385 = arith.constant 0x4B400000 : f32
        %add3A_386 = vector.broadcast %add3A_385 : f32 to vector<16xf32>
        %add3A_387 = arith.addf %div3A_384, %add3A_386 : vector<16xf32>
        %sub3A_388 = arith.constant 0x4B400000 : f32
        %sub3A_389 = vector.broadcast %sub3A_388 : f32 to vector<16xf32>
        %sub3A_390 = arith.subf %add3A_387, %sub3A_389 : vector<16xf32>
        %mul3A_391 = arith.mulf %sub3A_390, %get3A_36 : vector<16xf32>
        %swap3A = arith.index_cast %add3A_380 : i32 to index
        %swap3A_392 = arith.constant 0 : index
        %swap3A_393 = tpu.vector_load %arg7[%swap3A, %swap3A_392] {strides = array<i32>} : memref<64x768xf32, #tpu.memory_space<vmem>>, vector<16xf32>,
        tpu.vector_store %arg7[%swap3A, %swap3A_392], %mul3A_391 {strides = array<i32>} : memref<64x768xf32, #tpu.memory_space<vmem>>, vector<16xf32>,
      }
      %scan3A_41 = arith.constant 64 : i32
      %get3A_42 = arith.constant 16 : index
      %get3A_43 = tpu.vector_load %arg8[%get3A_42] {strides = array<i32>} : memref<768xf32, #tpu.memory_space<vmem>>, vector<16xf32>,
      %scan3A_44 = arith.constant 0 : i32
      %scan3A_45 = arith.constant 64 : i32
      %scan3A_46 = arith.addi %scan3A_44, %scan3A_45 : i32
      %scan3A_47 = arith.constant 1 : i32
      scf.for %scan3A_376 = %scan3A_44 to %scan3A_46 step %scan3A_47  : i32 {
        %mul3A_377 = arith.constant 1 : i32
        %mul3A_378 = arith.muli %scan3A_376, %mul3A_377 : i32
        %add3A_379 = arith.constant 0 : i32
        %add3A_380 = arith.addi %add3A_379, %mul3A_378 : i32
        %get3A_381 = arith.index_cast %add3A_380 : i32 to index
        %get3A_382 = arith.constant 16 : index
        %get3A_383 = tpu.vector_load %arg7[%get3A_381, %get3A_382] {strides = array<i32>} : memref<64x768xf32, #tpu.memory_space<vmem>>, vector<16xf32>,
        %div3A_384 = arith.divf %get3A_383, %get3A_43 : vector<16xf32>
        %add3A_385 = arith.constant 0x4B400000 : f32
        %add3A_386 = vector.broadcast %add3A_385 : f32 to vector<16xf32>
        %add3A_387 = arith.addf %div3A_384, %add3A_386 : vector<16xf32>
        %sub3A_388 = arith.constant 0x4B400000 : f32
        %sub3A_389 = vector.broadcast %sub3A_388 : f32 to vector<16xf32>
        %sub3A_390 = arith.subf %add3A_387, %sub3A_389 : vector<16xf32>
        %mul3A_391 = arith.mulf %sub3A_390, %get3A_43 : vector<16xf32>
        %swap3A = arith.index_cast %add3A_380 : i32 to index
        %swap3A_392 = arith.constant 16 : index
        %swap3A_393 = tpu.vector_load %arg7[%swap3A, %swap3A_392] {strides = array<i32>} : memref<64x768xf32, #tpu.memory_space<vmem>>, vector<16xf32>,
        tpu.vector_store %arg7[%swap3A, %swap3A_392], %mul3A_391 {strides = array<i32>} : memref<64x768xf32, #tpu.memory_space<vmem>>, vector<16xf32>,
      }
      %scan3A_48 = arith.constant 64 : i32
      %get3A_49 = arith.constant 32 : index
      %get3A_50 = tpu.vector_load %arg8[%get3A_49] {strides = array<i32>} : memref<768xf32, #tpu.memory_space<vmem>>, vector<16xf32>,
      %scan3A_51 = arith.constant 0 : i32
      %scan3A_52 = arith.constant 64 : i32
      %scan3A_53 = arith.addi %scan3A_51, %scan3A_52 : i32
      %scan3A_54 = arith.constant 1 : i32
      scf.for %scan3A_376 = %scan3A_51 to %scan3A_53 step %scan3A_54  : i32 {
        %mul3A_377 = arith.constant 1 : i32
        %mul3A_378 = arith.muli %scan3A_376, %mul3A_377 : i32
        %add3A_379 = arith.constant 0 : i32
        %add3A_380 = arith.addi %add3A_379, %mul3A_378 : i32
        %get3A_381 = arith.index_cast %add3A_380 : i32 to index
        %get3A_382 = arith.constant 32 : index
        %get3A_383 = tpu.vector_load %arg7[%get3A_381, %get3A_382] {strides = array<i32>} : memref<64x768xf32, #tpu.memory_space<vmem>>, vector<16xf32>,
        %div3A_384 = arith.divf %get3A_383, %get3A_50 : vector<16xf32>
        %add3A_385 = arith.constant 0x4B400000 : f32
        %add3A_386 = vector.broadcast %add3A_385 : f32 to vector<16xf32>
        %add3A_387 = arith.addf %div3A_384, %add3A_386 : vector<16xf32>
        %sub3A_388 = arith.constant 0x4B400000 : f32
        %sub3A_389 = vector.broadcast %sub3A_388 : f32 to vector<16xf32>
        %sub3A_390 = arith.subf %add3A_387, %sub3A_389 : vector<16xf32>
        %mul3A_391 = arith.mulf %sub3A_390, %get3A_50 : vector<16xf32>
        %swap3A = arith.index_cast %add3A_380 : i32 to index
        %swap3A_392 = arith.constant 32 : index
        %swap3A_393 = tpu.vector_load %arg7[%swap3A, %swap3A_392] {strides = array<i32>} : memref<64x768xf32, #tpu.memory_space<vmem>>, vector<16xf32>,
        tpu.vector_store %arg7[%swap3A, %swap3A_392], %mul3A_391 {strides = array<i32>} : memref<64x768xf32, #tpu.memory_space<vmem>>, vector<16xf32>,
      }
      %scan3A_55 = arith.constant 64 : i32
      %get3A_56 = arith.constant 48 : index
      %get3A_57 = tpu.vector_load %arg8[%get3A_56] {strides = array<i32>} : memref<768xf32, #tpu.memory_space<vmem>>, vector<16xf32>,
      %scan3A_58 = arith.constant 0 : i32
      %scan3A_59 = arith.constant 64 : i32
      %scan3A_60 = arith.addi %scan3A_58, %scan3A_59 : i32
      %scan3A_61 = arith.constant 1 : i32
      scf.for %scan3A_376 = %scan3A_58 to %scan3A_60 step %scan3A_61  : i32 {
        %mul3A_377 = arith.constant 1 : i32
        %mul3A_378 = arith.muli %scan3A_376, %mul3A_377 : i32
        %add3A_379 = arith.constant 0 : i32
        %add3A_380 = arith.addi %add3A_379, %mul3A_378 : i32
        %get3A_381 = arith.index_cast %add3A_380 : i32 to index
        %get3A_382 = arith.constant 48 : index
        %get3A_383 = tpu.vector_load %arg7[%get3A_381, %get3A_382] {strides = array<i32>} : memref<64x768xf32, #tpu.memory_space<vmem>>, vector<16xf32>,
        %div3A_384 = arith.divf %get3A_383, %get3A_57 : vector<16xf32>
        %add3A_385 = arith.constant 0x4B400000 : f32
        %add3A_386 = vector.broadcast %add3A_385 : f32 to vector<16xf32>
        %add3A_387 = arith.addf %div3A_384, %add3A_386 : vector<16xf32>
        %sub3A_388 = arith.constant 0x4B400000 : f32
        %sub3A_389 = vector.broadcast %sub3A_388 : f32 to vector<16xf32>
        %sub3A_390 = arith.subf %add3A_387, %sub3A_389 : vector<16xf32>
        %mul3A_391 = arith.mulf %sub3A_390, %get3A_57 : vector<16xf32>
        %swap3A = arith.index_cast %add3A_380 : i32 to index
        %swap3A_392 = arith.constant 48 : index
        %swap3A_393 = tpu.vector_load %arg7[%swap3A, %swap3A_392] {strides = array<i32>} : memref<64x768xf32, #tpu.memory_space<vmem>>, vector<16xf32>,
        tpu.vector_store %arg7[%swap3A, %swap3A_392], %mul3A_391 {strides = array<i32>} : memref<64x768xf32, #tpu.memory_space<vmem>>, vector<16xf32>,
      }
      %scan3A_62 = arith.constant 64 : i32
      %get3A_63 = arith.constant 64 : index
      %get3A_64 = tpu.vector_load %arg8[%get3A_63] {strides = array<i32>} : memref<768xf32, #tpu.memory_space<vmem>>, vector<16xf32>,
      %scan3A_65 = arith.constant 0 : i32
      %scan3A_66 = arith.constant 64 : i32
      %scan3A_67 = arith.addi %scan3A_65, %scan3A_66 : i32
      %scan3A_68 = arith.constant 1 : i32
      scf.for %scan3A_376 = %scan3A_65 to %scan3A_67 step %scan3A_68  : i32 {
        %mul3A_377 = arith.constant 1 : i32
        %mul3A_378 = arith.muli %scan3A_376, %mul3A_377 : i32
        %add3A_379 = arith.constant 0 : i32
        %add3A_380 = arith.addi %add3A_379, %mul3A_378 : i32
        %get3A_381 = arith.index_cast %add3A_380 : i32 to index
        %get3A_382 = arith.constant 64 : index
        %get3A_383 = tpu.vector_load %arg7[%get3A_381, %get3A_382] {strides = array<i32>} : memref<64x768xf32, #tpu.memory_space<vmem>>, vector<16xf32>,
        %div3A_384 = arith.divf %get3A_383, %get3A_64 : vector<16xf32>
        %add3A_385 = arith.constant 0x4B400000 : f32
        %add3A_386 = vector.broadcast %add3A_385 : f32 to vector<16xf32>
        %add3A_387 = arith.addf %div3A_384, %add3A_386 : vector<16xf32>
        %sub3A_388 = arith.constant 0x4B400000 : f32
        %sub3A_389 = vector.broadcast %sub3A_388 : f32 to vector<16xf32>
        %sub3A_390 = arith.subf %add3A_387, %sub3A_389 : vector<16xf32>
        %mul3A_391 = arith.mulf %sub3A_390, %get3A_64 : vector<16xf32>
        %swap3A = arith.index_cast %add3A_380 : i32 to index
        %swap3A_392 = arith.constant 64 : index
        %swap3A_393 = tpu.vector_load %arg7[%swap3A, %swap3A_392] {strides = array<i32>} : memref<64x768xf32, #tpu.memory_space<vmem>>, vector<16xf32>,
        tpu.vector_store %arg7[%swap3A, %swap3A_392], %mul3A_391 {strides = array<i32>} : memref<64x768xf32, #tpu.memory_space<vmem>>, vector<16xf32>,
      }
      %scan3A_69 = arith.constant 64 : i32
      %get3A_70 = arith.constant 80 : index
      %get3A_71 = tpu.vector_load %arg8[%get3A_70] {strides = array<i32>} : memref<768xf32, #tpu.memory_space<vmem>>, vector<16xf32>,
      %scan3A_72 = arith.constant 0 : i32
      %scan3A_73 = arith.constant 64 : i32
      %scan3A_74 = arith.addi %scan3A_72, %scan3A_73 : i32
      %scan3A_75 = arith.constant 1 : i32
      scf.for %scan3A_376 = %scan3A_72 to %scan3A_74 step %scan3A_75  : i32 {
        %mul3A_377 = arith.constant 1 : i32
        %mul3A_378 = arith.muli %scan3A_376, %mul3A_377 : i32
        %add3A_379 = arith.constant 0 : i32
        %add3A_380 = arith.addi %add3A_379, %mul3A_378 : i32
        %get3A_381 = arith.index_cast %add3A_380 : i32 to index
        %get3A_382 = arith.constant 80 : index
        %get3A_383 = tpu.vector_load %arg7[%get3A_381, %get3A_382] {strides = array<i32>} : memref<64x768xf32, #tpu.memory_space<vmem>>, vector<16xf32>,
        %div3A_384 = arith.divf %get3A_383, %get3A_71 : vector<16xf32>
        %add3A_385 = arith.constant 0x4B400000 : f32
        %add3A_386 = vector.broadcast %add3A_385 : f32 to vector<16xf32>
        %add3A_387 = arith.addf %div3A_384, %add3A_386 : vector<16xf32>
        %sub3A_388 = arith.constant 0x4B400000 : f32
        %sub3A_389 = vector.broadcast %sub3A_388 : f32 to vector<16xf32>
        %sub3A_390 = arith.subf %add3A_387, %sub3A_389 : vector<16xf32>
        %mul3A_391 = arith.mulf %sub3A_390, %get3A_71 : vector<16xf32>
        %swap3A = arith.index_cast %add3A_380 : i32 to index
        %swap3A_392 = arith.constant 80 : index
        %swap3A_393 = tpu.vector_load %arg7[%swap3A, %swap3A_392] {strides = array<i32>} : memref<64x768xf32, #tpu.memory_space<vmem>>, vector<16xf32>,
        tpu.vector_store %arg7[%swap3A, %swap3A_392], %mul3A_391 {strides = array<i32>} : memref<64x768xf32, #tpu.memory_space<vmem>>, vector<16xf32>,
      }
      %scan3A_76 = arith.constant 64 : i32
      %get3A_77 = arith.constant 96 : index
      %get3A_78 = tpu.vector_load %arg8[%get3A_77] {strides = array<i32>} : memref<768xf32, #tpu.memory_space<vmem>>, vector<16xf32>,
      %scan3A_79 = arith.constant 0 : i32
      %scan3A_80 = arith.constant 64 : i32
      %scan3A_81 = arith.addi %scan3A_79, %scan3A_80 : i32
      %scan3A_82 = arith.constant 1 : i32
      scf.for %scan3A_376 = %scan3A_79 to %scan3A_81 step %scan3A_82  : i32 {
        %mul3A_377 = arith.constant 1 : i32
        %mul3A_378 = arith.muli %scan3A_376, %mul3A_377 : i32
        %add3A_379 = arith.constant 0 : i32
        %add3A_380 = arith.addi %add3A_379, %mul3A_378 : i32
        %get3A_381 = arith.index_cast %add3A_380 : i32 to index
        %get3A_382 = arith.constant 96 : index
        %get3A_383 = tpu.vector_load %arg7[%get3A_381, %get3A_382] {strides = array<i32>} : memref<64x768xf32, #tpu.memory_space<vmem>>, vector<16xf32>,
        %div3A_384 = arith.divf %get3A_383, %get3A_78 : vector<16xf32>
        %add3A_385 = arith.constant 0x4B400000 : f32
        %add3A_386 = vector.broadcast %add3A_385 : f32 to vector<16xf32>
        %add3A_387 = arith.addf %div3A_384, %add3A_386 : vector<16xf32>
        %sub3A_388 = arith.constant 0x4B400000 : f32
        %sub3A_389 = vector.broadcast %sub3A_388 : f32 to vector<16xf32>
        %sub3A_390 = arith.subf %add3A_387, %sub3A_389 : vector<16xf32>
        %mul3A_391 = arith.mulf %sub3A_390, %get3A_78 : vector<16xf32>
        %swap3A = arith.index_cast %add3A_380 : i32 to index
        %swap3A_392 = arith.constant 96 : index
        %swap3A_393 = tpu.vector_load %arg7[%swap3A, %swap3A_392] {strides = array<i32>} : memref<64x768xf32, #tpu.memory_space<vmem>>, vector<16xf32>,
        tpu.vector_store %arg7[%swap3A, %swap3A_392], %mul3A_391 {strides = array<i32>} : memref<64x768xf32, #tpu.memory_space<vmem>>, vector<16xf32>,
      }
      %scan3A_83 = arith.constant 64 : i32
      %get3A_84 = arith.constant 112 : index
      %get3A_85 = tpu.vector_load %arg8[%get3A_84] {strides = array<i32>} : memref<768xf32, #tpu.memory_space<vmem>>, vector<16xf32>,
      %scan3A_86 = arith.constant 0 : i32
      %scan3A_87 = arith.constant 64 : i32
      %scan3A_88 = arith.addi %scan3A_86, %scan3A_87 : i32
      %scan3A_89 = arith.constant 1 : i32
      scf.for %scan3A_376 = %scan3A_86 to %scan3A_88 step %scan3A_89  : i32 {
        %mul3A_377 = arith.constant 1 : i32
        %mul3A_378 = arith.muli %scan3A_376, %mul3A_377 : i32
        %add3A_379 = arith.constant 0 : i32
        %add3A_380 = arith.addi %add3A_379, %mul3A_378 : i32
        %get3A_381 = arith.index_cast %add3A_380 : i32 to index
        %get3A_382 = arith.constant 112 : index
        %get3A_383 = tpu.vector_load %arg7[%get3A_381, %get3A_382] {strides = array<i32>} : memref<64x768xf32, #tpu.memory_space<vmem>>, vector<16xf32>,
        %div3A_384 = arith.divf %get3A_383, %get3A_85 : vector<16xf32>
        %add3A_385 = arith.constant 0x4B400000 : f32
        %add3A_386 = vector.broadcast %add3A_385 : f32 to vector<16xf32>
        %add3A_387 = arith.addf %div3A_384, %add3A_386 : vector<16xf32>
        %sub3A_388 = arith.constant 0x4B400000 : f32
        %sub3A_389 = vector.broadcast %sub3A_388 : f32 to vector<16xf32>
        %sub3A_390 = arith.subf %add3A_387, %sub3A_389 : vector<16xf32>
        %mul3A_391 = arith.mulf %sub3A_390, %get3A_85 : vector<16xf32>
        %swap3A = arith.index_cast %add3A_380 : i32 to index
        %swap3A_392 = arith.constant 112 : index
        %swap3A_393 = tpu.vector_load %arg7[%swap3A, %swap3A_392] {strides = array<i32>} : memref<64x768xf32, #tpu.memory_space<vmem>>, vector<16xf32>,
        tpu.vector_store %arg7[%swap3A, %swap3A_392], %mul3A_391 {strides = array<i32>} : memref<64x768xf32, #tpu.memory_space<vmem>>, vector<16xf32>,
      }
      %scan3A_90 = arith.constant 64 : i32
      %get3A_91 = arith.constant 128 : index
      %get3A_92 = tpu.vector_load %arg8[%get3A_91] {strides = array<i32>} : memref<768xf32, #tpu.memory_space<vmem>>, vector<16xf32>,
      %scan3A_93 = arith.constant 0 : i32
      %scan3A_94 = arith.constant 64 : i32
      %scan3A_95 = arith.addi %scan3A_93, %scan3A_94 : i32
      %scan3A_96 = arith.constant 1 : i32
      scf.for %scan3A_376 = %scan3A_93 to %scan3A_95 step %scan3A_96  : i32 {
        %mul3A_377 = arith.constant 1 : i32
        %mul3A_378 = arith.muli %scan3A_376, %mul3A_377 : i32
        %add3A_379 = arith.constant 0 : i32
        %add3A_380 = arith.addi %add3A_379, %mul3A_378 : i32
        %get3A_381 = arith.index_cast %add3A_380 : i32 to index
        %get3A_382 = arith.constant 128 : index
        %get3A_383 = tpu.vector_load %arg7[%get3A_381, %get3A_382] {strides = array<i32>} : memref<64x768xf32, #tpu.memory_space<vmem>>, vector<16xf32>,
        %div3A_384 = arith.divf %get3A_383, %get3A_92 : vector<16xf32>
        %add3A_385 = arith.constant 0x4B400000 : f32
        %add3A_386 = vector.broadcast %add3A_385 : f32 to vector<16xf32>
        %add3A_387 = arith.addf %div3A_384, %add3A_386 : vector<16xf32>
        %sub3A_388 = arith.constant 0x4B400000 : f32
        %sub3A_389 = vector.broadcast %sub3A_388 : f32 to vector<16xf32>
        %sub3A_390 = arith.subf %add3A_387, %sub3A_389 : vector<16xf32>
        %mul3A_391 = arith.mulf %sub3A_390, %get3A_92 : vector<16xf32>
        %swap3A = arith.index_cast %add3A_380 : i32 to index
        %swap3A_392 = arith.constant 128 : index
        %swap3A_393 = tpu.vector_load %arg7[%swap3A, %swap3A_392] {strides = array<i32>} : memref<64x768xf32, #tpu.memory_space<vmem>>, vector<16xf32>,
        tpu.vector_store %arg7[%swap3A, %swap3A_392], %mul3A_391 {strides = array<i32>} : memref<64x768xf32, #tpu.memory_space<vmem>>, vector<16xf32>,
      }
      %scan3A_97 = arith.constant 64 : i32
      %get3A_98 = arith.constant 144 : index
      %get3A_99 = tpu.vector_load %arg8[%get3A_98] {strides = array<i32>} : memref<768xf32, #tpu.memory_space<vmem>>, vector<16xf32>,
      %scan3A_100 = arith.constant 0 : i32
      %scan3A_101 = arith.constant 64 : i32
      %scan3A_102 = arith.addi %scan3A_100, %scan3A_101 : i32
      %scan3A_103 = arith.constant 1 : i32
      scf.for %scan3A_376 = %scan3A_100 to %scan3A_102 step %scan3A_103  : i32 {
        %mul3A_377 = arith.constant 1 : i32
        %mul3A_378 = arith.muli %scan3A_376, %mul3A_377 : i32
        %add3A_379 = arith.constant 0 : i32
        %add3A_380 = arith.addi %add3A_379, %mul3A_378 : i32
        %get3A_381 = arith.index_cast %add3A_380 : i32 to index
        %get3A_382 = arith.constant 144 : index
        %get3A_383 = tpu.vector_load %arg7[%get3A_381, %get3A_382] {strides = array<i32>} : memref<64x768xf32, #tpu.memory_space<vmem>>, vector<16xf32>,
        %div3A_384 = arith.divf %get3A_383, %get3A_99 : vector<16xf32>
        %add3A_385 = arith.constant 0x4B400000 : f32
        %add3A_386 = vector.broadcast %add3A_385 : f32 to vector<16xf32>
        %add3A_387 = arith.addf %div3A_384, %add3A_386 : vector<16xf32>
        %sub3A_388 = arith.constant 0x4B400000 : f32
        %sub3A_389 = vector.broadcast %sub3A_388 : f32 to vector<16xf32>
        %sub3A_390 = arith.subf %add3A_387, %sub3A_389 : vector<16xf32>
        %mul3A_391 = arith.mulf %sub3A_390, %get3A_99 : vector<16xf32>
        %swap3A = arith.index_cast %add3A_380 : i32 to index
        %swap3A_392 = arith.constant 144 : index
        %swap3A_393 = tpu.vector_load %arg7[%swap3A, %swap3A_392] {strides = array<i32>} : memref<64x768xf32, #tpu.memory_space<vmem>>, vector<16xf32>,
        tpu.vector_store %arg7[%swap3A, %swap3A_392], %mul3A_391 {strides = array<i32>} : memref<64x768xf32, #tpu.memory_space<vmem>>, vector<16xf32>,
      }
      %scan3A_104 = arith.constant 64 : i32
      %get3A_105 = arith.constant 160 : index
      %get3A_106 = tpu.vector_load %arg8[%get3A_105] {strides = array<i32>} : memref<768xf32, #tpu.memory_space<vmem>>, vector<16xf32>,
      %scan3A_107 = arith.constant 0 : i32
      %scan3A_108 = arith.constant 64 : i32
      %scan3A_109 = arith.addi %scan3A_107, %scan3A_108 : i32
      %scan3A_110 = arith.constant 1 : i32
      scf.for %scan3A_376 = %scan3A_107 to %scan3A_109 step %scan3A_110  : i32 {
        %mul3A_377 = arith.constant 1 : i32
        %mul3A_378 = arith.muli %scan3A_376, %mul3A_377 : i32
        %add3A_379 = arith.constant 0 : i32
        %add3A_380 = arith.addi %add3A_379, %mul3A_378 : i32
        %get3A_381 = arith.index_cast %add3A_380 : i32 to index
        %get3A_382 = arith.constant 160 : index
        %get3A_383 = tpu.vector_load %arg7[%get3A_381, %get3A_382] {strides = array<i32>} : memref<64x768xf32, #tpu.memory_space<vmem>>, vector<16xf32>,
        %div3A_384 = arith.divf %get3A_383, %get3A_106 : vector<16xf32>
        %add3A_385 = arith.constant 0x4B400000 : f32
        %add3A_386 = vector.broadcast %add3A_385 : f32 to vector<16xf32>
        %add3A_387 = arith.addf %div3A_384, %add3A_386 : vector<16xf32>
        %sub3A_388 = arith.constant 0x4B400000 : f32
        %sub3A_389 = vector.broadcast %sub3A_388 : f32 to vector<16xf32>
        %sub3A_390 = arith.subf %add3A_387, %sub3A_389 : vector<16xf32>
        %mul3A_391 = arith.mulf %sub3A_390, %get3A_106 : vector<16xf32>
        %swap3A = arith.index_cast %add3A_380 : i32 to index
        %swap3A_392 = arith.constant 160 : index
        %swap3A_393 = tpu.vector_load %arg7[%swap3A, %swap3A_392] {strides = array<i32>} : memref<64x768xf32, #tpu.memory_space<vmem>>, vector<16xf32>,
        tpu.vector_store %arg7[%swap3A, %swap3A_392], %mul3A_391 {strides = array<i32>} : memref<64x768xf32, #tpu.memory_space<vmem>>, vector<16xf32>,
      }
      %scan3A_111 = arith.constant 64 : i32
      %get3A_112 = arith.constant 176 : index
      %get3A_113 = tpu.vector_load %arg8[%get3A_112] {strides = array<i32>} : memref<768xf32, #tpu.memory_space<vmem>>, vector<16xf32>,
      %scan3A_114 = arith.constant 0 : i32
      %scan3A_115 = arith.constant 64 : i32
      %scan3A_116 = arith.addi %scan3A_114, %scan3A_115 : i32
      %scan3A_117 = arith.constant 1 : i32
      scf.for %scan3A_376 = %scan3A_114 to %scan3A_116 step %scan3A_117  : i32 {
        %mul3A_377 = arith.constant 1 : i32
        %mul3A_378 = arith.muli %scan3A_376, %mul3A_377 : i32
        %add3A_379 = arith.constant 0 : i32
        %add3A_380 = arith.addi %add3A_379, %mul3A_378 : i32
        %get3A_381 = arith.index_cast %add3A_380 : i32 to index
        %get3A_382 = arith.constant 176 : index
        %get3A_383 = tpu.vector_load %arg7[%get3A_381, %get3A_382] {strides = array<i32>} : memref<64x768xf32, #tpu.memory_space<vmem>>, vector<16xf32>,
        %div3A_384 = arith.divf %get3A_383, %get3A_113 : vector<16xf32>
        %add3A_385 = arith.constant 0x4B400000 : f32
        %add3A_386 = vector.broadcast %add3A_385 : f32 to vector<16xf32>
        %add3A_387 = arith.addf %div3A_384, %add3A_386 : vector<16xf32>
        %sub3A_388 = arith.constant 0x4B400000 : f32
        %sub3A_389 = vector.broadcast %sub3A_388 : f32 to vector<16xf32>
        %sub3A_390 = arith.subf %add3A_387, %sub3A_389 : vector<16xf32>
        %mul3A_391 = arith.mulf %sub3A_390, %get3A_113 : vector<16xf32>
        %swap3A = arith.index_cast %add3A_380 : i32 to index
        %swap3A_392 = arith.constant 176 : index
        %swap3A_393 = tpu.vector_load %arg7[%swap3A, %swap3A_392] {strides = array<i32>} : memref<64x768xf32, #tpu.memory_space<vmem>>, vector<16xf32>,
        tpu.vector_store %arg7[%swap3A, %swap3A_392], %mul3A_391 {strides = array<i32>} : memref<64x768xf32, #tpu.memory_space<vmem>>, vector<16xf32>,
      }
      %scan3A_118 = arith.constant 64 : i32
      %get3A_119 = arith.constant 192 : index
      %get3A_120 = tpu.vector_load %arg8[%get3A_119] {strides = array<i32>} : memref<768xf32, #tpu.memory_space<vmem>>, vector<16xf32>,
      %scan3A_121 = arith.constant 0 : i32
      %scan3A_122 = arith.constant 64 : i32
      %scan3A_123 = arith.addi %scan3A_121, %scan3A_122 : i32
      %scan3A_124 = arith.constant 1 : i32
      scf.for %scan3A_376 = %scan3A_121 to %scan3A_123 step %scan3A_124  : i32 {
        %mul3A_377 = arith.constant 1 : i32
        %mul3A_378 = arith.muli %scan3A_376, %mul3A_377 : i32
        %add3A_379 = arith.constant 0 : i32
        %add3A_380 = arith.addi %add3A_379, %mul3A_378 : i32
        %get3A_381 = arith.index_cast %add3A_380 : i32 to index
        %get3A_382 = arith.constant 192 : index
        %get3A_383 = tpu.vector_load %arg7[%get3A_381, %get3A_382] {strides = array<i32>} : memref<64x768xf32, #tpu.memory_space<vmem>>, vector<16xf32>,
        %div3A_384 = arith.divf %get3A_383, %get3A_120 : vector<16xf32>
        %add3A_385 = arith.constant 0x4B400000 : f32
        %add3A_386 = vector.broadcast %add3A_385 : f32 to vector<16xf32>
        %add3A_387 = arith.addf %div3A_384, %add3A_386 : vector<16xf32>
        %sub3A_388 = arith.constant 0x4B400000 : f32
        %sub3A_389 = vector.broadcast %sub3A_388 : f32 to vector<16xf32>
        %sub3A_390 = arith.subf %add3A_387, %sub3A_389 : vector<16xf32>
        %mul3A_391 = arith.mulf %sub3A_390, %get3A_120 : vector<16xf32>
        %swap3A = arith.index_cast %add3A_380 : i32 to index
        %swap3A_392 = arith.constant 192 : index
        %swap3A_393 = tpu.vector_load %arg7[%swap3A, %swap3A_392] {strides = array<i32>} : memref<64x768xf32, #tpu.memory_space<vmem>>, vector<16xf32>,
        tpu.vector_store %arg7[%swap3A, %swap3A_392], %mul3A_391 {strides = array<i32>} : memref<64x768xf32, #tpu.memory_space<vmem>>, vector<16xf32>,
      }
      %scan3A_125 = arith.constant 64 : i32
      %get3A_126 = arith.constant 208 : index
      %get3A_127 = tpu.vector_load %arg8[%get3A_126] {strides = array<i32>} : memref<768xf32, #tpu.memory_space<vmem>>, vector<16xf32>,
      %scan3A_128 = arith.constant 0 : i32
      %scan3A_129 = arith.constant 64 : i32
      %scan3A_130 = arith.addi %scan3A_128, %scan3A_129 : i32
      %scan3A_131 = arith.constant 1 : i32
      scf.for %scan3A_376 = %scan3A_128 to %scan3A_130 step %scan3A_131  : i32 {
        %mul3A_377 = arith.constant 1 : i32
        %mul3A_378 = arith.muli %scan3A_376, %mul3A_377 : i32
        %add3A_379 = arith.constant 0 : i32
        %add3A_380 = arith.addi %add3A_379, %mul3A_378 : i32
        %get3A_381 = arith.index_cast %add3A_380 : i32 to index
        %get3A_382 = arith.constant 208 : index
        %get3A_383 = tpu.vector_load %arg7[%get3A_381, %get3A_382] {strides = array<i32>} : memref<64x768xf32, #tpu.memory_space<vmem>>, vector<16xf32>,
        %div3A_384 = arith.divf %get3A_383, %get3A_127 : vector<16xf32>
        %add3A_385 = arith.constant 0x4B400000 : f32
        %add3A_386 = vector.broadcast %add3A_385 : f32 to vector<16xf32>
        %add3A_387 = arith.addf %div3A_384, %add3A_386 : vector<16xf32>
        %sub3A_388 = arith.constant 0x4B400000 : f32
        %sub3A_389 = vector.broadcast %sub3A_388 : f32 to vector<16xf32>
        %sub3A_390 = arith.subf %add3A_387, %sub3A_389 : vector<16xf32>
        %mul3A_391 = arith.mulf %sub3A_390, %get3A_127 : vector<16xf32>
        %swap3A = arith.index_cast %add3A_380 : i32 to index
        %swap3A_392 = arith.constant 208 : index
        %swap3A_393 = tpu.vector_load %arg7[%swap3A, %swap3A_392] {strides = array<i32>} : memref<64x768xf32, #tpu.memory_space<vmem>>, vector<16xf32>,
        tpu.vector_store %arg7[%swap3A, %swap3A_392], %mul3A_391 {strides = array<i32>} : memref<64x768xf32, #tpu.memory_space<vmem>>, vector<16xf32>,
      }
      %scan3A_132 = arith.constant 64 : i32
      %get3A_133 = arith.constant 224 : index
      %get3A_134 = tpu.vector_load %arg8[%get3A_133] {strides = array<i32>} : memref<768xf32, #tpu.memory_space<vmem>>, vector<16xf32>,
      %scan3A_135 = arith.constant 0 : i32
      %scan3A_136 = arith.constant 64 : i32
      %scan3A_137 = arith.addi %scan3A_135, %scan3A_136 : i32
      %scan3A_138 = arith.constant 1 : i32
      scf.for %scan3A_376 = %scan3A_135 to %scan3A_137 step %scan3A_138  : i32 {
        %mul3A_377 = arith.constant 1 : i32
        %mul3A_378 = arith.muli %scan3A_376, %mul3A_377 : i32
        %add3A_379 = arith.constant 0 : i32
        %add3A_380 = arith.addi %add3A_379, %mul3A_378 : i32
        %get3A_381 = arith.index_cast %add3A_380 : i32 to index
        %get3A_382 = arith.constant 224 : index
        %get3A_383 = tpu.vector_load %arg7[%get3A_381, %get3A_382] {strides = array<i32>} : memref<64x768xf32, #tpu.memory_space<vmem>>, vector<16xf32>,
        %div3A_384 = arith.divf %get3A_383, %get3A_134 : vector<16xf32>
        %add3A_385 = arith.constant 0x4B400000 : f32
        %add3A_386 = vector.broadcast %add3A_385 : f32 to vector<16xf32>
        %add3A_387 = arith.addf %div3A_384, %add3A_386 : vector<16xf32>
        %sub3A_388 = arith.constant 0x4B400000 : f32
        %sub3A_389 = vector.broadcast %sub3A_388 : f32 to vector<16xf32>
        %sub3A_390 = arith.subf %add3A_387, %sub3A_389 : vector<16xf32>
        %mul3A_391 = arith.mulf %sub3A_390, %get3A_134 : vector<16xf32>
        %swap3A = arith.index_cast %add3A_380 : i32 to index
        %swap3A_392 = arith.constant 224 : index
        %swap3A_393 = tpu.vector_load %arg7[%swap3A, %swap3A_392] {strides = array<i32>} : memref<64x768xf32, #tpu.memory_space<vmem>>, vector<16xf32>,
        tpu.vector_store %arg7[%swap3A, %swap3A_392], %mul3A_391 {strides = array<i32>} : memref<64x768xf32, #tpu.memory_space<vmem>>, vector<16xf32>,
      }
      %scan3A_139 = arith.constant 64 : i32
      %get3A_140 = arith.constant 240 : index
      %get3A_141 = tpu.vector_load %arg8[%get3A_140] {strides = array<i32>} : memref<768xf32, #tpu.memory_space<vmem>>, vector<16xf32>,
      %scan3A_142 = arith.constant 0 : i32
      %scan3A_143 = arith.constant 64 : i32
      %scan3A_144 = arith.addi %scan3A_142, %scan3A_143 : i32
      %scan3A_145 = arith.constant 1 : i32
      scf.for %scan3A_376 = %scan3A_142 to %scan3A_144 step %scan3A_145  : i32 {
        %mul3A_377 = arith.constant 1 : i32
        %mul3A_378 = arith.muli %scan3A_376, %mul3A_377 : i32
        %add3A_379 = arith.constant 0 : i32
        %add3A_380 = arith.addi %add3A_379, %mul3A_378 : i32
        %get3A_381 = arith.index_cast %add3A_380 : i32 to index
        %get3A_382 = arith.constant 240 : index
        %get3A_383 = tpu.vector_load %arg7[%get3A_381, %get3A_382] {strides = array<i32>} : memref<64x768xf32, #tpu.memory_space<vmem>>, vector<16xf32>,
        %div3A_384 = arith.divf %get3A_383, %get3A_141 : vector<16xf32>
        %add3A_385 = arith.constant 0x4B400000 : f32
        %add3A_386 = vector.broadcast %add3A_385 : f32 to vector<16xf32>
        %add3A_387 = arith.addf %div3A_384, %add3A_386 : vector<16xf32>
        %sub3A_388 = arith.constant 0x4B400000 : f32
        %sub3A_389 = vector.broadcast %sub3A_388 : f32 to vector<16xf32>
        %sub3A_390 = arith.subf %add3A_387, %sub3A_389 : vector<16xf32>
        %mul3A_391 = arith.mulf %sub3A_390, %get3A_141 : vector<16xf32>
        %swap3A = arith.index_cast %add3A_380 : i32 to index
        %swap3A_392 = arith.constant 240 : index
        %swap3A_393 = tpu.vector_load %arg7[%swap3A, %swap3A_392] {strides = array<i32>} : memref<64x768xf32, #tpu.memory_space<vmem>>, vector<16xf32>,
        tpu.vector_store %arg7[%swap3A, %swap3A_392], %mul3A_391 {strides = array<i32>} : memref<64x768xf32, #tpu.memory_space<vmem>>, vector<16xf32>,
      }
      %scan3A_146 = arith.constant 64 : i32
      %get3A_147 = arith.constant 256 : index
      %get3A_148 = tpu.vector_load %arg8[%get3A_147] {strides = array<i32>} : memref<768xf32, #tpu.memory_space<vmem>>, vector<16xf32>,
      %scan3A_149 = arith.constant 0 : i32
      %scan3A_150 = arith.constant 64 : i32
      %scan3A_151 = arith.addi %scan3A_149, %scan3A_150 : i32
      %scan3A_152 = arith.constant 1 : i32
      scf.for %scan3A_376 = %scan3A_149 to %scan3A_151 step %scan3A_152  : i32 {
        %mul3A_377 = arith.constant 1 : i32
        %mul3A_378 = arith.muli %scan3A_376, %mul3A_377 : i32
        %add3A_379 = arith.constant 0 : i32
        %add3A_380 = arith.addi %add3A_379, %mul3A_378 : i32
        %get3A_381 = arith.index_cast %add3A_380 : i32 to index
        %get3A_382 = arith.constant 256 : index
        %get3A_383 = tpu.vector_load %arg7[%get3A_381, %get3A_382] {strides = array<i32>} : memref<64x768xf32, #tpu.memory_space<vmem>>, vector<16xf32>,
        %div3A_384 = arith.divf %get3A_383, %get3A_148 : vector<16xf32>
        %add3A_385 = arith.constant 0x4B400000 : f32
        %add3A_386 = vector.broadcast %add3A_385 : f32 to vector<16xf32>
        %add3A_387 = arith.addf %div3A_384, %add3A_386 : vector<16xf32>
        %sub3A_388 = arith.constant 0x4B400000 : f32
        %sub3A_389 = vector.broadcast %sub3A_388 : f32 to vector<16xf32>
        %sub3A_390 = arith.subf %add3A_387, %sub3A_389 : vector<16xf32>
        %mul3A_391 = arith.mulf %sub3A_390, %get3A_148 : vector<16xf32>
        %swap3A = arith.index_cast %add3A_380 : i32 to index
        %swap3A_392 = arith.constant 256 : index
        %swap3A_393 = tpu.vector_load %arg7[%swap3A, %swap3A_392] {strides = array<i32>} : memref<64x768xf32, #tpu.memory_space<vmem>>, vector<16xf32>,
        tpu.vector_store %arg7[%swap3A, %swap3A_392], %mul3A_391 {strides = array<i32>} : memref<64x768xf32, #tpu.memory_space<vmem>>, vector<16xf32>,
      }
      %scan3A_153 = arith.constant 64 : i32
      %get3A_154 = arith.constant 272 : index
      %get3A_155 = tpu.vector_load %arg8[%get3A_154] {strides = array<i32>} : memref<768xf32, #tpu.memory_space<vmem>>, vector<16xf32>,
      %scan3A_156 = arith.constant 0 : i32
      %scan3A_157 = arith.constant 64 : i32
      %scan3A_158 = arith.addi %scan3A_156, %scan3A_157 : i32
      %scan3A_159 = arith.constant 1 : i32
      scf.for %scan3A_376 = %scan3A_156 to %scan3A_158 step %scan3A_159  : i32 {
        %mul3A_377 = arith.constant 1 : i32
        %mul3A_378 = arith.muli %scan3A_376, %mul3A_377 : i32
        %add3A_379 = arith.constant 0 : i32
        %add3A_380 = arith.addi %add3A_379, %mul3A_378 : i32
        %get3A_381 = arith.index_cast %add3A_380 : i32 to index
        %get3A_382 = arith.constant 272 : index
        %get3A_383 = tpu.vector_load %arg7[%get3A_381, %get3A_382] {strides = array<i32>} : memref<64x768xf32, #tpu.memory_space<vmem>>, vector<16xf32>,
        %div3A_384 = arith.divf %get3A_383, %get3A_155 : vector<16xf32>
        %add3A_385 = arith.constant 0x4B400000 : f32
        %add3A_386 = vector.broadcast %add3A_385 : f32 to vector<16xf32>
        %add3A_387 = arith.addf %div3A_384, %add3A_386 : vector<16xf32>
        %sub3A_388 = arith.constant 0x4B400000 : f32
        %sub3A_389 = vector.broadcast %sub3A_388 : f32 to vector<16xf32>
        %sub3A_390 = arith.subf %add3A_387, %sub3A_389 : vector<16xf32>
        %mul3A_391 = arith.mulf %sub3A_390, %get3A_155 : vector<16xf32>
        %swap3A = arith.index_cast %add3A_380 : i32 to index
        %swap3A_392 = arith.constant 272 : index
        %swap3A_393 = tpu.vector_load %arg7[%swap3A, %swap3A_392] {strides = array<i32>} : memref<64x768xf32, #tpu.memory_space<vmem>>, vector<16xf32>,
        tpu.vector_store %arg7[%swap3A, %swap3A_392], %mul3A_391 {strides = array<i32>} : memref<64x768xf32, #tpu.memory_space<vmem>>, vector<16xf32>,
      }
      %scan3A_160 = arith.constant 64 : i32
      %get3A_161 = arith.constant 288 : index
      %get3A_162 = tpu.vector_load %arg8[%get3A_161] {strides = array<i32>} : memref<768xf32, #tpu.memory_space<vmem>>, vector<16xf32>,
      %scan3A_163 = arith.constant 0 : i32
      %scan3A_164 = arith.constant 64 : i32
      %scan3A_165 = arith.addi %scan3A_163, %scan3A_164 : i32
      %scan3A_166 = arith.constant 1 : i32
      scf.for %scan3A_376 = %scan3A_163 to %scan3A_165 step %scan3A_166  : i32 {
        %mul3A_377 = arith.constant 1 : i32
        %mul3A_378 = arith.muli %scan3A_376, %mul3A_377 : i32
        %add3A_379 = arith.constant 0 : i32
        %add3A_380 = arith.addi %add3A_379, %mul3A_378 : i32
        %get3A_381 = arith.index_cast %add3A_380 : i32 to index
        %get3A_382 = arith.constant 288 : index
        %get3A_383 = tpu.vector_load %arg7[%get3A_381, %get3A_382] {strides = array<i32>} : memref<64x768xf32, #tpu.memory_space<vmem>>, vector<16xf32>,
        %div3A_384 = arith.divf %get3A_383, %get3A_162 : vector<16xf32>
        %add3A_385 = arith.constant 0x4B400000 : f32
        %add3A_386 = vector.broadcast %add3A_385 : f32 to vector<16xf32>
        %add3A_387 = arith.addf %div3A_384, %add3A_386 : vector<16xf32>
        %sub3A_388 = arith.constant 0x4B400000 : f32
        %sub3A_389 = vector.broadcast %sub3A_388 : f32 to vector<16xf32>
        %sub3A_390 = arith.subf %add3A_387, %sub3A_389 : vector<16xf32>
        %mul3A_391 = arith.mulf %sub3A_390, %get3A_162 : vector<16xf32>
        %swap3A = arith.index_cast %add3A_380 : i32 to index
        %swap3A_392 = arith.constant 288 : index
        %swap3A_393 = tpu.vector_load %arg7[%swap3A, %swap3A_392] {strides = array<i32>} : memref<64x768xf32, #tpu.memory_space<vmem>>, vector<16xf32>,
        tpu.vector_store %arg7[%swap3A, %swap3A_392], %mul3A_391 {strides = array<i32>} : memref<64x768xf32, #tpu.memory_space<vmem>>, vector<16xf32>,
      }
      %scan3A_167 = arith.constant 64 : i32
      %get3A_168 = arith.constant 304 : index
      %get3A_169 = tpu.vector_load %arg8[%get3A_168] {strides = array<i32>} : memref<768xf32, #tpu.memory_space<vmem>>, vector<16xf32>,
      %scan3A_170 = arith.constant 0 : i32
      %scan3A_171 = arith.constant 64 : i32
      %scan3A_172 = arith.addi %scan3A_170, %scan3A_171 : i32
      %scan3A_173 = arith.constant 1 : i32
      scf.for %scan3A_376 = %scan3A_170 to %scan3A_172 step %scan3A_173  : i32 {
        %mul3A_377 = arith.constant 1 : i32
        %mul3A_378 = arith.muli %scan3A_376, %mul3A_377 : i32
        %add3A_379 = arith.constant 0 : i32
        %add3A_380 = arith.addi %add3A_379, %mul3A_378 : i32
        %get3A_381 = arith.index_cast %add3A_380 : i32 to index
        %get3A_382 = arith.constant 304 : index
        %get3A_383 = tpu.vector_load %arg7[%get3A_381, %get3A_382] {strides = array<i32>} : memref<64x768xf32, #tpu.memory_space<vmem>>, vector<16xf32>,
        %div3A_384 = arith.divf %get3A_383, %get3A_169 : vector<16xf32>
        %add3A_385 = arith.constant 0x4B400000 : f32
        %add3A_386 = vector.broadcast %add3A_385 : f32 to vector<16xf32>
        %add3A_387 = arith.addf %div3A_384, %add3A_386 : vector<16xf32>
        %sub3A_388 = arith.constant 0x4B400000 : f32
        %sub3A_389 = vector.broadcast %sub3A_388 : f32 to vector<16xf32>
        %sub3A_390 = arith.subf %add3A_387, %sub3A_389 : vector<16xf32>
        %mul3A_391 = arith.mulf %sub3A_390, %get3A_169 : vector<16xf32>
        %swap3A = arith.index_cast %add3A_380 : i32 to index
        %swap3A_392 = arith.constant 304 : index
        %swap3A_393 = tpu.vector_load %arg7[%swap3A, %swap3A_392] {strides = array<i32>} : memref<64x768xf32, #tpu.memory_space<vmem>>, vector<16xf32>,
        tpu.vector_store %arg7[%swap3A, %swap3A_392], %mul3A_391 {strides = array<i32>} : memref<64x768xf32, #tpu.memory_space<vmem>>, vector<16xf32>,
      }
      %scan3A_174 = arith.constant 64 : i32
      %get3A_175 = arith.constant 320 : index
      %get3A_176 = tpu.vector_load %arg8[%get3A_175] {strides = array<i32>} : memref<768xf32, #tpu.memory_space<vmem>>, vector<16xf32>,
      %scan3A_177 = arith.constant 0 : i32
      %scan3A_178 = arith.constant 64 : i32
      %scan3A_179 = arith.addi %scan3A_177, %scan3A_178 : i32
      %scan3A_180 = arith.constant 1 : i32
      scf.for %scan3A_376 = %scan3A_177 to %scan3A_179 step %scan3A_180  : i32 {
        %mul3A_377 = arith.constant 1 : i32
        %mul3A_378 = arith.muli %scan3A_376, %mul3A_377 : i32
        %add3A_379 = arith.constant 0 : i32
        %add3A_380 = arith.addi %add3A_379, %mul3A_378 : i32
        %get3A_381 = arith.index_cast %add3A_380 : i32 to index
        %get3A_382 = arith.constant 320 : index
        %get3A_383 = tpu.vector_load %arg7[%get3A_381, %get3A_382] {strides = array<i32>} : memref<64x768xf32, #tpu.memory_space<vmem>>, vector<16xf32>,
        %div3A_384 = arith.divf %get3A_383, %get3A_176 : vector<16xf32>
        %add3A_385 = arith.constant 0x4B400000 : f32
        %add3A_386 = vector.broadcast %add3A_385 : f32 to vector<16xf32>
        %add3A_387 = arith.addf %div3A_384, %add3A_386 : vector<16xf32>
        %sub3A_388 = arith.constant 0x4B400000 : f32
        %sub3A_389 = vector.broadcast %sub3A_388 : f32 to vector<16xf32>
        %sub3A_390 = arith.subf %add3A_387, %sub3A_389 : vector<16xf32>
        %mul3A_391 = arith.mulf %sub3A_390, %get3A_176 : vector<16xf32>
        %swap3A = arith.index_cast %add3A_380 : i32 to index
        %swap3A_392 = arith.constant 320 : index
        %swap3A_393 = tpu.vector_load %arg7[%swap3A, %swap3A_392] {strides = array<i32>} : memref<64x768xf32, #tpu.memory_space<vmem>>, vector<16xf32>,
        tpu.vector_store %arg7[%swap3A, %swap3A_392], %mul3A_391 {strides = array<i32>} : memref<64x768xf32, #tpu.memory_space<vmem>>, vector<16xf32>,
      }
      %scan3A_181 = arith.constant 64 : i32
      %get3A_182 = arith.constant 336 : index
      %get3A_183 = tpu.vector_load %arg8[%get3A_182] {strides = array<i32>} : memref<768xf32, #tpu.memory_space<vmem>>, vector<16xf32>,
      %scan3A_184 = arith.constant 0 : i32
      %scan3A_185 = arith.constant 64 : i32
      %scan3A_186 = arith.addi %scan3A_184, %scan3A_185 : i32
      %scan3A_187 = arith.constant 1 : i32
      scf.for %scan3A_376 = %scan3A_184 to %scan3A_186 step %scan3A_187  : i32 {
        %mul3A_377 = arith.constant 1 : i32
        %mul3A_378 = arith.muli %scan3A_376, %mul3A_377 : i32
        %add3A_379 = arith.constant 0 : i32
        %add3A_380 = arith.addi %add3A_379, %mul3A_378 : i32
        %get3A_381 = arith.index_cast %add3A_380 : i32 to index
        %get3A_382 = arith.constant 336 : index
        %get3A_383 = tpu.vector_load %arg7[%get3A_381, %get3A_382] {strides = array<i32>} : memref<64x768xf32, #tpu.memory_space<vmem>>, vector<16xf32>,
        %div3A_384 = arith.divf %get3A_383, %get3A_183 : vector<16xf32>
        %add3A_385 = arith.constant 0x4B400000 : f32
        %add3A_386 = vector.broadcast %add3A_385 : f32 to vector<16xf32>
        %add3A_387 = arith.addf %div3A_384, %add3A_386 : vector<16xf32>
        %sub3A_388 = arith.constant 0x4B400000 : f32
        %sub3A_389 = vector.broadcast %sub3A_388 : f32 to vector<16xf32>
        %sub3A_390 = arith.subf %add3A_387, %sub3A_389 : vector<16xf32>
        %mul3A_391 = arith.mulf %sub3A_390, %get3A_183 : vector<16xf32>
        %swap3A = arith.index_cast %add3A_380 : i32 to index
        %swap3A_392 = arith.constant 336 : index
        %swap3A_393 = tpu.vector_load %arg7[%swap3A, %swap3A_392] {strides = array<i32>} : memref<64x768xf32, #tpu.memory_space<vmem>>, vector<16xf32>,
        tpu.vector_store %arg7[%swap3A, %swap3A_392], %mul3A_391 {strides = array<i32>} : memref<64x768xf32, #tpu.memory_space<vmem>>, vector<16xf32>,
      }
      %scan3A_188 = arith.constant 64 : i32
      %get3A_189 = arith.constant 352 : index
      %get3A_190 = tpu.vector_load %arg8[%get3A_189] {strides = array<i32>} : memref<768xf32, #tpu.memory_space<vmem>>, vector<16xf32>,
      %scan3A_191 = arith.constant 0 : i32
      %scan3A_192 = arith.constant 64 : i32
      %scan3A_193 = arith.addi %scan3A_191, %scan3A_192 : i32
      %scan3A_194 = arith.constant 1 : i32
      scf.for %scan3A_376 = %scan3A_191 to %scan3A_193 step %scan3A_194  : i32 {
        %mul3A_377 = arith.constant 1 : i32
        %mul3A_378 = arith.muli %scan3A_376, %mul3A_377 : i32
        %add3A_379 = arith.constant 0 : i32
        %add3A_380 = arith.addi %add3A_379, %mul3A_378 : i32
        %get3A_381 = arith.index_cast %add3A_380 : i32 to index
        %get3A_382 = arith.constant 352 : index
        %get3A_383 = tpu.vector_load %arg7[%get3A_381, %get3A_382] {strides = array<i32>} : memref<64x768xf32, #tpu.memory_space<vmem>>, vector<16xf32>,
        %div3A_384 = arith.divf %get3A_383, %get3A_190 : vector<16xf32>
        %add3A_385 = arith.constant 0x4B400000 : f32
        %add3A_386 = vector.broadcast %add3A_385 : f32 to vector<16xf32>
        %add3A_387 = arith.addf %div3A_384, %add3A_386 : vector<16xf32>
        %sub3A_388 = arith.constant 0x4B400000 : f32
        %sub3A_389 = vector.broadcast %sub3A_388 : f32 to vector<16xf32>
        %sub3A_390 = arith.subf %add3A_387, %sub3A_389 : vector<16xf32>
        %mul3A_391 = arith.mulf %sub3A_390, %get3A_190 : vector<16xf32>
        %swap3A = arith.index_cast %add3A_380 : i32 to index
        %swap3A_392 = arith.constant 352 : index
        %swap3A_393 = tpu.vector_load %arg7[%swap3A, %swap3A_392] {strides = array<i32>} : memref<64x768xf32, #tpu.memory_space<vmem>>, vector<16xf32>,
        tpu.vector_store %arg7[%swap3A, %swap3A_392], %mul3A_391 {strides = array<i32>} : memref<64x768xf32, #tpu.memory_space<vmem>>, vector<16xf32>,
      }
      %scan3A_195 = arith.constant 64 : i32
      %get3A_196 = arith.constant 368 : index
      %get3A_197 = tpu.vector_load %arg8[%get3A_196] {strides = array<i32>} : memref<768xf32, #tpu.memory_space<vmem>>, vector<16xf32>,
      %scan3A_198 = arith.constant 0 : i32
      %scan3A_199 = arith.constant 64 : i32
      %scan3A_200 = arith.addi %scan3A_198, %scan3A_199 : i32
      %scan3A_201 = arith.constant 1 : i32
      scf.for %scan3A_376 = %scan3A_198 to %scan3A_200 step %scan3A_201  : i32 {
        %mul3A_377 = arith.constant 1 : i32
        %mul3A_378 = arith.muli %scan3A_376, %mul3A_377 : i32
        %add3A_379 = arith.constant 0 : i32
        %add3A_380 = arith.addi %add3A_379, %mul3A_378 : i32
        %get3A_381 = arith.index_cast %add3A_380 : i32 to index
        %get3A_382 = arith.constant 368 : index
        %get3A_383 = tpu.vector_load %arg7[%get3A_381, %get3A_382] {strides = array<i32>} : memref<64x768xf32, #tpu.memory_space<vmem>>, vector<16xf32>,
        %div3A_384 = arith.divf %get3A_383, %get3A_197 : vector<16xf32>
        %add3A_385 = arith.constant 0x4B400000 : f32
        %add3A_386 = vector.broadcast %add3A_385 : f32 to vector<16xf32>
        %add3A_387 = arith.addf %div3A_384, %add3A_386 : vector<16xf32>
        %sub3A_388 = arith.constant 0x4B400000 : f32
        %sub3A_389 = vector.broadcast %sub3A_388 : f32 to vector<16xf32>
        %sub3A_390 = arith.subf %add3A_387, %sub3A_389 : vector<16xf32>
        %mul3A_391 = arith.mulf %sub3A_390, %get3A_197 : vector<16xf32>
        %swap3A = arith.index_cast %add3A_380 : i32 to index
        %swap3A_392 = arith.constant 368 : index
        %swap3A_393 = tpu.vector_load %arg7[%swap3A, %swap3A_392] {strides = array<i32>} : memref<64x768xf32, #tpu.memory_space<vmem>>, vector<16xf32>,
        tpu.vector_store %arg7[%swap3A, %swap3A_392], %mul3A_391 {strides = array<i32>} : memref<64x768xf32, #tpu.memory_space<vmem>>, vector<16xf32>,
      }
      %scan3A_202 = arith.constant 64 : i32
      %get3A_203 = arith.constant 384 : index
      %get3A_204 = tpu.vector_load %arg8[%get3A_203] {strides = array<i32>} : memref<768xf32, #tpu.memory_space<vmem>>, vector<16xf32>,
      %scan3A_205 = arith.constant 0 : i32
      %scan3A_206 = arith.constant 64 : i32
      %scan3A_207 = arith.addi %scan3A_205, %scan3A_206 : i32
      %scan3A_208 = arith.constant 1 : i32
      scf.for %scan3A_376 = %scan3A_205 to %scan3A_207 step %scan3A_208  : i32 {
        %mul3A_377 = arith.constant 1 : i32
        %mul3A_378 = arith.muli %scan3A_376, %mul3A_377 : i32
        %add3A_379 = arith.constant 0 : i32
        %add3A_380 = arith.addi %add3A_379, %mul3A_378 : i32
        %get3A_381 = arith.index_cast %add3A_380 : i32 to index
        %get3A_382 = arith.constant 384 : index
        %get3A_383 = tpu.vector_load %arg7[%get3A_381, %get3A_382] {strides = array<i32>} : memref<64x768xf32, #tpu.memory_space<vmem>>, vector<16xf32>,
        %div3A_384 = arith.divf %get3A_383, %get3A_204 : vector<16xf32>
        %add3A_385 = arith.constant 0x4B400000 : f32
        %add3A_386 = vector.broadcast %add3A_385 : f32 to vector<16xf32>
        %add3A_387 = arith.addf %div3A_384, %add3A_386 : vector<16xf32>
        %sub3A_388 = arith.constant 0x4B400000 : f32
        %sub3A_389 = vector.broadcast %sub3A_388 : f32 to vector<16xf32>
        %sub3A_390 = arith.subf %add3A_387, %sub3A_389 : vector<16xf32>
        %mul3A_391 = arith.mulf %sub3A_390, %get3A_204 : vector<16xf32>
        %swap3A = arith.index_cast %add3A_380 : i32 to index
        %swap3A_392 = arith.constant 384 : index
        %swap3A_393 = tpu.vector_load %arg7[%swap3A, %swap3A_392] {strides = array<i32>} : memref<64x768xf32, #tpu.memory_space<vmem>>, vector<16xf32>,
        tpu.vector_store %arg7[%swap3A, %swap3A_392], %mul3A_391 {strides = array<i32>} : memref<64x768xf32, #tpu.memory_space<vmem>>, vector<16xf32>,
      }
      %scan3A_209 = arith.constant 64 : i32
      %get3A_210 = arith.constant 400 : index
      %get3A_211 = tpu.vector_load %arg8[%get3A_210] {strides = array<i32>} : memref<768xf32, #tpu.memory_space<vmem>>, vector<16xf32>,
      %scan3A_212 = arith.constant 0 : i32
      %scan3A_213 = arith.constant 64 : i32
      %scan3A_214 = arith.addi %scan3A_212, %scan3A_213 : i32
      %scan3A_215 = arith.constant 1 : i32
      scf.for %scan3A_376 = %scan3A_212 to %scan3A_214 step %scan3A_215  : i32 {
        %mul3A_377 = arith.constant 1 : i32
        %mul3A_378 = arith.muli %scan3A_376, %mul3A_377 : i32
        %add3A_379 = arith.constant 0 : i32
        %add3A_380 = arith.addi %add3A_379, %mul3A_378 : i32
        %get3A_381 = arith.index_cast %add3A_380 : i32 to index
        %get3A_382 = arith.constant 400 : index
        %get3A_383 = tpu.vector_load %arg7[%get3A_381, %get3A_382] {strides = array<i32>} : memref<64x768xf32, #tpu.memory_space<vmem>>, vector<16xf32>,
        %div3A_384 = arith.divf %get3A_383, %get3A_211 : vector<16xf32>
        %add3A_385 = arith.constant 0x4B400000 : f32
        %add3A_386 = vector.broadcast %add3A_385 : f32 to vector<16xf32>
        %add3A_387 = arith.addf %div3A_384, %add3A_386 : vector<16xf32>
        %sub3A_388 = arith.constant 0x4B400000 : f32
        %sub3A_389 = vector.broadcast %sub3A_388 : f32 to vector<16xf32>
        %sub3A_390 = arith.subf %add3A_387, %sub3A_389 : vector<16xf32>
        %mul3A_391 = arith.mulf %sub3A_390, %get3A_211 : vector<16xf32>
        %swap3A = arith.index_cast %add3A_380 : i32 to index
        %swap3A_392 = arith.constant 400 : index
        %swap3A_393 = tpu.vector_load %arg7[%swap3A, %swap3A_392] {strides = array<i32>} : memref<64x768xf32, #tpu.memory_space<vmem>>, vector<16xf32>,
        tpu.vector_store %arg7[%swap3A, %swap3A_392], %mul3A_391 {strides = array<i32>} : memref<64x768xf32, #tpu.memory_space<vmem>>, vector<16xf32>,
      }
      %scan3A_216 = arith.constant 64 : i32
      %get3A_217 = arith.constant 416 : index
      %get3A_218 = tpu.vector_load %arg8[%get3A_217] {strides = array<i32>} : memref<768xf32, #tpu.memory_space<vmem>>, vector<16xf32>,
      %scan3A_219 = arith.constant 0 : i32
      %scan3A_220 = arith.constant 64 : i32
      %scan3A_221 = arith.addi %scan3A_219, %scan3A_220 : i32
      %scan3A_222 = arith.constant 1 : i32
      scf.for %scan3A_376 = %scan3A_219 to %scan3A_221 step %scan3A_222  : i32 {
        %mul3A_377 = arith.constant 1 : i32
        %mul3A_378 = arith.muli %scan3A_376, %mul3A_377 : i32
        %add3A_379 = arith.constant 0 : i32
        %add3A_380 = arith.addi %add3A_379, %mul3A_378 : i32
        %get3A_381 = arith.index_cast %add3A_380 : i32 to index
        %get3A_382 = arith.constant 416 : index
        %get3A_383 = tpu.vector_load %arg7[%get3A_381, %get3A_382] {strides = array<i32>} : memref<64x768xf32, #tpu.memory_space<vmem>>, vector<16xf32>,
        %div3A_384 = arith.divf %get3A_383, %get3A_218 : vector<16xf32>
        %add3A_385 = arith.constant 0x4B400000 : f32
        %add3A_386 = vector.broadcast %add3A_385 : f32 to vector<16xf32>
        %add3A_387 = arith.addf %div3A_384, %add3A_386 : vector<16xf32>
        %sub3A_388 = arith.constant 0x4B400000 : f32
        %sub3A_389 = vector.broadcast %sub3A_388 : f32 to vector<16xf32>
        %sub3A_390 = arith.subf %add3A_387, %sub3A_389 : vector<16xf32>
        %mul3A_391 = arith.mulf %sub3A_390, %get3A_218 : vector<16xf32>
        %swap3A = arith.index_cast %add3A_380 : i32 to index
        %swap3A_392 = arith.constant 416 : index
        %swap3A_393 = tpu.vector_load %arg7[%swap3A, %swap3A_392] {strides = array<i32>} : memref<64x768xf32, #tpu.memory_space<vmem>>, vector<16xf32>,
        tpu.vector_store %arg7[%swap3A, %swap3A_392], %mul3A_391 {strides = array<i32>} : memref<64x768xf32, #tpu.memory_space<vmem>>, vector<16xf32>,
      }
      %scan3A_223 = arith.constant 64 : i32
      %get3A_224 = arith.constant 432 : index
      %get3A_225 = tpu.vector_load %arg8[%get3A_224] {strides = array<i32>} : memref<768xf32, #tpu.memory_space<vmem>>, vector<16xf32>,
      %scan3A_226 = arith.constant 0 : i32
      %scan3A_227 = arith.constant 64 : i32
      %scan3A_228 = arith.addi %scan3A_226, %scan3A_227 : i32
      %scan3A_229 = arith.constant 1 : i32
      scf.for %scan3A_376 = %scan3A_226 to %scan3A_228 step %scan3A_229  : i32 {
        %mul3A_377 = arith.constant 1 : i32
        %mul3A_378 = arith.muli %scan3A_376, %mul3A_377 : i32
        %add3A_379 = arith.constant 0 : i32
        %add3A_380 = arith.addi %add3A_379, %mul3A_378 : i32
        %get3A_381 = arith.index_cast %add3A_380 : i32 to index
        %get3A_382 = arith.constant 432 : index
        %get3A_383 = tpu.vector_load %arg7[%get3A_381, %get3A_382] {strides = array<i32>} : memref<64x768xf32, #tpu.memory_space<vmem>>, vector<16xf32>,
        %div3A_384 = arith.divf %get3A_383, %get3A_225 : vector<16xf32>
        %add3A_385 = arith.constant 0x4B400000 : f32
        %add3A_386 = vector.broadcast %add3A_385 : f32 to vector<16xf32>
        %add3A_387 = arith.addf %div3A_384, %add3A_386 : vector<16xf32>
        %sub3A_388 = arith.constant 0x4B400000 : f32
        %sub3A_389 = vector.broadcast %sub3A_388 : f32 to vector<16xf32>
        %sub3A_390 = arith.subf %add3A_387, %sub3A_389 : vector<16xf32>
        %mul3A_391 = arith.mulf %sub3A_390, %get3A_225 : vector<16xf32>
        %swap3A = arith.index_cast %add3A_380 : i32 to index
        %swap3A_392 = arith.constant 432 : index
        %swap3A_393 = tpu.vector_load %arg7[%swap3A, %swap3A_392] {strides = array<i32>} : memref<64x768xf32, #tpu.memory_space<vmem>>, vector<16xf32>,
        tpu.vector_store %arg7[%swap3A, %swap3A_392], %mul3A_391 {strides = array<i32>} : memref<64x768xf32, #tpu.memory_space<vmem>>, vector<16xf32>,
      }
      %scan3A_230 = arith.constant 64 : i32
      %get3A_231 = arith.constant 448 : index
      %get3A_232 = tpu.vector_load %arg8[%get3A_231] {strides = array<i32>} : memref<768xf32, #tpu.memory_space<vmem>>, vector<16xf32>,
      %scan3A_233 = arith.constant 0 : i32
      %scan3A_234 = arith.constant 64 : i32
      %scan3A_235 = arith.addi %scan3A_233, %scan3A_234 : i32
      %scan3A_236 = arith.constant 1 : i32
      scf.for %scan3A_376 = %scan3A_233 to %scan3A_235 step %scan3A_236  : i32 {
        %mul3A_377 = arith.constant 1 : i32
        %mul3A_378 = arith.muli %scan3A_376, %mul3A_377 : i32
        %add3A_379 = arith.constant 0 : i32
        %add3A_380 = arith.addi %add3A_379, %mul3A_378 : i32
        %get3A_381 = arith.index_cast %add3A_380 : i32 to index
        %get3A_382 = arith.constant 448 : index
        %get3A_383 = tpu.vector_load %arg7[%get3A_381, %get3A_382] {strides = array<i32>} : memref<64x768xf32, #tpu.memory_space<vmem>>, vector<16xf32>,
        %div3A_384 = arith.divf %get3A_383, %get3A_232 : vector<16xf32>
        %add3A_385 = arith.constant 0x4B400000 : f32
        %add3A_386 = vector.broadcast %add3A_385 : f32 to vector<16xf32>
        %add3A_387 = arith.addf %div3A_384, %add3A_386 : vector<16xf32>
        %sub3A_388 = arith.constant 0x4B400000 : f32
        %sub3A_389 = vector.broadcast %sub3A_388 : f32 to vector<16xf32>
        %sub3A_390 = arith.subf %add3A_387, %sub3A_389 : vector<16xf32>
        %mul3A_391 = arith.mulf %sub3A_390, %get3A_232 : vector<16xf32>
        %swap3A = arith.index_cast %add3A_380 : i32 to index
        %swap3A_392 = arith.constant 448 : index
        %swap3A_393 = tpu.vector_load %arg7[%swap3A, %swap3A_392] {strides = array<i32>} : memref<64x768xf32, #tpu.memory_space<vmem>>, vector<16xf32>,
        tpu.vector_store %arg7[%swap3A, %swap3A_392], %mul3A_391 {strides = array<i32>} : memref<64x768xf32, #tpu.memory_space<vmem>>, vector<16xf32>,
      }
      %scan3A_237 = arith.constant 64 : i32
      %get3A_238 = arith.constant 464 : index
      %get3A_239 = tpu.vector_load %arg8[%get3A_238] {strides = array<i32>} : memref<768xf32, #tpu.memory_space<vmem>>, vector<16xf32>,
      %scan3A_240 = arith.constant 0 : i32
      %scan3A_241 = arith.constant 64 : i32
      %scan3A_242 = arith.addi %scan3A_240, %scan3A_241 : i32
      %scan3A_243 = arith.constant 1 : i32
      scf.for %scan3A_376 = %scan3A_240 to %scan3A_242 step %scan3A_243  : i32 {
        %mul3A_377 = arith.constant 1 : i32
        %mul3A_378 = arith.muli %scan3A_376, %mul3A_377 : i32
        %add3A_379 = arith.constant 0 : i32
        %add3A_380 = arith.addi %add3A_379, %mul3A_378 : i32
        %get3A_381 = arith.index_cast %add3A_380 : i32 to index
        %get3A_382 = arith.constant 464 : index
        %get3A_383 = tpu.vector_load %arg7[%get3A_381, %get3A_382] {strides = array<i32>} : memref<64x768xf32, #tpu.memory_space<vmem>>, vector<16xf32>,
        %div3A_384 = arith.divf %get3A_383, %get3A_239 : vector<16xf32>
        %add3A_385 = arith.constant 0x4B400000 : f32
        %add3A_386 = vector.broadcast %add3A_385 : f32 to vector<16xf32>
        %add3A_387 = arith.addf %div3A_384, %add3A_386 : vector<16xf32>
        %sub3A_388 = arith.constant 0x4B400000 : f32
        %sub3A_389 = vector.broadcast %sub3A_388 : f32 to vector<16xf32>
        %sub3A_390 = arith.subf %add3A_387, %sub3A_389 : vector<16xf32>
        %mul3A_391 = arith.mulf %sub3A_390, %get3A_239 : vector<16xf32>
        %swap3A = arith.index_cast %add3A_380 : i32 to index
        %swap3A_392 = arith.constant 464 : index
        %swap3A_393 = tpu.vector_load %arg7[%swap3A, %swap3A_392] {strides = array<i32>} : memref<64x768xf32, #tpu.memory_space<vmem>>, vector<16xf32>,
        tpu.vector_store %arg7[%swap3A, %swap3A_392], %mul3A_391 {strides = array<i32>} : memref<64x768xf32, #tpu.memory_space<vmem>>, vector<16xf32>,
      }
      %scan3A_244 = arith.constant 64 : i32
      %get3A_245 = arith.constant 480 : index
      %get3A_246 = tpu.vector_load %arg8[%get3A_245] {strides = array<i32>} : memref<768xf32, #tpu.memory_space<vmem>>, vector<16xf32>,
      %scan3A_247 = arith.constant 0 : i32
      %scan3A_248 = arith.constant 64 : i32
      %scan3A_249 = arith.addi %scan3A_247, %scan3A_248 : i32
      %scan3A_250 = arith.constant 1 : i32
      scf.for %scan3A_376 = %scan3A_247 to %scan3A_249 step %scan3A_250  : i32 {
        %mul3A_377 = arith.constant 1 : i32
        %mul3A_378 = arith.muli %scan3A_376, %mul3A_377 : i32
        %add3A_379 = arith.constant 0 : i32
        %add3A_380 = arith.addi %add3A_379, %mul3A_378 : i32
        %get3A_381 = arith.index_cast %add3A_380 : i32 to index
        %get3A_382 = arith.constant 480 : index
        %get3A_383 = tpu.vector_load %arg7[%get3A_381, %get3A_382] {strides = array<i32>} : memref<64x768xf32, #tpu.memory_space<vmem>>, vector<16xf32>,
        %div3A_384 = arith.divf %get3A_383, %get3A_246 : vector<16xf32>
        %add3A_385 = arith.constant 0x4B400000 : f32
        %add3A_386 = vector.broadcast %add3A_385 : f32 to vector<16xf32>
        %add3A_387 = arith.addf %div3A_384, %add3A_386 : vector<16xf32>
        %sub3A_388 = arith.constant 0x4B400000 : f32
        %sub3A_389 = vector.broadcast %sub3A_388 : f32 to vector<16xf32>
        %sub3A_390 = arith.subf %add3A_387, %sub3A_389 : vector<16xf32>
        %mul3A_391 = arith.mulf %sub3A_390, %get3A_246 : vector<16xf32>
        %swap3A = arith.index_cast %add3A_380 : i32 to index
        %swap3A_392 = arith.constant 480 : index
        %swap3A_393 = tpu.vector_load %arg7[%swap3A, %swap3A_392] {strides = array<i32>} : memref<64x768xf32, #tpu.memory_space<vmem>>, vector<16xf32>,
        tpu.vector_store %arg7[%swap3A, %swap3A_392], %mul3A_391 {strides = array<i32>} : memref<64x768xf32, #tpu.memory_space<vmem>>, vector<16xf32>,
      }
      %scan3A_251 = arith.constant 64 : i32
      %get3A_252 = arith.constant 496 : index
      %get3A_253 = tpu.vector_load %arg8[%get3A_252] {strides = array<i32>} : memref<768xf32, #tpu.memory_space<vmem>>, vector<16xf32>,
      %scan3A_254 = arith.constant 0 : i32
      %scan3A_255 = arith.constant 64 : i32
      %scan3A_256 = arith.addi %scan3A_254, %scan3A_255 : i32
      %scan3A_257 = arith.constant 1 : i32
      scf.for %scan3A_376 = %scan3A_254 to %scan3A_256 step %scan3A_257  : i32 {
        %mul3A_377 = arith.constant 1 : i32
        %mul3A_378 = arith.muli %scan3A_376, %mul3A_377 : i32
        %add3A_379 = arith.constant 0 : i32
        %add3A_380 = arith.addi %add3A_379, %mul3A_378 : i32
        %get3A_381 = arith.index_cast %add3A_380 : i32 to index
        %get3A_382 = arith.constant 496 : index
        %get3A_383 = tpu.vector_load %arg7[%get3A_381, %get3A_382] {strides = array<i32>} : memref<64x768xf32, #tpu.memory_space<vmem>>, vector<16xf32>,
        %div3A_384 = arith.divf %get3A_383, %get3A_253 : vector<16xf32>
        %add3A_385 = arith.constant 0x4B400000 : f32
        %add3A_386 = vector.broadcast %add3A_385 : f32 to vector<16xf32>
        %add3A_387 = arith.addf %div3A_384, %add3A_386 : vector<16xf32>
        %sub3A_388 = arith.constant 0x4B400000 : f32
        %sub3A_389 = vector.broadcast %sub3A_388 : f32 to vector<16xf32>
        %sub3A_390 = arith.subf %add3A_387, %sub3A_389 : vector<16xf32>
        %mul3A_391 = arith.mulf %sub3A_390, %get3A_253 : vector<16xf32>
        %swap3A = arith.index_cast %add3A_380 : i32 to index
        %swap3A_392 = arith.constant 496 : index
        %swap3A_393 = tpu.vector_load %arg7[%swap3A, %swap3A_392] {strides = array<i32>} : memref<64x768xf32, #tpu.memory_space<vmem>>, vector<16xf32>,
        tpu.vector_store %arg7[%swap3A, %swap3A_392], %mul3A_391 {strides = array<i32>} : memref<64x768xf32, #tpu.memory_space<vmem>>, vector<16xf32>,
      }
      %scan3A_258 = arith.constant 64 : i32
      %get3A_259 = arith.constant 512 : index
      %get3A_260 = tpu.vector_load %arg8[%get3A_259] {strides = array<i32>} : memref<768xf32, #tpu.memory_space<vmem>>, vector<16xf32>,
      %scan3A_261 = arith.constant 0 : i32
      %scan3A_262 = arith.constant 64 : i32
      %scan3A_263 = arith.addi %scan3A_261, %scan3A_262 : i32
      %scan3A_264 = arith.constant 1 : i32
      scf.for %scan3A_376 = %scan3A_261 to %scan3A_263 step %scan3A_264  : i32 {
        %mul3A_377 = arith.constant 1 : i32
        %mul3A_378 = arith.muli %scan3A_376, %mul3A_377 : i32
        %add3A_379 = arith.constant 0 : i32
        %add3A_380 = arith.addi %add3A_379, %mul3A_378 : i32
        %get3A_381 = arith.index_cast %add3A_380 : i32 to index
        %get3A_382 = arith.constant 512 : index
        %get3A_383 = tpu.vector_load %arg7[%get3A_381, %get3A_382] {strides = array<i32>} : memref<64x768xf32, #tpu.memory_space<vmem>>, vector<16xf32>,
        %div3A_384 = arith.divf %get3A_383, %get3A_260 : vector<16xf32>
        %add3A_385 = arith.constant 0x4B400000 : f32
        %add3A_386 = vector.broadcast %add3A_385 : f32 to vector<16xf32>
        %add3A_387 = arith.addf %div3A_384, %add3A_386 : vector<16xf32>
        %sub3A_388 = arith.constant 0x4B400000 : f32
        %sub3A_389 = vector.broadcast %sub3A_388 : f32 to vector<16xf32>
        %sub3A_390 = arith.subf %add3A_387, %sub3A_389 : vector<16xf32>
        %mul3A_391 = arith.mulf %sub3A_390, %get3A_260 : vector<16xf32>
        %swap3A = arith.index_cast %add3A_380 : i32 to index
        %swap3A_392 = arith.constant 512 : index
        %swap3A_393 = tpu.vector_load %arg7[%swap3A, %swap3A_392] {strides = array<i32>} : memref<64x768xf32, #tpu.memory_space<vmem>>, vector<16xf32>,
        tpu.vector_store %arg7[%swap3A, %swap3A_392], %mul3A_391 {strides = array<i32>} : memref<64x768xf32, #tpu.memory_space<vmem>>, vector<16xf32>,
      }
      %scan3A_265 = arith.constant 64 : i32
      %get3A_266 = arith.constant 528 : index
      %get3A_267 = tpu.vector_load %arg8[%get3A_266] {strides = array<i32>} : memref<768xf32, #tpu.memory_space<vmem>>, vector<16xf32>,
      %scan3A_268 = arith.constant 0 : i32
      %scan3A_269 = arith.constant 64 : i32
      %scan3A_270 = arith.addi %scan3A_268, %scan3A_269 : i32
      %scan3A_271 = arith.constant 1 : i32
      scf.for %scan3A_376 = %scan3A_268 to %scan3A_270 step %scan3A_271  : i32 {
        %mul3A_377 = arith.constant 1 : i32
        %mul3A_378 = arith.muli %scan3A_376, %mul3A_377 : i32
        %add3A_379 = arith.constant 0 : i32
        %add3A_380 = arith.addi %add3A_379, %mul3A_378 : i32
        %get3A_381 = arith.index_cast %add3A_380 : i32 to index
        %get3A_382 = arith.constant 528 : index
        %get3A_383 = tpu.vector_load %arg7[%get3A_381, %get3A_382] {strides = array<i32>} : memref<64x768xf32, #tpu.memory_space<vmem>>, vector<16xf32>,
        %div3A_384 = arith.divf %get3A_383, %get3A_267 : vector<16xf32>
        %add3A_385 = arith.constant 0x4B400000 : f32
        %add3A_386 = vector.broadcast %add3A_385 : f32 to vector<16xf32>
        %add3A_387 = arith.addf %div3A_384, %add3A_386 : vector<16xf32>
        %sub3A_388 = arith.constant 0x4B400000 : f32
        %sub3A_389 = vector.broadcast %sub3A_388 : f32 to vector<16xf32>
        %sub3A_390 = arith.subf %add3A_387, %sub3A_389 : vector<16xf32>
        %mul3A_391 = arith.mulf %sub3A_390, %get3A_267 : vector<16xf32>
        %swap3A = arith.index_cast %add3A_380 : i32 to index
        %swap3A_392 = arith.constant 528 : index
        %swap3A_393 = tpu.vector_load %arg7[%swap3A, %swap3A_392] {strides = array<i32>} : memref<64x768xf32, #tpu.memory_space<vmem>>, vector<16xf32>,
        tpu.vector_store %arg7[%swap3A, %swap3A_392], %mul3A_391 {strides = array<i32>} : memref<64x768xf32, #tpu.memory_space<vmem>>, vector<16xf32>,
      }
      %scan3A_272 = arith.constant 64 : i32
      %get3A_273 = arith.constant 544 : index
      %get3A_274 = tpu.vector_load %arg8[%get3A_273] {strides = array<i32>} : memref<768xf32, #tpu.memory_space<vmem>>, vector<16xf32>,
      %scan3A_275 = arith.constant 0 : i32
      %scan3A_276 = arith.constant 64 : i32
      %scan3A_277 = arith.addi %scan3A_275, %scan3A_276 : i32
      %scan3A_278 = arith.constant 1 : i32
      scf.for %scan3A_376 = %scan3A_275 to %scan3A_277 step %scan3A_278  : i32 {
        %mul3A_377 = arith.constant 1 : i32
        %mul3A_378 = arith.muli %scan3A_376, %mul3A_377 : i32
        %add3A_379 = arith.constant 0 : i32
        %add3A_380 = arith.addi %add3A_379, %mul3A_378 : i32
        %get3A_381 = arith.index_cast %add3A_380 : i32 to index
        %get3A_382 = arith.constant 544 : index
        %get3A_383 = tpu.vector_load %arg7[%get3A_381, %get3A_382] {strides = array<i32>} : memref<64x768xf32, #tpu.memory_space<vmem>>, vector<16xf32>,
        %div3A_384 = arith.divf %get3A_383, %get3A_274 : vector<16xf32>
        %add3A_385 = arith.constant 0x4B400000 : f32
        %add3A_386 = vector.broadcast %add3A_385 : f32 to vector<16xf32>
        %add3A_387 = arith.addf %div3A_384, %add3A_386 : vector<16xf32>
        %sub3A_388 = arith.constant 0x4B400000 : f32
        %sub3A_389 = vector.broadcast %sub3A_388 : f32 to vector<16xf32>
        %sub3A_390 = arith.subf %add3A_387, %sub3A_389 : vector<16xf32>
        %mul3A_391 = arith.mulf %sub3A_390, %get3A_274 : vector<16xf32>
        %swap3A = arith.index_cast %add3A_380 : i32 to index
        %swap3A_392 = arith.constant 544 : index
        %swap3A_393 = tpu.vector_load %arg7[%swap3A, %swap3A_392] {strides = array<i32>} : memref<64x768xf32, #tpu.memory_space<vmem>>, vector<16xf32>,
        tpu.vector_store %arg7[%swap3A, %swap3A_392], %mul3A_391 {strides = array<i32>} : memref<64x768xf32, #tpu.memory_space<vmem>>, vector<16xf32>,
      }
      %scan3A_279 = arith.constant 64 : i32
      %get3A_280 = arith.constant 560 : index
      %get3A_281 = tpu.vector_load %arg8[%get3A_280] {strides = array<i32>} : memref<768xf32, #tpu.memory_space<vmem>>, vector<16xf32>,
      %scan3A_282 = arith.constant 0 : i32
      %scan3A_283 = arith.constant 64 : i32
      %scan3A_284 = arith.addi %scan3A_282, %scan3A_283 : i32
      %scan3A_285 = arith.constant 1 : i32
      scf.for %scan3A_376 = %scan3A_282 to %scan3A_284 step %scan3A_285  : i32 {
        %mul3A_377 = arith.constant 1 : i32
        %mul3A_378 = arith.muli %scan3A_376, %mul3A_377 : i32
        %add3A_379 = arith.constant 0 : i32
        %add3A_380 = arith.addi %add3A_379, %mul3A_378 : i32
        %get3A_381 = arith.index_cast %add3A_380 : i32 to index
        %get3A_382 = arith.constant 560 : index
        %get3A_383 = tpu.vector_load %arg7[%get3A_381, %get3A_382] {strides = array<i32>} : memref<64x768xf32, #tpu.memory_space<vmem>>, vector<16xf32>,
        %div3A_384 = arith.divf %get3A_383, %get3A_281 : vector<16xf32>
        %add3A_385 = arith.constant 0x4B400000 : f32
        %add3A_386 = vector.broadcast %add3A_385 : f32 to vector<16xf32>
        %add3A_387 = arith.addf %div3A_384, %add3A_386 : vector<16xf32>
        %sub3A_388 = arith.constant 0x4B400000 : f32
        %sub3A_389 = vector.broadcast %sub3A_388 : f32 to vector<16xf32>
        %sub3A_390 = arith.subf %add3A_387, %sub3A_389 : vector<16xf32>
        %mul3A_391 = arith.mulf %sub3A_390, %get3A_281 : vector<16xf32>
        %swap3A = arith.index_cast %add3A_380 : i32 to index
        %swap3A_392 = arith.constant 560 : index
        %swap3A_393 = tpu.vector_load %arg7[%swap3A, %swap3A_392] {strides = array<i32>} : memref<64x768xf32, #tpu.memory_space<vmem>>, vector<16xf32>,
        tpu.vector_store %arg7[%swap3A, %swap3A_392], %mul3A_391 {strides = array<i32>} : memref<64x768xf32, #tpu.memory_space<vmem>>, vector<16xf32>,
      }
      %scan3A_286 = arith.constant 64 : i32
      %get3A_287 = arith.constant 576 : index
      %get3A_288 = tpu.vector_load %arg8[%get3A_287] {strides = array<i32>} : memref<768xf32, #tpu.memory_space<vmem>>, vector<16xf32>,
      %scan3A_289 = arith.constant 0 : i32
      %scan3A_290 = arith.constant 64 : i32
      %scan3A_291 = arith.addi %scan3A_289, %scan3A_290 : i32
      %scan3A_292 = arith.constant 1 : i32
      scf.for %scan3A_376 = %scan3A_289 to %scan3A_291 step %scan3A_292  : i32 {
        %mul3A_377 = arith.constant 1 : i32
        %mul3A_378 = arith.muli %scan3A_376, %mul3A_377 : i32
        %add3A_379 = arith.constant 0 : i32
        %add3A_380 = arith.addi %add3A_379, %mul3A_378 : i32
        %get3A_381 = arith.index_cast %add3A_380 : i32 to index
        %get3A_382 = arith.constant 576 : index
        %get3A_383 = tpu.vector_load %arg7[%get3A_381, %get3A_382] {strides = array<i32>} : memref<64x768xf32, #tpu.memory_space<vmem>>, vector<16xf32>,
        %div3A_384 = arith.divf %get3A_383, %get3A_288 : vector<16xf32>
        %add3A_385 = arith.constant 0x4B400000 : f32
        %add3A_386 = vector.broadcast %add3A_385 : f32 to vector<16xf32>
        %add3A_387 = arith.addf %div3A_384, %add3A_386 : vector<16xf32>
        %sub3A_388 = arith.constant 0x4B400000 : f32
        %sub3A_389 = vector.broadcast %sub3A_388 : f32 to vector<16xf32>
        %sub3A_390 = arith.subf %add3A_387, %sub3A_389 : vector<16xf32>
        %mul3A_391 = arith.mulf %sub3A_390, %get3A_288 : vector<16xf32>
        %swap3A = arith.index_cast %add3A_380 : i32 to index
        %swap3A_392 = arith.constant 576 : index
        %swap3A_393 = tpu.vector_load %arg7[%swap3A, %swap3A_392] {strides = array<i32>} : memref<64x768xf32, #tpu.memory_space<vmem>>, vector<16xf32>,
        tpu.vector_store %arg7[%swap3A, %swap3A_392], %mul3A_391 {strides = array<i32>} : memref<64x768xf32, #tpu.memory_space<vmem>>, vector<16xf32>,
      }
      %scan3A_293 = arith.constant 64 : i32
      %get3A_294 = arith.constant 592 : index
      %get3A_295 = tpu.vector_load %arg8[%get3A_294] {strides = array<i32>} : memref<768xf32, #tpu.memory_space<vmem>>, vector<16xf32>,
      %scan3A_296 = arith.constant 0 : i32
      %scan3A_297 = arith.constant 64 : i32
      %scan3A_298 = arith.addi %scan3A_296, %scan3A_297 : i32
      %scan3A_299 = arith.constant 1 : i32
      scf.for %scan3A_376 = %scan3A_296 to %scan3A_298 step %scan3A_299  : i32 {
        %mul3A_377 = arith.constant 1 : i32
        %mul3A_378 = arith.muli %scan3A_376, %mul3A_377 : i32
        %add3A_379 = arith.constant 0 : i32
        %add3A_380 = arith.addi %add3A_379, %mul3A_378 : i32
        %get3A_381 = arith.index_cast %add3A_380 : i32 to index
        %get3A_382 = arith.constant 592 : index
        %get3A_383 = tpu.vector_load %arg7[%get3A_381, %get3A_382] {strides = array<i32>} : memref<64x768xf32, #tpu.memory_space<vmem>>, vector<16xf32>,
        %div3A_384 = arith.divf %get3A_383, %get3A_295 : vector<16xf32>
        %add3A_385 = arith.constant 0x4B400000 : f32
        %add3A_386 = vector.broadcast %add3A_385 : f32 to vector<16xf32>
        %add3A_387 = arith.addf %div3A_384, %add3A_386 : vector<16xf32>
        %sub3A_388 = arith.constant 0x4B400000 : f32
        %sub3A_389 = vector.broadcast %sub3A_388 : f32 to vector<16xf32>
        %sub3A_390 = arith.subf %add3A_387, %sub3A_389 : vector<16xf32>
        %mul3A_391 = arith.mulf %sub3A_390, %get3A_295 : vector<16xf32>
        %swap3A = arith.index_cast %add3A_380 : i32 to index
        %swap3A_392 = arith.constant 592 : index
        %swap3A_393 = tpu.vector_load %arg7[%swap3A, %swap3A_392] {strides = array<i32>} : memref<64x768xf32, #tpu.memory_space<vmem>>, vector<16xf32>,
        tpu.vector_store %arg7[%swap3A, %swap3A_392], %mul3A_391 {strides = array<i32>} : memref<64x768xf32, #tpu.memory_space<vmem>>, vector<16xf32>,
      }
      %scan3A_300 = arith.constant 64 : i32
      %get3A_301 = arith.constant 608 : index
      %get3A_302 = tpu.vector_load %arg8[%get3A_301] {strides = array<i32>} : memref<768xf32, #tpu.memory_space<vmem>>, vector<16xf32>,
      %scan3A_303 = arith.constant 0 : i32
      %scan3A_304 = arith.constant 64 : i32
      %scan3A_305 = arith.addi %scan3A_303, %scan3A_304 : i32
      %scan3A_306 = arith.constant 1 : i32
      scf.for %scan3A_376 = %scan3A_303 to %scan3A_305 step %scan3A_306  : i32 {
        %mul3A_377 = arith.constant 1 : i32
        %mul3A_378 = arith.muli %scan3A_376, %mul3A_377 : i32
        %add3A_379 = arith.constant 0 : i32
        %add3A_380 = arith.addi %add3A_379, %mul3A_378 : i32
        %get3A_381 = arith.index_cast %add3A_380 : i32 to index
        %get3A_382 = arith.constant 608 : index
        %get3A_383 = tpu.vector_load %arg7[%get3A_381, %get3A_382] {strides = array<i32>} : memref<64x768xf32, #tpu.memory_space<vmem>>, vector<16xf32>,
        %div3A_384 = arith.divf %get3A_383, %get3A_302 : vector<16xf32>
        %add3A_385 = arith.constant 0x4B400000 : f32
        %add3A_386 = vector.broadcast %add3A_385 : f32 to vector<16xf32>
        %add3A_387 = arith.addf %div3A_384, %add3A_386 : vector<16xf32>
        %sub3A_388 = arith.constant 0x4B400000 : f32
        %sub3A_389 = vector.broadcast %sub3A_388 : f32 to vector<16xf32>
        %sub3A_390 = arith.subf %add3A_387, %sub3A_389 : vector<16xf32>
        %mul3A_391 = arith.mulf %sub3A_390, %get3A_302 : vector<16xf32>
        %swap3A = arith.index_cast %add3A_380 : i32 to index
        %swap3A_392 = arith.constant 608 : index
        %swap3A_393 = tpu.vector_load %arg7[%swap3A, %swap3A_392] {strides = array<i32>} : memref<64x768xf32, #tpu.memory_space<vmem>>, vector<16xf32>,
        tpu.vector_store %arg7[%swap3A, %swap3A_392], %mul3A_391 {strides = array<i32>} : memref<64x768xf32, #tpu.memory_space<vmem>>, vector<16xf32>,
      }
      %scan3A_307 = arith.constant 64 : i32
      %get3A_308 = arith.constant 624 : index
      %get3A_309 = tpu.vector_load %arg8[%get3A_308] {strides = array<i32>} : memref<768xf32, #tpu.memory_space<vmem>>, vector<16xf32>,
      %scan3A_310 = arith.constant 0 : i32
      %scan3A_311 = arith.constant 64 : i32
      %scan3A_312 = arith.addi %scan3A_310, %scan3A_311 : i32
      %scan3A_313 = arith.constant 1 : i32
      scf.for %scan3A_376 = %scan3A_310 to %scan3A_312 step %scan3A_313  : i32 {
        %mul3A_377 = arith.constant 1 : i32
        %mul3A_378 = arith.muli %scan3A_376, %mul3A_377 : i32
        %add3A_379 = arith.constant 0 : i32
        %add3A_380 = arith.addi %add3A_379, %mul3A_378 : i32
        %get3A_381 = arith.index_cast %add3A_380 : i32 to index
        %get3A_382 = arith.constant 624 : index
        %get3A_383 = tpu.vector_load %arg7[%get3A_381, %get3A_382] {strides = array<i32>} : memref<64x768xf32, #tpu.memory_space<vmem>>, vector<16xf32>,
        %div3A_384 = arith.divf %get3A_383, %get3A_309 : vector<16xf32>
        %add3A_385 = arith.constant 0x4B400000 : f32
        %add3A_386 = vector.broadcast %add3A_385 : f32 to vector<16xf32>
        %add3A_387 = arith.addf %div3A_384, %add3A_386 : vector<16xf32>
        %sub3A_388 = arith.constant 0x4B400000 : f32
        %sub3A_389 = vector.broadcast %sub3A_388 : f32 to vector<16xf32>
        %sub3A_390 = arith.subf %add3A_387, %sub3A_389 : vector<16xf32>
        %mul3A_391 = arith.mulf %sub3A_390, %get3A_309 : vector<16xf32>
        %swap3A = arith.index_cast %add3A_380 : i32 to index
        %swap3A_392 = arith.constant 624 : index
        %swap3A_393 = tpu.vector_load %arg7[%swap3A, %swap3A_392] {strides = array<i32>} : memref<64x768xf32, #tpu.memory_space<vmem>>, vector<16xf32>,
        tpu.vector_store %arg7[%swap3A, %swap3A_392], %mul3A_391 {strides = array<i32>} : memref<64x768xf32, #tpu.memory_space<vmem>>, vector<16xf32>,
      }
      %scan3A_314 = arith.constant 64 : i32
      %get3A_315 = arith.constant 640 : index
      %get3A_316 = tpu.vector_load %arg8[%get3A_315] {strides = array<i32>} : memref<768xf32, #tpu.memory_space<vmem>>, vector<16xf32>,
      %scan3A_317 = arith.constant 0 : i32
      %scan3A_318 = arith.constant 64 : i32
      %scan3A_319 = arith.addi %scan3A_317, %scan3A_318 : i32
      %scan3A_320 = arith.constant 1 : i32
      scf.for %scan3A_376 = %scan3A_317 to %scan3A_319 step %scan3A_320  : i32 {
        %mul3A_377 = arith.constant 1 : i32
        %mul3A_378 = arith.muli %scan3A_376, %mul3A_377 : i32
        %add3A_379 = arith.constant 0 : i32
        %add3A_380 = arith.addi %add3A_379, %mul3A_378 : i32
        %get3A_381 = arith.index_cast %add3A_380 : i32 to index
        %get3A_382 = arith.constant 640 : index
        %get3A_383 = tpu.vector_load %arg7[%get3A_381, %get3A_382] {strides = array<i32>} : memref<64x768xf32, #tpu.memory_space<vmem>>, vector<16xf32>,
        %div3A_384 = arith.divf %get3A_383, %get3A_316 : vector<16xf32>
        %add3A_385 = arith.constant 0x4B400000 : f32
        %add3A_386 = vector.broadcast %add3A_385 : f32 to vector<16xf32>
        %add3A_387 = arith.addf %div3A_384, %add3A_386 : vector<16xf32>
        %sub3A_388 = arith.constant 0x4B400000 : f32
        %sub3A_389 = vector.broadcast %sub3A_388 : f32 to vector<16xf32>
        %sub3A_390 = arith.subf %add3A_387, %sub3A_389 : vector<16xf32>
        %mul3A_391 = arith.mulf %sub3A_390, %get3A_316 : vector<16xf32>
        %swap3A = arith.index_cast %add3A_380 : i32 to index
        %swap3A_392 = arith.constant 640 : index
        %swap3A_393 = tpu.vector_load %arg7[%swap3A, %swap3A_392] {strides = array<i32>} : memref<64x768xf32, #tpu.memory_space<vmem>>, vector<16xf32>,
        tpu.vector_store %arg7[%swap3A, %swap3A_392], %mul3A_391 {strides = array<i32>} : memref<64x768xf32, #tpu.memory_space<vmem>>, vector<16xf32>,
      }
      %scan3A_321 = arith.constant 64 : i32
      %get3A_322 = arith.constant 656 : index
      %get3A_323 = tpu.vector_load %arg8[%get3A_322] {strides = array<i32>} : memref<768xf32, #tpu.memory_space<vmem>>, vector<16xf32>,
      %scan3A_324 = arith.constant 0 : i32
      %scan3A_325 = arith.constant 64 : i32
      %scan3A_326 = arith.addi %scan3A_324, %scan3A_325 : i32
      %scan3A_327 = arith.constant 1 : i32
      scf.for %scan3A_376 = %scan3A_324 to %scan3A_326 step %scan3A_327  : i32 {
        %mul3A_377 = arith.constant 1 : i32
        %mul3A_378 = arith.muli %scan3A_376, %mul3A_377 : i32
        %add3A_379 = arith.constant 0 : i32
        %add3A_380 = arith.addi %add3A_379, %mul3A_378 : i32
        %get3A_381 = arith.index_cast %add3A_380 : i32 to index
        %get3A_382 = arith.constant 656 : index
        %get3A_383 = tpu.vector_load %arg7[%get3A_381, %get3A_382] {strides = array<i32>} : memref<64x768xf32, #tpu.memory_space<vmem>>, vector<16xf32>,
        %div3A_384 = arith.divf %get3A_383, %get3A_323 : vector<16xf32>
        %add3A_385 = arith.constant 0x4B400000 : f32
        %add3A_386 = vector.broadcast %add3A_385 : f32 to vector<16xf32>
        %add3A_387 = arith.addf %div3A_384, %add3A_386 : vector<16xf32>
        %sub3A_388 = arith.constant 0x4B400000 : f32
        %sub3A_389 = vector.broadcast %sub3A_388 : f32 to vector<16xf32>
        %sub3A_390 = arith.subf %add3A_387, %sub3A_389 : vector<16xf32>
        %mul3A_391 = arith.mulf %sub3A_390, %get3A_323 : vector<16xf32>
        %swap3A = arith.index_cast %add3A_380 : i32 to index
        %swap3A_392 = arith.constant 656 : index
        %swap3A_393 = tpu.vector_load %arg7[%swap3A, %swap3A_392] {strides = array<i32>} : memref<64x768xf32, #tpu.memory_space<vmem>>, vector<16xf32>,
        tpu.vector_store %arg7[%swap3A, %swap3A_392], %mul3A_391 {strides = array<i32>} : memref<64x768xf32, #tpu.memory_space<vmem>>, vector<16xf32>,
      }
      %scan3A_328 = arith.constant 64 : i32
      %get3A_329 = arith.constant 672 : index
      %get3A_330 = tpu.vector_load %arg8[%get3A_329] {strides = array<i32>} : memref<768xf32, #tpu.memory_space<vmem>>, vector<16xf32>,
      %scan3A_331 = arith.constant 0 : i32
      %scan3A_332 = arith.constant 64 : i32
      %scan3A_333 = arith.addi %scan3A_331, %scan3A_332 : i32
      %scan3A_334 = arith.constant 1 : i32
      scf.for %scan3A_376 = %scan3A_331 to %scan3A_333 step %scan3A_334  : i32 {
        %mul3A_377 = arith.constant 1 : i32
        %mul3A_378 = arith.muli %scan3A_376, %mul3A_377 : i32
        %add3A_379 = arith.constant 0 : i32
        %add3A_380 = arith.addi %add3A_379, %mul3A_378 : i32
        %get3A_381 = arith.index_cast %add3A_380 : i32 to index
        %get3A_382 = arith.constant 672 : index
        %get3A_383 = tpu.vector_load %arg7[%get3A_381, %get3A_382] {strides = array<i32>} : memref<64x768xf32, #tpu.memory_space<vmem>>, vector<16xf32>,
        %div3A_384 = arith.divf %get3A_383, %get3A_330 : vector<16xf32>
        %add3A_385 = arith.constant 0x4B400000 : f32
        %add3A_386 = vector.broadcast %add3A_385 : f32 to vector<16xf32>
        %add3A_387 = arith.addf %div3A_384, %add3A_386 : vector<16xf32>
        %sub3A_388 = arith.constant 0x4B400000 : f32
        %sub3A_389 = vector.broadcast %sub3A_388 : f32 to vector<16xf32>
        %sub3A_390 = arith.subf %add3A_387, %sub3A_389 : vector<16xf32>
        %mul3A_391 = arith.mulf %sub3A_390, %get3A_330 : vector<16xf32>
        %swap3A = arith.index_cast %add3A_380 : i32 to index
        %swap3A_392 = arith.constant 672 : index
        %swap3A_393 = tpu.vector_load %arg7[%swap3A, %swap3A_392] {strides = array<i32>} : memref<64x768xf32, #tpu.memory_space<vmem>>, vector<16xf32>,
        tpu.vector_store %arg7[%swap3A, %swap3A_392], %mul3A_391 {strides = array<i32>} : memref<64x768xf32, #tpu.memory_space<vmem>>, vector<16xf32>,
      }
      %scan3A_335 = arith.constant 64 : i32
      %get3A_336 = arith.constant 688 : index
      %get3A_337 = tpu.vector_load %arg8[%get3A_336] {strides = array<i32>} : memref<768xf32, #tpu.memory_space<vmem>>, vector<16xf32>,
      %scan3A_338 = arith.constant 0 : i32
      %scan3A_339 = arith.constant 64 : i32
      %scan3A_340 = arith.addi %scan3A_338, %scan3A_339 : i32
      %scan3A_341 = arith.constant 1 : i32
      scf.for %scan3A_376 = %scan3A_338 to %scan3A_340 step %scan3A_341  : i32 {
        %mul3A_377 = arith.constant 1 : i32
        %mul3A_378 = arith.muli %scan3A_376, %mul3A_377 : i32
        %add3A_379 = arith.constant 0 : i32
        %add3A_380 = arith.addi %add3A_379, %mul3A_378 : i32
        %get3A_381 = arith.index_cast %add3A_380 : i32 to index
        %get3A_382 = arith.constant 688 : index
        %get3A_383 = tpu.vector_load %arg7[%get3A_381, %get3A_382] {strides = array<i32>} : memref<64x768xf32, #tpu.memory_space<vmem>>, vector<16xf32>,
        %div3A_384 = arith.divf %get3A_383, %get3A_337 : vector<16xf32>
        %add3A_385 = arith.constant 0x4B400000 : f32
        %add3A_386 = vector.broadcast %add3A_385 : f32 to vector<16xf32>
        %add3A_387 = arith.addf %div3A_384, %add3A_386 : vector<16xf32>
        %sub3A_388 = arith.constant 0x4B400000 : f32
        %sub3A_389 = vector.broadcast %sub3A_388 : f32 to vector<16xf32>
        %sub3A_390 = arith.subf %add3A_387, %sub3A_389 : vector<16xf32>
        %mul3A_391 = arith.mulf %sub3A_390, %get3A_337 : vector<16xf32>
        %swap3A = arith.index_cast %add3A_380 : i32 to index
        %swap3A_392 = arith.constant 688 : index
        %swap3A_393 = tpu.vector_load %arg7[%swap3A, %swap3A_392] {strides = array<i32>} : memref<64x768xf32, #tpu.memory_space<vmem>>, vector<16xf32>,
        tpu.vector_store %arg7[%swap3A, %swap3A_392], %mul3A_391 {strides = array<i32>} : memref<64x768xf32, #tpu.memory_space<vmem>>, vector<16xf32>,
      }
      %scan3A_342 = arith.constant 64 : i32
      %get3A_343 = arith.constant 704 : index
      %get3A_344 = tpu.vector_load %arg8[%get3A_343] {strides = array<i32>} : memref<768xf32, #tpu.memory_space<vmem>>, vector<16xf32>,
      %scan3A_345 = arith.constant 0 : i32
      %scan3A_346 = arith.constant 64 : i32
      %scan3A_347 = arith.addi %scan3A_345, %scan3A_346 : i32
      %scan3A_348 = arith.constant 1 : i32
      scf.for %scan3A_376 = %scan3A_345 to %scan3A_347 step %scan3A_348  : i32 {
        %mul3A_377 = arith.constant 1 : i32
        %mul3A_378 = arith.muli %scan3A_376, %mul3A_377 : i32
        %add3A_379 = arith.constant 0 : i32
        %add3A_380 = arith.addi %add3A_379, %mul3A_378 : i32
        %get3A_381 = arith.index_cast %add3A_380 : i32 to index
        %get3A_382 = arith.constant 704 : index
        %get3A_383 = tpu.vector_load %arg7[%get3A_381, %get3A_382] {strides = array<i32>} : memref<64x768xf32, #tpu.memory_space<vmem>>, vector<16xf32>,
        %div3A_384 = arith.divf %get3A_383, %get3A_344 : vector<16xf32>
        %add3A_385 = arith.constant 0x4B400000 : f32
        %add3A_386 = vector.broadcast %add3A_385 : f32 to vector<16xf32>
        %add3A_387 = arith.addf %div3A_384, %add3A_386 : vector<16xf32>
        %sub3A_388 = arith.constant 0x4B400000 : f32
        %sub3A_389 = vector.broadcast %sub3A_388 : f32 to vector<16xf32>
        %sub3A_390 = arith.subf %add3A_387, %sub3A_389 : vector<16xf32>
        %mul3A_391 = arith.mulf %sub3A_390, %get3A_344 : vector<16xf32>
        %swap3A = arith.index_cast %add3A_380 : i32 to index
        %swap3A_392 = arith.constant 704 : index
        %swap3A_393 = tpu.vector_load %arg7[%swap3A, %swap3A_392] {strides = array<i32>} : memref<64x768xf32, #tpu.memory_space<vmem>>, vector<16xf32>,
        tpu.vector_store %arg7[%swap3A, %swap3A_392], %mul3A_391 {strides = array<i32>} : memref<64x768xf32, #tpu.memory_space<vmem>>, vector<16xf32>,
      }
      %scan3A_349 = arith.constant 64 : i32
      %get3A_350 = arith.constant 720 : index
      %get3A_351 = tpu.vector_load %arg8[%get3A_350] {strides = array<i32>} : memref<768xf32, #tpu.memory_space<vmem>>, vector<16xf32>,
      %scan3A_352 = arith.constant 0 : i32
      %scan3A_353 = arith.constant 64 : i32
      %scan3A_354 = arith.addi %scan3A_352, %scan3A_353 : i32
      %scan3A_355 = arith.constant 1 : i32
      scf.for %scan3A_376 = %scan3A_352 to %scan3A_354 step %scan3A_355  : i32 {
        %mul3A_377 = arith.constant 1 : i32
        %mul3A_378 = arith.muli %scan3A_376, %mul3A_377 : i32
        %add3A_379 = arith.constant 0 : i32
        %add3A_380 = arith.addi %add3A_379, %mul3A_378 : i32
        %get3A_381 = arith.index_cast %add3A_380 : i32 to index
        %get3A_382 = arith.constant 720 : index
        %get3A_383 = tpu.vector_load %arg7[%get3A_381, %get3A_382] {strides = array<i32>} : memref<64x768xf32, #tpu.memory_space<vmem>>, vector<16xf32>,
        %div3A_384 = arith.divf %get3A_383, %get3A_351 : vector<16xf32>
        %add3A_385 = arith.constant 0x4B400000 : f32
        %add3A_386 = vector.broadcast %add3A_385 : f32 to vector<16xf32>
        %add3A_387 = arith.addf %div3A_384, %add3A_386 : vector<16xf32>
        %sub3A_388 = arith.constant 0x4B400000 : f32
        %sub3A_389 = vector.broadcast %sub3A_388 : f32 to vector<16xf32>
        %sub3A_390 = arith.subf %add3A_387, %sub3A_389 : vector<16xf32>
        %mul3A_391 = arith.mulf %sub3A_390, %get3A_351 : vector<16xf32>
        %swap3A = arith.index_cast %add3A_380 : i32 to index
        %swap3A_392 = arith.constant 720 : index
        %swap3A_393 = tpu.vector_load %arg7[%swap3A, %swap3A_392] {strides = array<i32>} : memref<64x768xf32, #tpu.memory_space<vmem>>, vector<16xf32>,
        tpu.vector_store %arg7[%swap3A, %swap3A_392], %mul3A_391 {strides = array<i32>} : memref<64x768xf32, #tpu.memory_space<vmem>>, vector<16xf32>,
      }
      %scan3A_356 = arith.constant 64 : i32
      %get3A_357 = arith.constant 736 : index
      %get3A_358 = tpu.vector_load %arg8[%get3A_357] {strides = array<i32>} : memref<768xf32, #tpu.memory_space<vmem>>, vector<16xf32>,
      %scan3A_359 = arith.constant 0 : i32
      %scan3A_360 = arith.constant 64 : i32
      %scan3A_361 = arith.addi %scan3A_359, %scan3A_360 : i32
      %scan3A_362 = arith.constant 1 : i32
      scf.for %scan3A_376 = %scan3A_359 to %scan3A_361 step %scan3A_362  : i32 {
        %mul3A_377 = arith.constant 1 : i32
        %mul3A_378 = arith.muli %scan3A_376, %mul3A_377 : i32
        %add3A_379 = arith.constant 0 : i32
        %add3A_380 = arith.addi %add3A_379, %mul3A_378 : i32
        %get3A_381 = arith.index_cast %add3A_380 : i32 to index
        %get3A_382 = arith.constant 736 : index
        %get3A_383 = tpu.vector_load %arg7[%get3A_381, %get3A_382] {strides = array<i32>} : memref<64x768xf32, #tpu.memory_space<vmem>>, vector<16xf32>,
        %div3A_384 = arith.divf %get3A_383, %get3A_358 : vector<16xf32>
        %add3A_385 = arith.constant 0x4B400000 : f32
        %add3A_386 = vector.broadcast %add3A_385 : f32 to vector<16xf32>
        %add3A_387 = arith.addf %div3A_384, %add3A_386 : vector<16xf32>
        %sub3A_388 = arith.constant 0x4B400000 : f32
        %sub3A_389 = vector.broadcast %sub3A_388 : f32 to vector<16xf32>
        %sub3A_390 = arith.subf %add3A_387, %sub3A_389 : vector<16xf32>
        %mul3A_391 = arith.mulf %sub3A_390, %get3A_358 : vector<16xf32>
        %swap3A = arith.index_cast %add3A_380 : i32 to index
        %swap3A_392 = arith.constant 736 : index
        %swap3A_393 = tpu.vector_load %arg7[%swap3A, %swap3A_392] {strides = array<i32>} : memref<64x768xf32, #tpu.memory_space<vmem>>, vector<16xf32>,
        tpu.vector_store %arg7[%swap3A, %swap3A_392], %mul3A_391 {strides = array<i32>} : memref<64x768xf32, #tpu.memory_space<vmem>>, vector<16xf32>,
      }
      %scan3A_363 = arith.constant 64 : i32
      %get3A_364 = arith.constant 752 : index
      %get3A_365 = tpu.vector_load %arg8[%get3A_364] {strides = array<i32>} : memref<768xf32, #tpu.memory_space<vmem>>, vector<16xf32>,
      %scan3A_366 = arith.constant 0 : i32
      %scan3A_367 = arith.constant 64 : i32
      %scan3A_368 = arith.addi %scan3A_366, %scan3A_367 : i32
      %scan3A_369 = arith.constant 1 : i32
      scf.for %scan3A_376 = %scan3A_366 to %scan3A_368 step %scan3A_369  : i32 {
        %mul3A_377 = arith.constant 1 : i32
        %mul3A_378 = arith.muli %scan3A_376, %mul3A_377 : i32
        %add3A_379 = arith.constant 0 : i32
        %add3A_380 = arith.addi %add3A_379, %mul3A_378 : i32
        %get3A_381 = arith.index_cast %add3A_380 : i32 to index
        %get3A_382 = arith.constant 752 : index
        %get3A_383 = tpu.vector_load %arg7[%get3A_381, %get3A_382] {strides = array<i32>} : memref<64x768xf32, #tpu.memory_space<vmem>>, vector<16xf32>,
        %div3A_384 = arith.divf %get3A_383, %get3A_365 : vector<16xf32>
        %add3A_385 = arith.constant 0x4B400000 : f32
        %add3A_386 = vector.broadcast %add3A_385 : f32 to vector<16xf32>
        %add3A_387 = arith.addf %div3A_384, %add3A_386 : vector<16xf32>
        %sub3A_388 = arith.constant 0x4B400000 : f32
        %sub3A_389 = vector.broadcast %sub3A_388 : f32 to vector<16xf32>
        %sub3A_390 = arith.subf %add3A_387, %sub3A_389 : vector<16xf32>
        %mul3A_391 = arith.mulf %sub3A_390, %get3A_365 : vector<16xf32>
        %swap3A = arith.index_cast %add3A_380 : i32 to index
        %swap3A_392 = arith.constant 752 : index
        %swap3A_393 = tpu.vector_load %arg7[%swap3A, %swap3A_392] {strides = array<i32>} : memref<64x768xf32, #tpu.memory_space<vmem>>, vector<16xf32>,
        tpu.vector_store %arg7[%swap3A, %swap3A_392], %mul3A_391 {strides = array<i32>} : memref<64x768xf32, #tpu.memory_space<vmem>>, vector<16xf32>,
      }
      %scan3A_370 = arith.constant 64 : i32
      %mul3A_371 = arith.constant 512 : i32
      %mul3A_372 = arith.muli %add3A, %mul3A_371 : i32
      %mul3A_373 = arith.constant 64 : i32
      %mul3A_374 = arith.muli %add3A_27, %mul3A_373 : i32
      %add3A_375 = arith.addi %mul3A_372, %mul3A_374 : i32
      "tpu.region"() ({
        %run_scoped3A = tpu.sem_alloc : memref<!tpu.dma_semaphore, #tpu.memory_space<semaphore_mem>>
        %dma_start3A_376 = arith.constant 0 : i32
        %dma_start3A_377 = tpu.memref_slice %arg5[%add3A_375, %dma_start3A_376] : memref<16384x768xf32, #tpu.memory_space<hbm>> -> memref<64x768xf32, #tpu.memory_space<hbm>>
        %dma_start3A_378 = arith.constant 0 : i32
        %dma_start3A_379 = tpu.memref_slice %arg5[%add3A_375, %dma_start3A_378] : memref<16384x768xf32, #tpu.memory_space<hbm>> -> memref<64x768xf32, #tpu.memory_space<hbm>>
        tpu.enqueue_dma source(%arg7 : memref<64x768xf32, #tpu.memory_space<vmem>>) target(%dma_start3A_379 : memref<64x768xf32, #tpu.memory_space<hbm>>) target_semaphore(%run_scoped3A : memref<!tpu.dma_semaphore, #tpu.memory_space<semaphore_mem>>)
        %dma_wait3A_380 = arith.constant 0 : i32
        %dma_wait3A_381 = tpu.memref_slice %arg5[%add3A_375, %dma_wait3A_380] : memref<16384x768xf32, #tpu.memory_space<hbm>> -> memref<64x768xf32, #tpu.memory_space<hbm>>
        %dma_wait3A_382 = arith.constant 0 : i32
        %dma_wait3A_383 = tpu.memref_slice %arg5[%add3A_375, %dma_wait3A_382] : memref<16384x768xf32, #tpu.memory_space<hbm>> -> memref<64x768xf32, #tpu.memory_space<hbm>>
        tpu.wait_dma2 semaphore(%run_scoped3A : memref<!tpu.dma_semaphore, #tpu.memory_space<semaphore_mem>>) src(%arg7 : memref<64x768xf32, #tpu.memory_space<vmem>>) dst(%dma_wait3A_383 : memref<64x768xf32, #tpu.memory_space<hbm>>)
        tpu.yield
      }) : () -> ()
    }
    %scan3A_22 = arith.constant 8 : i32
    return
  }
}

#map = affine_map<(d0, d1) -> (0, 0)>
module attributes {stable_mosaic.version = 14 : i64} {
  func.func @_sort_body(%arg0: i32, %arg1: i32, %arg2: memref<4x8192xi32, #tpu.memory_space<hbm>>, %arg3: memref<4x4096xi32, #tpu.memory_space<hbm>>, %arg4: memref<8192xi32, #tpu.memory_space<vmem>>, %arg5: memref<8192xi32, #tpu.memory_space<vmem>>, %arg6: memref<8192xi32, #tpu.memory_space<vmem>>, %arg7: memref<8192xi32, #tpu.memory_space<vmem>>, %arg8: memref<16384xi32, #tpu.memory_space<vmem>>) attributes {dimension_semantics = [#tpu.dimension_semantics<core_parallel>, #tpu.dimension_semantics<subcore_parallel>], iteration_bounds = array<i64: 2, 16>, scalar_prefetch = 0 : i64, scratch_operands = 5 : i64, tpu.core_type = #tpu.core_type<sc_vector_subcore>, window_params = [{transform_indices = #map}, {transform_indices = #map}]} {
    %mul3A = arith.constant 2 : i32
    %mul3A_0 = arith.muli %arg1, %mul3A : i32
    %add3A = arith.addi %mul3A_0, %arg0 : i32
    %lt3A = arith.constant 4 : i32
    %lt3A_1 = arith.cmpi slt, %add3A, %lt3A : i32
    %convert_element_type3A = arith.extui %lt3A_1 : i1 to i32
    %cond3A = arith.constant 0 : i32
    %cond3A_2 = arith.cmpi ne, %convert_element_type3A, %cond3A : i32
    scf.if %cond3A_2 {
      "tpu.region"() ({
        %run_scoped3A = tpu.sem_alloc : memref<!tpu.dma_semaphore, #tpu.memory_space<semaphore_mem>>
        %dma_start3A = arith.constant 0 : i32
        %dma_start3A_70 = tpu.memref_slice %arg2[%add3A, %dma_start3A] : memref<4x8192xi32, #tpu.memory_space<hbm>> -> memref<1x8192xi32, #tpu.memory_space<hbm>>
        %dma_start3A_71 = tpu.memref_squeeze %dma_start3A_70 : memref<1x8192xi32, #tpu.memory_space<hbm>> -> memref<8192xi32, #tpu.memory_space<hbm>>
        %dma_start3A_72 = arith.constant 0 : i32
        %dma_start3A_73 = tpu.memref_slice %arg2[%add3A, %dma_start3A_72] : memref<4x8192xi32, #tpu.memory_space<hbm>> -> memref<1x8192xi32, #tpu.memory_space<hbm>>
        %dma_start3A_74 = tpu.memref_squeeze %dma_start3A_73 : memref<1x8192xi32, #tpu.memory_space<hbm>> -> memref<8192xi32, #tpu.memory_space<hbm>>
        tpu.enqueue_dma source(%dma_start3A_74 : memref<8192xi32, #tpu.memory_space<hbm>>) target(%arg4 : memref<8192xi32, #tpu.memory_space<vmem>>) target_semaphore(%run_scoped3A : memref<!tpu.dma_semaphore, #tpu.memory_space<semaphore_mem>>)
        %dma_wait3A = arith.constant 0 : i32
        %dma_wait3A_75 = tpu.memref_slice %arg2[%add3A, %dma_wait3A] : memref<4x8192xi32, #tpu.memory_space<hbm>> -> memref<1x8192xi32, #tpu.memory_space<hbm>>
        %dma_wait3A_76 = tpu.memref_squeeze %dma_wait3A_75 : memref<1x8192xi32, #tpu.memory_space<hbm>> -> memref<8192xi32, #tpu.memory_space<hbm>>
        %dma_wait3A_77 = arith.constant 0 : i32
        %dma_wait3A_78 = tpu.memref_slice %arg2[%add3A, %dma_wait3A_77] : memref<4x8192xi32, #tpu.memory_space<hbm>> -> memref<1x8192xi32, #tpu.memory_space<hbm>>
        %dma_wait3A_79 = tpu.memref_squeeze %dma_wait3A_78 : memref<1x8192xi32, #tpu.memory_space<hbm>> -> memref<8192xi32, #tpu.memory_space<hbm>>
        tpu.wait_dma2 semaphore(%run_scoped3A : memref<!tpu.dma_semaphore, #tpu.memory_space<semaphore_mem>>) src(%dma_wait3A_79 : memref<8192xi32, #tpu.memory_space<hbm>>) dst(%arg4 : memref<8192xi32, #tpu.memory_space<vmem>>)
        tpu.yield
      }) : () -> ()
      %iota3A = tpu.iota {dimensions = array<i32: 0>} : vector<16xi32>
      %mul3A_3 = arith.constant 8192 : i32
      %mul3A_4 = arith.muli %add3A, %mul3A_3 : i32
      %scan3A = arith.constant 0 : i32
      %scan3A_5 = arith.constant 1024 : i32
      %scan3A_6 = arith.addi %scan3A, %scan3A_5 : i32
      %scan3A_7 = arith.constant 1 : i32
      scf.for %scan3A_70 = %scan3A to %scan3A_6 step %scan3A_7  : i32 {
        %mul3A_71 = arith.constant 1 : i32
        %mul3A_72 = arith.muli %scan3A_70, %mul3A_71 : i32
        %add3A_73 = arith.constant 0 : i32
        %add3A_74 = arith.addi %add3A_73, %mul3A_72 : i32
        %broadcast_in_dim3A = arith.constant 0 : i32
        %broadcast_in_dim3A_75 = vector.broadcast %broadcast_in_dim3A : i32 to vector<16xi32>
        %mul3A_76 = arith.constant 16 : i32
        %mul3A_77 = arith.muli %add3A_74, %mul3A_76 : i32
        %swap3A = arith.index_cast %mul3A_77 : i32 to index
        %swap3A_78 = tpu.vector_load %arg8[%swap3A] {strides = array<i32>} : memref<16384xi32, #tpu.memory_space<vmem>>, vector<16xi32>,
        tpu.vector_store %arg8[%swap3A], %broadcast_in_dim3A_75 {strides = array<i32>} : memref<16384xi32, #tpu.memory_space<vmem>>, vector<16xi32>,
      }
      %scan3A_8 = arith.constant 1024 : i32
      %scan3A_9 = arith.constant 0 : i32
      %scan3A_10 = arith.constant 512 : i32
      %scan3A_11 = arith.addi %scan3A_9, %scan3A_10 : i32
      %scan3A_12 = arith.constant 1 : i32
      scf.for %scan3A_70 = %scan3A_9 to %scan3A_11 step %scan3A_12  : i32 {
        %mul3A_71 = arith.constant 1 : i32
        %mul3A_72 = arith.muli %scan3A_70, %mul3A_71 : i32
        %add3A_73 = arith.constant 0 : i32
        %add3A_74 = arith.addi %add3A_73, %mul3A_72 : i32
        %mul3A_75 = arith.constant 512 : i32
        %mul3A_76 = vector.broadcast %mul3A_75 : i32 to vector<16xi32>
        %mul3A_77 = arith.muli %iota3A, %mul3A_76 : vector<16xi32>
        %add3A_78 = vector.broadcast %add3A_74 : i32 to vector<16xi32>
        %add3A_79 = arith.addi %add3A_78, %mul3A_77 : vector<16xi32>
        %gather3A = tpu.vector_load_idx %arg4[%add3A_79] : memref<8192xi32, #tpu.memory_space<vmem>>[vector<16xi32>], vector<16xi32>,
        %shift_right_logical3A = arith.constant 0 : i32
        %shift_right_logical3A_80 = vector.broadcast %shift_right_logical3A : i32 to vector<16xi32>
        %shift_right_logical3A_81 = arith.shrui %gather3A, %shift_right_logical3A_80 : vector<16xi32>
        %and3A = arith.constant 1023 : i32
        %and3A_82 = vector.broadcast %and3A : i32 to vector<16xi32>
        %and3A_83 = arith.andi %shift_right_logical3A_81, %and3A_82 : vector<16xi32>
        %mul3A_84 = arith.constant 16 : i32
        %mul3A_85 = vector.broadcast %mul3A_84 : i32 to vector<16xi32>
        %mul3A_86 = arith.muli %and3A_83, %mul3A_85 : vector<16xi32>
        %add3A_87 = arith.addi %mul3A_86, %iota3A : vector<16xi32>
        %gather3A_88 = tpu.vector_load_idx %arg8[%add3A_87] : memref<16384xi32, #tpu.memory_space<vmem>>[vector<16xi32>], vector<16xi32>,
        %add3A_89 = arith.constant 1 : i32
        %add3A_90 = vector.broadcast %add3A_89 : i32 to vector<16xi32>
        %add3A_91 = arith.addi %gather3A_88, %add3A_90 : vector<16xi32>
        tpu.vector_store_idx %arg8[%add3A_87], %add3A_91 : memref<16384xi32, #tpu.memory_space<vmem>>[vector<16xi32>], vector<16xi32>,
      }
      %scan3A_13 = arith.constant 512 : i32
      %scan3A_14 = arith.constant 0 : i32
      %scan3A_15 = arith.constant 0 : i32
      %scan3A_16 = arith.constant 1024 : i32
      %scan3A_17 = arith.addi %scan3A_15, %scan3A_16 : i32
      %scan3A_18 = arith.constant 1 : i32
      %scan3A_19 = scf.for %scan3A_70 = %scan3A_15 to %scan3A_17 step %scan3A_18 iter_args(%scan3A_71 = %scan3A_14) -> (i32)  : i32 {
        %mul3A_72 = arith.constant 16 : i32
        %mul3A_73 = arith.muli %scan3A_70, %mul3A_72 : i32
        %get3A = arith.index_cast %mul3A_73 : i32 to index
        %get3A_74 = tpu.vector_load %arg8[%get3A] {strides = array<i32>} : memref<16384xi32, #tpu.memory_space<vmem>>, vector<16xi32>,
        %broadcast_in_dim3A = arith.constant true
        %broadcast_in_dim3A_75 = vector.broadcast %broadcast_in_dim3A : i1 to vector<16xi1>
        %masked_cumsum3A = tpu.scan <sum>, %get3A_74 masked %broadcast_in_dim3A_75 : vector<16xi32>, vector<16xi1> -> vector<16xi32>
        %sub3A = arith.subi %masked_cumsum3A, %get3A_74 : vector<16xi32>
        %add3A_76 = vector.broadcast %scan3A_71 : i32 to vector<16xi32>
        %add3A_77 = arith.addi %sub3A, %add3A_76 : vector<16xi32>
        %mul3A_78 = arith.constant 16 : i32
        %mul3A_79 = arith.muli %scan3A_70, %mul3A_78 : i32
        %swap3A = arith.index_cast %mul3A_79 : i32 to index
        %swap3A_80 = tpu.vector_load %arg8[%swap3A] {strides = array<i32>} : memref<16384xi32, #tpu.memory_space<vmem>>, vector<16xi32>,
        tpu.vector_store %arg8[%swap3A], %add3A_77 {strides = array<i32>} : memref<16384xi32, #tpu.memory_space<vmem>>, vector<16xi32>,
        %reduce_sum3A = arith.constant true
        %reduce_sum3A_81 = vector.broadcast %reduce_sum3A : i1 to vector<16xi1>
        %reduce_sum3A_82 = tpu.scan <sum>, %get3A_74 masked %reduce_sum3A_81 : vector<16xi32>, vector<16xi1> -> vector<16xi32>
        %reduce_sum3A_83 = vector.extract %reduce_sum3A_82[15] : i32 from vector<16xi32>
        %add3A_84 = arith.addi %scan3A_71, %reduce_sum3A_83 : i32
        scf.yield %add3A_84 : i32
      }
      %scan3A_20 = arith.constant 1024 : i32
      %scan3A_21 = arith.constant 0 : i32
      %scan3A_22 = arith.constant 512 : i32
      %scan3A_23 = arith.addi %scan3A_21, %scan3A_22 : i32
      %scan3A_24 = arith.constant 1 : i32
      scf.for %scan3A_70 = %scan3A_21 to %scan3A_23 step %scan3A_24  : i32 {
        %mul3A_71 = arith.constant 1 : i32
        %mul3A_72 = arith.muli %scan3A_70, %mul3A_71 : i32
        %add3A_73 = arith.constant 0 : i32
        %add3A_74 = arith.addi %add3A_73, %mul3A_72 : i32
        %mul3A_75 = arith.constant 512 : i32
        %mul3A_76 = vector.broadcast %mul3A_75 : i32 to vector<16xi32>
        %mul3A_77 = arith.muli %iota3A, %mul3A_76 : vector<16xi32>
        %add3A_78 = vector.broadcast %add3A_74 : i32 to vector<16xi32>
        %add3A_79 = arith.addi %add3A_78, %mul3A_77 : vector<16xi32>
        %gather3A = tpu.vector_load_idx %arg4[%add3A_79] : memref<8192xi32, #tpu.memory_space<vmem>>[vector<16xi32>], vector<16xi32>,
        %add3A_80 = vector.broadcast %mul3A_4 : i32 to vector<16xi32>
        %add3A_81 = arith.addi %add3A_79, %add3A_80 : vector<16xi32>
        %shift_right_logical3A = arith.constant 0 : i32
        %shift_right_logical3A_82 = vector.broadcast %shift_right_logical3A : i32 to vector<16xi32>
        %shift_right_logical3A_83 = arith.shrui %gather3A, %shift_right_logical3A_82 : vector<16xi32>
        %and3A = arith.constant 1023 : i32
        %and3A_84 = vector.broadcast %and3A : i32 to vector<16xi32>
        %and3A_85 = arith.andi %shift_right_logical3A_83, %and3A_84 : vector<16xi32>
        %mul3A_86 = arith.constant 16 : i32
        %mul3A_87 = vector.broadcast %mul3A_86 : i32 to vector<16xi32>
        %mul3A_88 = arith.muli %and3A_85, %mul3A_87 : vector<16xi32>
        %add3A_89 = arith.addi %mul3A_88, %iota3A : vector<16xi32>
        %gather3A_90 = tpu.vector_load_idx %arg8[%add3A_89] : memref<16384xi32, #tpu.memory_space<vmem>>[vector<16xi32>], vector<16xi32>,
        tpu.vector_store_idx %arg6[%gather3A_90], %gather3A : memref<8192xi32, #tpu.memory_space<vmem>>[vector<16xi32>], vector<16xi32>,
        tpu.vector_store_idx %arg7[%gather3A_90], %add3A_81 : memref<8192xi32, #tpu.memory_space<vmem>>[vector<16xi32>], vector<16xi32>,
        %add3A_91 = arith.constant 1 : i32
        %add3A_92 = vector.broadcast %add3A_91 : i32 to vector<16xi32>
        %add3A_93 = arith.addi %gather3A_90, %add3A_92 : vector<16xi32>
        tpu.vector_store_idx %arg8[%add3A_89], %add3A_93 : memref<16384xi32, #tpu.memory_space<vmem>>[vector<16xi32>], vector<16xi32>,
      }
      %scan3A_25 = arith.constant 512 : i32
      %scan3A_26 = arith.constant 0 : i32
      %scan3A_27 = arith.constant 1024 : i32
      %scan3A_28 = arith.addi %scan3A_26, %scan3A_27 : i32
      %scan3A_29 = arith.constant 1 : i32
      scf.for %scan3A_70 = %scan3A_26 to %scan3A_28 step %scan3A_29  : i32 {
        %mul3A_71 = arith.constant 1 : i32
        %mul3A_72 = arith.muli %scan3A_70, %mul3A_71 : i32
        %add3A_73 = arith.constant 0 : i32
        %add3A_74 = arith.addi %add3A_73, %mul3A_72 : i32
        %broadcast_in_dim3A = arith.constant 0 : i32
        %broadcast_in_dim3A_75 = vector.broadcast %broadcast_in_dim3A : i32 to vector<16xi32>
        %mul3A_76 = arith.constant 16 : i32
        %mul3A_77 = arith.muli %add3A_74, %mul3A_76 : i32
        %swap3A = arith.index_cast %mul3A_77 : i32 to index
        %swap3A_78 = tpu.vector_load %arg8[%swap3A] {strides = array<i32>} : memref<16384xi32, #tpu.memory_space<vmem>>, vector<16xi32>,
        tpu.vector_store %arg8[%swap3A], %broadcast_in_dim3A_75 {strides = array<i32>} : memref<16384xi32, #tpu.memory_space<vmem>>, vector<16xi32>,
      }
      %scan3A_30 = arith.constant 1024 : i32
      %scan3A_31 = arith.constant 0 : i32
      %scan3A_32 = arith.constant 512 : i32
      %scan3A_33 = arith.addi %scan3A_31, %scan3A_32 : i32
      %scan3A_34 = arith.constant 1 : i32
      scf.for %scan3A_70 = %scan3A_31 to %scan3A_33 step %scan3A_34  : i32 {
        %mul3A_71 = arith.constant 1 : i32
        %mul3A_72 = arith.muli %scan3A_70, %mul3A_71 : i32
        %add3A_73 = arith.constant 0 : i32
        %add3A_74 = arith.addi %add3A_73, %mul3A_72 : i32
        %mul3A_75 = arith.constant 512 : i32
        %mul3A_76 = vector.broadcast %mul3A_75 : i32 to vector<16xi32>
        %mul3A_77 = arith.muli %iota3A, %mul3A_76 : vector<16xi32>
        %add3A_78 = vector.broadcast %add3A_74 : i32 to vector<16xi32>
        %add3A_79 = arith.addi %add3A_78, %mul3A_77 : vector<16xi32>
        %gather3A = tpu.vector_load_idx %arg6[%add3A_79] : memref<8192xi32, #tpu.memory_space<vmem>>[vector<16xi32>], vector<16xi32>,
        %shift_right_logical3A = arith.constant 10 : i32
        %shift_right_logical3A_80 = vector.broadcast %shift_right_logical3A : i32 to vector<16xi32>
        %shift_right_logical3A_81 = arith.shrui %gather3A, %shift_right_logical3A_80 : vector<16xi32>
        %and3A = arith.constant 1023 : i32
        %and3A_82 = vector.broadcast %and3A : i32 to vector<16xi32>
        %and3A_83 = arith.andi %shift_right_logical3A_81, %and3A_82 : vector<16xi32>
        %mul3A_84 = arith.constant 16 : i32
        %mul3A_85 = vector.broadcast %mul3A_84 : i32 to vector<16xi32>
        %mul3A_86 = arith.muli %and3A_83, %mul3A_85 : vector<16xi32>
        %add3A_87 = arith.addi %mul3A_86, %iota3A : vector<16xi32>
        %gather3A_88 = tpu.vector_load_idx %arg8[%add3A_87] : memref<16384xi32, #tpu.memory_space<vmem>>[vector<16xi32>], vector<16xi32>,
        %add3A_89 = arith.constant 1 : i32
        %add3A_90 = vector.broadcast %add3A_89 : i32 to vector<16xi32>
        %add3A_91 = arith.addi %gather3A_88, %add3A_90 : vector<16xi32>
        tpu.vector_store_idx %arg8[%add3A_87], %add3A_91 : memref<16384xi32, #tpu.memory_space<vmem>>[vector<16xi32>], vector<16xi32>,
      }
      %scan3A_35 = arith.constant 512 : i32
      %scan3A_36 = arith.constant 0 : i32
      %scan3A_37 = arith.constant 0 : i32
      %scan3A_38 = arith.constant 1024 : i32
      %scan3A_39 = arith.addi %scan3A_37, %scan3A_38 : i32
      %scan3A_40 = arith.constant 1 : i32
      %scan3A_41 = scf.for %scan3A_70 = %scan3A_37 to %scan3A_39 step %scan3A_40 iter_args(%scan3A_71 = %scan3A_36) -> (i32)  : i32 {
        %mul3A_72 = arith.constant 16 : i32
        %mul3A_73 = arith.muli %scan3A_70, %mul3A_72 : i32
        %get3A = arith.index_cast %mul3A_73 : i32 to index
        %get3A_74 = tpu.vector_load %arg8[%get3A] {strides = array<i32>} : memref<16384xi32, #tpu.memory_space<vmem>>, vector<16xi32>,
        %broadcast_in_dim3A = arith.constant true
        %broadcast_in_dim3A_75 = vector.broadcast %broadcast_in_dim3A : i1 to vector<16xi1>
        %masked_cumsum3A = tpu.scan <sum>, %get3A_74 masked %broadcast_in_dim3A_75 : vector<16xi32>, vector<16xi1> -> vector<16xi32>
        %sub3A = arith.subi %masked_cumsum3A, %get3A_74 : vector<16xi32>
        %add3A_76 = vector.broadcast %scan3A_71 : i32 to vector<16xi32>
        %add3A_77 = arith.addi %sub3A, %add3A_76 : vector<16xi32>
        %mul3A_78 = arith.constant 16 : i32
        %mul3A_79 = arith.muli %scan3A_70, %mul3A_78 : i32
        %swap3A = arith.index_cast %mul3A_79 : i32 to index
        %swap3A_80 = tpu.vector_load %arg8[%swap3A] {strides = array<i32>} : memref<16384xi32, #tpu.memory_space<vmem>>, vector<16xi32>,
        tpu.vector_store %arg8[%swap3A], %add3A_77 {strides = array<i32>} : memref<16384xi32, #tpu.memory_space<vmem>>, vector<16xi32>,
        %reduce_sum3A = arith.constant true
        %reduce_sum3A_81 = vector.broadcast %reduce_sum3A : i1 to vector<16xi1>
        %reduce_sum3A_82 = tpu.scan <sum>, %get3A_74 masked %reduce_sum3A_81 : vector<16xi32>, vector<16xi1> -> vector<16xi32>
        %reduce_sum3A_83 = vector.extract %reduce_sum3A_82[15] : i32 from vector<16xi32>
        %add3A_84 = arith.addi %scan3A_71, %reduce_sum3A_83 : i32
        scf.yield %add3A_84 : i32
      }
      %scan3A_42 = arith.constant 1024 : i32
      %scan3A_43 = arith.constant 0 : i32
      %scan3A_44 = arith.constant 512 : i32
      %scan3A_45 = arith.addi %scan3A_43, %scan3A_44 : i32
      %scan3A_46 = arith.constant 1 : i32
      scf.for %scan3A_70 = %scan3A_43 to %scan3A_45 step %scan3A_46  : i32 {
        %mul3A_71 = arith.constant 1 : i32
        %mul3A_72 = arith.muli %scan3A_70, %mul3A_71 : i32
        %add3A_73 = arith.constant 0 : i32
        %add3A_74 = arith.addi %add3A_73, %mul3A_72 : i32
        %mul3A_75 = arith.constant 512 : i32
        %mul3A_76 = vector.broadcast %mul3A_75 : i32 to vector<16xi32>
        %mul3A_77 = arith.muli %iota3A, %mul3A_76 : vector<16xi32>
        %add3A_78 = vector.broadcast %add3A_74 : i32 to vector<16xi32>
        %add3A_79 = arith.addi %add3A_78, %mul3A_77 : vector<16xi32>
        %gather3A = tpu.vector_load_idx %arg6[%add3A_79] : memref<8192xi32, #tpu.memory_space<vmem>>[vector<16xi32>], vector<16xi32>,
        %gather3A_80 = tpu.vector_load_idx %arg7[%add3A_79] : memref<8192xi32, #tpu.memory_space<vmem>>[vector<16xi32>], vector<16xi32>,
        %shift_right_logical3A = arith.constant 10 : i32
        %shift_right_logical3A_81 = vector.broadcast %shift_right_logical3A : i32 to vector<16xi32>
        %shift_right_logical3A_82 = arith.shrui %gather3A, %shift_right_logical3A_81 : vector<16xi32>
        %and3A = arith.constant 1023 : i32
        %and3A_83 = vector.broadcast %and3A : i32 to vector<16xi32>
        %and3A_84 = arith.andi %shift_right_logical3A_82, %and3A_83 : vector<16xi32>
        %mul3A_85 = arith.constant 16 : i32
        %mul3A_86 = vector.broadcast %mul3A_85 : i32 to vector<16xi32>
        %mul3A_87 = arith.muli %and3A_84, %mul3A_86 : vector<16xi32>
        %add3A_88 = arith.addi %mul3A_87, %iota3A : vector<16xi32>
        %gather3A_89 = tpu.vector_load_idx %arg8[%add3A_88] : memref<16384xi32, #tpu.memory_space<vmem>>[vector<16xi32>], vector<16xi32>,
        tpu.vector_store_idx %arg4[%gather3A_89], %gather3A : memref<8192xi32, #tpu.memory_space<vmem>>[vector<16xi32>], vector<16xi32>,
        tpu.vector_store_idx %arg5[%gather3A_89], %gather3A_80 : memref<8192xi32, #tpu.memory_space<vmem>>[vector<16xi32>], vector<16xi32>,
        %add3A_90 = arith.constant 1 : i32
        %add3A_91 = vector.broadcast %add3A_90 : i32 to vector<16xi32>
        %add3A_92 = arith.addi %gather3A_89, %add3A_91 : vector<16xi32>
        tpu.vector_store_idx %arg8[%add3A_88], %add3A_92 : memref<16384xi32, #tpu.memory_space<vmem>>[vector<16xi32>], vector<16xi32>,
      }
      %scan3A_47 = arith.constant 512 : i32
      %scan3A_48 = arith.constant 0 : i32
      %scan3A_49 = arith.constant 1024 : i32
      %scan3A_50 = arith.addi %scan3A_48, %scan3A_49 : i32
      %scan3A_51 = arith.constant 1 : i32
      scf.for %scan3A_70 = %scan3A_48 to %scan3A_50 step %scan3A_51  : i32 {
        %mul3A_71 = arith.constant 1 : i32
        %mul3A_72 = arith.muli %scan3A_70, %mul3A_71 : i32
        %add3A_73 = arith.constant 0 : i32
        %add3A_74 = arith.addi %add3A_73, %mul3A_72 : i32
        %broadcast_in_dim3A = arith.constant 0 : i32
        %broadcast_in_dim3A_75 = vector.broadcast %broadcast_in_dim3A : i32 to vector<16xi32>
        %mul3A_76 = arith.constant 16 : i32
        %mul3A_77 = arith.muli %add3A_74, %mul3A_76 : i32
        %swap3A = arith.index_cast %mul3A_77 : i32 to index
        %swap3A_78 = tpu.vector_load %arg8[%swap3A] {strides = array<i32>} : memref<16384xi32, #tpu.memory_space<vmem>>, vector<16xi32>,
        tpu.vector_store %arg8[%swap3A], %broadcast_in_dim3A_75 {strides = array<i32>} : memref<16384xi32, #tpu.memory_space<vmem>>, vector<16xi32>,
      }
      %scan3A_52 = arith.constant 1024 : i32
      %scan3A_53 = arith.constant 0 : i32
      %scan3A_54 = arith.constant 512 : i32
      %scan3A_55 = arith.addi %scan3A_53, %scan3A_54 : i32
      %scan3A_56 = arith.constant 1 : i32
      scf.for %scan3A_70 = %scan3A_53 to %scan3A_55 step %scan3A_56  : i32 {
        %mul3A_71 = arith.constant 1 : i32
        %mul3A_72 = arith.muli %scan3A_70, %mul3A_71 : i32
        %add3A_73 = arith.constant 0 : i32
        %add3A_74 = arith.addi %add3A_73, %mul3A_72 : i32
        %mul3A_75 = arith.constant 512 : i32
        %mul3A_76 = vector.broadcast %mul3A_75 : i32 to vector<16xi32>
        %mul3A_77 = arith.muli %iota3A, %mul3A_76 : vector<16xi32>
        %add3A_78 = vector.broadcast %add3A_74 : i32 to vector<16xi32>
        %add3A_79 = arith.addi %add3A_78, %mul3A_77 : vector<16xi32>
        %gather3A = tpu.vector_load_idx %arg4[%add3A_79] : memref<8192xi32, #tpu.memory_space<vmem>>[vector<16xi32>], vector<16xi32>,
        %shift_right_logical3A = arith.constant 20 : i32
        %shift_right_logical3A_80 = vector.broadcast %shift_right_logical3A : i32 to vector<16xi32>
        %shift_right_logical3A_81 = arith.shrui %gather3A, %shift_right_logical3A_80 : vector<16xi32>
        %and3A = arith.constant 1023 : i32
        %and3A_82 = vector.broadcast %and3A : i32 to vector<16xi32>
        %and3A_83 = arith.andi %shift_right_logical3A_81, %and3A_82 : vector<16xi32>
        %mul3A_84 = arith.constant 16 : i32
        %mul3A_85 = vector.broadcast %mul3A_84 : i32 to vector<16xi32>
        %mul3A_86 = arith.muli %and3A_83, %mul3A_85 : vector<16xi32>
        %add3A_87 = arith.addi %mul3A_86, %iota3A : vector<16xi32>
        %gather3A_88 = tpu.vector_load_idx %arg8[%add3A_87] : memref<16384xi32, #tpu.memory_space<vmem>>[vector<16xi32>], vector<16xi32>,
        %add3A_89 = arith.constant 1 : i32
        %add3A_90 = vector.broadcast %add3A_89 : i32 to vector<16xi32>
        %add3A_91 = arith.addi %gather3A_88, %add3A_90 : vector<16xi32>
        tpu.vector_store_idx %arg8[%add3A_87], %add3A_91 : memref<16384xi32, #tpu.memory_space<vmem>>[vector<16xi32>], vector<16xi32>,
      }
      %scan3A_57 = arith.constant 512 : i32
      %scan3A_58 = arith.constant 0 : i32
      %scan3A_59 = arith.constant 0 : i32
      %scan3A_60 = arith.constant 1024 : i32
      %scan3A_61 = arith.addi %scan3A_59, %scan3A_60 : i32
      %scan3A_62 = arith.constant 1 : i32
      %scan3A_63 = scf.for %scan3A_70 = %scan3A_59 to %scan3A_61 step %scan3A_62 iter_args(%scan3A_71 = %scan3A_58) -> (i32)  : i32 {
        %mul3A_72 = arith.constant 16 : i32
        %mul3A_73 = arith.muli %scan3A_70, %mul3A_72 : i32
        %get3A = arith.index_cast %mul3A_73 : i32 to index
        %get3A_74 = tpu.vector_load %arg8[%get3A] {strides = array<i32>} : memref<16384xi32, #tpu.memory_space<vmem>>, vector<16xi32>,
        %broadcast_in_dim3A = arith.constant true
        %broadcast_in_dim3A_75 = vector.broadcast %broadcast_in_dim3A : i1 to vector<16xi1>
        %masked_cumsum3A = tpu.scan <sum>, %get3A_74 masked %broadcast_in_dim3A_75 : vector<16xi32>, vector<16xi1> -> vector<16xi32>
        %sub3A = arith.subi %masked_cumsum3A, %get3A_74 : vector<16xi32>
        %add3A_76 = vector.broadcast %scan3A_71 : i32 to vector<16xi32>
        %add3A_77 = arith.addi %sub3A, %add3A_76 : vector<16xi32>
        %mul3A_78 = arith.constant 16 : i32
        %mul3A_79 = arith.muli %scan3A_70, %mul3A_78 : i32
        %swap3A = arith.index_cast %mul3A_79 : i32 to index
        %swap3A_80 = tpu.vector_load %arg8[%swap3A] {strides = array<i32>} : memref<16384xi32, #tpu.memory_space<vmem>>, vector<16xi32>,
        tpu.vector_store %arg8[%swap3A], %add3A_77 {strides = array<i32>} : memref<16384xi32, #tpu.memory_space<vmem>>, vector<16xi32>,
        %reduce_sum3A = arith.constant true
        %reduce_sum3A_81 = vector.broadcast %reduce_sum3A : i1 to vector<16xi1>
        %reduce_sum3A_82 = tpu.scan <sum>, %get3A_74 masked %reduce_sum3A_81 : vector<16xi32>, vector<16xi1> -> vector<16xi32>
        %reduce_sum3A_83 = vector.extract %reduce_sum3A_82[15] : i32 from vector<16xi32>
        %add3A_84 = arith.addi %scan3A_71, %reduce_sum3A_83 : i32
        scf.yield %add3A_84 : i32
      }
      %scan3A_64 = arith.constant 1024 : i32
      %scan3A_65 = arith.constant 0 : i32
      %scan3A_66 = arith.constant 512 : i32
      %scan3A_67 = arith.addi %scan3A_65, %scan3A_66 : i32
      %scan3A_68 = arith.constant 1 : i32
      scf.for %scan3A_70 = %scan3A_65 to %scan3A_67 step %scan3A_68  : i32 {
        %mul3A_71 = arith.constant 1 : i32
        %mul3A_72 = arith.muli %scan3A_70, %mul3A_71 : i32
        %add3A_73 = arith.constant 0 : i32
        %add3A_74 = arith.addi %add3A_73, %mul3A_72 : i32
        %mul3A_75 = arith.constant 512 : i32
        %mul3A_76 = vector.broadcast %mul3A_75 : i32 to vector<16xi32>
        %mul3A_77 = arith.muli %iota3A, %mul3A_76 : vector<16xi32>
        %add3A_78 = vector.broadcast %add3A_74 : i32 to vector<16xi32>
        %add3A_79 = arith.addi %add3A_78, %mul3A_77 : vector<16xi32>
        %gather3A = tpu.vector_load_idx %arg4[%add3A_79] : memref<8192xi32, #tpu.memory_space<vmem>>[vector<16xi32>], vector<16xi32>,
        %gather3A_80 = tpu.vector_load_idx %arg5[%add3A_79] : memref<8192xi32, #tpu.memory_space<vmem>>[vector<16xi32>], vector<16xi32>,
        %shift_right_logical3A = arith.constant 20 : i32
        %shift_right_logical3A_81 = vector.broadcast %shift_right_logical3A : i32 to vector<16xi32>
        %shift_right_logical3A_82 = arith.shrui %gather3A, %shift_right_logical3A_81 : vector<16xi32>
        %and3A = arith.constant 1023 : i32
        %and3A_83 = vector.broadcast %and3A : i32 to vector<16xi32>
        %and3A_84 = arith.andi %shift_right_logical3A_82, %and3A_83 : vector<16xi32>
        %mul3A_85 = arith.constant 16 : i32
        %mul3A_86 = vector.broadcast %mul3A_85 : i32 to vector<16xi32>
        %mul3A_87 = arith.muli %and3A_84, %mul3A_86 : vector<16xi32>
        %add3A_88 = arith.addi %mul3A_87, %iota3A : vector<16xi32>
        %gather3A_89 = tpu.vector_load_idx %arg8[%add3A_88] : memref<16384xi32, #tpu.memory_space<vmem>>[vector<16xi32>], vector<16xi32>,
        tpu.vector_store_idx %arg6[%gather3A_89], %gather3A : memref<8192xi32, #tpu.memory_space<vmem>>[vector<16xi32>], vector<16xi32>,
        tpu.vector_store_idx %arg7[%gather3A_89], %gather3A_80 : memref<8192xi32, #tpu.memory_space<vmem>>[vector<16xi32>], vector<16xi32>,
        %add3A_90 = arith.constant 1 : i32
        %add3A_91 = vector.broadcast %add3A_90 : i32 to vector<16xi32>
        %add3A_92 = arith.addi %gather3A_89, %add3A_91 : vector<16xi32>
        tpu.vector_store_idx %arg8[%add3A_88], %add3A_92 : memref<16384xi32, #tpu.memory_space<vmem>>[vector<16xi32>], vector<16xi32>,
      }
      %scan3A_69 = arith.constant 512 : i32
      "tpu.region"() ({
        %run_scoped3A = tpu.sem_alloc : memref<!tpu.dma_semaphore, #tpu.memory_space<semaphore_mem>>
        %dma_start3A = arith.constant 0 : i32
        %dma_start3A_70 = tpu.memref_slice %arg7[%dma_start3A] : memref<8192xi32, #tpu.memory_space<vmem>> -> memref<4096xi32, #tpu.memory_space<vmem>>
        %dma_start3A_71 = arith.constant 0 : i32
        %dma_start3A_72 = tpu.memref_slice %arg3[%add3A, %dma_start3A_71] : memref<4x4096xi32, #tpu.memory_space<hbm>> -> memref<1x4096xi32, #tpu.memory_space<hbm>>
        %dma_start3A_73 = tpu.memref_squeeze %dma_start3A_72 : memref<1x4096xi32, #tpu.memory_space<hbm>> -> memref<4096xi32, #tpu.memory_space<hbm>>
        %dma_start3A_74 = arith.constant 0 : i32
        %dma_start3A_75 = tpu.memref_slice %arg3[%add3A, %dma_start3A_74] : memref<4x4096xi32, #tpu.memory_space<hbm>> -> memref<1x4096xi32, #tpu.memory_space<hbm>>
        %dma_start3A_76 = tpu.memref_squeeze %dma_start3A_75 : memref<1x4096xi32, #tpu.memory_space<hbm>> -> memref<4096xi32, #tpu.memory_space<hbm>>
        %dma_start3A_77 = arith.constant 0 : i32
        %dma_start3A_78 = tpu.memref_slice %arg7[%dma_start3A_77] : memref<8192xi32, #tpu.memory_space<vmem>> -> memref<4096xi32, #tpu.memory_space<vmem>>
        tpu.enqueue_dma source(%dma_start3A_78 : memref<4096xi32, #tpu.memory_space<vmem>>) target(%dma_start3A_76 : memref<4096xi32, #tpu.memory_space<hbm>>) target_semaphore(%run_scoped3A : memref<!tpu.dma_semaphore, #tpu.memory_space<semaphore_mem>>)
        %dma_wait3A = arith.constant 0 : i32
        %dma_wait3A_79 = tpu.memref_slice %arg7[%dma_wait3A] : memref<8192xi32, #tpu.memory_space<vmem>> -> memref<4096xi32, #tpu.memory_space<vmem>>
        %dma_wait3A_80 = arith.constant 0 : i32
        %dma_wait3A_81 = tpu.memref_slice %arg3[%add3A, %dma_wait3A_80] : memref<4x4096xi32, #tpu.memory_space<hbm>> -> memref<1x4096xi32, #tpu.memory_space<hbm>>
        %dma_wait3A_82 = tpu.memref_squeeze %dma_wait3A_81 : memref<1x4096xi32, #tpu.memory_space<hbm>> -> memref<4096xi32, #tpu.memory_space<hbm>>
        %dma_wait3A_83 = arith.constant 0 : i32
        %dma_wait3A_84 = tpu.memref_slice %arg3[%add3A, %dma_wait3A_83] : memref<4x4096xi32, #tpu.memory_space<hbm>> -> memref<1x4096xi32, #tpu.memory_space<hbm>>
        %dma_wait3A_85 = tpu.memref_squeeze %dma_wait3A_84 : memref<1x4096xi32, #tpu.memory_space<hbm>> -> memref<4096xi32, #tpu.memory_space<hbm>>
        %dma_wait3A_86 = arith.constant 0 : i32
        %dma_wait3A_87 = tpu.memref_slice %arg7[%dma_wait3A_86] : memref<8192xi32, #tpu.memory_space<vmem>> -> memref<4096xi32, #tpu.memory_space<vmem>>
        tpu.wait_dma2 semaphore(%run_scoped3A : memref<!tpu.dma_semaphore, #tpu.memory_space<semaphore_mem>>) src(%dma_wait3A_87 : memref<4096xi32, #tpu.memory_space<vmem>>) dst(%dma_wait3A_85 : memref<4096xi32, #tpu.memory_space<hbm>>)
        tpu.yield
      }) : () -> ()
    } else {
    }
    return
  }
}

module attributes {stable_mosaic.version = 14 : i64} {
  func.func @_final_body(%arg0: memref<32x2x768xf32, #tpu.memory_space<vmem>>, %arg1: memref<192x768xf32, #tpu.memory_space<vmem>>, %arg2: memref<192xf32, #tpu.memory_space<vmem>>, %arg3: memref<8x192xf32, #tpu.memory_space<vmem>>, %arg4: memref<8xf32, #tpu.memory_space<vmem>>, %arg5: memref<4x768xf32, #tpu.memory_space<vmem>>) attributes {dimension_semantics = [], scalar_prefetch = 0 : i64, scratch_operands = 0 : i64, tpu.core_type = #tpu.core_type<tc>} {
    %get3A = arith.constant 0 : index
    %get3A_0 = arith.constant 0 : index
    %get3A_1 = arith.constant 0 : index
    %get3A_2 = vector.load %arg0[%get3A, %get3A_0, %get3A_1] : memref<32x2x768xf32, #tpu.memory_space<vmem>>, vector<32x2x768xf32>
    %reshape3A = vector.shape_cast %get3A_2 : vector<32x2x768xf32> to vector<4x8x2x768xf32>
    %slice3A = vector.extract_strided_slice %reshape3A {offsets = [0, 0, 0, 0], sizes = [4, 8, 1, 768], strides = [1, 1, 1, 1]} : vector<4x8x2x768xf32> to vector<4x8x1x768xf32>
    %squeeze3A = vector.shape_cast %slice3A : vector<4x8x1x768xf32> to vector<4x8x768xf32>
    %reduce_sum3A = arith.constant dense<0.000000e+00> : vector<4x768xf32>
    %reduce_sum3A_3 = vector.multi_reduction <add>, %squeeze3A, %reduce_sum3A [1] : vector<4x8x768xf32> to vector<4x768xf32>
    %mul3A = arith.constant 2.44140625E-4 : f32
    %mul3A_4 = vector.broadcast %mul3A : f32 to vector<4x768xf32>
    %mul3A_5 = arith.mulf %reduce_sum3A_3, %mul3A_4 : vector<4x768xf32>
    %slice3A_6 = vector.extract_strided_slice %reshape3A {offsets = [0, 0, 1, 0], sizes = [4, 8, 1, 768], strides = [1, 1, 1, 1]} : vector<4x8x2x768xf32> to vector<4x8x1x768xf32>
    %squeeze3A_7 = vector.shape_cast %slice3A_6 : vector<4x8x1x768xf32> to vector<4x8x768xf32>
    %reduce_max3A = arith.constant dense<0xFF800000> : vector<4x768xf32>
    %reduce_max3A_8 = vector.multi_reduction <maximumf>, %squeeze3A_7, %reduce_max3A [1] : vector<4x8x768xf32> to vector<4x768xf32>
    %get3A_9 = arith.constant 0 : index
    %get3A_10 = arith.constant 0 : index
    %get3A_11 = vector.load %arg1[%get3A_9, %get3A_10] : memref<192x768xf32, #tpu.memory_space<vmem>>, vector<192x768xf32>
    %dot_general3A = arith.constant dense<0.000000e+00> : vector<4x192xf32>
    %dot_general3A_12 = tpu.matmul %mul3A_5, %get3A_11, %dot_general3A {dimension_numbers = #tpu.dot_dimension_numbers<[1], [1], [0], [0], [0, 0, 1, 0], [], []>, transpose_lhs_hint = false} : vector<4x768xf32>, vector<192x768xf32>, vector<4x192xf32> -> vector<4x192xf32>
    %get3A_13 = arith.constant 0 : index
    %get3A_14 = vector.load %arg2[%get3A_13] : memref<192xf32, #tpu.memory_space<vmem>>, vector<192xf32>
    %broadcast_in_dim3A = vector.shape_cast %get3A_14 : vector<192xf32> to vector<1x192xf32>
    %add3A = vector.broadcast %broadcast_in_dim3A : vector<1x192xf32> to vector<4x192xf32>
    %add3A_15 = arith.addf %dot_general3A_12, %add3A : vector<4x192xf32>
    %max3A = arith.constant 0.000000e+00 : f32
    %max3A_16 = vector.broadcast %max3A : f32 to vector<4x192xf32>
    %max3A_17 = arith.maximumf %add3A_15, %max3A_16 : vector<4x192xf32>
    %get3A_18 = arith.constant 0 : index
    %get3A_19 = arith.constant 0 : index
    %get3A_20 = vector.load %arg3[%get3A_18, %get3A_19] : memref<8x192xf32, #tpu.memory_space<vmem>>, vector<8x192xf32>
    %dot_general3A_21 = arith.constant dense<0.000000e+00> : vector<4x8xf32>
    %dot_general3A_22 = tpu.matmul %max3A_17, %get3A_20, %dot_general3A_21 {dimension_numbers = #tpu.dot_dimension_numbers<[1], [1], [0], [0], [0, 0, 1, 0], [], []>, transpose_lhs_hint = false} : vector<4x192xf32>, vector<8x192xf32>, vector<4x8xf32> -> vector<4x8xf32>
    %get3A_23 = arith.constant 0 : index
    %get3A_24 = vector.load %arg4[%get3A_23] : memref<8xf32, #tpu.memory_space<vmem>>, vector<8xf32>
    %broadcast_in_dim3A_25 = vector.shape_cast %get3A_24 : vector<8xf32> to vector<1x8xf32>
    %add3A_26 = vector.broadcast %broadcast_in_dim3A_25 : vector<1x8xf32> to vector<4x8xf32>
    %add3A_27 = arith.addf %dot_general3A_22, %add3A_26 : vector<4x8xf32>
    %reduce_max3A_28 = arith.constant dense<0xFF800000> : vector<4xf32>
    %reduce_max3A_29 = vector.multi_reduction <maximumf>, %add3A_27, %reduce_max3A_28 [1] : vector<4x8xf32> to vector<4xf32>
    %broadcast_in_dim3A_30 = vector.shape_cast %reduce_max3A_29 : vector<4xf32> to vector<4x1xf32>
    %iota3A = tpu.iota {dimensions = array<i32: 1>} : vector<4x8xi32>
    %eq3A = vector.broadcast %broadcast_in_dim3A_30 : vector<4x1xf32> to vector<4x8xf32>
    %eq3A_31 = arith.cmpf oeq, %add3A_27, %eq3A : vector<4x8xf32>
    %jit3A = arith.constant 8 : i32
    %broadcast_in_dim3A_32 = vector.broadcast %jit3A : i32 to vector<4x8xi32>
    %select_n3A = arith.select %eq3A_31, %iota3A, %broadcast_in_dim3A_32 : vector<4x8xi1>, vector<4x8xi32>
    %reduce_min3A = arith.constant dense<2147483647> : vector<4xi32>
    %reduce_min3A_33 = vector.multi_reduction <minsi>, %select_n3A, %reduce_min3A [1] : vector<4x8xi32> to vector<4xi32>
    %add3A_34 = arith.constant 1 : i32
    %add3A_35 = vector.broadcast %add3A_34 : i32 to vector<4xi32>
    %add3A_36 = arith.addi %reduce_min3A_33, %add3A_35 : vector<4xi32>
    %convert_element_type3A = arith.sitofp %add3A_36 : vector<4xi32> to vector<4xf32>
    %exp23A = math.exp2 %convert_element_type3A : vector<4xf32>
    %broadcast_in_dim3A_37 = vector.shape_cast %exp23A : vector<4xf32> to vector<4x1xf32>
    %div3A = vector.broadcast %broadcast_in_dim3A_37 : vector<4x1xf32> to vector<4x768xf32>
    %div3A_38 = arith.divf %reduce_max3A_8, %div3A : vector<4x768xf32>
    %swap3A = arith.constant 0 : index
    %swap3A_39 = arith.constant 0 : index
    %swap3A_40 = vector.load %arg5[%swap3A, %swap3A_39] : memref<4x768xf32, #tpu.memory_space<vmem>>, vector<4x768xf32>
    tpu.vector_store %arg5[%swap3A, %swap3A_39], %div3A_38 {strides = array<i32>} : memref<4x768xf32, #tpu.memory_space<vmem>>, vector<4x768xf32>,
    return
  }
}

module attributes {stable_mosaic.version = 14 : i64} {
  func.func @_score_body(%arg0: i32, %arg1: i32, %arg2: memref<1x2048x768xf32, #tpu.memory_space<vmem>>, %arg3: memref<384x768xf32, #tpu.memory_space<vmem>>, %arg4: memref<384xf32, #tpu.memory_space<vmem>>, %arg5: memref<384xf32, #tpu.memory_space<vmem>>, %arg6: memref<384xf32, #tpu.memory_space<vmem>>, %arg7: memref<1x384xf32, #tpu.memory_space<vmem>>, %arg8: memref<1xf32, #tpu.memory_space<vmem>>, %arg9: memref<1x16x128xi32, #tpu.memory_space<vmem>>) attributes {dimension_semantics = [#tpu.dimension_semantics<arbitrary>, #tpu.dimension_semantics<arbitrary>], iteration_bounds = array<i64: 4, 4>, scalar_prefetch = 0 : i64, scratch_operands = 0 : i64, tpu.core_type = #tpu.core_type<tc>, window_params = [{transform_indices = @transform_0, window_bounds = array<i64: 1, 2048, 768>}, {pipeline_mode = #tpu.pipeline_mode<synchronous>, transform_indices = @transform_1, window_bounds = array<i64: 384, 768>}, {pipeline_mode = #tpu.pipeline_mode<synchronous>, transform_indices = @transform_2, window_bounds = array<i64: 384>}, {pipeline_mode = #tpu.pipeline_mode<synchronous>, transform_indices = @transform_3, window_bounds = array<i64: 384>}, {pipeline_mode = #tpu.pipeline_mode<synchronous>, transform_indices = @transform_4, window_bounds = array<i64: 384>}, {pipeline_mode = #tpu.pipeline_mode<synchronous>, transform_indices = @transform_5, window_bounds = array<i64: 1, 384>}, {pipeline_mode = #tpu.pipeline_mode<synchronous>, transform_indices = @transform_6, window_bounds = array<i64: 1>}, {transform_indices = @transform_7, window_bounds = array<i64: 1, 16, 128>}]} {
    %get3A = arith.constant 0 : index
    %get3A_0 = arith.constant 0 : index
    %get3A_1 = arith.constant 0 : index
    %get3A_2 = vector.load %arg2[%get3A, %get3A_0, %get3A_1] : memref<1x2048x768xf32, #tpu.memory_space<vmem>>, vector<1x2048x768xf32>
    %get3A_3 = vector.shape_cast %get3A_2 : vector<1x2048x768xf32> to vector<2048x768xf32>
    %get3A_4 = arith.constant 0 : index
    %get3A_5 = arith.constant 0 : index
    %get3A_6 = vector.load %arg3[%get3A_4, %get3A_5] : memref<384x768xf32, #tpu.memory_space<vmem>>, vector<384x768xf32>
    %dot_general3A = arith.constant dense<0.000000e+00> : vector<384x2048xf32>
    %dot_general3A_7 = tpu.matmul %get3A_6, %get3A_3, %dot_general3A {dimension_numbers = #tpu.dot_dimension_numbers<[1], [1], [0], [0], [0, 0, 1, 0], [], []>, transpose_lhs_hint = false} : vector<384x768xf32>, vector<2048x768xf32>, vector<384x2048xf32> -> vector<384x2048xf32>
    %get3A_8 = arith.constant 0 : index
    %get3A_9 = vector.load %arg4[%get3A_8] : memref<384xf32, #tpu.memory_space<vmem>>, vector<384xf32>
    %broadcast_in_dim3A = vector.shape_cast %get3A_9 : vector<384xf32> to vector<384x1xf32>
    %add3A = vector.broadcast %broadcast_in_dim3A : vector<384x1xf32> to vector<384x2048xf32>
    %add3A_10 = arith.addf %dot_general3A_7, %add3A : vector<384x2048xf32>
    %reduce_sum3A = arith.constant dense<0.000000e+00> : vector<2048xf32>
    %reduce_sum3A_11 = vector.multi_reduction <add>, %add3A_10, %reduce_sum3A [0] : vector<384x2048xf32> to vector<2048xf32>
    %broadcast_in_dim3A_12 = vector.shape_cast %reduce_sum3A_11 : vector<2048xf32> to vector<1x2048xf32>
    %mul3A = arith.constant 0.00260416674 : f32
    %mul3A_13 = vector.broadcast %mul3A : f32 to vector<1x2048xf32>
    %mul3A_14 = arith.mulf %broadcast_in_dim3A_12, %mul3A_13 : vector<1x2048xf32>
    %sub3A = vector.broadcast %mul3A_14 : vector<1x2048xf32> to vector<384x2048xf32>
    %sub3A_15 = arith.subf %add3A_10, %sub3A : vector<384x2048xf32>
    %mul3A_16 = arith.mulf %sub3A_15, %sub3A_15 : vector<384x2048xf32>
    %reduce_sum3A_17 = arith.constant dense<0.000000e+00> : vector<2048xf32>
    %reduce_sum3A_18 = vector.multi_reduction <add>, %mul3A_16, %reduce_sum3A_17 [0] : vector<384x2048xf32> to vector<2048xf32>
    %broadcast_in_dim3A_19 = vector.shape_cast %reduce_sum3A_18 : vector<2048xf32> to vector<1x2048xf32>
    %mul3A_20 = arith.constant 0.00260416674 : f32
    %mul3A_21 = vector.broadcast %mul3A_20 : f32 to vector<1x2048xf32>
    %mul3A_22 = arith.mulf %broadcast_in_dim3A_19, %mul3A_21 : vector<1x2048xf32>
    %add3A_23 = arith.constant 9.99999974E-6 : f32
    %add3A_24 = vector.broadcast %add3A_23 : f32 to vector<1x2048xf32>
    %add3A_25 = arith.addf %mul3A_22, %add3A_24 : vector<1x2048xf32>
    %sqrt3A = math.sqrt %add3A_25 : vector<1x2048xf32>
    %div3A = vector.broadcast %sqrt3A : vector<1x2048xf32> to vector<384x2048xf32>
    %div3A_26 = arith.divf %sub3A_15, %div3A : vector<384x2048xf32>
    %get3A_27 = arith.constant 0 : index
    %get3A_28 = vector.load %arg5[%get3A_27] : memref<384xf32, #tpu.memory_space<vmem>>, vector<384xf32>
    %broadcast_in_dim3A_29 = vector.shape_cast %get3A_28 : vector<384xf32> to vector<384x1xf32>
    %mul3A_30 = vector.broadcast %broadcast_in_dim3A_29 : vector<384x1xf32> to vector<384x2048xf32>
    %mul3A_31 = arith.mulf %div3A_26, %mul3A_30 : vector<384x2048xf32>
    %get3A_32 = arith.constant 0 : index
    %get3A_33 = vector.load %arg6[%get3A_32] : memref<384xf32, #tpu.memory_space<vmem>>, vector<384xf32>
    %broadcast_in_dim3A_34 = vector.shape_cast %get3A_33 : vector<384xf32> to vector<384x1xf32>
    %add3A_35 = vector.broadcast %broadcast_in_dim3A_34 : vector<384x1xf32> to vector<384x2048xf32>
    %add3A_36 = arith.addf %mul3A_31, %add3A_35 : vector<384x2048xf32>
    %max3A = arith.constant 0.000000e+00 : f32
    %max3A_37 = vector.broadcast %max3A : f32 to vector<384x2048xf32>
    %max3A_38 = arith.maximumf %add3A_36, %max3A_37 : vector<384x2048xf32>
    %get3A_39 = arith.constant 0 : index
    %get3A_40 = arith.constant 0 : index
    %get3A_41 = vector.load %arg7[%get3A_39, %get3A_40] : memref<1x384xf32, #tpu.memory_space<vmem>>, vector<1x384xf32>
    %slice3A = vector.extract_strided_slice %get3A_41 {offsets = [0, 0], sizes = [1, 128], strides = [1, 1]} : vector<1x384xf32> to vector<1x128xf32>
    %slice3A_42 = vector.extract_strided_slice %max3A_38 {offsets = [0, 0], sizes = [128, 2048], strides = [1, 1]} : vector<384x2048xf32> to vector<128x2048xf32>
    %dot_general3A_43 = arith.constant dense<0.000000e+00> : vector<1x2048xf32>
    %dot_general3A_44 = tpu.matmul %slice3A, %slice3A_42, %dot_general3A_43 {dimension_numbers = #tpu.dot_dimension_numbers<[1], [0], [0], [1], [0, 0, 1, 1], [], []>, transpose_lhs_hint = false} : vector<1x128xf32>, vector<128x2048xf32>, vector<1x2048xf32> -> vector<1x2048xf32>
    %slice3A_45 = vector.extract_strided_slice %get3A_41 {offsets = [0, 128], sizes = [1, 128], strides = [1, 1]} : vector<1x384xf32> to vector<1x128xf32>
    %slice3A_46 = vector.extract_strided_slice %max3A_38 {offsets = [128, 0], sizes = [128, 2048], strides = [1, 1]} : vector<384x2048xf32> to vector<128x2048xf32>
    %dot_general3A_47 = arith.constant dense<0.000000e+00> : vector<1x2048xf32>
    %dot_general3A_48 = tpu.matmul %slice3A_45, %slice3A_46, %dot_general3A_47 {dimension_numbers = #tpu.dot_dimension_numbers<[1], [0], [0], [1], [0, 0, 1, 1], [], []>, transpose_lhs_hint = false} : vector<1x128xf32>, vector<128x2048xf32>, vector<1x2048xf32> -> vector<1x2048xf32>
    %add3A_49 = arith.addf %dot_general3A_44, %dot_general3A_48 : vector<1x2048xf32>
    %slice3A_50 = vector.extract_strided_slice %get3A_41 {offsets = [0, 256], sizes = [1, 128], strides = [1, 1]} : vector<1x384xf32> to vector<1x128xf32>
    %slice3A_51 = vector.extract_strided_slice %max3A_38 {offsets = [256, 0], sizes = [128, 2048], strides = [1, 1]} : vector<384x2048xf32> to vector<128x2048xf32>
    %dot_general3A_52 = arith.constant dense<0.000000e+00> : vector<1x2048xf32>
    %dot_general3A_53 = tpu.matmul %slice3A_50, %slice3A_51, %dot_general3A_52 {dimension_numbers = #tpu.dot_dimension_numbers<[1], [0], [0], [1], [0, 0, 1, 1], [], []>, transpose_lhs_hint = false} : vector<1x128xf32>, vector<128x2048xf32>, vector<1x2048xf32> -> vector<1x2048xf32>
    %add3A_54 = arith.addf %add3A_49, %dot_general3A_53 : vector<1x2048xf32>
    %get3A_55 = arith.constant 0 : index
    %get3A_56 = vector.load %arg8[%get3A_55] : memref<1xf32, #tpu.memory_space<vmem>>, vector<1xf32>
    %squeeze3A = vector.extract %get3A_56[0] : f32 from vector<1xf32>
    %add3A_57 = vector.broadcast %squeeze3A : f32 to vector<1x2048xf32>
    %add3A_58 = arith.addf %add3A_54, %add3A_57 : vector<1x2048xf32>
    %neg3A = arith.constant 0.000000e+00 : f32
    %neg3A_59 = vector.broadcast %neg3A : f32 to vector<1x2048xf32>
    %neg3A_60 = arith.subf %neg3A_59, %add3A_58 : vector<1x2048xf32>
    %exp3A = math.exp %neg3A_60 : vector<1x2048xf32>
    %add3A_61 = arith.constant 1.000000e+00 : f32
    %add3A_62 = vector.broadcast %add3A_61 : f32 to vector<1x2048xf32>
    %add3A_63 = arith.addf %add3A_62, %exp3A : vector<1x2048xf32>
    %div3A_64 = arith.constant 1.000000e+00 : f32
    %div3A_65 = vector.broadcast %div3A_64 : f32 to vector<1x2048xf32>
    %div3A_66 = arith.divf %div3A_65, %add3A_63 : vector<1x2048xf32>
    %bitcast_convert_type3A = tpu.bitcast %div3A_66 : vector<1x2048xf32> -> vector<1x2048xi32>
    %sub3A_67 = arith.constant 1065353216 : i32
    %sub3A_68 = vector.broadcast %sub3A_67 : i32 to vector<1x2048xi32>
    %sub3A_69 = arith.subi %sub3A_68, %bitcast_convert_type3A : vector<1x2048xi32>
    %reshape3A = vector.shape_cast %sub3A_69 : vector<1x2048xi32> to vector<1x16x128xi32>
    %swap3A = arith.constant 0 : index
    %swap3A_70 = arith.constant 0 : index
    %swap3A_71 = arith.constant 0 : index
    %swap3A_72 = vector.load %arg9[%swap3A, %swap3A_70, %swap3A_71] : memref<1x16x128xi32, #tpu.memory_space<vmem>>, vector<1x16x128xi32>
    tpu.vector_store %arg9[%swap3A, %swap3A_70, %swap3A_71], %reshape3A {strides = array<i32>} : memref<1x16x128xi32, #tpu.memory_space<vmem>>, vector<1x16x128xi32>,
    return
  }
  func.func @transform_0(%arg0: i32, %arg1: i32) -> (i32, i32, i32) {
    %c0_i32 = arith.constant 0 : i32
    %c0_i32_0 = arith.constant 0 : i32
    return %arg0, %arg1, %c0_i32 : i32, i32, i32
  }
  func.func @transform_1(%arg0: i32, %arg1: i32) -> (i32, i32) {
    %c0_i32 = arith.constant 0 : i32
    %c0_i32_0 = arith.constant 0 : i32
    %c0_i32_1 = arith.constant 0 : i32
    return %c0_i32, %c0_i32_0 : i32, i32
  }
  func.func @transform_2(%arg0: i32, %arg1: i32) -> i32 {
    %c0_i32 = arith.constant 0 : i32
    %c0_i32_0 = arith.constant 0 : i32
    return %c0_i32 : i32
  }
  func.func @transform_3(%arg0: i32, %arg1: i32) -> i32 {
    %c0_i32 = arith.constant 0 : i32
    %c0_i32_0 = arith.constant 0 : i32
    return %c0_i32 : i32
  }
  func.func @transform_4(%arg0: i32, %arg1: i32) -> i32 {
    %c0_i32 = arith.constant 0 : i32
    %c0_i32_0 = arith.constant 0 : i32
    return %c0_i32 : i32
  }
  func.func @transform_5(%arg0: i32, %arg1: i32) -> (i32, i32) {
    %c0_i32 = arith.constant 0 : i32
    %c0_i32_0 = arith.constant 0 : i32
    %c0_i32_1 = arith.constant 0 : i32
    return %c0_i32, %c0_i32_0 : i32, i32
  }
  func.func @transform_6(%arg0: i32, %arg1: i32) -> i32 {
    %c0_i32 = arith.constant 0 : i32
    %c0_i32_0 = arith.constant 0 : i32
    return %c0_i32 : i32
  }
  func.func @transform_7(%arg0: i32, %arg1: i32) -> (i32, i32, i32) {
    %c0_i32 = arith.constant 0 : i32
    %c0_i32_0 = arith.constant 0 : i32
    return %arg0, %arg1, %c0_i32 : i32, i32, i32
  }
}

</mosaic_0001>

<sc_bundles>
// kernel: kernel.10.cloned.1.call-start
scs
__scs_entry_jumppad:
0x0: {  	(pc) =	sbr.rel $0x88, $3  }
0x1: {  	(tag) =	ssettag $0x0;
	lr =	simm.s32 $0x1  }
0x2: {  	[smem:$0x3F96] =	sst lr;
	_ =	strace $0xD0000000  }
0x3: {  	_ = 	snop  }
0x4: {  	_ = 	snop  }
0x5: {  	_ = 	snop  }
0x6: {  	_ = 	snop  }
0x7: {  	_ = 	snop  }
__scs_overlays_trampoline_lowered:
0x8: {  	[smem:$0x3FA5] =	sst s0  }
0x9: {  	[smem:$0x3FA6] =	sst s1  }
0xa: {  	[smem:$0x3FA7] =	sst s2  }
0xb: {  	[smem:$0x3FA8] =	sst s3  }
0xc: {  	[smem:$0x3FA9] =	sst s4  }
0xd: {  	[smem:$0x3FAA] =	sst s5  }
0xe: {  	[smem:$0x3FAB] =	sst s6  }
0xf: {  	[smem:$0x3FAC] =	sst s7  }
0x10: {  	[smem:$0x3FAD] =	sst s8  }
0x11: {  	[smem:$0x3FAE] =	sst s9;
	s0 =	simm.s32 @!p0 $0x0  }
0x12: {  	s1 =	sld [smem:$0x3F94];
	s0 =	simm.s32 @p0 $0x1  }
0x13: {  	[smem:$0x3FAF] =	sst s0;
	s0 =	simm.s32 @!p1 $0x0  }
0x14: {  	s2 =	sld [smem:$0x3F93];
	s0 =	simm.s32 @p1 $0x1  }
0x15: {  	[smem:$0x3FB0] =	sst s0;
	s0 =	simm.s32 @!p2 $0x0  }
0x16: {  	s3 =	sld [smem:$0x3FDB];
	s0 =	simm.s32 @p2 $0x1  }
0x17: {  	s4 =	simm.s32 $0x1BF5;
	[smem:$0x3FB2] =	sst s0  }
0x18: {  	s0 =	sld [smem:$0x3F95];
	_ =	swait.ge [sflag:s4], $0x0  }
0x19: {  	s7 =	sld [smem:$0x3F96]  }
0x1a: {  	s8 =	sadd.s32 $0xFFFFE003, lr  }
0x1b: {  	s9 =	sadd.s32 $0xFFFFFEF7, lr;
	s5 =	simm.s32 $0xFFFFFFFF;
	p2 =	slt.u32 s8, $0xFFFFF086  }
0x1c: {  	p1 =	slt.u32 s9, $0xF7A;
	s5 =	simm.s32 @!p2 $0x0  }
0x1d: {  	s5 =	simm.s32 @p1 $0x1;
	p0 =	seq.s32 s7, s2  }
0x1e: {  	s7 =	smul.u32 @!p0 $0xF7A, s2;
	p2 =	seq.s32 @!p0 s5, $0x0  }
0x1f: {  	s9 =	smul.u32 $0xF7A, s1;
	s8 =	simm.s32 @!p0 $0x1BF5;
	p2 =	por !p2, p0  }
0x20: {  	[sflag:s8] =	ssyncset.s32 @!p0 $0xFFFFF086;
	s6 =	sadd.s32 @!p0 s3, s7;
	s7 =	simm.s32 @!p0 $0x108  }
0x21: {  	s3 =	sadd.s32 s3, s9;
	s6 =	sadd.s32 @!p0 $0x88, s6;
	s7 =	simm.s32 @p2 $0x1082  }
0x22: {  	[simem:s7], [sflag:s8] =	dma.local @!p0 [hbm:s6], $0xF7A  }
0x23: {  	s9 =	sor.u32 $0xD0000000, s2;
	s6 =	simm.s32 $0x108;
	_ =	swait.ge @!p0 [sflag:s8], $0x0  }
0x24: {  	s3 =	sadd.s32 $0x88, s3;
	s6 =	simm.s32 @!p1 $0x1082;
	[sflag:s4] =	ssyncset.s32 $0xFFFFF086  }
0x25: {  	[simem:s6], [sflag:s4] =	dma.local [hbm:s3], $0xF7A  }
0x26: {  	[smem:$0x3F96] =	sst s1;
	(tag) =	ssettag s2;
	_ =	strace s9  }
0x27: {  	s1 =	sld [smem:$0x3FA6]  }
0x28: {  	s2 =	sld [smem:$0x3FA7]  }
0x29: {  	s4 =	sld [smem:$0x3FA9]  }
0x2a: {  	p0 =	seq.s32 s5, $0x0;
	s5 =	sld [smem:$0x3FAA]  }
0x2b: {  	s6 =	sld [smem:$0x3FAB]  }
0x2c: {  	s7 =	sld [smem:$0x3FAC]  }
0x2d: {  	s3 =	simm.s32 $0x108;
	s8 =	sld [smem:$0x3FAD]  }
0x2e: {  	s3 =	simm.s32 @!p0 $0x1082;
	s9 =	sld [smem:$0x3FAE]  }
0x2f: {  	lr =	sadd.s32 s0, s3;
	s0 =	sld [smem:$0x3FA5]  }
0x30: {  	s3 =	sld [smem:$0x3FA8]  }
0x31: {  	[smem:$0x3FB1] =	sst s10  }
0x32: {  	s10 =	sld [smem:$0x3FAF];
	_ =	sdelay $0x3  }
0x33: {  	p0 =	seq.s32 s10, $0x1;
	s10 =	sld [smem:$0x3FB1];
	_ =	sdelay $0x3  }
0x34: {  	[smem:$0x3FB1] =	sst s10  }
0x35: {  	s10 =	sld [smem:$0x3FB0];
	_ =	sdelay $0x3  }
0x36: {  	p1 =	seq.s32 s10, $0x1;
	s10 =	sld [smem:$0x3FB1];
	_ =	sdelay $0x3  }
0x37: {  	[smem:$0x3FB1] =	sst s10  }
0x38: {  	s10 =	sld [smem:$0x3FB2]  }
0x39: {  	_ = 	snop;
	(pc) =	sbr.ind lr, $3  }
0x3a: {  	_ = 	snop  }
0x3b: {  	_ = 	snop  }
0x3c: {  	p2 =	seq.s32 s10, $0x1;
	s10 =	sld [smem:$0x3FB1]  }
0x3d: {  	_ =	shalt  }
0x3e: {  	_ =	shalt  }
0x3f: {  	_ =	shalt  }
0x40: {  	_ =	shalt  }
0x41: {  	_ =	shalt  }
0x42: {  	_ =	shalt  }
0x43: {  	_ =	shalt  }
0x44: {  	_ =	shalt  }
0x45: {  	_ =	shalt  }
0x46: {  	_ =	shalt  }
0x47: {  	_ =	shalt  }
0x48: {  	_ =	shalt  }
0x49: {  	_ =	shalt  }
0x4a: {  	_ =	shalt  }
0x4b: {  	_ =	shalt  }
0x4c: {  	_ =	shalt  }
0x4d: {  	_ =	shalt  }
0x4e: {  	_ =	shalt  }
0x4f: {  	_ =	shalt  }
0x50: {  	_ =	shalt  }
0x51: {  	_ =	shalt  }
0x52: {  	_ =	shalt  }
0x53: {  	_ =	shalt  }
0x54: {  	_ =	shalt  }
0x55: {  	_ =	shalt  }
0x56: {  	_ =	shalt  }
0x57: {  	_ =	shalt  }
0x58: {  	_ =	shalt  }
0x59: {  	_ =	shalt  }
0x5a: {  	_ =	shalt  }
0x5b: {  	_ =	shalt  }
0x5c: {  	_ =	shalt  }
0x5d: {  	_ =	shalt  }
0x5e: {  	_ =	shalt  }
0x5f: {  	_ =	shalt  }
0x60: {  	_ =	shalt  }
0x61: {  	_ =	shalt  }
0x62: {  	_ =	shalt  }
0x63: {  	_ =	shalt  }
0x64: {  	_ =	shalt  }
0x65: {  	_ =	shalt  }
0x66: {  	_ =	shalt  }
0x67: {  	_ =	shalt  }
0x68: {  	_ =	shalt  }
0x69: {  	_ =	shalt  }
0x6a: {  	_ =	shalt  }
0x6b: {  	_ =	shalt  }
0x6c: {  	_ =	shalt  }
0x6d: {  	_ =	shalt  }
0x6e: {  	_ =	shalt  }
0x6f: {  	_ =	shalt  }
0x70: {  	_ =	shalt  }
0x71: {  	_ =	shalt  }
0x72: {  	_ =	shalt  }
0x73: {  	_ =	shalt  }
0x74: {  	_ =	shalt  }
0x75: {  	_ =	shalt  }
0x76: {  	_ =	shalt  }
0x77: {  	_ =	shalt  }
0x78: {  	_ =	shalt  }
0x79: {  	_ =	shalt  }
0x7a: {  	_ =	shalt  }
0x7b: {  	_ =	shalt  }
0x7c: {  	_ =	shalt  }
0x7d: {  	_ =	shalt  }
0x7e: {  	_ =	shalt  }
0x7f: {  	_ =	shalt  }
0x80: {  	_ =	shalt  }
0x81: {  	_ =	shalt  }
0x82: {  	_ =	shalt  }
0x83: {  	_ =	shalt  }
0x84: {  	_ =	shalt  }
0x85: {  	_ =	shalt  }
0x86: {  	_ =	shalt  }
0x87: {  	_ =	shalt  }
.Lfunc_end0:
.L_simem_size_0:
called_computation.1_lowered:
.L_overlay_start_0:
0x88: {  	s2 =	sld [smem:$0x3FD9]  }
0x89: {  	s3 =	sld [smem:$0x3FFE];
	_ =	sdelay $0x1  }
0x8a: {  	s1 =	srdreg.scid  }
0x8b: {  	s0 =	sand.u32 $0x1, s1  }
0x8c: {  	s17 =	sshll.u32 s0, $0xA;
	s2 =	sadd.s32 s3, s2  }
0x8d: {  	s2 =	sadd.s32 s2, s17  }
0x8e: {  	[smem:$0x3FBD] =	sst s2  }
0x8f: {  	_ = 	snop  }
0x90: {  	s2 =	sld [smem:$0x3FC9]  }
0x91: {  	s18 =	sld [smem:$0x3FD0];
	(tm) =	ssettm $0x1  }
0x92: {  	s4 =	sld [smem:$0x3FFB];
	_ =	sdelay $0x3  }
0x93: {  	_ =	strace s4  }
0x94: {  	s4 =	sld [smem:$0x3FFC];
	_ =	sdelay $0x3  }
0x95: {  	_ =	strace s4  }
0x96: {  	s4 =	sld [smem:$0x3FFD];
	_ =	sdelay $0x3  }
0x97: {  	_ =	strace s4  }
0x98: {  	_ =	strace $0x8FFFFFFF  }
0x99: {  	s19 =	sld [smem:$0x3FDB];
	_ =	sdelay $0x1  }
0x9a: {  	s5 =	simm.s32 $_scs_section_size  }
0x9b: {  	s6 =	simm.s32 $_size__tile_overlayer_lowered;
	s7 =	simm.s32 $_tile_overlayer_lowered  }
0x9c: {  	s22 =	simm.s32 $0x1BFF;
	s21 =	sshll.u32 s7, $0x1;
	s4 =	sadd.s32 s5, s19  }
0x9d: {  	s8 =	simm.s32 $0x0;
	s20 =	sshll.u32 s6, $0x1;
	s6 =	sadd.s32 s21, s4  }
0x9e: {  	[timem:s8], [sflag:s22] =	dma.local [hbm:s6], s20  }
0x9f: {  	_ =	swait.ge [sflag:s22], s20  }
0xa0: {  	s5 =	ssub.s32 $0x0, s20;
	[sflag:s22] =	ssyncset.done $0x0  }
0xa1: {  	[sflag:s22] =	ssyncadd.s32 s5;
	_ =	sdelay $0x1  }
0xa2: {  	s23 =	simm.s32 $0x1B8B  }
0xa3: {  	_ =	swait.ge [sflag:s23], $0x1  }
0xa4: {  	[sflag:s23] =	ssyncset.done $0x0  }
0xa5: {  	s25 =	simm.s32 $0x1B8E;
	s24 =	sld [smem:$0x3FFE];
	[sflag:s23] =	ssyncadd.s32 $0xFFFFFFFF  }
0xa6: {  	s26 =	simm.s32 $execute0_lowered;
	[smem:$0x3FD2] =	sst s25  }
0xa7: {  	s6 =	sshll.u32 s26, $0x1;
	_ =	strace $0x80000049;
	[dreg:$0x1] =	wrdreg $0xFFFFFFFF  }
0xa8: {  	s28 =	simm.s32 $_size_execute0_lowered;
	s4 =	sadd.s32 s4, s6;
	[dreg:$0x0] =	wrdreg $0x0  }
0xa9: {  	s6 =	sshll.u32 s28, $0x1;
	[dreg:$0x2] =	wrdreg s4  }
0xaa: {  	[dreg:$0x3] =	wrdreg s6  }
0xab: {  	[dreg:$0x4] =	wrdreg $0xC0  }
0xac: {  	_ =	task [dreg:s8], $0x5FFFF  }
0xad: {  	[dreg:$0x1] =	wrdreg $0xFFFFFFFF  }
0xae: {  	[dreg:$0x0] =	wrdreg $0x60  }
0xaf: {  	[dreg:$0x2] =	wrdreg s2  }
0xb0: {  	[dreg:$0x3] =	wrdreg s24  }
0xb1: {  	[dreg:$0x4] =	wrdreg s18  }
0xb2: {  	[dreg:$0x5] =	wrdreg $0x9  }
0xb3: {  	_ =	task.clear_ibuf [dreg:s8], $0x6FFFF;
	_ =	strace $0x90000049  }
0xb4: {  	s29 =	simm.s32 $0x9;
	_ =	strace $0x8000004B  }
0xb5: {  	_ =	swait.ge [sflag:s29], $0x1  }
0xb6: {  	[sflag:s29] =	ssyncadd.s32 $0xFFFFFFFF  }
0xb7: {  	_ =	strace $0x9000004B  }
0xb8: {  	_ =	sfence  }
0xb9: {  	s30 =	sld [smem:$0x0];
	_ =	sdelay $0x2  }
0xba: {  	s31 =	sshll.u32 s1, $0xD;
	s1 =	sshrl.u32 s1, $0x2  }
0xbb: {  	s3 =	sand.u32 $0x4000, s31;
	s1 =	sadd.s32 s1, s30  }
0xbc: {  	s0 =	sor.u32 s3, s0;
	s1 =	sshll.u32 s1, $0x11  }
0xbd: {  	s0 =	sor.u32 s1, s0  }
0xbe: {  	s0 =	sadd.s32 $0x8F2B, s0  }
0xbf: {  	[sflag:s0] =	ssyncadd.remote.s32 $0x1  }
0xc0: {  	_ =	sfence.sel $0xFFFF  }
0xc1: {  	[dreg:$0x0] =	wrdreg $0xFFFFFFFF;
	(pc) =	sbr.abs _section_cstart, $3  }
0xc2: {  	[dreg:$0x1] =	wrdreg $0xFFFFFFFF  }
0xc3: {  	_ =	task.clear_ibuf [dreg:s8], $0x2FFFF;
	_ =	strace $0x9FFFFFFF  }
0xc4: {  	(tm) =	ssettm $0x7FFFFFFF  }
0xc5: {  	_ =	shalt  }
tec
execute0_lowered:
.L_overlay_start_1:
0x0: {  	(tag) =	ssettag $0x1  }
0x1: {  	s1 =	rddreg [dreg:$0x0]  }
0x2: {  	s0 =	rddreg [dreg:$0x1]  }
0x3: {  	s2 =	rddreg [dreg:$0x2];
	s3 =	srdreg.scid  }
0x4: {  	s4 =	stileid.u32;
	s8 =	simm.s32 $0x0;
	s9 =	simm.s32 $0x2  }
0x5: {  	s13 =	simm.s32 $0x1A00;
	s14 =	simm.s32 $0x2200;
	s15 =	simm.s32 $0x2A00  }
0x6: {  	s16 =	simm.s32 $0x3200;
	s17 =	simm.s32 $0x3A00;
	s18 =	simm.s32 $0x4200  }
0x7: {  	s19 =	simm.s32 $0x4A00;
	s20 =	simm.s32 $0x5200;
	s21 =	simm.s32 $0x5A00  }
0x8: {  	s22 =	simm.s32 $0x6200;
	s23 =	simm.s32 $0x6A00;
	s24 =	simm.s32 $0x7200  }
0x9: {  	s28 =	simm.s32 $0x8A00;
	s29 =	simm.s32 $0x9200;
	s30 =	simm.s32 $0x9A00  }
0xa: {  	s31 =	simm.s32 $0xA200;
	s3 =	sand.u32 $0x1, s3;
	s4 =	sshll.u32 s4, $0x1  }
0xb: {  	s7 =	simm.s32 $0x1;
	s10 =	simm.s32 $0x0;
	s4 =	sor.u32 s3, s4  }
0xc: {  	[smem:$0x7FF] =	sst s8;
	s3 =	ssub.s32 $0x2, s3;
	s5 =	sshll.u32 s4, $0x6  }
0xd: {  	v0 =	vlaneseq.u32;
	s6 =	sshrl.u32 s3, $0x1;
	s4 =	smul.u32 $0xC0, s4;
	s0 =	sadd.s32 s5, s0  }
0xe: {  	v1 =	vand.u32 $0x7, v0;
	_ =	strace $0x8000004A;
	s3 =	ssub.s32 s3, s6;
	s0 =	sadd.s32 $0x2A00, s0  }
0xf: {  	[tilespmem:$0x1FFD0] =	vst v1;
	v1 =	vshrl.u32 v0, $0x3;
	s5 =	sadd.s32 $0x100, s1;
	s25 =	sadd.s32 s2, s4;
	[dreg:$0x4] =	wrdreg s0  }
0x10: {  	v0 =	vor.u32 $0x8, v0;
	v1 =	vmul.u32 $0x8, v1;
	s6 =	sadd.s32 $0x200, s1;
	s26 =	smax.u32 s3, $0x1;
	[dreg:$0x5] =	wrdreg s25  }
0x11: {  	[tilespmem:$0x1FFF0] =	vst v0;
	s2 =	simm.s32 $0xB200;
	s4 =	simm.s32 $0xBA00;
	[dreg:$0x6] =	wrdreg s26  }
0x12: {  	v2 =	vimm.f32 $0.0e+00;
	vm0 =	vmmov $0xffff;
	[tilespmem:$0x1FFE0] =	vst v1;
	s25 =	simm.s32 $0x7A00;
	s26 =	simm.s32 $0x8200;
	s0 =	simm.s32 $0xAA00  }
.LBB2_1:
0x13: {  	[dreg:$0x7] =	wrdreg s10  }
0x14: {  	s3 =	rddreg [dreg:$0x4]  }
0x15: {  	[tilespmem:s8], [sflag:$0x2] =	stream.linear.gather [hbm4b:s3+s8], $0x200, $0x38;
	[tilespmem:$0xC800] =	vst v63  }
0x16: {  	s12 =	simm.s32 $0x0;
	_ =	swait.ge [sflag:s9], $0x200  }
0x17: {  	s11 =	sand.u32 $0x70, s8;
	s8 =	sand.u32 $0x700, s12;
	[sflag:s9] =	ssyncset.done $0x0  }
0x18: {  	s3 =	sor.u32 s11, s8;
	[sflag:s9] =	ssyncadd.s32 $0xFFFFFE00  }
0x19: {  	[tilespmem:s3+$0xC280] =	vst v2  }
0x1a: {  	s8 =	simm.s32 $0x10;
	s9 =	simm.s32 $0x0;
	[tilespmem:s3+$0xC200] =	vst v2  }
.LBB2_2:
0x1b: {  	p0 =	sne.s32 s8, $0x2F0  }
.Ltmp0:
0x1c: {  	s3 =	sand.u32 $0x70, s8;
	s9 =	sadd.s32 $0x20, s9;
	(pc) =	sbr.rel @p0 .LBB2_2-.Ltmp0, $4  }
0x1d: {  	s8 =	sadd.s32 $0x10, s8;
	s10 =	sand.u32 $0x700, s9  }
0x1e: {  	s10 =	sor.u32 s3, s10  }
0x1f: {  	s3 =	simm.s32 $0x0;
	[tilespmem:s10+$0xC280] =	vst v2  }
0x20: {  	[tilespmem:s10+$0xC200] =	vst v2  }
0x21: {  	s9 =	simm.s32 $0x0  }
.LBB2_4:
0x22: {  	s8 =	sshll.u32 s9, $0x6  }
0x23: {  	s8 =	sand.u32 $0x3FFFFFC0, s8  }
0x24: {  	v0 =	vld [tilespmem:s8+$0x0];
	_ =	sdelay $0x3  }
0x25: {  	v2 =	vld [tilespmem:$0x1FFD0]  }
0x26: {  	v1 =	vshrl.u32 v0, $0x3  }
0x27: {  	v3 =	vld [tilespmem:$0x1FFE0];
	v1 =	vmul.u32 $0x30, v1  }
0x28: {  	v0 =	vand.u32 $0x7, v0  }
0x29: {  	v0 =	vor.u32 v0, v1  }
0x2a: {  	v1 =	vperm.xlane v0, v2  }
0x2b: {  	v4 =	vld [tilespmem:$0x1FFF0]  }
0x2c: {  	v1 =	vadd.s32 v3, v1;
	_ =	sdelay $0x3  }
0x2d: {  	s10 =	simm.s32 $0x200;
	v0 =	vperm.xlane v0, v4  }
0x2e: {  	[tilespmem:s10], [sflag:$0x1] =	stream.indirect_vreg.gather [hbm4b:s1+s3], $0x80, v1, vm0, $0xb8;
	[tilespmem:$0xC800] =	vst v63  }
0x2f: {  	s11 =	simm.s32 $0xA00;
	v0 =	vadd.s32 v3, v0  }
0x30: {  	[tilespmem:s11], [sflag:$0x1] =	stream.indirect_vreg.gather [hbm4b:s5+s3], $0x80, v1, vm0, $0xb8;
	[tilespmem:$0xC800] =	vst v63  }
0x31: {  	s12 =	simm.s32 $0x1200  }
0x32: {  	[tilespmem:s12], [sflag:$0x1] =	stream.indirect_vreg.gather [hbm4b:s6+s3], $0x80, v1, vm0, $0xb8;
	[tilespmem:$0xC800] =	vst v63  }
0x33: {  	_ = 	snop  }
0x34: {  	[tilespmem:s13], [sflag:$0x1] =	stream.indirect_vreg.gather [hbm4b:s1+s3], $0x80, v0, vm0, $0xb8;
	[tilespmem:$0xC800] =	vst v63  }
0x35: {  	_ = 	snop  }
0x36: {  	[tilespmem:s14], [sflag:$0x1] =	stream.indirect_vreg.gather [hbm4b:s5+s3], $0x80, v0, vm0, $0xb8;
	[tilespmem:$0xC800] =	vst v63  }
0x37: {  	_ = 	snop  }
0x38: {  	[tilespmem:s15], [sflag:$0x1] =	stream.indirect_vreg.gather [hbm4b:s6+s3], $0x80, v0, vm0, $0xb8;
	[tilespmem:$0xC800] =	vst v63  }
0x39: {  	v0 =	vld [tilespmem:s8+$0x10];
	_ =	sdelay $0x4  }
0x3a: {  	v1 =	vshrl.u32 v0, $0x3  }
0x3b: {  	v1 =	vmul.u32 $0x30, v1  }
0x3c: {  	v0 =	vand.u32 $0x7, v0  }
0x3d: {  	v0 =	vor.u32 v0, v1  }
0x3e: {  	v1 =	vperm.xlane v0, v2;
	_ =	sdelay $0x1  }
0x3f: {  	v1 =	vadd.s32 v3, v1;
	_ =	sdelay $0x3  }
0x40: {  	v0 =	vperm.xlane v0, v4  }
0x41: {  	[tilespmem:s16], [sflag:$0x1] =	stream.indirect_vreg.gather [hbm4b:s1+s3], $0x80, v1, vm0, $0xb8;
	[tilespmem:$0xC800] =	vst v63  }
0x42: {  	v0 =	vadd.s32 v3, v0  }
0x43: {  	[tilespmem:s17], [sflag:$0x1] =	stream.indirect_vreg.gather [hbm4b:s5+s3], $0x80, v1, vm0, $0xb8;
	[tilespmem:$0xC800] =	vst v63  }
0x44: {  	_ = 	snop  }
0x45: {  	[tilespmem:s18], [sflag:$0x1] =	stream.indirect_vreg.gather [hbm4b:s6+s3], $0x80, v1, vm0, $0xb8;
	[tilespmem:$0xC800] =	vst v63  }
0x46: {  	_ = 	snop  }
0x47: {  	[tilespmem:s19], [sflag:$0x1] =	stream.indirect_vreg.gather [hbm4b:s1+s3], $0x80, v0, vm0, $0xb8;
	[tilespmem:$0xC800] =	vst v63  }
0x48: {  	_ = 	snop  }
0x49: {  	[tilespmem:s20], [sflag:$0x1] =	stream.indirect_vreg.gather [hbm4b:s5+s3], $0x80, v0, vm0, $0xb8;
	[tilespmem:$0xC800] =	vst v63  }
0x4a: {  	_ = 	snop  }
0x4b: {  	[tilespmem:s21], [sflag:$0x1] =	stream.indirect_vreg.gather [hbm4b:s6+s3], $0x80, v0, vm0, $0xb8;
	[tilespmem:$0xC800] =	vst v63  }
0x4c: {  	v0 =	vld [tilespmem:s8+$0x20];
	_ =	sdelay $0x4  }
0x4d: {  	v1 =	vshrl.u32 v0, $0x3  }
0x4e: {  	v1 =	vmul.u32 $0x30, v1  }
0x4f: {  	v0 =	vand.u32 $0x7, v0  }
0x50: {  	v0 =	vor.u32 v0, v1  }
0x51: {  	v1 =	vperm.xlane v0, v2;
	_ =	sdelay $0x1  }
0x52: {  	v1 =	vadd.s32 v3, v1;
	_ =	sdelay $0x3  }
0x53: {  	v0 =	vperm.xlane v0, v4  }
0x54: {  	[tilespmem:s22], [sflag:$0x1] =	stream.indirect_vreg.gather [hbm4b:s1+s3], $0x80, v1, vm0, $0xb8;
	[tilespmem:$0xC800] =	vst v63  }
0x55: {  	v0 =	vadd.s32 v3, v0  }
0x56: {  	[tilespmem:s23], [sflag:$0x1] =	stream.indirect_vreg.gather [hbm4b:s5+s3], $0x80, v1, vm0, $0xb8;
	[tilespmem:$0xC800] =	vst v63  }
0x57: {  	_ = 	snop  }
0x58: {  	[tilespmem:s24], [sflag:$0x1] =	stream.indirect_vreg.gather [hbm4b:s6+s3], $0x80, v1, vm0, $0xb8;
	[tilespmem:$0xC800] =	vst v63  }
0x59: {  	_ = 	snop  }
0x5a: {  	[tilespmem:s25], [sflag:$0x1] =	stream.indirect_vreg.gather [hbm4b:s1+s3], $0x80, v0, vm0, $0xb8;
	[tilespmem:$0xC800] =	vst v63  }
0x5b: {  	_ = 	snop  }
0x5c: {  	[tilespmem:s26], [sflag:$0x1] =	stream.indirect_vreg.gather [hbm4b:s5+s3], $0x80, v0, vm0, $0xb8;
	[tilespmem:$0xC800] =	vst v63  }
0x5d: {  	_ = 	snop  }
0x5e: {  	[tilespmem:s28], [sflag:$0x1] =	stream.indirect_vreg.gather [hbm4b:s6+s3], $0x80, v0, vm0, $0xb8;
	[tilespmem:$0xC800] =	vst v63  }
0x5f: {  	v0 =	vld [tilespmem:s8+$0x30];
	_ =	sdelay $0x4  }
0x60: {  	v1 =	vshrl.u32 v0, $0x3  }
0x61: {  	v1 =	vmul.u32 $0x30, v1  }
0x62: {  	v0 =	vand.u32 $0x7, v0  }
0x63: {  	v0 =	vor.u32 v0, v1  }
0x64: {  	v1 =	vperm.xlane v0, v2;
	_ =	sdelay $0x1  }
0x65: {  	v1 =	vadd.s32 v3, v1;
	_ =	sdelay $0x3  }
0x66: {  	v0 =	vperm.xlane v0, v4  }
0x67: {  	[tilespmem:s29], [sflag:$0x1] =	stream.indirect_vreg.gather [hbm4b:s1+s3], $0x80, v1, vm0, $0xb8;
	[tilespmem:$0xC800] =	vst v63  }
0x68: {  	v0 =	vadd.s32 v3, v0  }
0x69: {  	[tilespmem:s30], [sflag:$0x1] =	stream.indirect_vreg.gather [hbm4b:s5+s3], $0x80, v1, vm0, $0xb8;
	[tilespmem:$0xC800] =	vst v63  }
0x6a: {  	_ = 	snop  }
0x6b: {  	[tilespmem:s31], [sflag:$0x1] =	stream.indirect_vreg.gather [hbm4b:s6+s3], $0x80, v1, vm0, $0xb8;
	[tilespmem:$0xC800] =	vst v63  }
0x6c: {  	_ = 	snop  }
0x6d: {  	[tilespmem:s0], [sflag:$0x1] =	stream.indirect_vreg.gather [hbm4b:s1+s3], $0x80, v0, vm0, $0xb8;
	[tilespmem:$0xC800] =	vst v63  }
0x6e: {  	_ = 	snop  }
0x6f: {  	[tilespmem:s2], [sflag:$0x1] =	stream.indirect_vreg.gather [hbm4b:s5+s3], $0x80, v0, vm0, $0xb8;
	[tilespmem:$0xC800] =	vst v63  }
0x70: {  	_ = 	snop  }
0x71: {  	[tilespmem:s4], [sflag:$0x1] =	stream.indirect_vreg.gather [hbm4b:s6+s3], $0x80, v0, vm0, $0xb8;
	[tilespmem:$0xC800] =	vst v63  }
0x72: {  	_ =	swait.ge [sflag:s7], $0xC000  }
0x73: {  	[sflag:s7] =	ssyncset.done $0x0  }
0x74: {  	[sflag:s7] =	ssyncadd.s32 $0xFFFF4000  }
0x75: {  	v31 =	vld [tilespmem:$0xC5D0];
	_ =	sdelay $0x4  }
0x76: {  	[tilespmem:$0x1FDD0] =	vst v31;
	v31 =	vld [tilespmem:$0xC5E0];
	_ =	sdelay $0x4  }
0x77: {  	[tilespmem:$0x1FDE0] =	vst v31;
	v31 =	vld [tilespmem:$0xC570];
	_ =	sdelay $0x4  }
0x78: {  	[tilespmem:$0x1FDF0] =	vst v31;
	v31 =	vld [tilespmem:$0xC5F0];
	_ =	sdelay $0x4  }
0x79: {  	[tilespmem:$0x1FE00] =	vst v31;
	v31 =	vld [tilespmem:$0xC600];
	_ =	sdelay $0x4  }
0x7a: {  	[tilespmem:$0x1FE10] =	vst v31;
	v31 =	vld [tilespmem:$0xC680];
	_ =	sdelay $0x4  }
0x7b: {  	[tilespmem:$0x1FE20] =	vst v31;
	v31 =	vld [tilespmem:$0xC610];
	_ =	sdelay $0x4  }
0x7c: {  	[tilespmem:$0x1FE30] =	vst v31;
	v31 =	vld [tilespmem:$0xC690];
	_ =	sdelay $0x4  }
0x7d: {  	[tilespmem:$0x1FE40] =	vst v31;
	v31 =	vld [tilespmem:$0xC620];
	_ =	sdelay $0x4  }
0x7e: {  	[tilespmem:$0x1FE50] =	vst v31;
	v31 =	vld [tilespmem:$0xC6A0];
	_ =	sdelay $0x4  }
0x7f: {  	[tilespmem:$0x1FE60] =	vst v31;
	v31 =	vld [tilespmem:$0xC630];
	_ =	sdelay $0x4  }
0x80: {  	[tilespmem:$0x1FE70] =	vst v31;
	v31 =	vld [tilespmem:$0xC6B0];
	_ =	sdelay $0x4  }
0x81: {  	[tilespmem:$0x1FE80] =	vst v31;
	v31 =	vld [tilespmem:$0xC640];
	_ =	sdelay $0x4  }
0x82: {  	[tilespmem:$0x1FE90] =	vst v31;
	v31 =	vld [tilespmem:$0xC6C0];
	_ =	sdelay $0x4  }
0x83: {  	[tilespmem:$0x1FEA0] =	vst v31;
	v31 =	vld [tilespmem:$0xC650];
	_ =	sdelay $0x4  }
0x84: {  	[tilespmem:$0x1FEB0] =	vst v31;
	v31 =	vld [tilespmem:$0xC6D0];
	_ =	sdelay $0x4  }
0x85: {  	[tilespmem:$0x1FEC0] =	vst v31;
	v31 =	vld [tilespmem:$0xC660];
	_ =	sdelay $0x1  }
0x86: {  	v0 =	vld [tilespmem:$0xC200]  }
0x87: {  	v39 =	vld [tilespmem:$0xC290]  }
0x88: {  	v40 =	vld [tilespmem:$0xC220]  }
0x89: {  	[tilespmem:$0x1FED0] =	vst v31;
	v31 =	vld [tilespmem:$0xC6E0]  }
0x8a: {  	v41 =	vld [tilespmem:$0xC2A0]  }
0x8b: {  	v42 =	vld [tilespmem:$0xC230]  }
0x8c: {  	v43 =	vld [tilespmem:$0xC2B0]  }
0x8d: {  	v44 =	vld [tilespmem:$0xC240]  }
0x8e: {  	[tilespmem:$0x1FEE0] =	vst v31;
	v31 =	vld [tilespmem:$0xC670]  }
0x8f: {  	v45 =	vld [tilespmem:$0xC2C0]  }
0x90: {  	v46 =	vld [tilespmem:$0xC250]  }
0x91: {  	v47 =	vld [tilespmem:$0xC2D0]  }
0x92: {  	v48 =	vld [tilespmem:$0xC260]  }
0x93: {  	[tilespmem:$0x1FEF0] =	vst v31;
	v31 =	vld [tilespmem:$0xC6F0]  }
0x94: {  	v49 =	vld [tilespmem:$0xC2E0]  }
0x95: {  	v50 =	vld [tilespmem:$0xC270]  }
0x96: {  	v51 =	vld [tilespmem:$0xC2F0]  }
0x97: {  	v52 =	vld [tilespmem:$0xC300]  }
0x98: {  	[tilespmem:$0x1FF00] =	vst v31;
	v31 =	vld [tilespmem:$0xC700]  }
0x99: {  	v53 =	vld [tilespmem:$0xC380]  }
0x9a: {  	v54 =	vld [tilespmem:$0xC310]  }
0x9b: {  	v55 =	vld [tilespmem:$0xC390]  }
0x9c: {  	v56 =	vld [tilespmem:$0xC320]  }
0x9d: {  	[tilespmem:$0x1FF10] =	vst v31;
	v31 =	vld [tilespmem:$0xC780]  }
0x9e: {  	v57 =	vld [tilespmem:$0xC3A0]  }
0x9f: {  	v58 =	vld [tilespmem:$0xC330]  }
0xa0: {  	v59 =	vld [tilespmem:$0xC3B0]  }
0xa1: {  	v60 =	vld [tilespmem:$0xC340]  }
0xa2: {  	[tilespmem:$0x1FF20] =	vst v31;
	v31 =	vld [tilespmem:$0xC710]  }
0xa3: {  	v61 =	vld [tilespmem:$0xC3C0]  }
0xa4: {  	v62 =	vld [tilespmem:$0xC350]  }
0xa5: {  	v63 =	vld [tilespmem:$0xC3D0]  }
0xa6: {  	v1 =	vld [tilespmem:$0xC360]  }
0xa7: {  	[tilespmem:$0x1FF30] =	vst v31;
	v31 =	vld [tilespmem:$0xC790]  }
0xa8: {  	v3 =	vld [tilespmem:$0xC3E0]  }
0xa9: {  	v2 =	vld [tilespmem:$0xC370]  }
0xaa: {  	v4 =	vld [tilespmem:$0xC400]  }
0xab: {  	v5 =	vld [tilespmem:$0xC480]  }
0xac: {  	[tilespmem:$0x1FF40] =	vst v31;
	v31 =	vld [tilespmem:$0xC720]  }
0xad: {  	v6 =	vld [tilespmem:$0xC410]  }
0xae: {  	v7 =	vld [tilespmem:$0xC490]  }
0xaf: {  	v8 =	vld [tilespmem:$0xC420]  }
0xb0: {  	v9 =	vld [tilespmem:$0xC4A0]  }
0xb1: {  	[tilespmem:$0x1FF50] =	vst v31;
	v31 =	vld [tilespmem:$0xC7A0]  }
0xb2: {  	v10 =	vld [tilespmem:$0xC430]  }
0xb3: {  	v11 =	vld [tilespmem:$0xC4B0]  }
0xb4: {  	v12 =	vld [tilespmem:$0xC440]  }
0xb5: {  	v13 =	vld [tilespmem:$0xC4C0]  }
0xb6: {  	[tilespmem:$0x1FF60] =	vst v31;
	v31 =	vld [tilespmem:$0xC730]  }
0xb7: {  	v14 =	vld [tilespmem:$0xC450]  }
0xb8: {  	v15 =	vld [tilespmem:$0xC4D0]  }
0xb9: {  	v16 =	vld [tilespmem:$0xC460]  }
0xba: {  	v17 =	vld [tilespmem:$0xC4E0]  }
0xbb: {  	[tilespmem:$0x1FF70] =	vst v31;
	v31 =	vld [tilespmem:$0xC7B0]  }
0xbc: {  	v18 =	vld [tilespmem:$0xC470]  }
0xbd: {  	v19 =	vld [tilespmem:$0xC4F0]  }
0xbe: {  	v20 =	vld [tilespmem:$0xC500]  }
0xbf: {  	v21 =	vld [tilespmem:$0xC580]  }
0xc0: {  	[tilespmem:$0x1FF80] =	vst v31;
	v31 =	vld [tilespmem:$0xC740]  }
0xc1: {  	v22 =	vld [tilespmem:$0xC510]  }
0xc2: {  	v23 =	vld [tilespmem:$0xC590]  }
0xc3: {  	v24 =	vld [tilespmem:$0xC520]  }
0xc4: {  	v25 =	vld [tilespmem:$0xC5A0]  }
0xc5: {  	[tilespmem:$0x1FF90] =	vst v31;
	v31 =	vld [tilespmem:$0xC7C0]  }
0xc6: {  	v26 =	vld [tilespmem:$0xC530]  }
0xc7: {  	v27 =	vld [tilespmem:$0xC5B0]  }
0xc8: {  	v28 =	vld [tilespmem:$0xC540]  }
0xc9: {  	[tilespmem:$0x1FDA0] =	vst v0;
	v0 =	vld [tilespmem:$0xC280]  }
0xca: {  	[tilespmem:$0x1FFA0] =	vst v31;
	v31 =	vld [tilespmem:$0xC750]  }
0xcb: {  	v29 =	vld [tilespmem:$0xC5C0]  }
0xcc: {  	v30 =	vld [tilespmem:$0xC550]  }
0xcd: {  	v37 =	vld [tilespmem:$0xC560]  }
0xce: {  	[tilespmem:$0x1FDB0] =	vst v0;
	v0 =	vld [tilespmem:$0xC210]  }
0xcf: {  	[tilespmem:$0x1FFB0] =	vst v31;
	v31 =	vld [tilespmem:$0xC7D0]  }
0xd0: {  	v32 =	vld [tilespmem:$0xC760]  }
0xd1: {  	v33 =	vld [tilespmem:$0xC7E0]  }
0xd2: {  	v34 =	vld [tilespmem:$0xC770]  }
0xd3: {  	v35 =	vld [tilespmem:$0xC7F0];
	[tilespmem:$0x1FDC0] =	vst v0  }
0xd4: {  	s10 =	simm.s32 $0x0;
	s8 =	simm.s32 $0x0;
	v0 =	vld [tilespmem:$0xC3F0];
	[tilespmem:$0x1FFC0] =	vst v31  }
.LBB2_5:
0xd5: {  	[tilespmem:$0x1FD80] =	vst v30;
	v30 =	vmov v29;
	v29 =	vmov v28;
	v28 =	vmov v27  }
0xd6: {  	v27 =	vmovc v26;
	v26 =	vmovc v25;
	v25 =	vmov v24;
	v24 =	vmov v23;
	v23 =	vmov v22  }
0xd7: {  	v22 =	vmovc v21;
	v21 =	vmovc v20;
	v20 =	vmov v19;
	v19 =	vmov v18;
	v18 =	vmov v17  }
0xd8: {  	v17 =	vmovc v16;
	v16 =	vmovc v15;
	v15 =	vmov v14;
	v14 =	vmov v13;
	v13 =	vmov v12  }
0xd9: {  	v12 =	vmovc v11;
	v11 =	vmovc v10;
	v10 =	vmov v9;
	v9 =	vmov v8;
	v8 =	vmov v7  }
0xda: {  	v7 =	vmovc v6;
	v6 =	vmovc v5;
	v5 =	vmov v4;
	v4 =	vmov v0;
	v0 =	vmov v2  }
0xdb: {  	s11 =	sshrl.u32 s10, $0x3;
	v2 =	vmovc v3;
	v3 =	vmovc v1;
	v1 =	vmov v63;
	v63 =	vmov v62;
	v62 =	vmov v61  }
0xdc: {  	v61 =	vmovc v60;
	v60 =	vmovc v59;
	v59 =	vmov v58;
	v58 =	vmov v57;
	v57 =	vmov v56;
	s11 =	smul.u32 $0x6000, s11  }
0xdd: {  	v56 =	vmovc v55;
	v55 =	vmovc v54;
	v54 =	vmov v53;
	v53 =	vmov v52;
	v52 =	vmov v51  }
0xde: {  	s12 =	sand.u32 $0x380, s8;
	v51 =	vmovc v50;
	v50 =	vmovc v49;
	v49 =	vmov v48;
	v48 =	vmov v47;
	v47 =	vmov v46;
	s11 =	sshra.s32 s11, $0x2  }
0xdf: {  	v46 =	vmovc v45;
	v45 =	vmovc v44;
	v44 =	vmov v43;
	v43 =	vmov v42;
	v42 =	vmov v41;
	v41 =	vld [tilespmem:$0x1FDA0];
	s11 =	sor.u32 s12, s11  }
0xe0: {  	v36 =	vld [tilespmem:s11+$0x200];
	_ =	sdelay $0x4  }
0xe1: {  	[tilespmem:$0x1FD90] =	vst v37;
	v37 =	vadd.f32 v41, v36;
	_ =	sdelay $0x1  }
0xe2: {  	[tilespmem:$0x1FDA0] =	vst v37  }
0xe3: {  	[tilespmem:$0xC200] =	vst v37;
	v37 =	vld [tilespmem:$0x1FDB0];
	_ =	sdelay $0x3  }
0xe4: {  	v36 =	vand.u32 $0x7FFFFFFF, v36  }
0xe5: {  	v37 =	vmax.f32 v37, v36  }
0xe6: {  	v31 =	vld [tilespmem:$0x1FDC0];
	[tilespmem:$0xC280] =	vst v37  }
0xe7: {  	v36 =	vld [tilespmem:s11+$0x210];
	_ =	sdelay $0x4  }
0xe8: {  	v31 =	vadd.f32 v31, v36  }
0xe9: {  	v36 =	vand.u32 $0x7FFFFFFF, v36  }
0xea: {  	v39 =	vmax.f32 v39, v36;
	[tilespmem:$0xC210] =	vst v31  }
0xeb: {  	[tilespmem:$0xC290] =	vst v39  }
0xec: {  	v36 =	vld [tilespmem:s11+$0x220];
	_ =	sdelay $0x4  }
0xed: {  	v40 =	vadd.f32 v40, v36  }
0xee: {  	v41 =	vmov v42;
	v36 =	vand.u32 $0x7FFFFFFF, v36  }
0xef: {  	v41 =	vmax.f32 v41, v36;
	[tilespmem:$0xC220] =	vst v40  }
0xf0: {  	[tilespmem:$0xC2A0] =	vst v41  }
0xf1: {  	v36 =	vld [tilespmem:s11+$0x230];
	_ =	sdelay $0x3  }
0xf2: {  	v42 =	vmov v43  }
0xf3: {  	v42 =	vadd.f32 v42, v36  }
0xf4: {  	v43 =	vmov v44;
	v36 =	vand.u32 $0x7FFFFFFF, v36  }
0xf5: {  	v43 =	vmax.f32 v43, v36;
	[tilespmem:$0xC230] =	vst v42  }
0xf6: {  	[tilespmem:$0xC2B0] =	vst v43  }
0xf7: {  	v36 =	vld [tilespmem:s11+$0x240];
	_ =	sdelay $0x3  }
0xf8: {  	v44 =	vmov v45  }
0xf9: {  	v44 =	vadd.f32 v44, v36  }
0xfa: {  	v45 =	vmov v46;
	v36 =	vand.u32 $0x7FFFFFFF, v36  }
0xfb: {  	v45 =	vmax.f32 v45, v36;
	[tilespmem:$0xC240] =	vst v44  }
0xfc: {  	[tilespmem:$0xC2C0] =	vst v45  }
0xfd: {  	v36 =	vld [tilespmem:s11+$0x250];
	_ =	sdelay $0x3  }
0xfe: {  	v46 =	vmov v47  }
0xff: {  	v46 =	vadd.f32 v46, v36  }
0x100: {  	v47 =	vmov v48;
	v36 =	vand.u32 $0x7FFFFFFF, v36  }
0x101: {  	v47 =	vmax.f32 v47, v36;
	[tilespmem:$0xC250] =	vst v46  }
0x102: {  	[tilespmem:$0xC2D0] =	vst v47  }
0x103: {  	v36 =	vld [tilespmem:s11+$0x260];
	_ =	sdelay $0x3  }
0x104: {  	v48 =	vmov v49  }
0x105: {  	v48 =	vadd.f32 v48, v36  }
0x106: {  	v49 =	vmov v50;
	v36 =	vand.u32 $0x7FFFFFFF, v36  }
0x107: {  	v49 =	vmax.f32 v49, v36;
	[tilespmem:$0xC260] =	vst v48  }
0x108: {  	[tilespmem:$0xC2E0] =	vst v49  }
0x109: {  	v36 =	vld [tilespmem:s11+$0x270];
	_ =	sdelay $0x3  }
0x10a: {  	v50 =	vmov v51  }
0x10b: {  	v50 =	vadd.f32 v50, v36  }
0x10c: {  	v51 =	vmov v52;
	v36 =	vand.u32 $0x7FFFFFFF, v36  }
0x10d: {  	v51 =	vmax.f32 v51, v36;
	[tilespmem:$0xC270] =	vst v50  }
0x10e: {  	[tilespmem:$0xC2F0] =	vst v51  }
0x10f: {  	v36 =	vld [tilespmem:s11+$0x600];
	_ =	sdelay $0x3  }
0x110: {  	v52 =	vmov v53  }
0x111: {  	v52 =	vadd.f32 v52, v36  }
0x112: {  	v53 =	vmov v54;
	v36 =	vand.u32 $0x7FFFFFFF, v36  }
0x113: {  	v53 =	vmax.f32 v53, v36;
	[tilespmem:$0xC300] =	vst v52  }
0x114: {  	[tilespmem:$0xC380] =	vst v53  }
0x115: {  	v36 =	vld [tilespmem:s11+$0x610];
	_ =	sdelay $0x3  }
0x116: {  	v54 =	vmov v55  }
0x117: {  	v54 =	vadd.f32 v54, v36  }
0x118: {  	v55 =	vmov v56;
	v36 =	vand.u32 $0x7FFFFFFF, v36  }
0x119: {  	v55 =	vmax.f32 v55, v36;
	[tilespmem:$0xC310] =	vst v54  }
0x11a: {  	[tilespmem:$0xC390] =	vst v55  }
0x11b: {  	v36 =	vld [tilespmem:s11+$0x620];
	_ =	sdelay $0x3  }
0x11c: {  	v56 =	vmov v57  }
0x11d: {  	v56 =	vadd.f32 v56, v36  }
0x11e: {  	v57 =	vmov v58;
	v36 =	vand.u32 $0x7FFFFFFF, v36  }
0x11f: {  	v57 =	vmax.f32 v57, v36;
	[tilespmem:$0xC320] =	vst v56  }
0x120: {  	[tilespmem:$0xC3A0] =	vst v57  }
0x121: {  	v36 =	vld [tilespmem:s11+$0x630];
	_ =	sdelay $0x3  }
0x122: {  	v58 =	vmov v59  }
0x123: {  	v58 =	vadd.f32 v58, v36  }
0x124: {  	v59 =	vmov v60;
	v36 =	vand.u32 $0x7FFFFFFF, v36  }
0x125: {  	v59 =	vmax.f32 v59, v36;
	[tilespmem:$0xC330] =	vst v58  }
0x126: {  	[tilespmem:$0xC3B0] =	vst v59  }
0x127: {  	v36 =	vld [tilespmem:s11+$0x640];
	_ =	sdelay $0x3  }
0x128: {  	v60 =	vmov v61  }
0x129: {  	v60 =	vadd.f32 v60, v36  }
0x12a: {  	v61 =	vmov v62;
	v36 =	vand.u32 $0x7FFFFFFF, v36  }
0x12b: {  	v61 =	vmax.f32 v61, v36;
	[tilespmem:$0xC340] =	vst v60  }
0x12c: {  	[tilespmem:$0xC3C0] =	vst v61  }
0x12d: {  	v36 =	vld [tilespmem:s11+$0x650];
	_ =	sdelay $0x3  }
0x12e: {  	v62 =	vmov v63  }
0x12f: {  	v62 =	vadd.f32 v62, v36  }
0x130: {  	v63 =	vmov v1;
	v36 =	vand.u32 $0x7FFFFFFF, v36  }
0x131: {  	v63 =	vmax.f32 v63, v36;
	[tilespmem:$0xC350] =	vst v62  }
0x132: {  	[tilespmem:$0xC3D0] =	vst v63  }
0x133: {  	v36 =	vld [tilespmem:s11+$0x660];
	_ =	sdelay $0x3  }
0x134: {  	v1 =	vmov v3  }
0x135: {  	v1 =	vadd.f32 v1, v36  }
0x136: {  	v3 =	vmov v2;
	v36 =	vand.u32 $0x7FFFFFFF, v36  }
0x137: {  	v3 =	vmax.f32 v3, v36;
	[tilespmem:$0xC360] =	vst v1  }
0x138: {  	[tilespmem:$0xC3E0] =	vst v3  }
0x139: {  	v36 =	vld [tilespmem:s11+$0x670];
	_ =	sdelay $0x3  }
0x13a: {  	v2 =	vmov v0  }
0x13b: {  	v2 =	vadd.f32 v2, v36  }
0x13c: {  	v0 =	vmov v4;
	v36 =	vand.u32 $0x7FFFFFFF, v36  }
0x13d: {  	v0 =	vmax.f32 v0, v36;
	[tilespmem:$0xC370] =	vst v2  }
0x13e: {  	[tilespmem:$0xC3F0] =	vst v0  }
0x13f: {  	v36 =	vld [tilespmem:s11+$0xA00];
	_ =	sdelay $0x3  }
0x140: {  	v4 =	vmov v5  }
0x141: {  	v4 =	vadd.f32 v4, v36  }
0x142: {  	v5 =	vmov v6;
	v36 =	vand.u32 $0x7FFFFFFF, v36  }
0x143: {  	v5 =	vmax.f32 v5, v36;
	[tilespmem:$0xC400] =	vst v4  }
0x144: {  	[tilespmem:$0xC480] =	vst v5  }
0x145: {  	v36 =	vld [tilespmem:s11+$0xA10];
	_ =	sdelay $0x3  }
0x146: {  	v6 =	vmov v7  }
0x147: {  	v6 =	vadd.f32 v6, v36  }
0x148: {  	v7 =	vmov v8;
	v36 =	vand.u32 $0x7FFFFFFF, v36  }
0x149: {  	v7 =	vmax.f32 v7, v36;
	[tilespmem:$0xC410] =	vst v6  }
0x14a: {  	[tilespmem:$0xC490] =	vst v7  }
0x14b: {  	v36 =	vld [tilespmem:s11+$0xA20];
	_ =	sdelay $0x3  }
0x14c: {  	v8 =	vmov v9  }
0x14d: {  	v8 =	vadd.f32 v8, v36  }
0x14e: {  	v9 =	vmov v10;
	v36 =	vand.u32 $0x7FFFFFFF, v36  }
0x14f: {  	v9 =	vmax.f32 v9, v36;
	[tilespmem:$0xC420] =	vst v8  }
0x150: {  	[tilespmem:$0xC4A0] =	vst v9  }
0x151: {  	v36 =	vld [tilespmem:s11+$0xA30];
	_ =	sdelay $0x3  }
0x152: {  	v10 =	vmov v11  }
0x153: {  	v10 =	vadd.f32 v10, v36  }
0x154: {  	v11 =	vmov v12;
	v36 =	vand.u32 $0x7FFFFFFF, v36  }
0x155: {  	v11 =	vmax.f32 v11, v36;
	[tilespmem:$0xC430] =	vst v10  }
0x156: {  	[tilespmem:$0xC4B0] =	vst v11  }
0x157: {  	v36 =	vld [tilespmem:s11+$0xA40];
	_ =	sdelay $0x3  }
0x158: {  	v12 =	vmov v13  }
0x159: {  	v12 =	vadd.f32 v12, v36  }
0x15a: {  	v13 =	vmov v14;
	v36 =	vand.u32 $0x7FFFFFFF, v36  }
0x15b: {  	v13 =	vmax.f32 v13, v36;
	[tilespmem:$0xC440] =	vst v12  }
0x15c: {  	[tilespmem:$0xC4C0] =	vst v13  }
0x15d: {  	v36 =	vld [tilespmem:s11+$0xA50];
	_ =	sdelay $0x3  }
0x15e: {  	v14 =	vmov v15  }
0x15f: {  	v14 =	vadd.f32 v14, v36  }
0x160: {  	v15 =	vmov v16;
	v36 =	vand.u32 $0x7FFFFFFF, v36  }
0x161: {  	v15 =	vmax.f32 v15, v36;
	[tilespmem:$0xC450] =	vst v14  }
0x162: {  	[tilespmem:$0xC4D0] =	vst v15  }
0x163: {  	v36 =	vld [tilespmem:s11+$0xA60];
	_ =	sdelay $0x3  }
0x164: {  	v16 =	vmov v17  }
0x165: {  	v16 =	vadd.f32 v16, v36  }
0x166: {  	v17 =	vmov v18;
	v36 =	vand.u32 $0x7FFFFFFF, v36  }
0x167: {  	v17 =	vmax.f32 v17, v36;
	[tilespmem:$0xC460] =	vst v16  }
0x168: {  	[tilespmem:$0xC4E0] =	vst v17  }
0x169: {  	v36 =	vld [tilespmem:s11+$0xA70];
	_ =	sdelay $0x3  }
0x16a: {  	v18 =	vmov v19  }
0x16b: {  	v18 =	vadd.f32 v18, v36  }
0x16c: {  	v19 =	vmov v20;
	v36 =	vand.u32 $0x7FFFFFFF, v36  }
0x16d: {  	v19 =	vmax.f32 v19, v36;
	[tilespmem:$0xC470] =	vst v18  }
0x16e: {  	[tilespmem:$0xC4F0] =	vst v19  }
0x16f: {  	v36 =	vld [tilespmem:s11+$0xE00];
	_ =	sdelay $0x3  }
0x170: {  	v20 =	vmov v21  }
0x171: {  	v20 =	vadd.f32 v20, v36  }
0x172: {  	v21 =	vmov v22;
	v36 =	vand.u32 $0x7FFFFFFF, v36  }
0x173: {  	v21 =	vmax.f32 v21, v36;
	[tilespmem:$0xC500] =	vst v20  }
0x174: {  	[tilespmem:$0xC580] =	vst v21  }
0x175: {  	v36 =	vld [tilespmem:s11+$0xE10];
	_ =	sdelay $0x3  }
0x176: {  	v22 =	vmov v23  }
0x177: {  	v22 =	vadd.f32 v22, v36  }
0x178: {  	v23 =	vmov v24;
	v36 =	vand.u32 $0x7FFFFFFF, v36  }
0x179: {  	v23 =	vmax.f32 v23, v36;
	[tilespmem:$0xC510] =	vst v22  }
0x17a: {  	[tilespmem:$0xC590] =	vst v23  }
0x17b: {  	v36 =	vld [tilespmem:s11+$0xE20];
	_ =	sdelay $0x3  }
0x17c: {  	v24 =	vmov v25  }
0x17d: {  	v24 =	vadd.f32 v24, v36  }
0x17e: {  	v25 =	vmov v26;
	v36 =	vand.u32 $0x7FFFFFFF, v36  }
0x17f: {  	v25 =	vmax.f32 v25, v36;
	[tilespmem:$0xC520] =	vst v24  }
0x180: {  	[tilespmem:$0xC5A0] =	vst v25  }
0x181: {  	v36 =	vld [tilespmem:s11+$0xE30];
	_ =	sdelay $0x3  }
0x182: {  	v26 =	vmov v27  }
0x183: {  	v26 =	vadd.f32 v26, v36  }
0x184: {  	v27 =	vmov v28;
	v36 =	vand.u32 $0x7FFFFFFF, v36  }
0x185: {  	v27 =	vmax.f32 v27, v36;
	[tilespmem:$0xC530] =	vst v26  }
0x186: {  	[tilespmem:$0xC5B0] =	vst v27  }
0x187: {  	v36 =	vld [tilespmem:s11+$0xE40];
	_ =	sdelay $0x3  }
0x188: {  	v28 =	vmov v29  }
0x189: {  	v28 =	vadd.f32 v28, v36  }
0x18a: {  	v29 =	vmov v30;
	v36 =	vand.u32 $0x7FFFFFFF, v36  }
0x18b: {  	v29 =	vmax.f32 v29, v36;
	[tilespmem:$0xC540] =	vst v28  }
0x18c: {  	v30 =	vld [tilespmem:$0x1FD80];
	[tilespmem:$0xC5C0] =	vst v29  }
0x18d: {  	v36 =	vld [tilespmem:s11+$0xE50];
	_ =	sdelay $0x1  }
0x18e: {  	[tilespmem:$0x1FDC0] =	vst v31;
	v31 =	vld [tilespmem:$0x1FDD0];
	_ =	sdelay $0x2  }
0x18f: {  	v30 =	vadd.f32 v30, v36  }
0x190: {  	[tilespmem:$0x1FDB0] =	vst v37;
	v36 =	vand.u32 $0x7FFFFFFF, v36  }
0x191: {  	v31 =	vmax.f32 v31, v36;
	[tilespmem:$0xC550] =	vst v30  }
0x192: {  	v37 =	vld [tilespmem:$0x1FD90];
	[tilespmem:$0xC5D0] =	vst v31  }
0x193: {  	v36 =	vld [tilespmem:s11+$0xE60];
	_ =	sdelay $0x1  }
0x194: {  	[tilespmem:$0x1FDD0] =	vst v31;
	v31 =	vld [tilespmem:$0x1FDE0];
	_ =	sdelay $0x2  }
0x195: {  	v37 =	vadd.f32 v37, v36  }
0x196: {  	v36 =	vand.u32 $0x7FFFFFFF, v36  }
0x197: {  	v31 =	vmax.f32 v31, v36;
	[tilespmem:$0xC560] =	vst v37  }
0x198: {  	[tilespmem:$0x1FDE0] =	vst v31  }
0x199: {  	[tilespmem:$0xC5E0] =	vst v31;
	v31 =	vld [tilespmem:$0x1FDF0]  }
0x19a: {  	v36 =	vld [tilespmem:s11+$0xE70];
	_ =	sdelay $0x4  }
0x19b: {  	v31 =	vadd.f32 v31, v36;
	_ =	sdelay $0x1  }
0x19c: {  	[tilespmem:$0x1FDF0] =	vst v31  }
0x19d: {  	[tilespmem:$0xC570] =	vst v31;
	v31 =	vld [tilespmem:$0x1FE00];
	_ =	sdelay $0x3  }
0x19e: {  	v36 =	vand.u32 $0x7FFFFFFF, v36  }
0x19f: {  	v31 =	vmax.f32 v31, v36  }
0x1a0: {  	[tilespmem:$0x1FE00] =	vst v31  }
0x1a1: {  	[tilespmem:$0xC5F0] =	vst v31;
	v31 =	vld [tilespmem:$0x1FE10]  }
0x1a2: {  	v36 =	vld [tilespmem:s11+$0x1200];
	_ =	sdelay $0x4  }
0x1a3: {  	v31 =	vadd.f32 v31, v36;
	_ =	sdelay $0x1  }
0x1a4: {  	[tilespmem:$0x1FE10] =	vst v31  }
0x1a5: {  	[tilespmem:$0xC600] =	vst v31;
	v31 =	vld [tilespmem:$0x1FE20];
	_ =	sdelay $0x3  }
0x1a6: {  	v36 =	vand.u32 $0x7FFFFFFF, v36  }
0x1a7: {  	v31 =	vmax.f32 v31, v36  }
0x1a8: {  	[tilespmem:$0x1FE20] =	vst v31  }
0x1a9: {  	[tilespmem:$0xC680] =	vst v31;
	v31 =	vld [tilespmem:$0x1FE30]  }
0x1aa: {  	v36 =	vld [tilespmem:s11+$0x1210];
	_ =	sdelay $0x4  }
0x1ab: {  	v31 =	vadd.f32 v31, v36;
	_ =	sdelay $0x1  }
0x1ac: {  	[tilespmem:$0x1FE30] =	vst v31  }
0x1ad: {  	[tilespmem:$0xC610] =	vst v31;
	v31 =	vld [tilespmem:$0x1FE40];
	_ =	sdelay $0x3  }
0x1ae: {  	v36 =	vand.u32 $0x7FFFFFFF, v36  }
0x1af: {  	v31 =	vmax.f32 v31, v36  }
0x1b0: {  	[tilespmem:$0x1FE40] =	vst v31  }
0x1b1: {  	[tilespmem:$0xC690] =	vst v31;
	v31 =	vld [tilespmem:$0x1FE50]  }
0x1b2: {  	v36 =	vld [tilespmem:s11+$0x1220];
	_ =	sdelay $0x4  }
0x1b3: {  	v31 =	vadd.f32 v31, v36;
	_ =	sdelay $0x1  }
0x1b4: {  	[tilespmem:$0x1FE50] =	vst v31  }
0x1b5: {  	[tilespmem:$0xC620] =	vst v31;
	v31 =	vld [tilespmem:$0x1FE60];
	_ =	sdelay $0x3  }
0x1b6: {  	v36 =	vand.u32 $0x7FFFFFFF, v36  }
0x1b7: {  	v31 =	vmax.f32 v31, v36  }
0x1b8: {  	[tilespmem:$0x1FE60] =	vst v31  }
0x1b9: {  	[tilespmem:$0xC6A0] =	vst v31;
	v31 =	vld [tilespmem:$0x1FE70]  }
0x1ba: {  	v36 =	vld [tilespmem:s11+$0x1230];
	_ =	sdelay $0x4  }
0x1bb: {  	v31 =	vadd.f32 v31, v36;
	_ =	sdelay $0x1  }
0x1bc: {  	[tilespmem:$0x1FE70] =	vst v31  }
0x1bd: {  	[tilespmem:$0xC630] =	vst v31;
	v31 =	vld [tilespmem:$0x1FE80];
	_ =	sdelay $0x3  }
0x1be: {  	v36 =	vand.u32 $0x7FFFFFFF, v36  }
0x1bf: {  	v31 =	vmax.f32 v31, v36  }
0x1c0: {  	[tilespmem:$0x1FE80] =	vst v31  }
0x1c1: {  	[tilespmem:$0xC6B0] =	vst v31;
	v31 =	vld [tilespmem:$0x1FE90]  }
0x1c2: {  	v36 =	vld [tilespmem:s11+$0x1240];
	_ =	sdelay $0x4  }
0x1c3: {  	v31 =	vadd.f32 v31, v36;
	_ =	sdelay $0x1  }
0x1c4: {  	[tilespmem:$0x1FE90] =	vst v31  }
0x1c5: {  	[tilespmem:$0xC640] =	vst v31;
	v31 =	vld [tilespmem:$0x1FEA0];
	_ =	sdelay $0x3  }
0x1c6: {  	v36 =	vand.u32 $0x7FFFFFFF, v36  }
0x1c7: {  	v31 =	vmax.f32 v31, v36  }
0x1c8: {  	[tilespmem:$0x1FEA0] =	vst v31  }
0x1c9: {  	[tilespmem:$0xC6C0] =	vst v31;
	v31 =	vld [tilespmem:$0x1FEB0]  }
0x1ca: {  	v36 =	vld [tilespmem:s11+$0x1250];
	_ =	sdelay $0x4  }
0x1cb: {  	v31 =	vadd.f32 v31, v36;
	_ =	sdelay $0x1  }
0x1cc: {  	[tilespmem:$0x1FEB0] =	vst v31  }
0x1cd: {  	[tilespmem:$0xC650] =	vst v31;
	v31 =	vld [tilespmem:$0x1FEC0];
	_ =	sdelay $0x3  }
0x1ce: {  	v36 =	vand.u32 $0x7FFFFFFF, v36  }
0x1cf: {  	v31 =	vmax.f32 v31, v36  }
0x1d0: {  	[tilespmem:$0x1FEC0] =	vst v31  }
0x1d1: {  	[tilespmem:$0xC6D0] =	vst v31;
	v31 =	vld [tilespmem:$0x1FED0]  }
0x1d2: {  	v36 =	vld [tilespmem:s11+$0x1260];
	_ =	sdelay $0x4  }
0x1d3: {  	v31 =	vadd.f32 v31, v36;
	_ =	sdelay $0x1  }
0x1d4: {  	[tilespmem:$0x1FED0] =	vst v31  }
0x1d5: {  	[tilespmem:$0xC660] =	vst v31;
	v31 =	vld [tilespmem:$0x1FEE0];
	_ =	sdelay $0x3  }
0x1d6: {  	v36 =	vand.u32 $0x7FFFFFFF, v36  }
0x1d7: {  	v31 =	vmax.f32 v31, v36  }
0x1d8: {  	[tilespmem:$0x1FEE0] =	vst v31  }
0x1d9: {  	[tilespmem:$0xC6E0] =	vst v31;
	v31 =	vld [tilespmem:$0x1FEF0]  }
0x1da: {  	v36 =	vld [tilespmem:s11+$0x1270];
	_ =	sdelay $0x4  }
0x1db: {  	v31 =	vadd.f32 v31, v36;
	_ =	sdelay $0x1  }
0x1dc: {  	[tilespmem:$0x1FEF0] =	vst v31  }
0x1dd: {  	[tilespmem:$0xC670] =	vst v31;
	v31 =	vld [tilespmem:$0x1FF00];
	_ =	sdelay $0x3  }
0x1de: {  	v36 =	vand.u32 $0x7FFFFFFF, v36  }
0x1df: {  	v31 =	vmax.f32 v31, v36  }
0x1e0: {  	[tilespmem:$0x1FF00] =	vst v31  }
0x1e1: {  	[tilespmem:$0xC6F0] =	vst v31;
	v31 =	vld [tilespmem:$0x1FF10]  }
0x1e2: {  	v36 =	vld [tilespmem:s11+$0x1600];
	_ =	sdelay $0x4  }
0x1e3: {  	v31 =	vadd.f32 v31, v36;
	_ =	sdelay $0x1  }
0x1e4: {  	[tilespmem:$0x1FF10] =	vst v31  }
0x1e5: {  	[tilespmem:$0xC700] =	vst v31;
	v31 =	vld [tilespmem:$0x1FF20];
	_ =	sdelay $0x3  }
0x1e6: {  	v36 =	vand.u32 $0x7FFFFFFF, v36  }
0x1e7: {  	v31 =	vmax.f32 v31, v36  }
0x1e8: {  	[tilespmem:$0x1FF20] =	vst v31  }
0x1e9: {  	[tilespmem:$0xC780] =	vst v31;
	v31 =	vld [tilespmem:$0x1FF30]  }
0x1ea: {  	v36 =	vld [tilespmem:s11+$0x1610];
	_ =	sdelay $0x4  }
0x1eb: {  	v31 =	vadd.f32 v31, v36;
	_ =	sdelay $0x1  }
0x1ec: {  	[tilespmem:$0x1FF30] =	vst v31  }
0x1ed: {  	[tilespmem:$0xC710] =	vst v31;
	v31 =	vld [tilespmem:$0x1FF40];
	_ =	sdelay $0x3  }
0x1ee: {  	v36 =	vand.u32 $0x7FFFFFFF, v36  }
0x1ef: {  	v31 =	vmax.f32 v31, v36  }
0x1f0: {  	[tilespmem:$0x1FF40] =	vst v31  }
0x1f1: {  	[tilespmem:$0xC790] =	vst v31;
	v31 =	vld [tilespmem:$0x1FF50]  }
0x1f2: {  	v36 =	vld [tilespmem:s11+$0x1620];
	_ =	sdelay $0x4  }
0x1f3: {  	v31 =	vadd.f32 v31, v36;
	_ =	sdelay $0x1  }
0x1f4: {  	[tilespmem:$0x1FF50] =	vst v31  }
0x1f5: {  	[tilespmem:$0xC720] =	vst v31;
	v31 =	vld [tilespmem:$0x1FF60];
	_ =	sdelay $0x3  }
0x1f6: {  	v36 =	vand.u32 $0x7FFFFFFF, v36  }
0x1f7: {  	v31 =	vmax.f32 v31, v36  }
0x1f8: {  	[tilespmem:$0x1FF60] =	vst v31  }
0x1f9: {  	[tilespmem:$0xC7A0] =	vst v31;
	v31 =	vld [tilespmem:$0x1FF70]  }
0x1fa: {  	v36 =	vld [tilespmem:s11+$0x1630];
	_ =	sdelay $0x4  }
0x1fb: {  	v31 =	vadd.f32 v31, v36;
	_ =	sdelay $0x1  }
0x1fc: {  	[tilespmem:$0x1FF70] =	vst v31  }
0x1fd: {  	[tilespmem:$0xC730] =	vst v31;
	v31 =	vld [tilespmem:$0x1FF80];
	_ =	sdelay $0x3  }
0x1fe: {  	v36 =	vand.u32 $0x7FFFFFFF, v36  }
0x1ff: {  	v31 =	vmax.f32 v31, v36  }
0x200: {  	[tilespmem:$0x1FF80] =	vst v31  }
0x201: {  	[tilespmem:$0xC7B0] =	vst v31;
	v31 =	vld [tilespmem:$0x1FF90]  }
0x202: {  	v36 =	vld [tilespmem:s11+$0x1640];
	_ =	sdelay $0x4  }
0x203: {  	v31 =	vadd.f32 v31, v36;
	_ =	sdelay $0x1  }
0x204: {  	[tilespmem:$0x1FF90] =	vst v31  }
0x205: {  	[tilespmem:$0xC740] =	vst v31;
	v31 =	vld [tilespmem:$0x1FFA0];
	_ =	sdelay $0x3  }
0x206: {  	v36 =	vand.u32 $0x7FFFFFFF, v36  }
0x207: {  	v31 =	vmax.f32 v31, v36  }
0x208: {  	[tilespmem:$0x1FFA0] =	vst v31  }
0x209: {  	[tilespmem:$0xC7C0] =	vst v31;
	v31 =	vld [tilespmem:$0x1FFB0]  }
0x20a: {  	v36 =	vld [tilespmem:s11+$0x1650];
	_ =	sdelay $0x1  }
0x20b: {  	v38 =	vmovc v35;
	v35 =	vmov v34;
	v34 =	vmov v33;
	v33 =	vmov v32;
	v32 =	vld [tilespmem:$0x1FFC0];
	_ =	sdelay $0x2  }
0x20c: {  	v31 =	vadd.f32 v31, v36  }
0x20d: {  	v36 =	vand.u32 $0x7FFFFFFF, v36  }
0x20e: {  	v32 =	vmax.f32 v32, v36;
	[tilespmem:$0xC750] =	vst v31  }
0x20f: {  	[tilespmem:$0xC7D0] =	vst v32  }
0x210: {  	v36 =	vld [tilespmem:s11+$0x1660];
	_ =	sdelay $0x4  }
0x211: {  	v33 =	vadd.f32 v33, v36  }
0x212: {  	v36 =	vand.u32 $0x7FFFFFFF, v36  }
0x213: {  	v34 =	vmax.f32 v34, v36;
	[tilespmem:$0xC760] =	vst v33  }
0x214: {  	[tilespmem:$0xC7E0] =	vst v34  }
0x215: {  	v36 =	vld [tilespmem:s11+$0x1670];
	_ =	sdelay $0x3  }
0x216: {  	p0 =	sne.s32 s10, $0x3F  }
.Ltmp1:
0x217: {  	v35 =	vadd.f32 v35, v36;
	(pc) =	sbr.rel @p0 .LBB2_5-.Ltmp1, $4  }
0x218: {  	[tilespmem:$0x1FFB0] =	vst v31  }
0x219: {  	[tilespmem:$0x1FFC0] =	vst v32;
	v36 =	vand.u32 $0x7FFFFFFF, v36  }
0x21a: {  	v38 =	vmax.f32 v38, v36;
	[tilespmem:$0xC770] =	vst v35  }
0x21b: {  	s8 =	sadd.s32 $0x80, s8;
	s10 =	sadd.s32 $0x1, s10;
	v32 =	vmovc v33;
	v33 =	vmov v34;
	v34 =	vmov v35;
	[tilespmem:$0xC7F0] =	vst v38;
	v35 =	vmov v38  }
0x21c: {  	s9 =	sadd.s32 $0x1, s9  }
0x21d: {  	p0 =	sne.s32 s9, $0x8  }
.Ltmp2:
0x21e: {  	_ = 	snop;
	(pc) =	sbr.rel @p0 .LBB2_4-.Ltmp2, $1  }
0x21f: {  	_ =	sdelay $0x3  }
0x220: {  	s8 =	simm.s32 $0x0;
	s3 =	rddreg [dreg:$0x5];
	s9 =	simm.s32 $0xC200  }
0x221: {  	[hbm4b:s3+s8] =	stream.linear.scatter [tilespmem:s9], [sflag:$0x2], $0x600, $0x38;
	[tilespmem:$0xC800] =	vst v63  }
0x222: {  	s9 =	simm.s32 $0x2  }
0x223: {  	_ =	swait.ge [sflag:s9], $0x600  }
0x224: {  	s10 =	rddreg [dreg:$0x7]  }
0x225: {  	s12 =	rddreg [dreg:$0x6];
	s10 =	sadd.s32 $0x1, s10  }
0x226: {  	p0 =	sne.s32 s10, s12  }
.Ltmp3:
0x227: {  	_ = 	snop;
	(pc) =	sbr.rel @p0 .LBB2_1-.Ltmp3, $3  }
0x228: {  	_ =	sdelay $0x1  }
0x229: {  	[sflag:s9] =	ssyncset.done $0x0  }
0x22a: {  	v2 =	vimm.f32 $0.0e+00;
	[sflag:s9] =	ssyncadd.s32 $0xFFFFFA00  }
0x22b: {  	_ =	sfence.sel $0x180000  }
0x22c: {  	[bflag:$0x0] =	sbarrier.arrive $0xFFFF  }
0x22d: {  	_ =	strace $0x9000004A  }
0x22e: {  	s0 =	stileid.u32;
	[bflag:$0x2] =	sbarrier.arrive $0xFFFF  }
0x22f: {  	p0 =	sne.s32 s0, $0x0;
	s0 =	rddreg [dreg:$0x3]  }
0x230: {  	s0 =	sadd.s32 @!p0 $0x100000, s0  }
0x231: {  	[sflag:s0] =	ssyncadd.tile.s32 @!p0 $0x1;
	_ =	shalt  }
.Lfunc_end2:
_tile_overlayer_lowered:
.L_overlay_start_2:
0x232: {  	(tag) =	ssettag $0x2  }
0x233: {  	s0 =	rddreg [dreg:$0x0];
	s2 =	stileid.u32  }
0x234: {  	s1 =	rddreg [dreg:$0x1];
	p0 =	sne.s32 s2, $0x0  }
0x235: {  	s3 =	rddreg [dreg:$0x2];
	[bflag:$0x3] =	sbarrier.arrive $0xFFFF;
	s2 =	simm.s32 @!p0 $0x1C02  }
0x236: {  	[timem:s3], [sflag:s2] =	dma.local @!p0 [hbm:s0], s1  }
0x237: {  	s0 =	simm.s32 @!p0 $0x2  }
0x238: {  	_ =	swait.ge @!p0 [sflag:s0], s1  }
0x239: {  	s1 =	ssub.s32 @!p0 $0x0, s1;
	[sflag:s0] =	ssyncset.done @!p0 $0x0  }
0x23a: {  	[sflag:s0] =	ssyncadd.s32 @!p0 s1  }
0x23b: {  	[bflag:$0x3] =	sbarrier.arrive $0xFFFF  }
0x23c: {  	_ =	shalt  }

// kernel: kernel.13.cloned.1.call-start
scs
__scs_entry_jumppad:
0x0: {  	(pc) =	sbr.rel $0x88, $3  }
0x1: {  	(tag) =	ssettag $0x0;
	lr =	simm.s32 $0x1  }
0x2: {  	[smem:$0x3F96] =	sst lr;
	_ =	strace $0xD0000000  }
0x3: {  	_ = 	snop  }
0x4: {  	_ = 	snop  }
0x5: {  	_ = 	snop  }
0x6: {  	_ = 	snop  }
0x7: {  	_ = 	snop  }
__scs_overlays_trampoline_lowered:
0x8: {  	[smem:$0x3FA5] =	sst s0  }
0x9: {  	[smem:$0x3FA6] =	sst s1  }
0xa: {  	[smem:$0x3FA7] =	sst s2  }
0xb: {  	[smem:$0x3FA8] =	sst s3  }
0xc: {  	[smem:$0x3FA9] =	sst s4  }
0xd: {  	[smem:$0x3FAA] =	sst s5  }
0xe: {  	[smem:$0x3FAB] =	sst s6  }
0xf: {  	[smem:$0x3FAC] =	sst s7  }
0x10: {  	[smem:$0x3FAD] =	sst s8  }
0x11: {  	[smem:$0x3FAE] =	sst s9;
	s0 =	simm.s32 @!p0 $0x0  }
0x12: {  	s1 =	sld [smem:$0x3F94];
	s0 =	simm.s32 @p0 $0x1  }
0x13: {  	[smem:$0x3FAF] =	sst s0;
	s0 =	simm.s32 @!p1 $0x0  }
0x14: {  	s2 =	sld [smem:$0x3F93];
	s0 =	simm.s32 @p1 $0x1  }
0x15: {  	[smem:$0x3FB0] =	sst s0;
	s0 =	simm.s32 @!p2 $0x0  }
0x16: {  	s3 =	sld [smem:$0x3FDB];
	s0 =	simm.s32 @p2 $0x1  }
0x17: {  	s4 =	simm.s32 $0x1BF5;
	[smem:$0x3FB2] =	sst s0  }
0x18: {  	s0 =	sld [smem:$0x3F95];
	_ =	swait.ge [sflag:s4], $0x0  }
0x19: {  	s7 =	sld [smem:$0x3F96]  }
0x1a: {  	s8 =	sadd.s32 $0xFFFFE003, lr  }
0x1b: {  	s9 =	sadd.s32 $0xFFFFFEF7, lr;
	s5 =	simm.s32 $0xFFFFFFFF;
	p2 =	slt.u32 s8, $0xFFFFF086  }
0x1c: {  	p1 =	slt.u32 s9, $0xF7A;
	s5 =	simm.s32 @!p2 $0x0  }
0x1d: {  	s5 =	simm.s32 @p1 $0x1;
	p0 =	seq.s32 s7, s2  }
0x1e: {  	s7 =	smul.u32 @!p0 $0xF7A, s2;
	p2 =	seq.s32 @!p0 s5, $0x0  }
0x1f: {  	s9 =	smul.u32 $0xF7A, s1;
	s8 =	simm.s32 @!p0 $0x1BF5;
	p2 =	por !p2, p0  }
0x20: {  	[sflag:s8] =	ssyncset.s32 @!p0 $0xFFFFF086;
	s6 =	sadd.s32 @!p0 s3, s7;
	s7 =	simm.s32 @!p0 $0x108  }
0x21: {  	s3 =	sadd.s32 s3, s9;
	s6 =	sadd.s32 @!p0 $0x88, s6;
	s7 =	simm.s32 @p2 $0x1082  }
0x22: {  	[simem:s7], [sflag:s8] =	dma.local @!p0 [hbm:s6], $0xF7A  }
0x23: {  	s9 =	sor.u32 $0xD0000000, s2;
	s6 =	simm.s32 $0x108;
	_ =	swait.ge @!p0 [sflag:s8], $0x0  }
0x24: {  	s3 =	sadd.s32 $0x88, s3;
	s6 =	simm.s32 @!p1 $0x1082;
	[sflag:s4] =	ssyncset.s32 $0xFFFFF086  }
0x25: {  	[simem:s6], [sflag:s4] =	dma.local [hbm:s3], $0xF7A  }
0x26: {  	[smem:$0x3F96] =	sst s1;
	(tag) =	ssettag s2;
	_ =	strace s9  }
0x27: {  	s1 =	sld [smem:$0x3FA6]  }
0x28: {  	s2 =	sld [smem:$0x3FA7]  }
0x29: {  	s4 =	sld [smem:$0x3FA9]  }
0x2a: {  	p0 =	seq.s32 s5, $0x0;
	s5 =	sld [smem:$0x3FAA]  }
0x2b: {  	s6 =	sld [smem:$0x3FAB]  }
0x2c: {  	s7 =	sld [smem:$0x3FAC]  }
0x2d: {  	s3 =	simm.s32 $0x108;
	s8 =	sld [smem:$0x3FAD]  }
0x2e: {  	s3 =	simm.s32 @!p0 $0x1082;
	s9 =	sld [smem:$0x3FAE]  }
0x2f: {  	lr =	sadd.s32 s0, s3;
	s0 =	sld [smem:$0x3FA5]  }
0x30: {  	s3 =	sld [smem:$0x3FA8]  }
0x31: {  	[smem:$0x3FB1] =	sst s10  }
0x32: {  	s10 =	sld [smem:$0x3FAF];
	_ =	sdelay $0x3  }
0x33: {  	p0 =	seq.s32 s10, $0x1;
	s10 =	sld [smem:$0x3FB1];
	_ =	sdelay $0x3  }
0x34: {  	[smem:$0x3FB1] =	sst s10  }
0x35: {  	s10 =	sld [smem:$0x3FB0];
	_ =	sdelay $0x3  }
0x36: {  	p1 =	seq.s32 s10, $0x1;
	s10 =	sld [smem:$0x3FB1];
	_ =	sdelay $0x3  }
0x37: {  	[smem:$0x3FB1] =	sst s10  }
0x38: {  	s10 =	sld [smem:$0x3FB2]  }
0x39: {  	_ = 	snop;
	(pc) =	sbr.ind lr, $3  }
0x3a: {  	_ = 	snop  }
0x3b: {  	_ = 	snop  }
0x3c: {  	p2 =	seq.s32 s10, $0x1;
	s10 =	sld [smem:$0x3FB1]  }
0x3d: {  	_ =	shalt  }
0x3e: {  	_ =	shalt  }
0x3f: {  	_ =	shalt  }
0x40: {  	_ =	shalt  }
0x41: {  	_ =	shalt  }
0x42: {  	_ =	shalt  }
0x43: {  	_ =	shalt  }
0x44: {  	_ =	shalt  }
0x45: {  	_ =	shalt  }
0x46: {  	_ =	shalt  }
0x47: {  	_ =	shalt  }
0x48: {  	_ =	shalt  }
0x49: {  	_ =	shalt  }
0x4a: {  	_ =	shalt  }
0x4b: {  	_ =	shalt  }
0x4c: {  	_ =	shalt  }
0x4d: {  	_ =	shalt  }
0x4e: {  	_ =	shalt  }
0x4f: {  	_ =	shalt  }
0x50: {  	_ =	shalt  }
0x51: {  	_ =	shalt  }
0x52: {  	_ =	shalt  }
0x53: {  	_ =	shalt  }
0x54: {  	_ =	shalt  }
0x55: {  	_ =	shalt  }
0x56: {  	_ =	shalt  }
0x57: {  	_ =	shalt  }
0x58: {  	_ =	shalt  }
0x59: {  	_ =	shalt  }
0x5a: {  	_ =	shalt  }
0x5b: {  	_ =	shalt  }
0x5c: {  	_ =	shalt  }
0x5d: {  	_ =	shalt  }
0x5e: {  	_ =	shalt  }
0x5f: {  	_ =	shalt  }
0x60: {  	_ =	shalt  }
0x61: {  	_ =	shalt  }
0x62: {  	_ =	shalt  }
0x63: {  	_ =	shalt  }
0x64: {  	_ =	shalt  }
0x65: {  	_ =	shalt  }
0x66: {  	_ =	shalt  }
0x67: {  	_ =	shalt  }
0x68: {  	_ =	shalt  }
0x69: {  	_ =	shalt  }
0x6a: {  	_ =	shalt  }
0x6b: {  	_ =	shalt  }
0x6c: {  	_ =	shalt  }
0x6d: {  	_ =	shalt  }
0x6e: {  	_ =	shalt  }
0x6f: {  	_ =	shalt  }
0x70: {  	_ =	shalt  }
0x71: {  	_ =	shalt  }
0x72: {  	_ =	shalt  }
0x73: {  	_ =	shalt  }
0x74: {  	_ =	shalt  }
0x75: {  	_ =	shalt  }
0x76: {  	_ =	shalt  }
0x77: {  	_ =	shalt  }
0x78: {  	_ =	shalt  }
0x79: {  	_ =	shalt  }
0x7a: {  	_ =	shalt  }
0x7b: {  	_ =	shalt  }
0x7c: {  	_ =	shalt  }
0x7d: {  	_ =	shalt  }
0x7e: {  	_ =	shalt  }
0x7f: {  	_ =	shalt  }
0x80: {  	_ =	shalt  }
0x81: {  	_ =	shalt  }
0x82: {  	_ =	shalt  }
0x83: {  	_ =	shalt  }
0x84: {  	_ =	shalt  }
0x85: {  	_ =	shalt  }
0x86: {  	_ =	shalt  }
0x87: {  	_ =	shalt  }
.Lfunc_end0:
.L_simem_size_0:
called_computation.2_lowered:
.L_overlay_start_0:
0x88: {  	s2 =	sld [smem:$0x3FD9]  }
0x89: {  	s3 =	sld [smem:$0x3FFE];
	_ =	sdelay $0x1  }
0x8a: {  	s1 =	srdreg.scid  }
0x8b: {  	s0 =	sand.u32 $0x1, s1  }
0x8c: {  	s17 =	sshll.u32 s0, $0xA;
	s2 =	sadd.s32 s3, s2  }
0x8d: {  	s2 =	sadd.s32 s2, s17  }
0x8e: {  	[smem:$0x3FBD] =	sst s2  }
0x8f: {  	_ = 	snop  }
0x90: {  	s2 =	sld [smem:$0x3FC9]  }
0x91: {  	s18 =	sld [smem:$0x3FD0];
	(tm) =	ssettm $0x1  }
0x92: {  	s4 =	sld [smem:$0x3FFB];
	_ =	sdelay $0x3  }
0x93: {  	_ =	strace s4  }
0x94: {  	s4 =	sld [smem:$0x3FFC];
	_ =	sdelay $0x3  }
0x95: {  	_ =	strace s4  }
0x96: {  	s4 =	sld [smem:$0x3FFD];
	_ =	sdelay $0x3  }
0x97: {  	_ =	strace s4  }
0x98: {  	_ =	strace $0x8FFFFFFF  }
0x99: {  	s19 =	sld [smem:$0x3FDB];
	_ =	sdelay $0x1  }
0x9a: {  	s5 =	simm.s32 $_scs_section_size  }
0x9b: {  	s6 =	simm.s32 $_size__tile_overlayer_lowered;
	s7 =	simm.s32 $_tile_overlayer_lowered  }
0x9c: {  	s22 =	simm.s32 $0x1BFF;
	s21 =	sshll.u32 s7, $0x1;
	s4 =	sadd.s32 s5, s19  }
0x9d: {  	s8 =	simm.s32 $0x0;
	s20 =	sshll.u32 s6, $0x1;
	s6 =	sadd.s32 s21, s4  }
0x9e: {  	[timem:s8], [sflag:s22] =	dma.local [hbm:s6], s20  }
0x9f: {  	_ =	swait.ge [sflag:s22], s20  }
0xa0: {  	s5 =	ssub.s32 $0x0, s20;
	[sflag:s22] =	ssyncset.done $0x0  }
0xa1: {  	[sflag:s22] =	ssyncadd.s32 s5;
	_ =	sdelay $0x1  }
0xa2: {  	s23 =	simm.s32 $0x1B8B  }
0xa3: {  	_ =	swait.ge [sflag:s23], $0x1  }
0xa4: {  	[sflag:s23] =	ssyncset.done $0x0  }
0xa5: {  	s25 =	simm.s32 $0x1B8E;
	s24 =	sld [smem:$0x3FFE];
	[sflag:s23] =	ssyncadd.s32 $0xFFFFFFFF  }
0xa6: {  	s26 =	simm.s32 $execute0_lowered;
	[smem:$0x3FD2] =	sst s25  }
0xa7: {  	s6 =	sshll.u32 s26, $0x1;
	_ =	strace $0x8000004C;
	[dreg:$0x1] =	wrdreg $0xFFFFFFFF  }
0xa8: {  	s28 =	simm.s32 $_size_execute0_lowered;
	s4 =	sadd.s32 s4, s6;
	[dreg:$0x0] =	wrdreg $0x0  }
0xa9: {  	s6 =	sshll.u32 s28, $0x1;
	[dreg:$0x2] =	wrdreg s4  }
0xaa: {  	[dreg:$0x3] =	wrdreg s6  }
0xab: {  	[dreg:$0x4] =	wrdreg $0xC0  }
0xac: {  	_ =	task [dreg:s8], $0x5FFFF  }
0xad: {  	[dreg:$0x1] =	wrdreg $0xFFFFFFFF  }
0xae: {  	[dreg:$0x0] =	wrdreg $0x60  }
0xaf: {  	[dreg:$0x2] =	wrdreg s2  }
0xb0: {  	[dreg:$0x3] =	wrdreg s24  }
0xb1: {  	[dreg:$0x4] =	wrdreg s18  }
0xb2: {  	[dreg:$0x5] =	wrdreg $0x9  }
0xb3: {  	_ =	task.clear_ibuf [dreg:s8], $0x6FFFF;
	_ =	strace $0x9000004C  }
0xb4: {  	s29 =	simm.s32 $0x9;
	_ =	strace $0x8000004E  }
0xb5: {  	_ =	swait.ge [sflag:s29], $0x1  }
0xb6: {  	[sflag:s29] =	ssyncadd.s32 $0xFFFFFFFF  }
0xb7: {  	_ =	strace $0x9000004E  }
0xb8: {  	_ =	sfence  }
0xb9: {  	s30 =	sld [smem:$0x0];
	_ =	sdelay $0x2  }
0xba: {  	s31 =	sshll.u32 s1, $0xD;
	s1 =	sshrl.u32 s1, $0x2  }
0xbb: {  	s3 =	sand.u32 $0x4000, s31;
	s1 =	sadd.s32 s1, s30  }
0xbc: {  	s0 =	sor.u32 s3, s0;
	s1 =	sshll.u32 s1, $0x11  }
0xbd: {  	s0 =	sor.u32 s1, s0  }
0xbe: {  	s0 =	sadd.s32 $0x8F2B, s0  }
0xbf: {  	[sflag:s0] =	ssyncadd.remote.s32 $0x1  }
0xc0: {  	_ =	sfence.sel $0xFFFF  }
0xc1: {  	[dreg:$0x0] =	wrdreg $0xFFFFFFFF;
	(pc) =	sbr.abs _section_cstart, $3  }
0xc2: {  	[dreg:$0x1] =	wrdreg $0xFFFFFFFF  }
0xc3: {  	_ =	task.clear_ibuf [dreg:s8], $0x2FFFF;
	_ =	strace $0x9FFFFFFF  }
0xc4: {  	(tm) =	ssettm $0x7FFFFFFF  }
0xc5: {  	_ =	shalt  }
tec
execute0_lowered:
.L_overlay_start_1:
0x0: {  	(tag) =	ssettag $0x1  }
0x1: {  	s1 =	rddreg [dreg:$0x0]  }
0x2: {  	s0 =	rddreg [dreg:$0x1]  }
0x3: {  	s4 =	simm.s32 $0x0;
	s2 =	srdreg.scid;
	s5 =	stileid.u32  }
0x4: {  	s11 =	simm.s32 $0x2;
	s13 =	simm.s32 $0x200;
	s22 =	simm.s32 $0x4200  }
0x5: {  	s23 =	simm.s32 $0x4A00;
	s28 =	simm.s32 $0x6A00;
	s29 =	simm.s32 $0x7200  }
0x6: {  	s30 =	simm.s32 $0x7A00;
	s31 =	simm.s32 $0x8200;
	s12 =	simm.s32 $0x9A00  }
0x7: {  	s14 =	simm.s32 $0xA200;
	s7 =	simm.s32 $0xB200;
	s10 =	simm.s32 $0xBA00  }
0x8: {  	s16 =	simm.s32 $0x0;
	[smem:$0x7FF] =	sst s4;
	s2 =	sand.u32 $0x1, s2  }
0x9: {  	s3 =	sshll.u32 s5, $0x1;
	s5 =	sshll.u32 s5, $0x2;
	s8 =	sadd.s32 $0x100, s1  }
0xa: {  	s9 =	sadd.s32 $0x200, s1;
	_ =	strace $0x8000004D;
	s3 =	sor.u32 s2, s3  }
0xb: {  	s5 =	sand.u32 $0x30, s5;
	s2 =	ssub.s32 $0x2, s2;
	s6 =	sshll.u32 s3, $0x6  }
0xc: {  	s24 =	sshrl.u32 s2, $0x1;
	s6 =	sadd.s32 s6, s0;
	s0 =	sadd.s32 s5, s0  }
0xd: {  	s2 =	ssub.s32 s2, s24;
	s5 =	sshll.u32 s3, $0x9;
	s25 =	sadd.s32 $0x2A00, s6  }
0xe: {  	s24 =	simm.s32 $0x5200;
	s0 =	sadd.s32 $0x2200, s0;
	[dreg:$0x4] =	wrdreg s25  }
0xf: {  	v2 =	vlaneseq.u32;
	s3 =	simm.s32 $0x1;
	s26 =	smax.u32 s2, $0x1;
	[dreg:$0x5] =	wrdreg s0  }
0x10: {  	vm0 =	vmmov $0xffff;
	v1 =	vshrl.u32 v2, $0x3;
	s2 =	simm.s32 $0x9200;
	s6 =	simm.s32 $0xAA00;
	[dreg:$0x6] =	wrdreg s26  }
0x11: {  	v0 =	vand.u32 $0x7, v2;
	v2 =	vor.u32 $0x8, v2;
	v1 =	vmul.u32 $0x8, v1;
	s25 =	simm.s32 $0x5A00;
	s26 =	simm.s32 $0x6200;
	s0 =	simm.s32 $0x8A00  }
.LBB2_1:
0x12: {  	[dreg:$0x7] =	wrdreg s16  }
0x13: {  	s15 =	rddreg [dreg:$0x4]  }
0x14: {  	[tilespmem:s4], [sflag:$0x2] =	stream.linear.gather [hbm4b:s15+s4], $0x200, $0x38;
	[tilespmem:$0xC500] =	vst v63  }
0x15: {  	_ =	swait.ge [sflag:s11], $0x200  }
0x16: {  	s21 =	simm.s32 $0x80;
	[sflag:s11] =	ssyncset.done $0x0  }
0x17: {  	s17 =	simm.s32 $0xC200;
	s20 =	rddreg [dreg:$0x5];
	[sflag:s11] =	ssyncadd.s32 $0xFFFFFE00  }
0x18: {  	[tilespmem:s17], [sflag:$0x2] =	stream.strided.gather [hbm4b:s20+s21], $0x300, s13, s21, $0x38;
	[tilespmem:$0xC500] =	vst v63  }
0x19: {  	_ =	swait.ge [sflag:s11], $0x300  }
0x1a: {  	[sflag:s11] =	ssyncset.done $0x0  }
0x1b: {  	s15 =	simm.s32 $0x0;
	[sflag:s11] =	ssyncadd.s32 $0xFFFFFD00  }
.LBB2_2:
0x1c: {  	s16 =	sshll.u32 s15, $0x6  }
0x1d: {  	v3 =	vld [tilespmem:s16+$0x0];
	_ =	sdelay $0x4  }
0x1e: {  	v4 =	vshrl.u32 v3, $0x3  }
0x1f: {  	v4 =	vmul.u32 $0x30, v4  }
0x20: {  	v3 =	vand.u32 $0x7, v3  }
0x21: {  	v3 =	vor.u32 v3, v4  }
0x22: {  	v4 =	vperm.xlane v3, v0;
	_ =	sdelay $0x1  }
0x23: {  	v4 =	vadd.s32 v1, v4;
	_ =	sdelay $0x3  }
0x24: {  	s17 =	simm.s32 $0x0;
	v3 =	vperm.xlane v3, v2  }
0x25: {  	[tilespmem:s13], [sflag:$0x1] =	stream.indirect_vreg.gather [hbm4b:s1+s17], $0x80, v4, vm0, $0xb8;
	[tilespmem:$0xC500] =	vst v63  }
0x26: {  	s18 =	simm.s32 $0xA00;
	v3 =	vadd.s32 v1, v3  }
0x27: {  	[tilespmem:s18], [sflag:$0x1] =	stream.indirect_vreg.gather [hbm4b:s8+s17], $0x80, v4, vm0, $0xb8;
	[tilespmem:$0xC500] =	vst v63  }
0x28: {  	s21 =	simm.s32 $0x1200  }
0x29: {  	[tilespmem:s21], [sflag:$0x1] =	stream.indirect_vreg.gather [hbm4b:s9+s17], $0x80, v4, vm0, $0xb8;
	[tilespmem:$0xC500] =	vst v63  }
0x2a: {  	s19 =	simm.s32 $0x1A00  }
0x2b: {  	[tilespmem:s19], [sflag:$0x1] =	stream.indirect_vreg.gather [hbm4b:s1+s17], $0x80, v3, vm0, $0xb8;
	[tilespmem:$0xC500] =	vst v63  }
0x2c: {  	s20 =	simm.s32 $0x2200  }
0x2d: {  	[tilespmem:s20], [sflag:$0x1] =	stream.indirect_vreg.gather [hbm4b:s8+s17], $0x80, v3, vm0, $0xb8;
	[tilespmem:$0xC500] =	vst v63  }
0x2e: {  	s21 =	simm.s32 $0x2A00  }
0x2f: {  	[tilespmem:s21], [sflag:$0x1] =	stream.indirect_vreg.gather [hbm4b:s9+s17], $0x80, v3, vm0, $0xb8;
	[tilespmem:$0xC500] =	vst v63  }
0x30: {  	v3 =	vld [tilespmem:s16+$0x10];
	_ =	sdelay $0x4  }
0x31: {  	v4 =	vshrl.u32 v3, $0x3  }
0x32: {  	v4 =	vmul.u32 $0x30, v4  }
0x33: {  	v3 =	vand.u32 $0x7, v3  }
0x34: {  	v3 =	vor.u32 v3, v4  }
0x35: {  	v4 =	vperm.xlane v3, v0;
	_ =	sdelay $0x1  }
0x36: {  	v4 =	vadd.s32 v1, v4;
	_ =	sdelay $0x3  }
0x37: {  	s19 =	simm.s32 $0x3200;
	v3 =	vperm.xlane v3, v2  }
0x38: {  	[tilespmem:s19], [sflag:$0x1] =	stream.indirect_vreg.gather [hbm4b:s1+s17], $0x80, v4, vm0, $0xb8;
	[tilespmem:$0xC500] =	vst v63  }
0x39: {  	s20 =	simm.s32 $0x3A00;
	v3 =	vadd.s32 v1, v3  }
0x3a: {  	[tilespmem:s20], [sflag:$0x1] =	stream.indirect_vreg.gather [hbm4b:s8+s17], $0x80, v4, vm0, $0xb8;
	[tilespmem:$0xC500] =	vst v63  }
0x3b: {  	_ = 	snop  }
0x3c: {  	[tilespmem:s22], [sflag:$0x1] =	stream.indirect_vreg.gather [hbm4b:s9+s17], $0x80, v4, vm0, $0xb8;
	[tilespmem:$0xC500] =	vst v63  }
0x3d: {  	_ = 	snop  }
0x3e: {  	[tilespmem:s23], [sflag:$0x1] =	stream.indirect_vreg.gather [hbm4b:s1+s17], $0x80, v3, vm0, $0xb8;
	[tilespmem:$0xC500] =	vst v63  }
0x3f: {  	_ = 	snop  }
0x40: {  	[tilespmem:s24], [sflag:$0x1] =	stream.indirect_vreg.gather [hbm4b:s8+s17], $0x80, v3, vm0, $0xb8;
	[tilespmem:$0xC500] =	vst v63  }
0x41: {  	_ = 	snop  }
0x42: {  	[tilespmem:s25], [sflag:$0x1] =	stream.indirect_vreg.gather [hbm4b:s9+s17], $0x80, v3, vm0, $0xb8;
	[tilespmem:$0xC500] =	vst v63  }
0x43: {  	v3 =	vld [tilespmem:s16+$0x20];
	_ =	sdelay $0x4  }
0x44: {  	v4 =	vshrl.u32 v3, $0x3  }
0x45: {  	v4 =	vmul.u32 $0x30, v4  }
0x46: {  	v3 =	vand.u32 $0x7, v3  }
0x47: {  	v3 =	vor.u32 v3, v4  }
0x48: {  	v4 =	vperm.xlane v3, v0;
	_ =	sdelay $0x1  }
0x49: {  	v4 =	vadd.s32 v1, v4;
	_ =	sdelay $0x3  }
0x4a: {  	v3 =	vperm.xlane v3, v2  }
0x4b: {  	[tilespmem:s26], [sflag:$0x1] =	stream.indirect_vreg.gather [hbm4b:s1+s17], $0x80, v4, vm0, $0xb8;
	[tilespmem:$0xC500] =	vst v63  }
0x4c: {  	v3 =	vadd.s32 v1, v3  }
0x4d: {  	[tilespmem:s28], [sflag:$0x1] =	stream.indirect_vreg.gather [hbm4b:s8+s17], $0x80, v4, vm0, $0xb8;
	[tilespmem:$0xC500] =	vst v63  }
0x4e: {  	_ = 	snop  }
0x4f: {  	[tilespmem:s29], [sflag:$0x1] =	stream.indirect_vreg.gather [hbm4b:s9+s17], $0x80, v4, vm0, $0xb8;
	[tilespmem:$0xC500] =	vst v63  }
0x50: {  	_ = 	snop  }
0x51: {  	[tilespmem:s30], [sflag:$0x1] =	stream.indirect_vreg.gather [hbm4b:s1+s17], $0x80, v3, vm0, $0xb8;
	[tilespmem:$0xC500] =	vst v63  }
0x52: {  	_ = 	snop  }
0x53: {  	[tilespmem:s31], [sflag:$0x1] =	stream.indirect_vreg.gather [hbm4b:s8+s17], $0x80, v3, vm0, $0xb8;
	[tilespmem:$0xC500] =	vst v63  }
0x54: {  	_ = 	snop  }
0x55: {  	[tilespmem:s0], [sflag:$0x1] =	stream.indirect_vreg.gather [hbm4b:s9+s17], $0x80, v3, vm0, $0xb8;
	[tilespmem:$0xC500] =	vst v63  }
0x56: {  	v3 =	vld [tilespmem:s16+$0x30];
	_ =	sdelay $0x4  }
0x57: {  	v4 =	vshrl.u32 v3, $0x3  }
0x58: {  	v4 =	vmul.u32 $0x30, v4  }
0x59: {  	v3 =	vand.u32 $0x7, v3  }
0x5a: {  	v3 =	vor.u32 v3, v4  }
0x5b: {  	v4 =	vperm.xlane v3, v0;
	_ =	sdelay $0x1  }
0x5c: {  	v4 =	vadd.s32 v1, v4;
	_ =	sdelay $0x3  }
0x5d: {  	v3 =	vperm.xlane v3, v2  }
0x5e: {  	[tilespmem:s2], [sflag:$0x1] =	stream.indirect_vreg.gather [hbm4b:s1+s17], $0x80, v4, vm0, $0xb8;
	[tilespmem:$0xC500] =	vst v63  }
0x5f: {  	v3 =	vadd.s32 v1, v3  }
0x60: {  	[tilespmem:s12], [sflag:$0x1] =	stream.indirect_vreg.gather [hbm4b:s8+s17], $0x80, v4, vm0, $0xb8;
	[tilespmem:$0xC500] =	vst v63  }
0x61: {  	_ = 	snop  }
0x62: {  	[tilespmem:s14], [sflag:$0x1] =	stream.indirect_vreg.gather [hbm4b:s9+s17], $0x80, v4, vm0, $0xb8;
	[tilespmem:$0xC500] =	vst v63  }
0x63: {  	_ = 	snop  }
0x64: {  	[tilespmem:s6], [sflag:$0x1] =	stream.indirect_vreg.gather [hbm4b:s1+s17], $0x80, v3, vm0, $0xb8;
	[tilespmem:$0xC500] =	vst v63  }
0x65: {  	_ = 	snop  }
0x66: {  	[tilespmem:s7], [sflag:$0x1] =	stream.indirect_vreg.gather [hbm4b:s8+s17], $0x80, v3, vm0, $0xb8;
	[tilespmem:$0xC500] =	vst v63  }
0x67: {  	_ = 	snop  }
0x68: {  	[tilespmem:s10], [sflag:$0x1] =	stream.indirect_vreg.gather [hbm4b:s9+s17], $0x80, v3, vm0, $0xb8;
	[tilespmem:$0xC500] =	vst v63  }
0x69: {  	_ =	swait.ge [sflag:s3], $0xC000  }
0x6a: {  	[sflag:s3] =	ssyncset.done $0x0  }
0x6b: {  	[sflag:s3] =	ssyncadd.s32 $0xFFFF4000  }
0x6c: {  	v3 =	vld [tilespmem:$0xC200];
	_ =	sdelay $0x4  }
0x6d: {  	s21 =	simm.s32 $0x0;
	(erf) = vrcp.f32 v3  }
0x6e: {  	s18 =	smul.u32 $0x6000, s21;
	_ =	sdelay $0x1  }
0x6f: {  	s18 =	sshra.s32 s18, $0x2;
	s19 =	sand.u32 $0x380, s17  }
0x70: {  	s18 =	sor.u32 s19, s18  }
0x71: {  	v5 =	vld [tilespmem:s18+$0x200];
	_ =	sdelay $0x3  }
0x72: {  	v4 =	vpop (erf)  }
0x73: {  	v5 =	vmul.f32 v5, v4;
	_ =	sdelay $0x1  }
0x74: {  	v5 =	vadd.f32 $1.258291200e+07, v5;
	_ =	sdelay $0x1  }
0x75: {  	s19 =	simm.s32 $0x2;
	s20 =	simm.s32 $0x0;
	v5 =	vadd.f32 $-1.258291200e+07, v5  }
.LBB2_3:
0x76: {  	p0 =	sne.s32 s19, $0x3F;
	s20 =	smul.u32 $0x6000, s20  }
0x77: {  	s17 =	sadd.s32 $0x80, s17;
	v5 =	vmul.f32 v5, v3  }
0x78: {  	s21 =	sand.u32 $0x380, s17;
	s20 =	sshra.s32 s20, $0x2  }
0x79: {  	[tilespmem:s18+$0x200] =	vst v5;
	s18 =	sor.u32 s21, s20  }
0x7a: {  	v5 =	vld [tilespmem:s18+$0x200];
	_ =	sdelay $0x4  }
.Ltmp0:
0x7b: {  	v5 =	vmul.f32 v5, v4;
	(pc) =	sbr.rel @p0 .LBB2_3-.Ltmp0, $3  }
0x7c: {  	_ = 	snop  }
0x7d: {  	v5 =	vadd.f32 $1.258291200e+07, v5;
	_ =	sdelay $0x1  }
0x7e: {  	s20 =	sshrl.u32 s19, $0x3;
	s19 =	sadd.s32 $0x1, s19;
	v5 =	vadd.f32 $-1.258291200e+07, v5  }
0x7f: {  	s19 =	smul.u32 $0x6000, s20  }
0x80: {  	s17 =	sadd.s32 $0x80, s17;
	v5 =	vmul.f32 v5, v3  }
0x81: {  	s17 =	sand.u32 $0x380, s17;
	s19 =	sshra.s32 s19, $0x2  }
0x82: {  	s17 =	sor.u32 s17, s19;
	[tilespmem:s18+$0x200] =	vst v5  }
0x83: {  	v5 =	vld [tilespmem:s17+$0x200];
	_ =	sdelay $0x4  }
0x84: {  	v4 =	vmul.f32 v5, v4;
	_ =	sdelay $0x1  }
0x85: {  	v4 =	vadd.f32 $1.258291200e+07, v4;
	_ =	sdelay $0x1  }
0x86: {  	v4 =	vadd.f32 $-1.258291200e+07, v4;
	_ =	sdelay $0x1  }
0x87: {  	v3 =	vmul.f32 v4, v3;
	_ =	sdelay $0x1  }
0x88: {  	[tilespmem:s17+$0x200] =	vst v3  }
0x89: {  	v3 =	vld [tilespmem:$0xC210];
	_ =	sdelay $0x4  }
0x8a: {  	s19 =	simm.s32 $0x0;
	(erf) = vrcp.f32 v3  }
0x8b: {  	s20 =	smul.u32 $0x6000, s19  }
0x8c: {  	s17 =	simm.s32 $0x0  }
0x8d: {  	s18 =	sshra.s32 s20, $0x2;
	s21 =	sand.u32 $0x380, s17  }
0x8e: {  	s18 =	sor.u32 s21, s18  }
0x8f: {  	v5 =	vld [tilespmem:s18+$0x210];
	_ =	sdelay $0x3  }
0x90: {  	v4 =	vpop (erf)  }
0x91: {  	v5 =	vmul.f32 v5, v4;
	_ =	sdelay $0x1  }
0x92: {  	v5 =	vadd.f32 $1.258291200e+07, v5;
	_ =	sdelay $0x1  }
0x93: {  	s19 =	simm.s32 $0x2;
	s20 =	simm.s32 $0x0;
	v5 =	vadd.f32 $-1.258291200e+07, v5  }
.LBB2_5:
0x94: {  	p0 =	sne.s32 s19, $0x3F;
	s20 =	smul.u32 $0x6000, s20  }
0x95: {  	s17 =	sadd.s32 $0x80, s17;
	v5 =	vmul.f32 v5, v3  }
0x96: {  	s21 =	sand.u32 $0x380, s17;
	s20 =	sshra.s32 s20, $0x2  }
0x97: {  	[tilespmem:s18+$0x210] =	vst v5;
	s18 =	sor.u32 s21, s20  }
0x98: {  	v5 =	vld [tilespmem:s18+$0x210];
	_ =	sdelay $0x4  }
.Ltmp1:
0x99: {  	v5 =	vmul.f32 v5, v4;
	(pc) =	sbr.rel @p0 .LBB2_5-.Ltmp1, $3  }
0x9a: {  	_ = 	snop  }
0x9b: {  	v5 =	vadd.f32 $1.258291200e+07, v5;
	_ =	sdelay $0x1  }
0x9c: {  	s20 =	sshrl.u32 s19, $0x3;
	s19 =	sadd.s32 $0x1, s19;
	v5 =	vadd.f32 $-1.258291200e+07, v5  }
0x9d: {  	s19 =	smul.u32 $0x6000, s20  }
0x9e: {  	s17 =	sadd.s32 $0x80, s17;
	v5 =	vmul.f32 v5, v3  }
0x9f: {  	s17 =	sand.u32 $0x380, s17;
	s19 =	sshra.s32 s19, $0x2  }
0xa0: {  	s17 =	sor.u32 s17, s19;
	[tilespmem:s18+$0x210] =	vst v5  }
0xa1: {  	v5 =	vld [tilespmem:s17+$0x210];
	_ =	sdelay $0x4  }
0xa2: {  	v4 =	vmul.f32 v5, v4;
	_ =	sdelay $0x1  }
0xa3: {  	v4 =	vadd.f32 $1.258291200e+07, v4;
	_ =	sdelay $0x1  }
0xa4: {  	v4 =	vadd.f32 $-1.258291200e+07, v4;
	_ =	sdelay $0x1  }
0xa5: {  	v3 =	vmul.f32 v4, v3;
	_ =	sdelay $0x1  }
0xa6: {  	[tilespmem:s17+$0x210] =	vst v3  }
0xa7: {  	v3 =	vld [tilespmem:$0xC220];
	_ =	sdelay $0x4  }
0xa8: {  	s19 =	simm.s32 $0x0;
	(erf) = vrcp.f32 v3  }
0xa9: {  	s20 =	smul.u32 $0x6000, s19  }
0xaa: {  	s17 =	simm.s32 $0x0  }
0xab: {  	s18 =	sshra.s32 s20, $0x2;
	s21 =	sand.u32 $0x380, s17  }
0xac: {  	s18 =	sor.u32 s21, s18  }
0xad: {  	v5 =	vld [tilespmem:s18+$0x220];
	_ =	sdelay $0x3  }
0xae: {  	v4 =	vpop (erf)  }
0xaf: {  	v5 =	vmul.f32 v5, v4;
	_ =	sdelay $0x1  }
0xb0: {  	v5 =	vadd.f32 $1.258291200e+07, v5;
	_ =	sdelay $0x1  }
0xb1: {  	s19 =	simm.s32 $0x2;
	s20 =	simm.s32 $0x0;
	v5 =	vadd.f32 $-1.258291200e+07, v5  }
.LBB2_7:
0xb2: {  	p0 =	sne.s32 s19, $0x3F;
	s20 =	smul.u32 $0x6000, s20  }
0xb3: {  	s17 =	sadd.s32 $0x80, s17;
	v5 =	vmul.f32 v5, v3  }
0xb4: {  	s21 =	sand.u32 $0x380, s17;
	s20 =	sshra.s32 s20, $0x2  }
0xb5: {  	[tilespmem:s18+$0x220] =	vst v5;
	s18 =	sor.u32 s21, s20  }
0xb6: {  	v5 =	vld [tilespmem:s18+$0x220];
	_ =	sdelay $0x4  }
.Ltmp2:
0xb7: {  	v5 =	vmul.f32 v5, v4;
	(pc) =	sbr.rel @p0 .LBB2_7-.Ltmp2, $3  }
0xb8: {  	_ = 	snop  }
0xb9: {  	v5 =	vadd.f32 $1.258291200e+07, v5;
	_ =	sdelay $0x1  }
0xba: {  	s20 =	sshrl.u32 s19, $0x3;
	s19 =	sadd.s32 $0x1, s19;
	v5 =	vadd.f32 $-1.258291200e+07, v5  }
0xbb: {  	s19 =	smul.u32 $0x6000, s20  }
0xbc: {  	s17 =	sadd.s32 $0x80, s17;
	v5 =	vmul.f32 v5, v3  }
0xbd: {  	s17 =	sand.u32 $0x380, s17;
	s19 =	sshra.s32 s19, $0x2  }
0xbe: {  	s17 =	sor.u32 s17, s19;
	[tilespmem:s18+$0x220] =	vst v5  }
0xbf: {  	v5 =	vld [tilespmem:s17+$0x220];
	_ =	sdelay $0x4  }
0xc0: {  	v4 =	vmul.f32 v5, v4;
	_ =	sdelay $0x1  }
0xc1: {  	v4 =	vadd.f32 $1.258291200e+07, v4;
	_ =	sdelay $0x1  }
0xc2: {  	v4 =	vadd.f32 $-1.258291200e+07, v4;
	_ =	sdelay $0x1  }
0xc3: {  	v3 =	vmul.f32 v4, v3;
	_ =	sdelay $0x1  }
0xc4: {  	[tilespmem:s17+$0x220] =	vst v3  }
0xc5: {  	v3 =	vld [tilespmem:$0xC230];
	_ =	sdelay $0x4  }
0xc6: {  	s19 =	simm.s32 $0x0;
	(erf) = vrcp.f32 v3  }
0xc7: {  	s20 =	smul.u32 $0x6000, s19  }
0xc8: {  	s17 =	simm.s32 $0x0  }
0xc9: {  	s18 =	sshra.s32 s20, $0x2;
	s21 =	sand.u32 $0x380, s17  }
0xca: {  	s18 =	sor.u32 s21, s18  }
0xcb: {  	v5 =	vld [tilespmem:s18+$0x230];
	_ =	sdelay $0x3  }
0xcc: {  	v4 =	vpop (erf)  }
0xcd: {  	v5 =	vmul.f32 v5, v4;
	_ =	sdelay $0x1  }
0xce: {  	v5 =	vadd.f32 $1.258291200e+07, v5;
	_ =	sdelay $0x1  }
0xcf: {  	s19 =	simm.s32 $0x2;
	s20 =	simm.s32 $0x0;
	v5 =	vadd.f32 $-1.258291200e+07, v5  }
.LBB2_9:
0xd0: {  	p0 =	sne.s32 s19, $0x3F;
	s20 =	smul.u32 $0x6000, s20  }
0xd1: {  	s17 =	sadd.s32 $0x80, s17;
	v5 =	vmul.f32 v5, v3  }
0xd2: {  	s21 =	sand.u32 $0x380, s17;
	s20 =	sshra.s32 s20, $0x2  }
0xd3: {  	[tilespmem:s18+$0x230] =	vst v5;
	s18 =	sor.u32 s21, s20  }
0xd4: {  	v5 =	vld [tilespmem:s18+$0x230];
	_ =	sdelay $0x4  }
.Ltmp3:
0xd5: {  	v5 =	vmul.f32 v5, v4;
	(pc) =	sbr.rel @p0 .LBB2_9-.Ltmp3, $3  }
0xd6: {  	_ = 	snop  }
0xd7: {  	v5 =	vadd.f32 $1.258291200e+07, v5;
	_ =	sdelay $0x1  }
0xd8: {  	s20 =	sshrl.u32 s19, $0x3;
	s19 =	sadd.s32 $0x1, s19;
	v5 =	vadd.f32 $-1.258291200e+07, v5  }
0xd9: {  	s19 =	smul.u32 $0x6000, s20  }
0xda: {  	s17 =	sadd.s32 $0x80, s17;
	v5 =	vmul.f32 v5, v3  }
0xdb: {  	s17 =	sand.u32 $0x380, s17;
	s19 =	sshra.s32 s19, $0x2  }
0xdc: {  	s17 =	sor.u32 s17, s19;
	[tilespmem:s18+$0x230] =	vst v5  }
0xdd: {  	v5 =	vld [tilespmem:s17+$0x230];
	_ =	sdelay $0x4  }
0xde: {  	v4 =	vmul.f32 v5, v4;
	_ =	sdelay $0x1  }
0xdf: {  	v4 =	vadd.f32 $1.258291200e+07, v4;
	_ =	sdelay $0x1  }
0xe0: {  	v4 =	vadd.f32 $-1.258291200e+07, v4;
	_ =	sdelay $0x1  }
0xe1: {  	v3 =	vmul.f32 v4, v3;
	_ =	sdelay $0x1  }
0xe2: {  	[tilespmem:s17+$0x230] =	vst v3  }
0xe3: {  	v3 =	vld [tilespmem:$0xC240];
	_ =	sdelay $0x4  }
0xe4: {  	s19 =	simm.s32 $0x0;
	(erf) = vrcp.f32 v3  }
0xe5: {  	s20 =	smul.u32 $0x6000, s19  }
0xe6: {  	s17 =	simm.s32 $0x0  }
0xe7: {  	s18 =	sshra.s32 s20, $0x2;
	s21 =	sand.u32 $0x380, s17  }
0xe8: {  	s18 =	sor.u32 s21, s18  }
0xe9: {  	v5 =	vld [tilespmem:s18+$0x240];
	_ =	sdelay $0x3  }
0xea: {  	v4 =	vpop (erf)  }
0xeb: {  	v5 =	vmul.f32 v5, v4;
	_ =	sdelay $0x1  }
0xec: {  	v5 =	vadd.f32 $1.258291200e+07, v5;
	_ =	sdelay $0x1  }
0xed: {  	s19 =	simm.s32 $0x2;
	s20 =	simm.s32 $0x0;
	v5 =	vadd.f32 $-1.258291200e+07, v5  }
.LBB2_11:
0xee: {  	p0 =	sne.s32 s19, $0x3F;
	s20 =	smul.u32 $0x6000, s20  }
0xef: {  	s17 =	sadd.s32 $0x80, s17;
	v5 =	vmul.f32 v5, v3  }
0xf0: {  	s21 =	sand.u32 $0x380, s17;
	s20 =	sshra.s32 s20, $0x2  }
0xf1: {  	[tilespmem:s18+$0x240] =	vst v5;
	s18 =	sor.u32 s21, s20  }
0xf2: {  	v5 =	vld [tilespmem:s18+$0x240];
	_ =	sdelay $0x4  }
.Ltmp4:
0xf3: {  	v5 =	vmul.f32 v5, v4;
	(pc) =	sbr.rel @p0 .LBB2_11-.Ltmp4, $3  }
0xf4: {  	_ = 	snop  }
0xf5: {  	v5 =	vadd.f32 $1.258291200e+07, v5;
	_ =	sdelay $0x1  }
0xf6: {  	s20 =	sshrl.u32 s19, $0x3;
	s19 =	sadd.s32 $0x1, s19;
	v5 =	vadd.f32 $-1.258291200e+07, v5  }
0xf7: {  	s19 =	smul.u32 $0x6000, s20  }
0xf8: {  	s17 =	sadd.s32 $0x80, s17;
	v5 =	vmul.f32 v5, v3  }
0xf9: {  	s17 =	sand.u32 $0x380, s17;
	s19 =	sshra.s32 s19, $0x2  }
0xfa: {  	s17 =	sor.u32 s17, s19;
	[tilespmem:s18+$0x240] =	vst v5  }
0xfb: {  	v5 =	vld [tilespmem:s17+$0x240];
	_ =	sdelay $0x4  }
0xfc: {  	v4 =	vmul.f32 v5, v4;
	_ =	sdelay $0x1  }
0xfd: {  	v4 =	vadd.f32 $1.258291200e+07, v4;
	_ =	sdelay $0x1  }
0xfe: {  	v4 =	vadd.f32 $-1.258291200e+07, v4;
	_ =	sdelay $0x1  }
0xff: {  	v3 =	vmul.f32 v4, v3;
	_ =	sdelay $0x1  }
0x100: {  	[tilespmem:s17+$0x240] =	vst v3  }
0x101: {  	v3 =	vld [tilespmem:$0xC250];
	_ =	sdelay $0x4  }
0x102: {  	s19 =	simm.s32 $0x0;
	(erf) = vrcp.f32 v3  }
0x103: {  	s20 =	smul.u32 $0x6000, s19  }
0x104: {  	s17 =	simm.s32 $0x0  }
0x105: {  	s18 =	sshra.s32 s20, $0x2;
	s21 =	sand.u32 $0x380, s17  }
0x106: {  	s18 =	sor.u32 s21, s18  }
0x107: {  	v5 =	vld [tilespmem:s18+$0x250];
	_ =	sdelay $0x3  }
0x108: {  	v4 =	vpop (erf)  }
0x109: {  	v5 =	vmul.f32 v5, v4;
	_ =	sdelay $0x1  }
0x10a: {  	v5 =	vadd.f32 $1.258291200e+07, v5;
	_ =	sdelay $0x1  }
0x10b: {  	s19 =	simm.s32 $0x2;
	s20 =	simm.s32 $0x0;
	v5 =	vadd.f32 $-1.258291200e+07, v5  }
.LBB2_13:
0x10c: {  	p0 =	sne.s32 s19, $0x3F;
	s20 =	smul.u32 $0x6000, s20  }
0x10d: {  	s17 =	sadd.s32 $0x80, s17;
	v5 =	vmul.f32 v5, v3  }
0x10e: {  	s21 =	sand.u32 $0x380, s17;
	s20 =	sshra.s32 s20, $0x2  }
0x10f: {  	[tilespmem:s18+$0x250] =	vst v5;
	s18 =	sor.u32 s21, s20  }
0x110: {  	v5 =	vld [tilespmem:s18+$0x250];
	_ =	sdelay $0x4  }
.Ltmp5:
0x111: {  	v5 =	vmul.f32 v5, v4;
	(pc) =	sbr.rel @p0 .LBB2_13-.Ltmp5, $3  }
0x112: {  	_ = 	snop  }
0x113: {  	v5 =	vadd.f32 $1.258291200e+07, v5;
	_ =	sdelay $0x1  }
0x114: {  	s20 =	sshrl.u32 s19, $0x3;
	s19 =	sadd.s32 $0x1, s19;
	v5 =	vadd.f32 $-1.258291200e+07, v5  }
0x115: {  	s19 =	smul.u32 $0x6000, s20  }
0x116: {  	s17 =	sadd.s32 $0x80, s17;
	v5 =	vmul.f32 v5, v3  }
0x117: {  	s17 =	sand.u32 $0x380, s17;
	s19 =	sshra.s32 s19, $0x2  }
0x118: {  	s17 =	sor.u32 s17, s19;
	[tilespmem:s18+$0x250] =	vst v5  }
0x119: {  	v5 =	vld [tilespmem:s17+$0x250];
	_ =	sdelay $0x4  }
0x11a: {  	v4 =	vmul.f32 v5, v4;
	_ =	sdelay $0x1  }
0x11b: {  	v4 =	vadd.f32 $1.258291200e+07, v4;
	_ =	sdelay $0x1  }
0x11c: {  	v4 =	vadd.f32 $-1.258291200e+07, v4;
	_ =	sdelay $0x1  }
0x11d: {  	v3 =	vmul.f32 v4, v3;
	_ =	sdelay $0x1  }
0x11e: {  	[tilespmem:s17+$0x250] =	vst v3  }
0x11f: {  	v3 =	vld [tilespmem:$0xC260];
	_ =	sdelay $0x4  }
0x120: {  	s19 =	simm.s32 $0x0;
	(erf) = vrcp.f32 v3  }
0x121: {  	s20 =	smul.u32 $0x6000, s19  }
0x122: {  	s17 =	simm.s32 $0x0  }
0x123: {  	s18 =	sshra.s32 s20, $0x2;
	s21 =	sand.u32 $0x380, s17  }
0x124: {  	s18 =	sor.u32 s21, s18  }
0x125: {  	v5 =	vld [tilespmem:s18+$0x260];
	_ =	sdelay $0x3  }
0x126: {  	v4 =	vpop (erf)  }
0x127: {  	v5 =	vmul.f32 v5, v4;
	_ =	sdelay $0x1  }
0x128: {  	v5 =	vadd.f32 $1.258291200e+07, v5;
	_ =	sdelay $0x1  }
0x129: {  	s19 =	simm.s32 $0x2;
	s20 =	simm.s32 $0x0;
	v5 =	vadd.f32 $-1.258291200e+07, v5  }
.LBB2_15:
0x12a: {  	p0 =	sne.s32 s19, $0x3F;
	s20 =	smul.u32 $0x6000, s20  }
0x12b: {  	s17 =	sadd.s32 $0x80, s17;
	v5 =	vmul.f32 v5, v3  }
0x12c: {  	s21 =	sand.u32 $0x380, s17;
	s20 =	sshra.s32 s20, $0x2  }
0x12d: {  	[tilespmem:s18+$0x260] =	vst v5;
	s18 =	sor.u32 s21, s20  }
0x12e: {  	v5 =	vld [tilespmem:s18+$0x260];
	_ =	sdelay $0x4  }
.Ltmp6:
0x12f: {  	v5 =	vmul.f32 v5, v4;
	(pc) =	sbr.rel @p0 .LBB2_15-.Ltmp6, $3  }
0x130: {  	_ = 	snop  }
0x131: {  	v5 =	vadd.f32 $1.258291200e+07, v5;
	_ =	sdelay $0x1  }
0x132: {  	s20 =	sshrl.u32 s19, $0x3;
	s19 =	sadd.s32 $0x1, s19;
	v5 =	vadd.f32 $-1.258291200e+07, v5  }
0x133: {  	s19 =	smul.u32 $0x6000, s20  }
0x134: {  	s17 =	sadd.s32 $0x80, s17;
	v5 =	vmul.f32 v5, v3  }
0x135: {  	s17 =	sand.u32 $0x380, s17;
	s19 =	sshra.s32 s19, $0x2  }
0x136: {  	s17 =	sor.u32 s17, s19;
	[tilespmem:s18+$0x260] =	vst v5  }
0x137: {  	v5 =	vld [tilespmem:s17+$0x260];
	_ =	sdelay $0x4  }
0x138: {  	v4 =	vmul.f32 v5, v4;
	_ =	sdelay $0x1  }
0x139: {  	v4 =	vadd.f32 $1.258291200e+07, v4;
	_ =	sdelay $0x1  }
0x13a: {  	v4 =	vadd.f32 $-1.258291200e+07, v4;
	_ =	sdelay $0x1  }
0x13b: {  	v3 =	vmul.f32 v4, v3;
	_ =	sdelay $0x1  }
0x13c: {  	[tilespmem:s17+$0x260] =	vst v3  }
0x13d: {  	v3 =	vld [tilespmem:$0xC270];
	_ =	sdelay $0x4  }
0x13e: {  	s19 =	simm.s32 $0x0;
	(erf) = vrcp.f32 v3  }
0x13f: {  	s20 =	smul.u32 $0x6000, s19  }
0x140: {  	s17 =	simm.s32 $0x0  }
0x141: {  	s18 =	sshra.s32 s20, $0x2;
	s21 =	sand.u32 $0x380, s17  }
0x142: {  	s18 =	sor.u32 s21, s18  }
0x143: {  	v5 =	vld [tilespmem:s18+$0x270];
	_ =	sdelay $0x3  }
0x144: {  	v4 =	vpop (erf)  }
0x145: {  	v5 =	vmul.f32 v5, v4;
	_ =	sdelay $0x1  }
0x146: {  	v5 =	vadd.f32 $1.258291200e+07, v5;
	_ =	sdelay $0x1  }
0x147: {  	s19 =	simm.s32 $0x2;
	s20 =	simm.s32 $0x0;
	v5 =	vadd.f32 $-1.258291200e+07, v5  }
.LBB2_17:
0x148: {  	p0 =	sne.s32 s19, $0x3F;
	s20 =	smul.u32 $0x6000, s20  }
0x149: {  	s17 =	sadd.s32 $0x80, s17;
	v5 =	vmul.f32 v5, v3  }
0x14a: {  	s21 =	sand.u32 $0x380, s17;
	s20 =	sshra.s32 s20, $0x2  }
0x14b: {  	[tilespmem:s18+$0x270] =	vst v5;
	s18 =	sor.u32 s21, s20  }
0x14c: {  	v5 =	vld [tilespmem:s18+$0x270];
	_ =	sdelay $0x4  }
.Ltmp7:
0x14d: {  	v5 =	vmul.f32 v5, v4;
	(pc) =	sbr.rel @p0 .LBB2_17-.Ltmp7, $3  }
0x14e: {  	_ = 	snop  }
0x14f: {  	v5 =	vadd.f32 $1.258291200e+07, v5;
	_ =	sdelay $0x1  }
0x150: {  	s20 =	sshrl.u32 s19, $0x3;
	s19 =	sadd.s32 $0x1, s19;
	v5 =	vadd.f32 $-1.258291200e+07, v5  }
0x151: {  	s19 =	smul.u32 $0x6000, s20  }
0x152: {  	s17 =	sadd.s32 $0x80, s17;
	v5 =	vmul.f32 v5, v3  }
0x153: {  	s17 =	sand.u32 $0x380, s17;
	s19 =	sshra.s32 s19, $0x2  }
0x154: {  	s17 =	sor.u32 s17, s19;
	[tilespmem:s18+$0x270] =	vst v5  }
0x155: {  	v5 =	vld [tilespmem:s17+$0x270];
	_ =	sdelay $0x4  }
0x156: {  	v4 =	vmul.f32 v5, v4;
	_ =	sdelay $0x1  }
0x157: {  	v4 =	vadd.f32 $1.258291200e+07, v4;
	_ =	sdelay $0x1  }
0x158: {  	v4 =	vadd.f32 $-1.258291200e+07, v4;
	_ =	sdelay $0x1  }
0x159: {  	v3 =	vmul.f32 v4, v3;
	_ =	sdelay $0x1  }
0x15a: {  	[tilespmem:s17+$0x270] =	vst v3  }
0x15b: {  	v3 =	vld [tilespmem:$0xC280];
	_ =	sdelay $0x4  }
0x15c: {  	s19 =	simm.s32 $0x0;
	(erf) = vrcp.f32 v3  }
0x15d: {  	s20 =	smul.u32 $0x6000, s19  }
0x15e: {  	s17 =	simm.s32 $0x0  }
0x15f: {  	s18 =	sshra.s32 s20, $0x2;
	s21 =	sand.u32 $0x380, s17  }
0x160: {  	s18 =	sor.u32 s21, s18  }
0x161: {  	v5 =	vld [tilespmem:s18+$0x600];
	_ =	sdelay $0x3  }
0x162: {  	v4 =	vpop (erf)  }
0x163: {  	v5 =	vmul.f32 v5, v4;
	_ =	sdelay $0x1  }
0x164: {  	v5 =	vadd.f32 $1.258291200e+07, v5;
	_ =	sdelay $0x1  }
0x165: {  	s19 =	simm.s32 $0x2;
	s20 =	simm.s32 $0x0;
	v5 =	vadd.f32 $-1.258291200e+07, v5  }
.LBB2_19:
0x166: {  	p0 =	sne.s32 s19, $0x3F;
	s20 =	smul.u32 $0x6000, s20  }
0x167: {  	s17 =	sadd.s32 $0x80, s17;
	v5 =	vmul.f32 v5, v3  }
0x168: {  	s21 =	sand.u32 $0x380, s17;
	s20 =	sshra.s32 s20, $0x2  }
0x169: {  	[tilespmem:s18+$0x600] =	vst v5;
	s18 =	sor.u32 s21, s20  }
0x16a: {  	v5 =	vld [tilespmem:s18+$0x600];
	_ =	sdelay $0x4  }
.Ltmp8:
0x16b: {  	v5 =	vmul.f32 v5, v4;
	(pc) =	sbr.rel @p0 .LBB2_19-.Ltmp8, $3  }
0x16c: {  	_ = 	snop  }
0x16d: {  	v5 =	vadd.f32 $1.258291200e+07, v5;
	_ =	sdelay $0x1  }
0x16e: {  	s20 =	sshrl.u32 s19, $0x3;
	s19 =	sadd.s32 $0x1, s19;
	v5 =	vadd.f32 $-1.258291200e+07, v5  }
0x16f: {  	s19 =	smul.u32 $0x6000, s20  }
0x170: {  	s17 =	sadd.s32 $0x80, s17;
	v5 =	vmul.f32 v5, v3  }
0x171: {  	s17 =	sand.u32 $0x380, s17;
	s19 =	sshra.s32 s19, $0x2  }
0x172: {  	s17 =	sor.u32 s17, s19;
	[tilespmem:s18+$0x600] =	vst v5  }
0x173: {  	v5 =	vld [tilespmem:s17+$0x600];
	_ =	sdelay $0x4  }
0x174: {  	v4 =	vmul.f32 v5, v4;
	_ =	sdelay $0x1  }
0x175: {  	v4 =	vadd.f32 $1.258291200e+07, v4;
	_ =	sdelay $0x1  }
0x176: {  	v4 =	vadd.f32 $-1.258291200e+07, v4;
	_ =	sdelay $0x1  }
0x177: {  	v3 =	vmul.f32 v4, v3;
	_ =	sdelay $0x1  }
0x178: {  	[tilespmem:s17+$0x600] =	vst v3  }
0x179: {  	v3 =	vld [tilespmem:$0xC290];
	_ =	sdelay $0x4  }
0x17a: {  	s19 =	simm.s32 $0x0;
	(erf) = vrcp.f32 v3  }
0x17b: {  	s20 =	smul.u32 $0x6000, s19  }
0x17c: {  	s17 =	simm.s32 $0x0  }
0x17d: {  	s18 =	sshra.s32 s20, $0x2;
	s21 =	sand.u32 $0x380, s17  }
0x17e: {  	s18 =	sor.u32 s21, s18  }
0x17f: {  	v5 =	vld [tilespmem:s18+$0x610];
	_ =	sdelay $0x3  }
0x180: {  	v4 =	vpop (erf)  }
0x181: {  	v5 =	vmul.f32 v5, v4;
	_ =	sdelay $0x1  }
0x182: {  	v5 =	vadd.f32 $1.258291200e+07, v5;
	_ =	sdelay $0x1  }
0x183: {  	s19 =	simm.s32 $0x2;
	s20 =	simm.s32 $0x0;
	v5 =	vadd.f32 $-1.258291200e+07, v5  }
.LBB2_21:
0x184: {  	p0 =	sne.s32 s19, $0x3F;
	s20 =	smul.u32 $0x6000, s20  }
0x185: {  	s17 =	sadd.s32 $0x80, s17;
	v5 =	vmul.f32 v5, v3  }
0x186: {  	s21 =	sand.u32 $0x380, s17;
	s20 =	sshra.s32 s20, $0x2  }
0x187: {  	[tilespmem:s18+$0x610] =	vst v5;
	s18 =	sor.u32 s21, s20  }
0x188: {  	v5 =	vld [tilespmem:s18+$0x610];
	_ =	sdelay $0x4  }
.Ltmp9:
0x189: {  	v5 =	vmul.f32 v5, v4;
	(pc) =	sbr.rel @p0 .LBB2_21-.Ltmp9, $3  }
0x18a: {  	_ = 	snop  }
0x18b: {  	v5 =	vadd.f32 $1.258291200e+07, v5;
	_ =	sdelay $0x1  }
0x18c: {  	s20 =	sshrl.u32 s19, $0x3;
	s19 =	sadd.s32 $0x1, s19;
	v5 =	vadd.f32 $-1.258291200e+07, v5  }
0x18d: {  	s19 =	smul.u32 $0x6000, s20  }
0x18e: {  	s17 =	sadd.s32 $0x80, s17;
	v5 =	vmul.f32 v5, v3  }
0x18f: {  	s17 =	sand.u32 $0x380, s17;
	s19 =	sshra.s32 s19, $0x2  }
0x190: {  	s17 =	sor.u32 s17, s19;
	[tilespmem:s18+$0x610] =	vst v5  }
0x191: {  	v5 =	vld [tilespmem:s17+$0x610];
	_ =	sdelay $0x4  }
0x192: {  	v4 =	vmul.f32 v5, v4;
	_ =	sdelay $0x1  }
0x193: {  	v4 =	vadd.f32 $1.258291200e+07, v4;
	_ =	sdelay $0x1  }
0x194: {  	v4 =	vadd.f32 $-1.258291200e+07, v4;
	_ =	sdelay $0x1  }
0x195: {  	v3 =	vmul.f32 v4, v3;
	_ =	sdelay $0x1  }
0x196: {  	[tilespmem:s17+$0x610] =	vst v3  }
0x197: {  	v3 =	vld [tilespmem:$0xC2A0];
	_ =	sdelay $0x4  }
0x198: {  	s19 =	simm.s32 $0x0;
	(erf) = vrcp.f32 v3  }
0x199: {  	s20 =	smul.u32 $0x6000, s19  }
0x19a: {  	s17 =	simm.s32 $0x0  }
0x19b: {  	s18 =	sshra.s32 s20, $0x2;
	s21 =	sand.u32 $0x380, s17  }
0x19c: {  	s18 =	sor.u32 s21, s18  }
0x19d: {  	v5 =	vld [tilespmem:s18+$0x620];
	_ =	sdelay $0x3  }
0x19e: {  	v4 =	vpop (erf)  }
0x19f: {  	v5 =	vmul.f32 v5, v4;
	_ =	sdelay $0x1  }
0x1a0: {  	v5 =	vadd.f32 $1.258291200e+07, v5;
	_ =	sdelay $0x1  }
0x1a1: {  	s19 =	simm.s32 $0x2;
	s20 =	simm.s32 $0x0;
	v5 =	vadd.f32 $-1.258291200e+07, v5  }
.LBB2_23:
0x1a2: {  	p0 =	sne.s32 s19, $0x3F;
	s20 =	smul.u32 $0x6000, s20  }
0x1a3: {  	s17 =	sadd.s32 $0x80, s17;
	v5 =	vmul.f32 v5, v3  }
0x1a4: {  	s21 =	sand.u32 $0x380, s17;
	s20 =	sshra.s32 s20, $0x2  }
0x1a5: {  	[tilespmem:s18+$0x620] =	vst v5;
	s18 =	sor.u32 s21, s20  }
0x1a6: {  	v5 =	vld [tilespmem:s18+$0x620];
	_ =	sdelay $0x4  }
.Ltmp10:
0x1a7: {  	v5 =	vmul.f32 v5, v4;
	(pc) =	sbr.rel @p0 .LBB2_23-.Ltmp10, $3  }
0x1a8: {  	_ = 	snop  }
0x1a9: {  	v5 =	vadd.f32 $1.258291200e+07, v5;
	_ =	sdelay $0x1  }
0x1aa: {  	s20 =	sshrl.u32 s19, $0x3;
	s19 =	sadd.s32 $0x1, s19;
	v5 =	vadd.f32 $-1.258291200e+07, v5  }
0x1ab: {  	s19 =	smul.u32 $0x6000, s20  }
0x1ac: {  	s17 =	sadd.s32 $0x80, s17;
	v5 =	vmul.f32 v5, v3  }
0x1ad: {  	s17 =	sand.u32 $0x380, s17;
	s19 =	sshra.s32 s19, $0x2  }
0x1ae: {  	s17 =	sor.u32 s17, s19;
	[tilespmem:s18+$0x620] =	vst v5  }
0x1af: {  	v5 =	vld [tilespmem:s17+$0x620];
	_ =	sdelay $0x4  }
0x1b0: {  	v4 =	vmul.f32 v5, v4;
	_ =	sdelay $0x1  }
0x1b1: {  	v4 =	vadd.f32 $1.258291200e+07, v4;
	_ =	sdelay $0x1  }
0x1b2: {  	v4 =	vadd.f32 $-1.258291200e+07, v4;
	_ =	sdelay $0x1  }
0x1b3: {  	v3 =	vmul.f32 v4, v3;
	_ =	sdelay $0x1  }
0x1b4: {  	[tilespmem:s17+$0x620] =	vst v3  }
0x1b5: {  	v3 =	vld [tilespmem:$0xC2B0];
	_ =	sdelay $0x4  }
0x1b6: {  	s19 =	simm.s32 $0x0;
	(erf) = vrcp.f32 v3  }
0x1b7: {  	s20 =	smul.u32 $0x6000, s19  }
0x1b8: {  	s17 =	simm.s32 $0x0  }
0x1b9: {  	s18 =	sshra.s32 s20, $0x2;
	s21 =	sand.u32 $0x380, s17  }
0x1ba: {  	s18 =	sor.u32 s21, s18  }
0x1bb: {  	v5 =	vld [tilespmem:s18+$0x630];
	_ =	sdelay $0x3  }
0x1bc: {  	v4 =	vpop (erf)  }
0x1bd: {  	v5 =	vmul.f32 v5, v4;
	_ =	sdelay $0x1  }
0x1be: {  	v5 =	vadd.f32 $1.258291200e+07, v5;
	_ =	sdelay $0x1  }
0x1bf: {  	s19 =	simm.s32 $0x2;
	s20 =	simm.s32 $0x0;
	v5 =	vadd.f32 $-1.258291200e+07, v5  }
.LBB2_25:
0x1c0: {  	p0 =	sne.s32 s19, $0x3F;
	s20 =	smul.u32 $0x6000, s20  }
0x1c1: {  	s17 =	sadd.s32 $0x80, s17;
	v5 =	vmul.f32 v5, v3  }
0x1c2: {  	s21 =	sand.u32 $0x380, s17;
	s20 =	sshra.s32 s20, $0x2  }
0x1c3: {  	[tilespmem:s18+$0x630] =	vst v5;
	s18 =	sor.u32 s21, s20  }
0x1c4: {  	v5 =	vld [tilespmem:s18+$0x630];
	_ =	sdelay $0x4  }
.Ltmp11:
0x1c5: {  	v5 =	vmul.f32 v5, v4;
	(pc) =	sbr.rel @p0 .LBB2_25-.Ltmp11, $3  }
0x1c6: {  	_ = 	snop  }
0x1c7: {  	v5 =	vadd.f32 $1.258291200e+07, v5;
	_ =	sdelay $0x1  }
0x1c8: {  	s20 =	sshrl.u32 s19, $0x3;
	s19 =	sadd.s32 $0x1, s19;
	v5 =	vadd.f32 $-1.258291200e+07, v5  }
0x1c9: {  	s19 =	smul.u32 $0x6000, s20  }
0x1ca: {  	s17 =	sadd.s32 $0x80, s17;
	v5 =	vmul.f32 v5, v3  }
0x1cb: {  	s17 =	sand.u32 $0x380, s17;
	s19 =	sshra.s32 s19, $0x2  }
0x1cc: {  	s17 =	sor.u32 s17, s19;
	[tilespmem:s18+$0x630] =	vst v5  }
0x1cd: {  	v5 =	vld [tilespmem:s17+$0x630];
	_ =	sdelay $0x4  }
0x1ce: {  	v4 =	vmul.f32 v5, v4;
	_ =	sdelay $0x1  }
0x1cf: {  	v4 =	vadd.f32 $1.258291200e+07, v4;
	_ =	sdelay $0x1  }
0x1d0: {  	v4 =	vadd.f32 $-1.258291200e+07, v4;
	_ =	sdelay $0x1  }
0x1d1: {  	v3 =	vmul.f32 v4, v3;
	_ =	sdelay $0x1  }
0x1d2: {  	[tilespmem:s17+$0x630] =	vst v3  }
0x1d3: {  	v3 =	vld [tilespmem:$0xC2C0];
	_ =	sdelay $0x4  }
0x1d4: {  	s19 =	simm.s32 $0x0;
	(erf) = vrcp.f32 v3  }
0x1d5: {  	s20 =	smul.u32 $0x6000, s19  }
0x1d6: {  	s17 =	simm.s32 $0x0  }
0x1d7: {  	s18 =	sshra.s32 s20, $0x2;
	s21 =	sand.u32 $0x380, s17  }
0x1d8: {  	s18 =	sor.u32 s21, s18  }
0x1d9: {  	v5 =	vld [tilespmem:s18+$0x640];
	_ =	sdelay $0x3  }
0x1da: {  	v4 =	vpop (erf)  }
0x1db: {  	v5 =	vmul.f32 v5, v4;
	_ =	sdelay $0x1  }
0x1dc: {  	v5 =	vadd.f32 $1.258291200e+07, v5;
	_ =	sdelay $0x1  }
0x1dd: {  	s19 =	simm.s32 $0x2;
	s20 =	simm.s32 $0x0;
	v5 =	vadd.f32 $-1.258291200e+07, v5  }
.LBB2_27:
0x1de: {  	p0 =	sne.s32 s19, $0x3F;
	s20 =	smul.u32 $0x6000, s20  }
0x1df: {  	s17 =	sadd.s32 $0x80, s17;
	v5 =	vmul.f32 v5, v3  }
0x1e0: {  	s21 =	sand.u32 $0x380, s17;
	s20 =	sshra.s32 s20, $0x2  }
0x1e1: {  	[tilespmem:s18+$0x640] =	vst v5;
	s18 =	sor.u32 s21, s20  }
0x1e2: {  	v5 =	vld [tilespmem:s18+$0x640];
	_ =	sdelay $0x4  }
.Ltmp12:
0x1e3: {  	v5 =	vmul.f32 v5, v4;
	(pc) =	sbr.rel @p0 .LBB2_27-.Ltmp12, $3  }
0x1e4: {  	_ = 	snop  }
0x1e5: {  	v5 =	vadd.f32 $1.258291200e+07, v5;
	_ =	sdelay $0x1  }
0x1e6: {  	s20 =	sshrl.u32 s19, $0x3;
	s19 =	sadd.s32 $0x1, s19;
	v5 =	vadd.f32 $-1.258291200e+07, v5  }
0x1e7: {  	s19 =	smul.u32 $0x6000, s20  }
0x1e8: {  	s17 =	sadd.s32 $0x80, s17;
	v5 =	vmul.f32 v5, v3  }
0x1e9: {  	s17 =	sand.u32 $0x380, s17;
	s19 =	sshra.s32 s19, $0x2  }
0x1ea: {  	s17 =	sor.u32 s17, s19;
	[tilespmem:s18+$0x640] =	vst v5  }
0x1eb: {  	v5 =	vld [tilespmem:s17+$0x640];
	_ =	sdelay $0x4  }
0x1ec: {  	v4 =	vmul.f32 v5, v4;
	_ =	sdelay $0x1  }
0x1ed: {  	v4 =	vadd.f32 $1.258291200e+07, v4;
	_ =	sdelay $0x1  }
0x1ee: {  	v4 =	vadd.f32 $-1.258291200e+07, v4;
	_ =	sdelay $0x1  }
0x1ef: {  	v3 =	vmul.f32 v4, v3;
	_ =	sdelay $0x1  }
0x1f0: {  	[tilespmem:s17+$0x640] =	vst v3  }
0x1f1: {  	v3 =	vld [tilespmem:$0xC2D0];
	_ =	sdelay $0x4  }
0x1f2: {  	s19 =	simm.s32 $0x0;
	(erf) = vrcp.f32 v3  }
0x1f3: {  	s20 =	smul.u32 $0x6000, s19  }
0x1f4: {  	s17 =	simm.s32 $0x0  }
0x1f5: {  	s18 =	sshra.s32 s20, $0x2;
	s21 =	sand.u32 $0x380, s17  }
0x1f6: {  	s18 =	sor.u32 s21, s18  }
0x1f7: {  	v5 =	vld [tilespmem:s18+$0x650];
	_ =	sdelay $0x3  }
0x1f8: {  	v4 =	vpop (erf)  }
0x1f9: {  	v5 =	vmul.f32 v5, v4;
	_ =	sdelay $0x1  }
0x1fa: {  	v5 =	vadd.f32 $1.258291200e+07, v5;
	_ =	sdelay $0x1  }
0x1fb: {  	s19 =	simm.s32 $0x2;
	s20 =	simm.s32 $0x0;
	v5 =	vadd.f32 $-1.258291200e+07, v5  }
.LBB2_29:
0x1fc: {  	p0 =	sne.s32 s19, $0x3F;
	s20 =	smul.u32 $0x6000, s20  }
0x1fd: {  	s17 =	sadd.s32 $0x80, s17;
	v5 =	vmul.f32 v5, v3  }
0x1fe: {  	s21 =	sand.u32 $0x380, s17;
	s20 =	sshra.s32 s20, $0x2  }
0x1ff: {  	[tilespmem:s18+$0x650] =	vst v5;
	s18 =	sor.u32 s21, s20  }
0x200: {  	v5 =	vld [tilespmem:s18+$0x650];
	_ =	sdelay $0x4  }
.Ltmp13:
0x201: {  	v5 =	vmul.f32 v5, v4;
	(pc) =	sbr.rel @p0 .LBB2_29-.Ltmp13, $3  }
0x202: {  	_ = 	snop  }
0x203: {  	v5 =	vadd.f32 $1.258291200e+07, v5;
	_ =	sdelay $0x1  }
0x204: {  	s20 =	sshrl.u32 s19, $0x3;
	s19 =	sadd.s32 $0x1, s19;
	v5 =	vadd.f32 $-1.258291200e+07, v5  }
0x205: {  	s19 =	smul.u32 $0x6000, s20  }
0x206: {  	s17 =	sadd.s32 $0x80, s17;
	v5 =	vmul.f32 v5, v3  }
0x207: {  	s17 =	sand.u32 $0x380, s17;
	s19 =	sshra.s32 s19, $0x2  }
0x208: {  	s17 =	sor.u32 s17, s19;
	[tilespmem:s18+$0x650] =	vst v5  }
0x209: {  	v5 =	vld [tilespmem:s17+$0x650];
	_ =	sdelay $0x4  }
0x20a: {  	v4 =	vmul.f32 v5, v4;
	_ =	sdelay $0x1  }
0x20b: {  	v4 =	vadd.f32 $1.258291200e+07, v4;
	_ =	sdelay $0x1  }
0x20c: {  	v4 =	vadd.f32 $-1.258291200e+07, v4;
	_ =	sdelay $0x1  }
0x20d: {  	v3 =	vmul.f32 v4, v3;
	_ =	sdelay $0x1  }
0x20e: {  	[tilespmem:s17+$0x650] =	vst v3  }
0x20f: {  	v3 =	vld [tilespmem:$0xC2E0];
	_ =	sdelay $0x4  }
0x210: {  	s19 =	simm.s32 $0x0;
	(erf) = vrcp.f32 v3  }
0x211: {  	s20 =	smul.u32 $0x6000, s19  }
0x212: {  	s17 =	simm.s32 $0x0  }
0x213: {  	s18 =	sshra.s32 s20, $0x2;
	s21 =	sand.u32 $0x380, s17  }
0x214: {  	s18 =	sor.u32 s21, s18  }
0x215: {  	v5 =	vld [tilespmem:s18+$0x660];
	_ =	sdelay $0x3  }
0x216: {  	v4 =	vpop (erf)  }
0x217: {  	v5 =	vmul.f32 v5, v4;
	_ =	sdelay $0x1  }
0x218: {  	v5 =	vadd.f32 $1.258291200e+07, v5;
	_ =	sdelay $0x1  }
0x219: {  	s19 =	simm.s32 $0x2;
	s20 =	simm.s32 $0x0;
	v5 =	vadd.f32 $-1.258291200e+07, v5  }
.LBB2_31:
0x21a: {  	p0 =	sne.s32 s19, $0x3F;
	s20 =	smul.u32 $0x6000, s20  }
0x21b: {  	s17 =	sadd.s32 $0x80, s17;
	v5 =	vmul.f32 v5, v3  }
0x21c: {  	s21 =	sand.u32 $0x380, s17;
	s20 =	sshra.s32 s20, $0x2  }
0x21d: {  	[tilespmem:s18+$0x660] =	vst v5;
	s18 =	sor.u32 s21, s20  }
0x21e: {  	v5 =	vld [tilespmem:s18+$0x660];
	_ =	sdelay $0x4  }
.Ltmp14:
0x21f: {  	v5 =	vmul.f32 v5, v4;
	(pc) =	sbr.rel @p0 .LBB2_31-.Ltmp14, $3  }
0x220: {  	_ = 	snop  }
0x221: {  	v5 =	vadd.f32 $1.258291200e+07, v5;
	_ =	sdelay $0x1  }
0x222: {  	s20 =	sshrl.u32 s19, $0x3;
	s19 =	sadd.s32 $0x1, s19;
	v5 =	vadd.f32 $-1.258291200e+07, v5  }
0x223: {  	s19 =	smul.u32 $0x6000, s20  }
0x224: {  	s17 =	sadd.s32 $0x80, s17;
	v5 =	vmul.f32 v5, v3  }
0x225: {  	s17 =	sand.u32 $0x380, s17;
	s19 =	sshra.s32 s19, $0x2  }
0x226: {  	s17 =	sor.u32 s17, s19;
	[tilespmem:s18+$0x660] =	vst v5  }
0x227: {  	v5 =	vld [tilespmem:s17+$0x660];
	_ =	sdelay $0x4  }
0x228: {  	v4 =	vmul.f32 v5, v4;
	_ =	sdelay $0x1  }
0x229: {  	v4 =	vadd.f32 $1.258291200e+07, v4;
	_ =	sdelay $0x1  }
0x22a: {  	v4 =	vadd.f32 $-1.258291200e+07, v4;
	_ =	sdelay $0x1  }
0x22b: {  	v3 =	vmul.f32 v4, v3;
	_ =	sdelay $0x1  }
0x22c: {  	[tilespmem:s17+$0x660] =	vst v3  }
0x22d: {  	v3 =	vld [tilespmem:$0xC2F0];
	_ =	sdelay $0x4  }
0x22e: {  	s19 =	simm.s32 $0x0;
	(erf) = vrcp.f32 v3  }
0x22f: {  	s20 =	smul.u32 $0x6000, s19  }
0x230: {  	s17 =	simm.s32 $0x0  }
0x231: {  	s18 =	sshra.s32 s20, $0x2;
	s21 =	sand.u32 $0x380, s17  }
0x232: {  	s18 =	sor.u32 s21, s18  }
0x233: {  	v5 =	vld [tilespmem:s18+$0x670];
	_ =	sdelay $0x3  }
0x234: {  	v4 =	vpop (erf)  }
0x235: {  	v5 =	vmul.f32 v5, v4;
	_ =	sdelay $0x1  }
0x236: {  	v5 =	vadd.f32 $1.258291200e+07, v5;
	_ =	sdelay $0x1  }
0x237: {  	s19 =	simm.s32 $0x2;
	s20 =	simm.s32 $0x0;
	v5 =	vadd.f32 $-1.258291200e+07, v5  }
.LBB2_33:
0x238: {  	p0 =	sne.s32 s19, $0x3F;
	s20 =	smul.u32 $0x6000, s20  }
0x239: {  	s17 =	sadd.s32 $0x80, s17;
	v5 =	vmul.f32 v5, v3  }
0x23a: {  	s21 =	sand.u32 $0x380, s17;
	s20 =	sshra.s32 s20, $0x2  }
0x23b: {  	[tilespmem:s18+$0x670] =	vst v5;
	s18 =	sor.u32 s21, s20  }
0x23c: {  	v5 =	vld [tilespmem:s18+$0x670];
	_ =	sdelay $0x4  }
.Ltmp15:
0x23d: {  	v5 =	vmul.f32 v5, v4;
	(pc) =	sbr.rel @p0 .LBB2_33-.Ltmp15, $3  }
0x23e: {  	_ = 	snop  }
0x23f: {  	v5 =	vadd.f32 $1.258291200e+07, v5;
	_ =	sdelay $0x1  }
0x240: {  	s20 =	sshrl.u32 s19, $0x3;
	s19 =	sadd.s32 $0x1, s19;
	v5 =	vadd.f32 $-1.258291200e+07, v5  }
0x241: {  	s19 =	smul.u32 $0x6000, s20  }
0x242: {  	s17 =	sadd.s32 $0x80, s17;
	v5 =	vmul.f32 v5, v3  }
0x243: {  	s17 =	sand.u32 $0x380, s17;
	s19 =	sshra.s32 s19, $0x2  }
0x244: {  	s17 =	sor.u32 s17, s19;
	[tilespmem:s18+$0x670] =	vst v5  }
0x245: {  	v5 =	vld [tilespmem:s17+$0x670];
	_ =	sdelay $0x4  }
0x246: {  	v4 =	vmul.f32 v5, v4;
	_ =	sdelay $0x1  }
0x247: {  	v4 =	vadd.f32 $1.258291200e+07, v4;
	_ =	sdelay $0x1  }
0x248: {  	v4 =	vadd.f32 $-1.258291200e+07, v4;
	_ =	sdelay $0x1  }
0x249: {  	v3 =	vmul.f32 v4, v3;
	_ =	sdelay $0x1  }
0x24a: {  	[tilespmem:s17+$0x670] =	vst v3  }
0x24b: {  	v3 =	vld [tilespmem:$0xC300];
	_ =	sdelay $0x4  }
0x24c: {  	s19 =	simm.s32 $0x0;
	(erf) = vrcp.f32 v3  }
0x24d: {  	s20 =	smul.u32 $0x6000, s19  }
0x24e: {  	s17 =	simm.s32 $0x0  }
0x24f: {  	s18 =	sshra.s32 s20, $0x2;
	s21 =	sand.u32 $0x380, s17  }
0x250: {  	s18 =	sor.u32 s21, s18  }
0x251: {  	v5 =	vld [tilespmem:s18+$0xA00];
	_ =	sdelay $0x3  }
0x252: {  	v4 =	vpop (erf)  }
0x253: {  	v5 =	vmul.f32 v5, v4;
	_ =	sdelay $0x1  }
0x254: {  	v5 =	vadd.f32 $1.258291200e+07, v5;
	_ =	sdelay $0x1  }
0x255: {  	s19 =	simm.s32 $0x2;
	s20 =	simm.s32 $0x0;
	v5 =	vadd.f32 $-1.258291200e+07, v5  }
.LBB2_35:
0x256: {  	p0 =	sne.s32 s19, $0x3F;
	s20 =	smul.u32 $0x6000, s20  }
0x257: {  	s17 =	sadd.s32 $0x80, s17;
	v5 =	vmul.f32 v5, v3  }
0x258: {  	s21 =	sand.u32 $0x380, s17;
	s20 =	sshra.s32 s20, $0x2  }
0x259: {  	[tilespmem:s18+$0xA00] =	vst v5;
	s18 =	sor.u32 s21, s20  }
0x25a: {  	v5 =	vld [tilespmem:s18+$0xA00];
	_ =	sdelay $0x4  }
.Ltmp16:
0x25b: {  	v5 =	vmul.f32 v5, v4;
	(pc) =	sbr.rel @p0 .LBB2_35-.Ltmp16, $3  }
0x25c: {  	_ = 	snop  }
0x25d: {  	v5 =	vadd.f32 $1.258291200e+07, v5;
	_ =	sdelay $0x1  }
0x25e: {  	s20 =	sshrl.u32 s19, $0x3;
	s19 =	sadd.s32 $0x1, s19;
	v5 =	vadd.f32 $-1.258291200e+07, v5  }
0x25f: {  	s19 =	smul.u32 $0x6000, s20  }
0x260: {  	s17 =	sadd.s32 $0x80, s17;
	v5 =	vmul.f32 v5, v3  }
0x261: {  	s17 =	sand.u32 $0x380, s17;
	s19 =	sshra.s32 s19, $0x2  }
0x262: {  	s17 =	sor.u32 s17, s19;
	[tilespmem:s18+$0xA00] =	vst v5  }
0x263: {  	v5 =	vld [tilespmem:s17+$0xA00];
	_ =	sdelay $0x4  }
0x264: {  	v4 =	vmul.f32 v5, v4;
	_ =	sdelay $0x1  }
0x265: {  	v4 =	vadd.f32 $1.258291200e+07, v4;
	_ =	sdelay $0x1  }
0x266: {  	v4 =	vadd.f32 $-1.258291200e+07, v4;
	_ =	sdelay $0x1  }
0x267: {  	v3 =	vmul.f32 v4, v3;
	_ =	sdelay $0x1  }
0x268: {  	[tilespmem:s17+$0xA00] =	vst v3  }
0x269: {  	v3 =	vld [tilespmem:$0xC310];
	_ =	sdelay $0x4  }
0x26a: {  	s19 =	simm.s32 $0x0;
	(erf) = vrcp.f32 v3  }
0x26b: {  	s20 =	smul.u32 $0x6000, s19  }
0x26c: {  	s17 =	simm.s32 $0x0  }
0x26d: {  	s18 =	sshra.s32 s20, $0x2;
	s21 =	sand.u32 $0x380, s17  }
0x26e: {  	s18 =	sor.u32 s21, s18  }
0x26f: {  	v5 =	vld [tilespmem:s18+$0xA10];
	_ =	sdelay $0x3  }
0x270: {  	v4 =	vpop (erf)  }
0x271: {  	v5 =	vmul.f32 v5, v4;
	_ =	sdelay $0x1  }
0x272: {  	v5 =	vadd.f32 $1.258291200e+07, v5;
	_ =	sdelay $0x1  }
0x273: {  	s19 =	simm.s32 $0x2;
	s20 =	simm.s32 $0x0;
	v5 =	vadd.f32 $-1.258291200e+07, v5  }
.LBB2_37:
0x274: {  	p0 =	sne.s32 s19, $0x3F;
	s20 =	smul.u32 $0x6000, s20  }
0x275: {  	s17 =	sadd.s32 $0x80, s17;
	v5 =	vmul.f32 v5, v3  }
0x276: {  	s21 =	sand.u32 $0x380, s17;
	s20 =	sshra.s32 s20, $0x2  }
0x277: {  	[tilespmem:s18+$0xA10] =	vst v5;
	s18 =	sor.u32 s21, s20  }
0x278: {  	v5 =	vld [tilespmem:s18+$0xA10];
	_ =	sdelay $0x4  }
.Ltmp17:
0x279: {  	v5 =	vmul.f32 v5, v4;
	(pc) =	sbr.rel @p0 .LBB2_37-.Ltmp17, $3  }
0x27a: {  	_ = 	snop  }
0x27b: {  	v5 =	vadd.f32 $1.258291200e+07, v5;
	_ =	sdelay $0x1  }
0x27c: {  	s20 =	sshrl.u32 s19, $0x3;
	s19 =	sadd.s32 $0x1, s19;
	v5 =	vadd.f32 $-1.258291200e+07, v5  }
0x27d: {  	s19 =	smul.u32 $0x6000, s20  }
0x27e: {  	s17 =	sadd.s32 $0x80, s17;
	v5 =	vmul.f32 v5, v3  }
0x27f: {  	s17 =	sand.u32 $0x380, s17;
	s19 =	sshra.s32 s19, $0x2  }
0x280: {  	s17 =	sor.u32 s17, s19;
	[tilespmem:s18+$0xA10] =	vst v5  }
0x281: {  	v5 =	vld [tilespmem:s17+$0xA10];
	_ =	sdelay $0x4  }
0x282: {  	v4 =	vmul.f32 v5, v4;
	_ =	sdelay $0x1  }
0x283: {  	v4 =	vadd.f32 $1.258291200e+07, v4;
	_ =	sdelay $0x1  }
0x284: {  	v4 =	vadd.f32 $-1.258291200e+07, v4;
	_ =	sdelay $0x1  }
0x285: {  	v3 =	vmul.f32 v4, v3;
	_ =	sdelay $0x1  }
0x286: {  	[tilespmem:s17+$0xA10] =	vst v3  }
0x287: {  	v3 =	vld [tilespmem:$0xC320];
	_ =	sdelay $0x4  }
0x288: {  	s19 =	simm.s32 $0x0;
	(erf) = vrcp.f32 v3  }
0x289: {  	s20 =	smul.u32 $0x6000, s19  }
0x28a: {  	s17 =	simm.s32 $0x0  }
0x28b: {  	s18 =	sshra.s32 s20, $0x2;
	s21 =	sand.u32 $0x380, s17  }
0x28c: {  	s18 =	sor.u32 s21, s18  }
0x28d: {  	v5 =	vld [tilespmem:s18+$0xA20];
	_ =	sdelay $0x3  }
0x28e: {  	v4 =	vpop (erf)  }
0x28f: {  	v5 =	vmul.f32 v5, v4;
	_ =	sdelay $0x1  }
0x290: {  	v5 =	vadd.f32 $1.258291200e+07, v5;
	_ =	sdelay $0x1  }
0x291: {  	s19 =	simm.s32 $0x2;
	s20 =	simm.s32 $0x0;
	v5 =	vadd.f32 $-1.258291200e+07, v5  }
.LBB2_39:
0x292: {  	p0 =	sne.s32 s19, $0x3F;
	s20 =	smul.u32 $0x6000, s20  }
0x293: {  	s17 =	sadd.s32 $0x80, s17;
	v5 =	vmul.f32 v5, v3  }
0x294: {  	s21 =	sand.u32 $0x380, s17;
	s20 =	sshra.s32 s20, $0x2  }
0x295: {  	[tilespmem:s18+$0xA20] =	vst v5;
	s18 =	sor.u32 s21, s20  }
0x296: {  	v5 =	vld [tilespmem:s18+$0xA20];
	_ =	sdelay $0x4  }
.Ltmp18:
0x297: {  	v5 =	vmul.f32 v5, v4;
	(pc) =	sbr.rel @p0 .LBB2_39-.Ltmp18, $3  }
0x298: {  	_ = 	snop  }
0x299: {  	v5 =	vadd.f32 $1.258291200e+07, v5;
	_ =	sdelay $0x1  }
0x29a: {  	s20 =	sshrl.u32 s19, $0x3;
	s19 =	sadd.s32 $0x1, s19;
	v5 =	vadd.f32 $-1.258291200e+07, v5  }
0x29b: {  	s19 =	smul.u32 $0x6000, s20  }
0x29c: {  	s17 =	sadd.s32 $0x80, s17;
	v5 =	vmul.f32 v5, v3  }
0x29d: {  	s17 =	sand.u32 $0x380, s17;
	s19 =	sshra.s32 s19, $0x2  }
0x29e: {  	s17 =	sor.u32 s17, s19;
	[tilespmem:s18+$0xA20] =	vst v5  }
0x29f: {  	v5 =	vld [tilespmem:s17+$0xA20];
	_ =	sdelay $0x4  }
0x2a0: {  	v4 =	vmul.f32 v5, v4;
	_ =	sdelay $0x1  }
0x2a1: {  	v4 =	vadd.f32 $1.258291200e+07, v4;
	_ =	sdelay $0x1  }
0x2a2: {  	v4 =	vadd.f32 $-1.258291200e+07, v4;
	_ =	sdelay $0x1  }
0x2a3: {  	v3 =	vmul.f32 v4, v3;
	_ =	sdelay $0x1  }
0x2a4: {  	[tilespmem:s17+$0xA20] =	vst v3  }
0x2a5: {  	v3 =	vld [tilespmem:$0xC330];
	_ =	sdelay $0x4  }
0x2a6: {  	s19 =	simm.s32 $0x0;
	(erf) = vrcp.f32 v3  }
0x2a7: {  	s20 =	smul.u32 $0x6000, s19  }
0x2a8: {  	s17 =	simm.s32 $0x0  }
0x2a9: {  	s18 =	sshra.s32 s20, $0x2;
	s21 =	sand.u32 $0x380, s17  }
0x2aa: {  	s18 =	sor.u32 s21, s18  }
0x2ab: {  	v5 =	vld [tilespmem:s18+$0xA30];
	_ =	sdelay $0x3  }
0x2ac: {  	v4 =	vpop (erf)  }
0x2ad: {  	v5 =	vmul.f32 v5, v4;
	_ =	sdelay $0x1  }
0x2ae: {  	v5 =	vadd.f32 $1.258291200e+07, v5;
	_ =	sdelay $0x1  }
0x2af: {  	s19 =	simm.s32 $0x2;
	s20 =	simm.s32 $0x0;
	v5 =	vadd.f32 $-1.258291200e+07, v5  }
.LBB2_41:
0x2b0: {  	p0 =	sne.s32 s19, $0x3F;
	s20 =	smul.u32 $0x6000, s20  }
0x2b1: {  	s17 =	sadd.s32 $0x80, s17;
	v5 =	vmul.f32 v5, v3  }
0x2b2: {  	s21 =	sand.u32 $0x380, s17;
	s20 =	sshra.s32 s20, $0x2  }
0x2b3: {  	[tilespmem:s18+$0xA30] =	vst v5;
	s18 =	sor.u32 s21, s20  }
0x2b4: {  	v5 =	vld [tilespmem:s18+$0xA30];
	_ =	sdelay $0x4  }
.Ltmp19:
0x2b5: {  	v5 =	vmul.f32 v5, v4;
	(pc) =	sbr.rel @p0 .LBB2_41-.Ltmp19, $3  }
0x2b6: {  	_ = 	snop  }
0x2b7: {  	v5 =	vadd.f32 $1.258291200e+07, v5;
	_ =	sdelay $0x1  }
0x2b8: {  	s20 =	sshrl.u32 s19, $0x3;
	s19 =	sadd.s32 $0x1, s19;
	v5 =	vadd.f32 $-1.258291200e+07, v5  }
0x2b9: {  	s19 =	smul.u32 $0x6000, s20  }
0x2ba: {  	s17 =	sadd.s32 $0x80, s17;
	v5 =	vmul.f32 v5, v3  }
0x2bb: {  	s17 =	sand.u32 $0x380, s17;
	s19 =	sshra.s32 s19, $0x2  }
0x2bc: {  	s17 =	sor.u32 s17, s19;
	[tilespmem:s18+$0xA30] =	vst v5  }
0x2bd: {  	v5 =	vld [tilespmem:s17+$0xA30];
	_ =	sdelay $0x4  }
0x2be: {  	v4 =	vmul.f32 v5, v4;
	_ =	sdelay $0x1  }
0x2bf: {  	v4 =	vadd.f32 $1.258291200e+07, v4;
	_ =	sdelay $0x1  }
0x2c0: {  	v4 =	vadd.f32 $-1.258291200e+07, v4;
	_ =	sdelay $0x1  }
0x2c1: {  	v3 =	vmul.f32 v4, v3;
	_ =	sdelay $0x1  }
0x2c2: {  	[tilespmem:s17+$0xA30] =	vst v3  }
0x2c3: {  	v3 =	vld [tilespmem:$0xC340];
	_ =	sdelay $0x4  }
0x2c4: {  	s19 =	simm.s32 $0x0;
	(erf) = vrcp.f32 v3  }
0x2c5: {  	s20 =	smul.u32 $0x6000, s19  }
0x2c6: {  	s17 =	simm.s32 $0x0  }
0x2c7: {  	s18 =	sshra.s32 s20, $0x2;
	s21 =	sand.u32 $0x380, s17  }
0x2c8: {  	s18 =	sor.u32 s21, s18  }
0x2c9: {  	v5 =	vld [tilespmem:s18+$0xA40];
	_ =	sdelay $0x3  }
0x2ca: {  	v4 =	vpop (erf)  }
0x2cb: {  	v5 =	vmul.f32 v5, v4;
	_ =	sdelay $0x1  }
0x2cc: {  	v5 =	vadd.f32 $1.258291200e+07, v5;
	_ =	sdelay $0x1  }
0x2cd: {  	s19 =	simm.s32 $0x2;
	s20 =	simm.s32 $0x0;
	v5 =	vadd.f32 $-1.258291200e+07, v5  }
.LBB2_43:
0x2ce: {  	p0 =	sne.s32 s19, $0x3F;
	s20 =	smul.u32 $0x6000, s20  }
0x2cf: {  	s17 =	sadd.s32 $0x80, s17;
	v5 =	vmul.f32 v5, v3  }
0x2d0: {  	s21 =	sand.u32 $0x380, s17;
	s20 =	sshra.s32 s20, $0x2  }
0x2d1: {  	[tilespmem:s18+$0xA40] =	vst v5;
	s18 =	sor.u32 s21, s20  }
0x2d2: {  	v5 =	vld [tilespmem:s18+$0xA40];
	_ =	sdelay $0x4  }
.Ltmp20:
0x2d3: {  	v5 =	vmul.f32 v5, v4;
	(pc) =	sbr.rel @p0 .LBB2_43-.Ltmp20, $3  }
0x2d4: {  	_ = 	snop  }
0x2d5: {  	v5 =	vadd.f32 $1.258291200e+07, v5;
	_ =	sdelay $0x1  }
0x2d6: {  	s20 =	sshrl.u32 s19, $0x3;
	s19 =	sadd.s32 $0x1, s19;
	v5 =	vadd.f32 $-1.258291200e+07, v5  }
0x2d7: {  	s19 =	smul.u32 $0x6000, s20  }
0x2d8: {  	s17 =	sadd.s32 $0x80, s17;
	v5 =	vmul.f32 v5, v3  }
0x2d9: {  	s17 =	sand.u32 $0x380, s17;
	s19 =	sshra.s32 s19, $0x2  }
0x2da: {  	s17 =	sor.u32 s17, s19;
	[tilespmem:s18+$0xA40] =	vst v5  }
0x2db: {  	v5 =	vld [tilespmem:s17+$0xA40];
	_ =	sdelay $0x4  }
0x2dc: {  	v4 =	vmul.f32 v5, v4;
	_ =	sdelay $0x1  }
0x2dd: {  	v4 =	vadd.f32 $1.258291200e+07, v4;
	_ =	sdelay $0x1  }
0x2de: {  	v4 =	vadd.f32 $-1.258291200e+07, v4;
	_ =	sdelay $0x1  }
0x2df: {  	v3 =	vmul.f32 v4, v3;
	_ =	sdelay $0x1  }
0x2e0: {  	[tilespmem:s17+$0xA40] =	vst v3  }
0x2e1: {  	v3 =	vld [tilespmem:$0xC350];
	_ =	sdelay $0x4  }
0x2e2: {  	s19 =	simm.s32 $0x0;
	(erf) = vrcp.f32 v3  }
0x2e3: {  	s20 =	smul.u32 $0x6000, s19  }
0x2e4: {  	s17 =	simm.s32 $0x0  }
0x2e5: {  	s18 =	sshra.s32 s20, $0x2;
	s21 =	sand.u32 $0x380, s17  }
0x2e6: {  	s18 =	sor.u32 s21, s18  }
0x2e7: {  	v5 =	vld [tilespmem:s18+$0xA50];
	_ =	sdelay $0x3  }
0x2e8: {  	v4 =	vpop (erf)  }
0x2e9: {  	v5 =	vmul.f32 v5, v4;
	_ =	sdelay $0x1  }
0x2ea: {  	v5 =	vadd.f32 $1.258291200e+07, v5;
	_ =	sdelay $0x1  }
0x2eb: {  	s19 =	simm.s32 $0x2;
	s20 =	simm.s32 $0x0;
	v5 =	vadd.f32 $-1.258291200e+07, v5  }
.LBB2_45:
0x2ec: {  	p0 =	sne.s32 s19, $0x3F;
	s20 =	smul.u32 $0x6000, s20  }
0x2ed: {  	s17 =	sadd.s32 $0x80, s17;
	v5 =	vmul.f32 v5, v3  }
0x2ee: {  	s21 =	sand.u32 $0x380, s17;
	s20 =	sshra.s32 s20, $0x2  }
0x2ef: {  	[tilespmem:s18+$0xA50] =	vst v5;
	s18 =	sor.u32 s21, s20  }
0x2f0: {  	v5 =	vld [tilespmem:s18+$0xA50];
	_ =	sdelay $0x4  }
.Ltmp21:
0x2f1: {  	v5 =	vmul.f32 v5, v4;
	(pc) =	sbr.rel @p0 .LBB2_45-.Ltmp21, $3  }
0x2f2: {  	_ = 	snop  }
0x2f3: {  	v5 =	vadd.f32 $1.258291200e+07, v5;
	_ =	sdelay $0x1  }
0x2f4: {  	s20 =	sshrl.u32 s19, $0x3;
	s19 =	sadd.s32 $0x1, s19;
	v5 =	vadd.f32 $-1.258291200e+07, v5  }
0x2f5: {  	s19 =	smul.u32 $0x6000, s20  }
0x2f6: {  	s17 =	sadd.s32 $0x80, s17;
	v5 =	vmul.f32 v5, v3  }
0x2f7: {  	s17 =	sand.u32 $0x380, s17;
	s19 =	sshra.s32 s19, $0x2  }
0x2f8: {  	s17 =	sor.u32 s17, s19;
	[tilespmem:s18+$0xA50] =	vst v5  }
0x2f9: {  	v5 =	vld [tilespmem:s17+$0xA50];
	_ =	sdelay $0x4  }
0x2fa: {  	v4 =	vmul.f32 v5, v4;
	_ =	sdelay $0x1  }
0x2fb: {  	v4 =	vadd.f32 $1.258291200e+07, v4;
	_ =	sdelay $0x1  }
0x2fc: {  	v4 =	vadd.f32 $-1.258291200e+07, v4;
	_ =	sdelay $0x1  }
0x2fd: {  	v3 =	vmul.f32 v4, v3;
	_ =	sdelay $0x1  }
0x2fe: {  	[tilespmem:s17+$0xA50] =	vst v3  }
0x2ff: {  	v3 =	vld [tilespmem:$0xC360];
	_ =	sdelay $0x4  }
0x300: {  	s19 =	simm.s32 $0x0;
	(erf) = vrcp.f32 v3  }
0x301: {  	s20 =	smul.u32 $0x6000, s19  }
0x302: {  	s17 =	simm.s32 $0x0  }
0x303: {  	s18 =	sshra.s32 s20, $0x2;
	s21 =	sand.u32 $0x380, s17  }
0x304: {  	s18 =	sor.u32 s21, s18  }
0x305: {  	v5 =	vld [tilespmem:s18+$0xA60];
	_ =	sdelay $0x3  }
0x306: {  	v4 =	vpop (erf)  }
0x307: {  	v5 =	vmul.f32 v5, v4;
	_ =	sdelay $0x1  }
0x308: {  	v5 =	vadd.f32 $1.258291200e+07, v5;
	_ =	sdelay $0x1  }
0x309: {  	s19 =	simm.s32 $0x2;
	s20 =	simm.s32 $0x0;
	v5 =	vadd.f32 $-1.258291200e+07, v5  }
.LBB2_47:
0x30a: {  	p0 =	sne.s32 s19, $0x3F;
	s20 =	smul.u32 $0x6000, s20  }
0x30b: {  	s17 =	sadd.s32 $0x80, s17;
	v5 =	vmul.f32 v5, v3  }
0x30c: {  	s21 =	sand.u32 $0x380, s17;
	s20 =	sshra.s32 s20, $0x2  }
0x30d: {  	[tilespmem:s18+$0xA60] =	vst v5;
	s18 =	sor.u32 s21, s20  }
0x30e: {  	v5 =	vld [tilespmem:s18+$0xA60];
	_ =	sdelay $0x4  }
.Ltmp22:
0x30f: {  	v5 =	vmul.f32 v5, v4;
	(pc) =	sbr.rel @p0 .LBB2_47-.Ltmp22, $3  }
0x310: {  	_ = 	snop  }
0x311: {  	v5 =	vadd.f32 $1.258291200e+07, v5;
	_ =	sdelay $0x1  }
0x312: {  	s20 =	sshrl.u32 s19, $0x3;
	s19 =	sadd.s32 $0x1, s19;
	v5 =	vadd.f32 $-1.258291200e+07, v5  }
0x313: {  	s19 =	smul.u32 $0x6000, s20  }
0x314: {  	s17 =	sadd.s32 $0x80, s17;
	v5 =	vmul.f32 v5, v3  }
0x315: {  	s17 =	sand.u32 $0x380, s17;
	s19 =	sshra.s32 s19, $0x2  }
0x316: {  	s17 =	sor.u32 s17, s19;
	[tilespmem:s18+$0xA60] =	vst v5  }
0x317: {  	v5 =	vld [tilespmem:s17+$0xA60];
	_ =	sdelay $0x4  }
0x318: {  	v4 =	vmul.f32 v5, v4;
	_ =	sdelay $0x1  }
0x319: {  	v4 =	vadd.f32 $1.258291200e+07, v4;
	_ =	sdelay $0x1  }
0x31a: {  	v4 =	vadd.f32 $-1.258291200e+07, v4;
	_ =	sdelay $0x1  }
0x31b: {  	v3 =	vmul.f32 v4, v3;
	_ =	sdelay $0x1  }
0x31c: {  	[tilespmem:s17+$0xA60] =	vst v3  }
0x31d: {  	v3 =	vld [tilespmem:$0xC370];
	_ =	sdelay $0x4  }
0x31e: {  	s19 =	simm.s32 $0x0;
	(erf) = vrcp.f32 v3  }
0x31f: {  	s20 =	smul.u32 $0x6000, s19  }
0x320: {  	s17 =	simm.s32 $0x0  }
0x321: {  	s18 =	sshra.s32 s20, $0x2;
	s21 =	sand.u32 $0x380, s17  }
0x322: {  	s18 =	sor.u32 s21, s18  }
0x323: {  	v5 =	vld [tilespmem:s18+$0xA70];
	_ =	sdelay $0x3  }
0x324: {  	v4 =	vpop (erf)  }
0x325: {  	v5 =	vmul.f32 v5, v4;
	_ =	sdelay $0x1  }
0x326: {  	v5 =	vadd.f32 $1.258291200e+07, v5;
	_ =	sdelay $0x1  }
0x327: {  	s19 =	simm.s32 $0x2;
	s20 =	simm.s32 $0x0;
	v5 =	vadd.f32 $-1.258291200e+07, v5  }
.LBB2_49:
0x328: {  	p0 =	sne.s32 s19, $0x3F;
	s20 =	smul.u32 $0x6000, s20  }
0x329: {  	s17 =	sadd.s32 $0x80, s17;
	v5 =	vmul.f32 v5, v3  }
0x32a: {  	s21 =	sand.u32 $0x380, s17;
	s20 =	sshra.s32 s20, $0x2  }
0x32b: {  	[tilespmem:s18+$0xA70] =	vst v5;
	s18 =	sor.u32 s21, s20  }
0x32c: {  	v5 =	vld [tilespmem:s18+$0xA70];
	_ =	sdelay $0x4  }
.Ltmp23:
0x32d: {  	v5 =	vmul.f32 v5, v4;
	(pc) =	sbr.rel @p0 .LBB2_49-.Ltmp23, $3  }
0x32e: {  	_ = 	snop  }
0x32f: {  	v5 =	vadd.f32 $1.258291200e+07, v5;
	_ =	sdelay $0x1  }
0x330: {  	s20 =	sshrl.u32 s19, $0x3;
	s19 =	sadd.s32 $0x1, s19;
	v5 =	vadd.f32 $-1.258291200e+07, v5  }
0x331: {  	s19 =	smul.u32 $0x6000, s20  }
0x332: {  	s17 =	sadd.s32 $0x80, s17;
	v5 =	vmul.f32 v5, v3  }
0x333: {  	s17 =	sand.u32 $0x380, s17;
	s19 =	sshra.s32 s19, $0x2  }
0x334: {  	s17 =	sor.u32 s17, s19;
	[tilespmem:s18+$0xA70] =	vst v5  }
0x335: {  	v5 =	vld [tilespmem:s17+$0xA70];
	_ =	sdelay $0x4  }
0x336: {  	v4 =	vmul.f32 v5, v4;
	_ =	sdelay $0x1  }
0x337: {  	v4 =	vadd.f32 $1.258291200e+07, v4;
	_ =	sdelay $0x1  }
0x338: {  	v4 =	vadd.f32 $-1.258291200e+07, v4;
	_ =	sdelay $0x1  }
0x339: {  	v3 =	vmul.f32 v4, v3;
	_ =	sdelay $0x1  }
0x33a: {  	[tilespmem:s17+$0xA70] =	vst v3  }
0x33b: {  	v3 =	vld [tilespmem:$0xC380];
	_ =	sdelay $0x4  }
0x33c: {  	s19 =	simm.s32 $0x0;
	(erf) = vrcp.f32 v3  }
0x33d: {  	s20 =	smul.u32 $0x6000, s19  }
0x33e: {  	s17 =	simm.s32 $0x0  }
0x33f: {  	s18 =	sshra.s32 s20, $0x2;
	s21 =	sand.u32 $0x380, s17  }
0x340: {  	s18 =	sor.u32 s21, s18  }
0x341: {  	v5 =	vld [tilespmem:s18+$0xE00];
	_ =	sdelay $0x3  }
0x342: {  	v4 =	vpop (erf)  }
0x343: {  	v5 =	vmul.f32 v5, v4;
	_ =	sdelay $0x1  }
0x344: {  	v5 =	vadd.f32 $1.258291200e+07, v5;
	_ =	sdelay $0x1  }
0x345: {  	s19 =	simm.s32 $0x2;
	s20 =	simm.s32 $0x0;
	v5 =	vadd.f32 $-1.258291200e+07, v5  }
.LBB2_51:
0x346: {  	p0 =	sne.s32 s19, $0x3F;
	s20 =	smul.u32 $0x6000, s20  }
0x347: {  	s17 =	sadd.s32 $0x80, s17;
	v5 =	vmul.f32 v5, v3  }
0x348: {  	s21 =	sand.u32 $0x380, s17;
	s20 =	sshra.s32 s20, $0x2  }
0x349: {  	[tilespmem:s18+$0xE00] =	vst v5;
	s18 =	sor.u32 s21, s20  }
0x34a: {  	v5 =	vld [tilespmem:s18+$0xE00];
	_ =	sdelay $0x4  }
.Ltmp24:
0x34b: {  	v5 =	vmul.f32 v5, v4;
	(pc) =	sbr.rel @p0 .LBB2_51-.Ltmp24, $3  }
0x34c: {  	_ = 	snop  }
0x34d: {  	v5 =	vadd.f32 $1.258291200e+07, v5;
	_ =	sdelay $0x1  }
0x34e: {  	s20 =	sshrl.u32 s19, $0x3;
	s19 =	sadd.s32 $0x1, s19;
	v5 =	vadd.f32 $-1.258291200e+07, v5  }
0x34f: {  	s19 =	smul.u32 $0x6000, s20  }
0x350: {  	s17 =	sadd.s32 $0x80, s17;
	v5 =	vmul.f32 v5, v3  }
0x351: {  	s17 =	sand.u32 $0x380, s17;
	s19 =	sshra.s32 s19, $0x2  }
0x352: {  	s17 =	sor.u32 s17, s19;
	[tilespmem:s18+$0xE00] =	vst v5  }
0x353: {  	v5 =	vld [tilespmem:s17+$0xE00];
	_ =	sdelay $0x4  }
0x354: {  	v4 =	vmul.f32 v5, v4;
	_ =	sdelay $0x1  }
0x355: {  	v4 =	vadd.f32 $1.258291200e+07, v4;
	_ =	sdelay $0x1  }
0x356: {  	v4 =	vadd.f32 $-1.258291200e+07, v4;
	_ =	sdelay $0x1  }
0x357: {  	v3 =	vmul.f32 v4, v3;
	_ =	sdelay $0x1  }
0x358: {  	[tilespmem:s17+$0xE00] =	vst v3  }
0x359: {  	v3 =	vld [tilespmem:$0xC390];
	_ =	sdelay $0x4  }
0x35a: {  	s19 =	simm.s32 $0x0;
	(erf) = vrcp.f32 v3  }
0x35b: {  	s20 =	smul.u32 $0x6000, s19  }
0x35c: {  	s17 =	simm.s32 $0x0  }
0x35d: {  	s18 =	sshra.s32 s20, $0x2;
	s21 =	sand.u32 $0x380, s17  }
0x35e: {  	s18 =	sor.u32 s21, s18  }
0x35f: {  	v5 =	vld [tilespmem:s18+$0xE10];
	_ =	sdelay $0x3  }
0x360: {  	v4 =	vpop (erf)  }
0x361: {  	v5 =	vmul.f32 v5, v4;
	_ =	sdelay $0x1  }
0x362: {  	v5 =	vadd.f32 $1.258291200e+07, v5;
	_ =	sdelay $0x1  }
0x363: {  	s19 =	simm.s32 $0x2;
	s20 =	simm.s32 $0x0;
	v5 =	vadd.f32 $-1.258291200e+07, v5  }
.LBB2_53:
0x364: {  	p0 =	sne.s32 s19, $0x3F;
	s20 =	smul.u32 $0x6000, s20  }
0x365: {  	s17 =	sadd.s32 $0x80, s17;
	v5 =	vmul.f32 v5, v3  }
0x366: {  	s21 =	sand.u32 $0x380, s17;
	s20 =	sshra.s32 s20, $0x2  }
0x367: {  	[tilespmem:s18+$0xE10] =	vst v5;
	s18 =	sor.u32 s21, s20  }
0x368: {  	v5 =	vld [tilespmem:s18+$0xE10];
	_ =	sdelay $0x4  }
.Ltmp25:
0x369: {  	v5 =	vmul.f32 v5, v4;
	(pc) =	sbr.rel @p0 .LBB2_53-.Ltmp25, $3  }
0x36a: {  	_ = 	snop  }
0x36b: {  	v5 =	vadd.f32 $1.258291200e+07, v5;
	_ =	sdelay $0x1  }
0x36c: {  	s20 =	sshrl.u32 s19, $0x3;
	s19 =	sadd.s32 $0x1, s19;
	v5 =	vadd.f32 $-1.258291200e+07, v5  }
0x36d: {  	s19 =	smul.u32 $0x6000, s20  }
0x36e: {  	s17 =	sadd.s32 $0x80, s17;
	v5 =	vmul.f32 v5, v3  }
0x36f: {  	s17 =	sand.u32 $0x380, s17;
	s19 =	sshra.s32 s19, $0x2  }
0x370: {  	s17 =	sor.u32 s17, s19;
	[tilespmem:s18+$0xE10] =	vst v5  }
0x371: {  	v5 =	vld [tilespmem:s17+$0xE10];
	_ =	sdelay $0x4  }
0x372: {  	v4 =	vmul.f32 v5, v4;
	_ =	sdelay $0x1  }
0x373: {  	v4 =	vadd.f32 $1.258291200e+07, v4;
	_ =	sdelay $0x1  }
0x374: {  	v4 =	vadd.f32 $-1.258291200e+07, v4;
	_ =	sdelay $0x1  }
0x375: {  	v3 =	vmul.f32 v4, v3;
	_ =	sdelay $0x1  }
0x376: {  	[tilespmem:s17+$0xE10] =	vst v3  }
0x377: {  	v3 =	vld [tilespmem:$0xC3A0];
	_ =	sdelay $0x4  }
0x378: {  	s19 =	simm.s32 $0x0;
	(erf) = vrcp.f32 v3  }
0x379: {  	s20 =	smul.u32 $0x6000, s19  }
0x37a: {  	s17 =	simm.s32 $0x0  }
0x37b: {  	s18 =	sshra.s32 s20, $0x2;
	s21 =	sand.u32 $0x380, s17  }
0x37c: {  	s18 =	sor.u32 s21, s18  }
0x37d: {  	v5 =	vld [tilespmem:s18+$0xE20];
	_ =	sdelay $0x3  }
0x37e: {  	v4 =	vpop (erf)  }
0x37f: {  	v5 =	vmul.f32 v5, v4;
	_ =	sdelay $0x1  }
0x380: {  	v5 =	vadd.f32 $1.258291200e+07, v5;
	_ =	sdelay $0x1  }
0x381: {  	s19 =	simm.s32 $0x2;
	s20 =	simm.s32 $0x0;
	v5 =	vadd.f32 $-1.258291200e+07, v5  }
.LBB2_55:
0x382: {  	p0 =	sne.s32 s19, $0x3F;
	s20 =	smul.u32 $0x6000, s20  }
0x383: {  	s17 =	sadd.s32 $0x80, s17;
	v5 =	vmul.f32 v5, v3  }
0x384: {  	s21 =	sand.u32 $0x380, s17;
	s20 =	sshra.s32 s20, $0x2  }
0x385: {  	[tilespmem:s18+$0xE20] =	vst v5;
	s18 =	sor.u32 s21, s20  }
0x386: {  	v5 =	vld [tilespmem:s18+$0xE20];
	_ =	sdelay $0x4  }
.Ltmp26:
0x387: {  	v5 =	vmul.f32 v5, v4;
	(pc) =	sbr.rel @p0 .LBB2_55-.Ltmp26, $3  }
0x388: {  	_ = 	snop  }
0x389: {  	v5 =	vadd.f32 $1.258291200e+07, v5;
	_ =	sdelay $0x1  }
0x38a: {  	s20 =	sshrl.u32 s19, $0x3;
	s19 =	sadd.s32 $0x1, s19;
	v5 =	vadd.f32 $-1.258291200e+07, v5  }
0x38b: {  	s19 =	smul.u32 $0x6000, s20  }
0x38c: {  	s17 =	sadd.s32 $0x80, s17;
	v5 =	vmul.f32 v5, v3  }
0x38d: {  	s17 =	sand.u32 $0x380, s17;
	s19 =	sshra.s32 s19, $0x2  }
0x38e: {  	s17 =	sor.u32 s17, s19;
	[tilespmem:s18+$0xE20] =	vst v5  }
0x38f: {  	v5 =	vld [tilespmem:s17+$0xE20];
	_ =	sdelay $0x4  }
0x390: {  	v4 =	vmul.f32 v5, v4;
	_ =	sdelay $0x1  }
0x391: {  	v4 =	vadd.f32 $1.258291200e+07, v4;
	_ =	sdelay $0x1  }
0x392: {  	v4 =	vadd.f32 $-1.258291200e+07, v4;
	_ =	sdelay $0x1  }
0x393: {  	v3 =	vmul.f32 v4, v3;
	_ =	sdelay $0x1  }
0x394: {  	[tilespmem:s17+$0xE20] =	vst v3  }
0x395: {  	v3 =	vld [tilespmem:$0xC3B0];
	_ =	sdelay $0x4  }
0x396: {  	s19 =	simm.s32 $0x0;
	(erf) = vrcp.f32 v3  }
0x397: {  	s20 =	smul.u32 $0x6000, s19  }
0x398: {  	s17 =	simm.s32 $0x0  }
0x399: {  	s18 =	sshra.s32 s20, $0x2;
	s21 =	sand.u32 $0x380, s17  }
0x39a: {  	s18 =	sor.u32 s21, s18  }
0x39b: {  	v5 =	vld [tilespmem:s18+$0xE30];
	_ =	sdelay $0x3  }
0x39c: {  	v4 =	vpop (erf)  }
0x39d: {  	v5 =	vmul.f32 v5, v4;
	_ =	sdelay $0x1  }
0x39e: {  	v5 =	vadd.f32 $1.258291200e+07, v5;
	_ =	sdelay $0x1  }
0x39f: {  	s19 =	simm.s32 $0x2;
	s20 =	simm.s32 $0x0;
	v5 =	vadd.f32 $-1.258291200e+07, v5  }
.LBB2_57:
0x3a0: {  	p0 =	sne.s32 s19, $0x3F;
	s20 =	smul.u32 $0x6000, s20  }
0x3a1: {  	s17 =	sadd.s32 $0x80, s17;
	v5 =	vmul.f32 v5, v3  }
0x3a2: {  	s21 =	sand.u32 $0x380, s17;
	s20 =	sshra.s32 s20, $0x2  }
0x3a3: {  	[tilespmem:s18+$0xE30] =	vst v5;
	s18 =	sor.u32 s21, s20  }
0x3a4: {  	v5 =	vld [tilespmem:s18+$0xE30];
	_ =	sdelay $0x4  }
.Ltmp27:
0x3a5: {  	v5 =	vmul.f32 v5, v4;
	(pc) =	sbr.rel @p0 .LBB2_57-.Ltmp27, $3  }
0x3a6: {  	_ = 	snop  }
0x3a7: {  	v5 =	vadd.f32 $1.258291200e+07, v5;
	_ =	sdelay $0x1  }
0x3a8: {  	s20 =	sshrl.u32 s19, $0x3;
	s19 =	sadd.s32 $0x1, s19;
	v5 =	vadd.f32 $-1.258291200e+07, v5  }
0x3a9: {  	s19 =	smul.u32 $0x6000, s20  }
0x3aa: {  	s17 =	sadd.s32 $0x80, s17;
	v5 =	vmul.f32 v5, v3  }
0x3ab: {  	s17 =	sand.u32 $0x380, s17;
	s19 =	sshra.s32 s19, $0x2  }
0x3ac: {  	s17 =	sor.u32 s17, s19;
	[tilespmem:s18+$0xE30] =	vst v5  }
0x3ad: {  	v5 =	vld [tilespmem:s17+$0xE30];
	_ =	sdelay $0x4  }
0x3ae: {  	v4 =	vmul.f32 v5, v4;
	_ =	sdelay $0x1  }
0x3af: {  	v4 =	vadd.f32 $1.258291200e+07, v4;
	_ =	sdelay $0x1  }
0x3b0: {  	v4 =	vadd.f32 $-1.258291200e+07, v4;
	_ =	sdelay $0x1  }
0x3b1: {  	v3 =	vmul.f32 v4, v3;
	_ =	sdelay $0x1  }
0x3b2: {  	[tilespmem:s17+$0xE30] =	vst v3  }
0x3b3: {  	v3 =	vld [tilespmem:$0xC3C0];
	_ =	sdelay $0x4  }
0x3b4: {  	s19 =	simm.s32 $0x0;
	(erf) = vrcp.f32 v3  }
0x3b5: {  	s20 =	smul.u32 $0x6000, s19  }
0x3b6: {  	s17 =	simm.s32 $0x0  }
0x3b7: {  	s18 =	sshra.s32 s20, $0x2;
	s21 =	sand.u32 $0x380, s17  }
0x3b8: {  	s18 =	sor.u32 s21, s18  }
0x3b9: {  	v5 =	vld [tilespmem:s18+$0xE40];
	_ =	sdelay $0x3  }
0x3ba: {  	v4 =	vpop (erf)  }
0x3bb: {  	v5 =	vmul.f32 v5, v4;
	_ =	sdelay $0x1  }
0x3bc: {  	v5 =	vadd.f32 $1.258291200e+07, v5;
	_ =	sdelay $0x1  }
0x3bd: {  	s19 =	simm.s32 $0x2;
	s20 =	simm.s32 $0x0;
	v5 =	vadd.f32 $-1.258291200e+07, v5  }
.LBB2_59:
0x3be: {  	p0 =	sne.s32 s19, $0x3F;
	s20 =	smul.u32 $0x6000, s20  }
0x3bf: {  	s17 =	sadd.s32 $0x80, s17;
	v5 =	vmul.f32 v5, v3  }
0x3c0: {  	s21 =	sand.u32 $0x380, s17;
	s20 =	sshra.s32 s20, $0x2  }
0x3c1: {  	[tilespmem:s18+$0xE40] =	vst v5;
	s18 =	sor.u32 s21, s20  }
0x3c2: {  	v5 =	vld [tilespmem:s18+$0xE40];
	_ =	sdelay $0x4  }
.Ltmp28:
0x3c3: {  	v5 =	vmul.f32 v5, v4;
	(pc) =	sbr.rel @p0 .LBB2_59-.Ltmp28, $3  }
0x3c4: {  	_ = 	snop  }
0x3c5: {  	v5 =	vadd.f32 $1.258291200e+07, v5;
	_ =	sdelay $0x1  }
0x3c6: {  	s20 =	sshrl.u32 s19, $0x3;
	s19 =	sadd.s32 $0x1, s19;
	v5 =	vadd.f32 $-1.258291200e+07, v5  }
0x3c7: {  	s19 =	smul.u32 $0x6000, s20  }
0x3c8: {  	s17 =	sadd.s32 $0x80, s17;
	v5 =	vmul.f32 v5, v3  }
0x3c9: {  	s17 =	sand.u32 $0x380, s17;
	s19 =	sshra.s32 s19, $0x2  }
0x3ca: {  	s17 =	sor.u32 s17, s19;
	[tilespmem:s18+$0xE40] =	vst v5  }
0x3cb: {  	v5 =	vld [tilespmem:s17+$0xE40];
	_ =	sdelay $0x4  }
0x3cc: {  	v4 =	vmul.f32 v5, v4;
	_ =	sdelay $0x1  }
0x3cd: {  	v4 =	vadd.f32 $1.258291200e+07, v4;
	_ =	sdelay $0x1  }
0x3ce: {  	v4 =	vadd.f32 $-1.258291200e+07, v4;
	_ =	sdelay $0x1  }
0x3cf: {  	v3 =	vmul.f32 v4, v3;
	_ =	sdelay $0x1  }
0x3d0: {  	[tilespmem:s17+$0xE40] =	vst v3  }
0x3d1: {  	v3 =	vld [tilespmem:$0xC3D0];
	_ =	sdelay $0x4  }
0x3d2: {  	s19 =	simm.s32 $0x0;
	(erf) = vrcp.f32 v3  }
0x3d3: {  	s20 =	smul.u32 $0x6000, s19  }
0x3d4: {  	s17 =	simm.s32 $0x0  }
0x3d5: {  	s18 =	sshra.s32 s20, $0x2;
	s21 =	sand.u32 $0x380, s17  }
0x3d6: {  	s18 =	sor.u32 s21, s18  }
0x3d7: {  	v5 =	vld [tilespmem:s18+$0xE50];
	_ =	sdelay $0x3  }
0x3d8: {  	v4 =	vpop (erf)  }
0x3d9: {  	v5 =	vmul.f32 v5, v4;
	_ =	sdelay $0x1  }
0x3da: {  	v5 =	vadd.f32 $1.258291200e+07, v5;
	_ =	sdelay $0x1  }
0x3db: {  	s19 =	simm.s32 $0x2;
	s20 =	simm.s32 $0x0;
	v5 =	vadd.f32 $-1.258291200e+07, v5  }
.LBB2_61:
0x3dc: {  	p0 =	sne.s32 s19, $0x3F;
	s20 =	smul.u32 $0x6000, s20  }
0x3dd: {  	s17 =	sadd.s32 $0x80, s17;
	v5 =	vmul.f32 v5, v3  }
0x3de: {  	s21 =	sand.u32 $0x380, s17;
	s20 =	sshra.s32 s20, $0x2  }
0x3df: {  	[tilespmem:s18+$0xE50] =	vst v5;
	s18 =	sor.u32 s21, s20  }
0x3e0: {  	v5 =	vld [tilespmem:s18+$0xE50];
	_ =	sdelay $0x4  }
.Ltmp29:
0x3e1: {  	v5 =	vmul.f32 v5, v4;
	(pc) =	sbr.rel @p0 .LBB2_61-.Ltmp29, $3  }
0x3e2: {  	_ = 	snop  }
0x3e3: {  	v5 =	vadd.f32 $1.258291200e+07, v5;
	_ =	sdelay $0x1  }
0x3e4: {  	s20 =	sshrl.u32 s19, $0x3;
	s19 =	sadd.s32 $0x1, s19;
	v5 =	vadd.f32 $-1.258291200e+07, v5  }
0x3e5: {  	s19 =	smul.u32 $0x6000, s20  }
0x3e6: {  	s17 =	sadd.s32 $0x80, s17;
	v5 =	vmul.f32 v5, v3  }
0x3e7: {  	s17 =	sand.u32 $0x380, s17;
	s19 =	sshra.s32 s19, $0x2  }
0x3e8: {  	s17 =	sor.u32 s17, s19;
	[tilespmem:s18+$0xE50] =	vst v5  }
0x3e9: {  	v5 =	vld [tilespmem:s17+$0xE50];
	_ =	sdelay $0x4  }
0x3ea: {  	v4 =	vmul.f32 v5, v4;
	_ =	sdelay $0x1  }
0x3eb: {  	v4 =	vadd.f32 $1.258291200e+07, v4;
	_ =	sdelay $0x1  }
0x3ec: {  	v4 =	vadd.f32 $-1.258291200e+07, v4;
	_ =	sdelay $0x1  }
0x3ed: {  	v3 =	vmul.f32 v4, v3;
	_ =	sdelay $0x1  }
0x3ee: {  	[tilespmem:s17+$0xE50] =	vst v3  }
0x3ef: {  	v3 =	vld [tilespmem:$0xC3E0];
	_ =	sdelay $0x4  }
0x3f0: {  	s19 =	simm.s32 $0x0;
	(erf) = vrcp.f32 v3  }
0x3f1: {  	s20 =	smul.u32 $0x6000, s19  }
0x3f2: {  	s17 =	simm.s32 $0x0  }
0x3f3: {  	s18 =	sshra.s32 s20, $0x2;
	s21 =	sand.u32 $0x380, s17  }
0x3f4: {  	s18 =	sor.u32 s21, s18  }
0x3f5: {  	v5 =	vld [tilespmem:s18+$0xE60];
	_ =	sdelay $0x3  }
0x3f6: {  	v4 =	vpop (erf)  }
0x3f7: {  	v5 =	vmul.f32 v5, v4;
	_ =	sdelay $0x1  }
0x3f8: {  	v5 =	vadd.f32 $1.258291200e+07, v5;
	_ =	sdelay $0x1  }
0x3f9: {  	s19 =	simm.s32 $0x2;
	s20 =	simm.s32 $0x0;
	v5 =	vadd.f32 $-1.258291200e+07, v5  }
.LBB2_63:
0x3fa: {  	p0 =	sne.s32 s19, $0x3F;
	s20 =	smul.u32 $0x6000, s20  }
0x3fb: {  	s17 =	sadd.s32 $0x80, s17;
	v5 =	vmul.f32 v5, v3  }
0x3fc: {  	s21 =	sand.u32 $0x380, s17;
	s20 =	sshra.s32 s20, $0x2  }
0x3fd: {  	[tilespmem:s18+$0xE60] =	vst v5;
	s18 =	sor.u32 s21, s20  }
0x3fe: {  	v5 =	vld [tilespmem:s18+$0xE60];
	_ =	sdelay $0x4  }
.Ltmp30:
0x3ff: {  	v5 =	vmul.f32 v5, v4;
	(pc) =	sbr.rel @p0 .LBB2_63-.Ltmp30, $3  }
0x400: {  	_ = 	snop  }
0x401: {  	v5 =	vadd.f32 $1.258291200e+07, v5;
	_ =	sdelay $0x1  }
0x402: {  	s20 =	sshrl.u32 s19, $0x3;
	s19 =	sadd.s32 $0x1, s19;
	v5 =	vadd.f32 $-1.258291200e+07, v5  }
0x403: {  	s19 =	smul.u32 $0x6000, s20  }
0x404: {  	s17 =	sadd.s32 $0x80, s17;
	v5 =	vmul.f32 v5, v3  }
0x405: {  	s17 =	sand.u32 $0x380, s17;
	s19 =	sshra.s32 s19, $0x2  }
0x406: {  	s17 =	sor.u32 s17, s19;
	[tilespmem:s18+$0xE60] =	vst v5  }
0x407: {  	v5 =	vld [tilespmem:s17+$0xE60];
	_ =	sdelay $0x4  }
0x408: {  	v4 =	vmul.f32 v5, v4;
	_ =	sdelay $0x1  }
0x409: {  	v4 =	vadd.f32 $1.258291200e+07, v4;
	_ =	sdelay $0x1  }
0x40a: {  	v4 =	vadd.f32 $-1.258291200e+07, v4;
	_ =	sdelay $0x1  }
0x40b: {  	v3 =	vmul.f32 v4, v3;
	_ =	sdelay $0x1  }
0x40c: {  	[tilespmem:s17+$0xE60] =	vst v3  }
0x40d: {  	v3 =	vld [tilespmem:$0xC3F0];
	_ =	sdelay $0x4  }
0x40e: {  	s19 =	simm.s32 $0x0;
	(erf) = vrcp.f32 v3  }
0x40f: {  	s20 =	smul.u32 $0x6000, s19  }
0x410: {  	s17 =	simm.s32 $0x0  }
0x411: {  	s18 =	sshra.s32 s20, $0x2;
	s21 =	sand.u32 $0x380, s17  }
0x412: {  	s18 =	sor.u32 s21, s18  }
0x413: {  	v5 =	vld [tilespmem:s18+$0xE70];
	_ =	sdelay $0x3  }
0x414: {  	v4 =	vpop (erf)  }
0x415: {  	v5 =	vmul.f32 v5, v4;
	_ =	sdelay $0x1  }
0x416: {  	v5 =	vadd.f32 $1.258291200e+07, v5;
	_ =	sdelay $0x1  }
0x417: {  	s19 =	simm.s32 $0x2;
	s20 =	simm.s32 $0x0;
	v5 =	vadd.f32 $-1.258291200e+07, v5  }
.LBB2_65:
0x418: {  	p0 =	sne.s32 s19, $0x3F;
	s20 =	smul.u32 $0x6000, s20  }
0x419: {  	s17 =	sadd.s32 $0x80, s17;
	v5 =	vmul.f32 v5, v3  }
0x41a: {  	s21 =	sand.u32 $0x380, s17;
	s20 =	sshra.s32 s20, $0x2  }
0x41b: {  	[tilespmem:s18+$0xE70] =	vst v5;
	s18 =	sor.u32 s21, s20  }
0x41c: {  	v5 =	vld [tilespmem:s18+$0xE70];
	_ =	sdelay $0x4  }
.Ltmp31:
0x41d: {  	v5 =	vmul.f32 v5, v4;
	(pc) =	sbr.rel @p0 .LBB2_65-.Ltmp31, $3  }
0x41e: {  	_ = 	snop  }
0x41f: {  	v5 =	vadd.f32 $1.258291200e+07, v5;
	_ =	sdelay $0x1  }
0x420: {  	s20 =	sshrl.u32 s19, $0x3;
	s19 =	sadd.s32 $0x1, s19;
	v5 =	vadd.f32 $-1.258291200e+07, v5  }
0x421: {  	s19 =	smul.u32 $0x6000, s20  }
0x422: {  	s17 =	sadd.s32 $0x80, s17;
	v5 =	vmul.f32 v5, v3  }
0x423: {  	s17 =	sand.u32 $0x380, s17;
	s19 =	sshra.s32 s19, $0x2  }
0x424: {  	s17 =	sor.u32 s17, s19;
	[tilespmem:s18+$0xE70] =	vst v5  }
0x425: {  	v5 =	vld [tilespmem:s17+$0xE70];
	_ =	sdelay $0x4  }
0x426: {  	v4 =	vmul.f32 v5, v4;
	_ =	sdelay $0x1  }
0x427: {  	v4 =	vadd.f32 $1.258291200e+07, v4;
	_ =	sdelay $0x1  }
0x428: {  	v4 =	vadd.f32 $-1.258291200e+07, v4;
	_ =	sdelay $0x1  }
0x429: {  	v3 =	vmul.f32 v4, v3;
	_ =	sdelay $0x1  }
0x42a: {  	[tilespmem:s17+$0xE70] =	vst v3  }
0x42b: {  	v3 =	vld [tilespmem:$0xC400];
	_ =	sdelay $0x4  }
0x42c: {  	s19 =	simm.s32 $0x0;
	(erf) = vrcp.f32 v3  }
0x42d: {  	s20 =	smul.u32 $0x6000, s19  }
0x42e: {  	s17 =	simm.s32 $0x0  }
0x42f: {  	s18 =	sshra.s32 s20, $0x2;
	s21 =	sand.u32 $0x380, s17  }
0x430: {  	s18 =	sor.u32 s21, s18  }
0x431: {  	v5 =	vld [tilespmem:s18+$0x1200];
	_ =	sdelay $0x3  }
0x432: {  	v4 =	vpop (erf)  }
0x433: {  	v5 =	vmul.f32 v5, v4;
	_ =	sdelay $0x1  }
0x434: {  	v5 =	vadd.f32 $1.258291200e+07, v5;
	_ =	sdelay $0x1  }
0x435: {  	s19 =	simm.s32 $0x2;
	s20 =	simm.s32 $0x0;
	v5 =	vadd.f32 $-1.258291200e+07, v5  }
.LBB2_67:
0x436: {  	p0 =	sne.s32 s19, $0x3F;
	s20 =	smul.u32 $0x6000, s20  }
0x437: {  	s17 =	sadd.s32 $0x80, s17;
	v5 =	vmul.f32 v5, v3  }
0x438: {  	s21 =	sand.u32 $0x380, s17;
	s20 =	sshra.s32 s20, $0x2  }
0x439: {  	[tilespmem:s18+$0x1200] =	vst v5;
	s18 =	sor.u32 s21, s20  }
0x43a: {  	v5 =	vld [tilespmem:s18+$0x1200];
	_ =	sdelay $0x4  }
.Ltmp32:
0x43b: {  	v5 =	vmul.f32 v5, v4;
	(pc) =	sbr.rel @p0 .LBB2_67-.Ltmp32, $3  }
0x43c: {  	_ = 	snop  }
0x43d: {  	v5 =	vadd.f32 $1.258291200e+07, v5;
	_ =	sdelay $0x1  }
0x43e: {  	s20 =	sshrl.u32 s19, $0x3;
	s19 =	sadd.s32 $0x1, s19;
	v5 =	vadd.f32 $-1.258291200e+07, v5  }
0x43f: {  	s19 =	smul.u32 $0x6000, s20  }
0x440: {  	s17 =	sadd.s32 $0x80, s17;
	v5 =	vmul.f32 v5, v3  }
0x441: {  	s17 =	sand.u32 $0x380, s17;
	s19 =	sshra.s32 s19, $0x2  }
0x442: {  	s17 =	sor.u32 s17, s19;
	[tilespmem:s18+$0x1200] =	vst v5  }
0x443: {  	v5 =	vld [tilespmem:s17+$0x1200];
	_ =	sdelay $0x4  }
0x444: {  	v4 =	vmul.f32 v5, v4;
	_ =	sdelay $0x1  }
0x445: {  	v4 =	vadd.f32 $1.258291200e+07, v4;
	_ =	sdelay $0x1  }
0x446: {  	v4 =	vadd.f32 $-1.258291200e+07, v4;
	_ =	sdelay $0x1  }
0x447: {  	v3 =	vmul.f32 v4, v3;
	_ =	sdelay $0x1  }
0x448: {  	[tilespmem:s17+$0x1200] =	vst v3  }
0x449: {  	v3 =	vld [tilespmem:$0xC410];
	_ =	sdelay $0x4  }
0x44a: {  	s19 =	simm.s32 $0x0;
	(erf) = vrcp.f32 v3  }
0x44b: {  	s20 =	smul.u32 $0x6000, s19  }
0x44c: {  	s17 =	simm.s32 $0x0  }
0x44d: {  	s18 =	sshra.s32 s20, $0x2;
	s21 =	sand.u32 $0x380, s17  }
0x44e: {  	s18 =	sor.u32 s21, s18  }
0x44f: {  	v5 =	vld [tilespmem:s18+$0x1210];
	_ =	sdelay $0x3  }
0x450: {  	v4 =	vpop (erf)  }
0x451: {  	v5 =	vmul.f32 v5, v4;
	_ =	sdelay $0x1  }
0x452: {  	v5 =	vadd.f32 $1.258291200e+07, v5;
	_ =	sdelay $0x1  }
0x453: {  	s19 =	simm.s32 $0x2;
	s20 =	simm.s32 $0x0;
	v5 =	vadd.f32 $-1.258291200e+07, v5  }
.LBB2_69:
0x454: {  	p0 =	sne.s32 s19, $0x3F;
	s20 =	smul.u32 $0x6000, s20  }
0x455: {  	s17 =	sadd.s32 $0x80, s17;
	v5 =	vmul.f32 v5, v3  }
0x456: {  	s21 =	sand.u32 $0x380, s17;
	s20 =	sshra.s32 s20, $0x2  }
0x457: {  	[tilespmem:s18+$0x1210] =	vst v5;
	s18 =	sor.u32 s21, s20  }
0x458: {  	v5 =	vld [tilespmem:s18+$0x1210];
	_ =	sdelay $0x4  }
.Ltmp33:
0x459: {  	v5 =	vmul.f32 v5, v4;
	(pc) =	sbr.rel @p0 .LBB2_69-.Ltmp33, $3  }
0x45a: {  	_ = 	snop  }
0x45b: {  	v5 =	vadd.f32 $1.258291200e+07, v5;
	_ =	sdelay $0x1  }
0x45c: {  	s20 =	sshrl.u32 s19, $0x3;
	s19 =	sadd.s32 $0x1, s19;
	v5 =	vadd.f32 $-1.258291200e+07, v5  }
0x45d: {  	s19 =	smul.u32 $0x6000, s20  }
0x45e: {  	s17 =	sadd.s32 $0x80, s17;
	v5 =	vmul.f32 v5, v3  }
0x45f: {  	s17 =	sand.u32 $0x380, s17;
	s19 =	sshra.s32 s19, $0x2  }
0x460: {  	s17 =	sor.u32 s17, s19;
	[tilespmem:s18+$0x1210] =	vst v5  }
0x461: {  	v5 =	vld [tilespmem:s17+$0x1210];
	_ =	sdelay $0x4  }
0x462: {  	v4 =	vmul.f32 v5, v4;
	_ =	sdelay $0x1  }
0x463: {  	v4 =	vadd.f32 $1.258291200e+07, v4;
	_ =	sdelay $0x1  }
0x464: {  	v4 =	vadd.f32 $-1.258291200e+07, v4;
	_ =	sdelay $0x1  }
0x465: {  	v3 =	vmul.f32 v4, v3;
	_ =	sdelay $0x1  }
0x466: {  	[tilespmem:s17+$0x1210] =	vst v3  }
0x467: {  	v3 =	vld [tilespmem:$0xC420];
	_ =	sdelay $0x4  }
0x468: {  	s19 =	simm.s32 $0x0;
	(erf) = vrcp.f32 v3  }
0x469: {  	s20 =	smul.u32 $0x6000, s19  }
0x46a: {  	s17 =	simm.s32 $0x0  }
0x46b: {  	s18 =	sshra.s32 s20, $0x2;
	s21 =	sand.u32 $0x380, s17  }
0x46c: {  	s18 =	sor.u32 s21, s18  }
0x46d: {  	v5 =	vld [tilespmem:s18+$0x1220];
	_ =	sdelay $0x3  }
0x46e: {  	v4 =	vpop (erf)  }
0x46f: {  	v5 =	vmul.f32 v5, v4;
	_ =	sdelay $0x1  }
0x470: {  	v5 =	vadd.f32 $1.258291200e+07, v5;
	_ =	sdelay $0x1  }
0x471: {  	s19 =	simm.s32 $0x2;
	s20 =	simm.s32 $0x0;
	v5 =	vadd.f32 $-1.258291200e+07, v5  }
.LBB2_71:
0x472: {  	p0 =	sne.s32 s19, $0x3F;
	s20 =	smul.u32 $0x6000, s20  }
0x473: {  	s17 =	sadd.s32 $0x80, s17;
	v5 =	vmul.f32 v5, v3  }
0x474: {  	s21 =	sand.u32 $0x380, s17;
	s20 =	sshra.s32 s20, $0x2  }
0x475: {  	[tilespmem:s18+$0x1220] =	vst v5;
	s18 =	sor.u32 s21, s20  }
0x476: {  	v5 =	vld [tilespmem:s18+$0x1220];
	_ =	sdelay $0x4  }
.Ltmp34:
0x477: {  	v5 =	vmul.f32 v5, v4;
	(pc) =	sbr.rel @p0 .LBB2_71-.Ltmp34, $3  }
0x478: {  	_ = 	snop  }
0x479: {  	v5 =	vadd.f32 $1.258291200e+07, v5;
	_ =	sdelay $0x1  }
0x47a: {  	s20 =	sshrl.u32 s19, $0x3;
	s19 =	sadd.s32 $0x1, s19;
	v5 =	vadd.f32 $-1.258291200e+07, v5  }
0x47b: {  	s19 =	smul.u32 $0x6000, s20  }
0x47c: {  	s17 =	sadd.s32 $0x80, s17;
	v5 =	vmul.f32 v5, v3  }
0x47d: {  	s17 =	sand.u32 $0x380, s17;
	s19 =	sshra.s32 s19, $0x2  }
0x47e: {  	s17 =	sor.u32 s17, s19;
	[tilespmem:s18+$0x1220] =	vst v5  }
0x47f: {  	v5 =	vld [tilespmem:s17+$0x1220];
	_ =	sdelay $0x4  }
0x480: {  	v4 =	vmul.f32 v5, v4;
	_ =	sdelay $0x1  }
0x481: {  	v4 =	vadd.f32 $1.258291200e+07, v4;
	_ =	sdelay $0x1  }
0x482: {  	v4 =	vadd.f32 $-1.258291200e+07, v4;
	_ =	sdelay $0x1  }
0x483: {  	v3 =	vmul.f32 v4, v3;
	_ =	sdelay $0x1  }
0x484: {  	[tilespmem:s17+$0x1220] =	vst v3  }
0x485: {  	v3 =	vld [tilespmem:$0xC430];
	_ =	sdelay $0x4  }
0x486: {  	s19 =	simm.s32 $0x0;
	(erf) = vrcp.f32 v3  }
0x487: {  	s20 =	smul.u32 $0x6000, s19  }
0x488: {  	s17 =	simm.s32 $0x0  }
0x489: {  	s18 =	sshra.s32 s20, $0x2;
	s21 =	sand.u32 $0x380, s17  }
0x48a: {  	s18 =	sor.u32 s21, s18  }
0x48b: {  	v5 =	vld [tilespmem:s18+$0x1230];
	_ =	sdelay $0x3  }
0x48c: {  	v4 =	vpop (erf)  }
0x48d: {  	v5 =	vmul.f32 v5, v4;
	_ =	sdelay $0x1  }
0x48e: {  	v5 =	vadd.f32 $1.258291200e+07, v5;
	_ =	sdelay $0x1  }
0x48f: {  	s19 =	simm.s32 $0x2;
	s20 =	simm.s32 $0x0;
	v5 =	vadd.f32 $-1.258291200e+07, v5  }
.LBB2_73:
0x490: {  	p0 =	sne.s32 s19, $0x3F;
	s20 =	smul.u32 $0x6000, s20  }
0x491: {  	s17 =	sadd.s32 $0x80, s17;
	v5 =	vmul.f32 v5, v3  }
0x492: {  	s21 =	sand.u32 $0x380, s17;
	s20 =	sshra.s32 s20, $0x2  }
0x493: {  	[tilespmem:s18+$0x1230] =	vst v5;
	s18 =	sor.u32 s21, s20  }
0x494: {  	v5 =	vld [tilespmem:s18+$0x1230];
	_ =	sdelay $0x4  }
.Ltmp35:
0x495: {  	v5 =	vmul.f32 v5, v4;
	(pc) =	sbr.rel @p0 .LBB2_73-.Ltmp35, $3  }
0x496: {  	_ = 	snop  }
0x497: {  	v5 =	vadd.f32 $1.258291200e+07, v5;
	_ =	sdelay $0x1  }
0x498: {  	s20 =	sshrl.u32 s19, $0x3;
	s19 =	sadd.s32 $0x1, s19;
	v5 =	vadd.f32 $-1.258291200e+07, v5  }
0x499: {  	s19 =	smul.u32 $0x6000, s20  }
0x49a: {  	s17 =	sadd.s32 $0x80, s17;
	v5 =	vmul.f32 v5, v3  }
0x49b: {  	s17 =	sand.u32 $0x380, s17;
	s19 =	sshra.s32 s19, $0x2  }
0x49c: {  	s17 =	sor.u32 s17, s19;
	[tilespmem:s18+$0x1230] =	vst v5  }
0x49d: {  	v5 =	vld [tilespmem:s17+$0x1230];
	_ =	sdelay $0x4  }
0x49e: {  	v4 =	vmul.f32 v5, v4;
	_ =	sdelay $0x1  }
0x49f: {  	v4 =	vadd.f32 $1.258291200e+07, v4;
	_ =	sdelay $0x1  }
0x4a0: {  	v4 =	vadd.f32 $-1.258291200e+07, v4;
	_ =	sdelay $0x1  }
0x4a1: {  	v3 =	vmul.f32 v4, v3;
	_ =	sdelay $0x1  }
0x4a2: {  	[tilespmem:s17+$0x1230] =	vst v3  }
0x4a3: {  	v3 =	vld [tilespmem:$0xC440];
	_ =	sdelay $0x4  }
0x4a4: {  	s19 =	simm.s32 $0x0;
	(erf) = vrcp.f32 v3  }
0x4a5: {  	s20 =	smul.u32 $0x6000, s19  }
0x4a6: {  	s17 =	simm.s32 $0x0  }
0x4a7: {  	s18 =	sshra.s32 s20, $0x2;
	s21 =	sand.u32 $0x380, s17  }
0x4a8: {  	s18 =	sor.u32 s21, s18  }
0x4a9: {  	v5 =	vld [tilespmem:s18+$0x1240];
	_ =	sdelay $0x3  }
0x4aa: {  	v4 =	vpop (erf)  }
0x4ab: {  	v5 =	vmul.f32 v5, v4;
	_ =	sdelay $0x1  }
0x4ac: {  	v5 =	vadd.f32 $1.258291200e+07, v5;
	_ =	sdelay $0x1  }
0x4ad: {  	s19 =	simm.s32 $0x2;
	s20 =	simm.s32 $0x0;
	v5 =	vadd.f32 $-1.258291200e+07, v5  }
.LBB2_75:
0x4ae: {  	p0 =	sne.s32 s19, $0x3F;
	s20 =	smul.u32 $0x6000, s20  }
0x4af: {  	s17 =	sadd.s32 $0x80, s17;
	v5 =	vmul.f32 v5, v3  }
0x4b0: {  	s21 =	sand.u32 $0x380, s17;
	s20 =	sshra.s32 s20, $0x2  }
0x4b1: {  	[tilespmem:s18+$0x1240] =	vst v5;
	s18 =	sor.u32 s21, s20  }
0x4b2: {  	v5 =	vld [tilespmem:s18+$0x1240];
	_ =	sdelay $0x4  }
.Ltmp36:
0x4b3: {  	v5 =	vmul.f32 v5, v4;
	(pc) =	sbr.rel @p0 .LBB2_75-.Ltmp36, $3  }
0x4b4: {  	_ = 	snop  }
0x4b5: {  	v5 =	vadd.f32 $1.258291200e+07, v5;
	_ =	sdelay $0x1  }
0x4b6: {  	s20 =	sshrl.u32 s19, $0x3;
	s19 =	sadd.s32 $0x1, s19;
	v5 =	vadd.f32 $-1.258291200e+07, v5  }
0x4b7: {  	s19 =	smul.u32 $0x6000, s20  }
0x4b8: {  	s17 =	sadd.s32 $0x80, s17;
	v5 =	vmul.f32 v5, v3  }
0x4b9: {  	s17 =	sand.u32 $0x380, s17;
	s19 =	sshra.s32 s19, $0x2  }
0x4ba: {  	s17 =	sor.u32 s17, s19;
	[tilespmem:s18+$0x1240] =	vst v5  }
0x4bb: {  	v5 =	vld [tilespmem:s17+$0x1240];
	_ =	sdelay $0x4  }
0x4bc: {  	v4 =	vmul.f32 v5, v4;
	_ =	sdelay $0x1  }
0x4bd: {  	v4 =	vadd.f32 $1.258291200e+07, v4;
	_ =	sdelay $0x1  }
0x4be: {  	v4 =	vadd.f32 $-1.258291200e+07, v4;
	_ =	sdelay $0x1  }
0x4bf: {  	v3 =	vmul.f32 v4, v3;
	_ =	sdelay $0x1  }
0x4c0: {  	[tilespmem:s17+$0x1240] =	vst v3  }
0x4c1: {  	v3 =	vld [tilespmem:$0xC450];
	_ =	sdelay $0x4  }
0x4c2: {  	s19 =	simm.s32 $0x0;
	(erf) = vrcp.f32 v3  }
0x4c3: {  	s20 =	smul.u32 $0x6000, s19  }
0x4c4: {  	s17 =	simm.s32 $0x0  }
0x4c5: {  	s18 =	sshra.s32 s20, $0x2;
	s21 =	sand.u32 $0x380, s17  }
0x4c6: {  	s18 =	sor.u32 s21, s18  }
0x4c7: {  	v5 =	vld [tilespmem:s18+$0x1250];
	_ =	sdelay $0x3  }
0x4c8: {  	v4 =	vpop (erf)  }
0x4c9: {  	v5 =	vmul.f32 v5, v4;
	_ =	sdelay $0x1  }
0x4ca: {  	v5 =	vadd.f32 $1.258291200e+07, v5;
	_ =	sdelay $0x1  }
0x4cb: {  	s19 =	simm.s32 $0x2;
	s20 =	simm.s32 $0x0;
	v5 =	vadd.f32 $-1.258291200e+07, v5  }
.LBB2_77:
0x4cc: {  	p0 =	sne.s32 s19, $0x3F;
	s20 =	smul.u32 $0x6000, s20  }
0x4cd: {  	s17 =	sadd.s32 $0x80, s17;
	v5 =	vmul.f32 v5, v3  }
0x4ce: {  	s21 =	sand.u32 $0x380, s17;
	s20 =	sshra.s32 s20, $0x2  }
0x4cf: {  	[tilespmem:s18+$0x1250] =	vst v5;
	s18 =	sor.u32 s21, s20  }
0x4d0: {  	v5 =	vld [tilespmem:s18+$0x1250];
	_ =	sdelay $0x4  }
.Ltmp37:
0x4d1: {  	v5 =	vmul.f32 v5, v4;
	(pc) =	sbr.rel @p0 .LBB2_77-.Ltmp37, $3  }
0x4d2: {  	_ = 	snop  }
0x4d3: {  	v5 =	vadd.f32 $1.258291200e+07, v5;
	_ =	sdelay $0x1  }
0x4d4: {  	s20 =	sshrl.u32 s19, $0x3;
	s19 =	sadd.s32 $0x1, s19;
	v5 =	vadd.f32 $-1.258291200e+07, v5  }
0x4d5: {  	s19 =	smul.u32 $0x6000, s20  }
0x4d6: {  	s17 =	sadd.s32 $0x80, s17;
	v5 =	vmul.f32 v5, v3  }
0x4d7: {  	s17 =	sand.u32 $0x380, s17;
	s19 =	sshra.s32 s19, $0x2  }
0x4d8: {  	s17 =	sor.u32 s17, s19;
	[tilespmem:s18+$0x1250] =	vst v5  }
0x4d9: {  	v5 =	vld [tilespmem:s17+$0x1250];
	_ =	sdelay $0x4  }
0x4da: {  	v4 =	vmul.f32 v5, v4;
	_ =	sdelay $0x1  }
0x4db: {  	v4 =	vadd.f32 $1.258291200e+07, v4;
	_ =	sdelay $0x1  }
0x4dc: {  	v4 =	vadd.f32 $-1.258291200e+07, v4;
	_ =	sdelay $0x1  }
0x4dd: {  	v3 =	vmul.f32 v4, v3;
	_ =	sdelay $0x1  }
0x4de: {  	[tilespmem:s17+$0x1250] =	vst v3  }
0x4df: {  	v3 =	vld [tilespmem:$0xC460];
	_ =	sdelay $0x4  }
0x4e0: {  	s19 =	simm.s32 $0x0;
	(erf) = vrcp.f32 v3  }
0x4e1: {  	s20 =	smul.u32 $0x6000, s19  }
0x4e2: {  	s17 =	simm.s32 $0x0  }
0x4e3: {  	s18 =	sshra.s32 s20, $0x2;
	s21 =	sand.u32 $0x380, s17  }
0x4e4: {  	s18 =	sor.u32 s21, s18  }
0x4e5: {  	v5 =	vld [tilespmem:s18+$0x1260];
	_ =	sdelay $0x3  }
0x4e6: {  	v4 =	vpop (erf)  }
0x4e7: {  	v5 =	vmul.f32 v5, v4;
	_ =	sdelay $0x1  }
0x4e8: {  	v5 =	vadd.f32 $1.258291200e+07, v5;
	_ =	sdelay $0x1  }
0x4e9: {  	s19 =	simm.s32 $0x2;
	s20 =	simm.s32 $0x0;
	v5 =	vadd.f32 $-1.258291200e+07, v5  }
.LBB2_79:
0x4ea: {  	p0 =	sne.s32 s19, $0x3F;
	s20 =	smul.u32 $0x6000, s20  }
0x4eb: {  	s17 =	sadd.s32 $0x80, s17;
	v5 =	vmul.f32 v5, v3  }
0x4ec: {  	s21 =	sand.u32 $0x380, s17;
	s20 =	sshra.s32 s20, $0x2  }
0x4ed: {  	[tilespmem:s18+$0x1260] =	vst v5;
	s18 =	sor.u32 s21, s20  }
0x4ee: {  	v5 =	vld [tilespmem:s18+$0x1260];
	_ =	sdelay $0x4  }
.Ltmp38:
0x4ef: {  	v5 =	vmul.f32 v5, v4;
	(pc) =	sbr.rel @p0 .LBB2_79-.Ltmp38, $3  }
0x4f0: {  	_ = 	snop  }
0x4f1: {  	v5 =	vadd.f32 $1.258291200e+07, v5;
	_ =	sdelay $0x1  }
0x4f2: {  	s20 =	sshrl.u32 s19, $0x3;
	s19 =	sadd.s32 $0x1, s19;
	v5 =	vadd.f32 $-1.258291200e+07, v5  }
0x4f3: {  	s19 =	smul.u32 $0x6000, s20  }
0x4f4: {  	s17 =	sadd.s32 $0x80, s17;
	v5 =	vmul.f32 v5, v3  }
0x4f5: {  	s17 =	sand.u32 $0x380, s17;
	s19 =	sshra.s32 s19, $0x2  }
0x4f6: {  	s17 =	sor.u32 s17, s19;
	[tilespmem:s18+$0x1260] =	vst v5  }
0x4f7: {  	v5 =	vld [tilespmem:s17+$0x1260];
	_ =	sdelay $0x4  }
0x4f8: {  	v4 =	vmul.f32 v5, v4;
	_ =	sdelay $0x1  }
0x4f9: {  	v4 =	vadd.f32 $1.258291200e+07, v4;
	_ =	sdelay $0x1  }
0x4fa: {  	v4 =	vadd.f32 $-1.258291200e+07, v4;
	_ =	sdelay $0x1  }
0x4fb: {  	v3 =	vmul.f32 v4, v3;
	_ =	sdelay $0x1  }
0x4fc: {  	[tilespmem:s17+$0x1260] =	vst v3  }
0x4fd: {  	v3 =	vld [tilespmem:$0xC470];
	_ =	sdelay $0x4  }
0x4fe: {  	s19 =	simm.s32 $0x0;
	(erf) = vrcp.f32 v3  }
0x4ff: {  	s20 =	smul.u32 $0x6000, s19  }
0x500: {  	s17 =	simm.s32 $0x0  }
0x501: {  	s18 =	sshra.s32 s20, $0x2;
	s21 =	sand.u32 $0x380, s17  }
0x502: {  	s18 =	sor.u32 s21, s18  }
0x503: {  	v5 =	vld [tilespmem:s18+$0x1270];
	_ =	sdelay $0x3  }
0x504: {  	v4 =	vpop (erf)  }
0x505: {  	v5 =	vmul.f32 v5, v4;
	_ =	sdelay $0x1  }
0x506: {  	v5 =	vadd.f32 $1.258291200e+07, v5;
	_ =	sdelay $0x1  }
0x507: {  	s19 =	simm.s32 $0x2;
	s20 =	simm.s32 $0x0;
	v5 =	vadd.f32 $-1.258291200e+07, v5  }
.LBB2_81:
0x508: {  	p0 =	sne.s32 s19, $0x3F;
	s20 =	smul.u32 $0x6000, s20  }
0x509: {  	s17 =	sadd.s32 $0x80, s17;
	v5 =	vmul.f32 v5, v3  }
0x50a: {  	s21 =	sand.u32 $0x380, s17;
	s20 =	sshra.s32 s20, $0x2  }
0x50b: {  	[tilespmem:s18+$0x1270] =	vst v5;
	s18 =	sor.u32 s21, s20  }
0x50c: {  	v5 =	vld [tilespmem:s18+$0x1270];
	_ =	sdelay $0x4  }
.Ltmp39:
0x50d: {  	v5 =	vmul.f32 v5, v4;
	(pc) =	sbr.rel @p0 .LBB2_81-.Ltmp39, $3  }
0x50e: {  	_ = 	snop  }
0x50f: {  	v5 =	vadd.f32 $1.258291200e+07, v5;
	_ =	sdelay $0x1  }
0x510: {  	s20 =	sshrl.u32 s19, $0x3;
	s19 =	sadd.s32 $0x1, s19;
	v5 =	vadd.f32 $-1.258291200e+07, v5  }
0x511: {  	s19 =	smul.u32 $0x6000, s20  }
0x512: {  	s17 =	sadd.s32 $0x80, s17;
	v5 =	vmul.f32 v5, v3  }
0x513: {  	s17 =	sand.u32 $0x380, s17;
	s19 =	sshra.s32 s19, $0x2  }
0x514: {  	s17 =	sor.u32 s17, s19;
	[tilespmem:s18+$0x1270] =	vst v5  }
0x515: {  	v5 =	vld [tilespmem:s17+$0x1270];
	_ =	sdelay $0x4  }
0x516: {  	v4 =	vmul.f32 v5, v4;
	_ =	sdelay $0x1  }
0x517: {  	v4 =	vadd.f32 $1.258291200e+07, v4;
	_ =	sdelay $0x1  }
0x518: {  	v4 =	vadd.f32 $-1.258291200e+07, v4;
	_ =	sdelay $0x1  }
0x519: {  	v3 =	vmul.f32 v4, v3;
	_ =	sdelay $0x1  }
0x51a: {  	[tilespmem:s17+$0x1270] =	vst v3  }
0x51b: {  	v3 =	vld [tilespmem:$0xC480];
	_ =	sdelay $0x4  }
0x51c: {  	s19 =	simm.s32 $0x0;
	(erf) = vrcp.f32 v3  }
0x51d: {  	s20 =	smul.u32 $0x6000, s19  }
0x51e: {  	s17 =	simm.s32 $0x0  }
0x51f: {  	s18 =	sshra.s32 s20, $0x2;
	s21 =	sand.u32 $0x380, s17  }
0x520: {  	s18 =	sor.u32 s21, s18  }
0x521: {  	v5 =	vld [tilespmem:s18+$0x1600];
	_ =	sdelay $0x3  }
0x522: {  	v4 =	vpop (erf)  }
0x523: {  	v5 =	vmul.f32 v5, v4;
	_ =	sdelay $0x1  }
0x524: {  	v5 =	vadd.f32 $1.258291200e+07, v5;
	_ =	sdelay $0x1  }
0x525: {  	s19 =	simm.s32 $0x2;
	s20 =	simm.s32 $0x0;
	v5 =	vadd.f32 $-1.258291200e+07, v5  }
.LBB2_83:
0x526: {  	p0 =	sne.s32 s19, $0x3F;
	s20 =	smul.u32 $0x6000, s20  }
0x527: {  	s17 =	sadd.s32 $0x80, s17;
	v5 =	vmul.f32 v5, v3  }
0x528: {  	s21 =	sand.u32 $0x380, s17;
	s20 =	sshra.s32 s20, $0x2  }
0x529: {  	[tilespmem:s18+$0x1600] =	vst v5;
	s18 =	sor.u32 s21, s20  }
0x52a: {  	v5 =	vld [tilespmem:s18+$0x1600];
	_ =	sdelay $0x4  }
.Ltmp40:
0x52b: {  	v5 =	vmul.f32 v5, v4;
	(pc) =	sbr.rel @p0 .LBB2_83-.Ltmp40, $3  }
0x52c: {  	_ = 	snop  }
0x52d: {  	v5 =	vadd.f32 $1.258291200e+07, v5;
	_ =	sdelay $0x1  }
0x52e: {  	s20 =	sshrl.u32 s19, $0x3;
	s19 =	sadd.s32 $0x1, s19;
	v5 =	vadd.f32 $-1.258291200e+07, v5  }
0x52f: {  	s19 =	smul.u32 $0x6000, s20  }
0x530: {  	s17 =	sadd.s32 $0x80, s17;
	v5 =	vmul.f32 v5, v3  }
0x531: {  	s17 =	sand.u32 $0x380, s17;
	s19 =	sshra.s32 s19, $0x2  }
0x532: {  	s17 =	sor.u32 s17, s19;
	[tilespmem:s18+$0x1600] =	vst v5  }
0x533: {  	v5 =	vld [tilespmem:s17+$0x1600];
	_ =	sdelay $0x4  }
0x534: {  	v4 =	vmul.f32 v5, v4;
	_ =	sdelay $0x1  }
0x535: {  	v4 =	vadd.f32 $1.258291200e+07, v4;
	_ =	sdelay $0x1  }
0x536: {  	v4 =	vadd.f32 $-1.258291200e+07, v4;
	_ =	sdelay $0x1  }
0x537: {  	v3 =	vmul.f32 v4, v3;
	_ =	sdelay $0x1  }
0x538: {  	[tilespmem:s17+$0x1600] =	vst v3  }
0x539: {  	v3 =	vld [tilespmem:$0xC490];
	_ =	sdelay $0x4  }
0x53a: {  	s19 =	simm.s32 $0x0;
	(erf) = vrcp.f32 v3  }
0x53b: {  	s20 =	smul.u32 $0x6000, s19  }
0x53c: {  	s17 =	simm.s32 $0x0  }
0x53d: {  	s18 =	sshra.s32 s20, $0x2;
	s21 =	sand.u32 $0x380, s17  }
0x53e: {  	s18 =	sor.u32 s21, s18  }
0x53f: {  	v5 =	vld [tilespmem:s18+$0x1610];
	_ =	sdelay $0x3  }
0x540: {  	v4 =	vpop (erf)  }
0x541: {  	v5 =	vmul.f32 v5, v4;
	_ =	sdelay $0x1  }
0x542: {  	v5 =	vadd.f32 $1.258291200e+07, v5;
	_ =	sdelay $0x1  }
0x543: {  	s19 =	simm.s32 $0x2;
	s20 =	simm.s32 $0x0;
	v5 =	vadd.f32 $-1.258291200e+07, v5  }
.LBB2_85:
0x544: {  	p0 =	sne.s32 s19, $0x3F;
	s20 =	smul.u32 $0x6000, s20  }
0x545: {  	s17 =	sadd.s32 $0x80, s17;
	v5 =	vmul.f32 v5, v3  }
0x546: {  	s21 =	sand.u32 $0x380, s17;
	s20 =	sshra.s32 s20, $0x2  }
0x547: {  	[tilespmem:s18+$0x1610] =	vst v5;
	s18 =	sor.u32 s21, s20  }
0x548: {  	v5 =	vld [tilespmem:s18+$0x1610];
	_ =	sdelay $0x4  }
.Ltmp41:
0x549: {  	v5 =	vmul.f32 v5, v4;
	(pc) =	sbr.rel @p0 .LBB2_85-.Ltmp41, $3  }
0x54a: {  	_ = 	snop  }
0x54b: {  	v5 =	vadd.f32 $1.258291200e+07, v5;
	_ =	sdelay $0x1  }
0x54c: {  	s20 =	sshrl.u32 s19, $0x3;
	s19 =	sadd.s32 $0x1, s19;
	v5 =	vadd.f32 $-1.258291200e+07, v5  }
0x54d: {  	s19 =	smul.u32 $0x6000, s20  }
0x54e: {  	s17 =	sadd.s32 $0x80, s17;
	v5 =	vmul.f32 v5, v3  }
0x54f: {  	s17 =	sand.u32 $0x380, s17;
	s19 =	sshra.s32 s19, $0x2  }
0x550: {  	s17 =	sor.u32 s17, s19;
	[tilespmem:s18+$0x1610] =	vst v5  }
0x551: {  	v5 =	vld [tilespmem:s17+$0x1610];
	_ =	sdelay $0x4  }
0x552: {  	v4 =	vmul.f32 v5, v4;
	_ =	sdelay $0x1  }
0x553: {  	v4 =	vadd.f32 $1.258291200e+07, v4;
	_ =	sdelay $0x1  }
0x554: {  	v4 =	vadd.f32 $-1.258291200e+07, v4;
	_ =	sdelay $0x1  }
0x555: {  	v3 =	vmul.f32 v4, v3;
	_ =	sdelay $0x1  }
0x556: {  	[tilespmem:s17+$0x1610] =	vst v3  }
0x557: {  	v3 =	vld [tilespmem:$0xC4A0];
	_ =	sdelay $0x4  }
0x558: {  	s19 =	simm.s32 $0x0;
	(erf) = vrcp.f32 v3  }
0x559: {  	s20 =	smul.u32 $0x6000, s19  }
0x55a: {  	s17 =	simm.s32 $0x0  }
0x55b: {  	s18 =	sshra.s32 s20, $0x2;
	s21 =	sand.u32 $0x380, s17  }
0x55c: {  	s18 =	sor.u32 s21, s18  }
0x55d: {  	v5 =	vld [tilespmem:s18+$0x1620];
	_ =	sdelay $0x3  }
0x55e: {  	v4 =	vpop (erf)  }
0x55f: {  	v5 =	vmul.f32 v5, v4;
	_ =	sdelay $0x1  }
0x560: {  	v5 =	vadd.f32 $1.258291200e+07, v5;
	_ =	sdelay $0x1  }
0x561: {  	s19 =	simm.s32 $0x2;
	s20 =	simm.s32 $0x0;
	v5 =	vadd.f32 $-1.258291200e+07, v5  }
.LBB2_87:
0x562: {  	p0 =	sne.s32 s19, $0x3F;
	s20 =	smul.u32 $0x6000, s20  }
0x563: {  	s17 =	sadd.s32 $0x80, s17;
	v5 =	vmul.f32 v5, v3  }
0x564: {  	s21 =	sand.u32 $0x380, s17;
	s20 =	sshra.s32 s20, $0x2  }
0x565: {  	[tilespmem:s18+$0x1620] =	vst v5;
	s18 =	sor.u32 s21, s20  }
0x566: {  	v5 =	vld [tilespmem:s18+$0x1620];
	_ =	sdelay $0x4  }
.Ltmp42:
0x567: {  	v5 =	vmul.f32 v5, v4;
	(pc) =	sbr.rel @p0 .LBB2_87-.Ltmp42, $3  }
0x568: {  	_ = 	snop  }
0x569: {  	v5 =	vadd.f32 $1.258291200e+07, v5;
	_ =	sdelay $0x1  }
0x56a: {  	s20 =	sshrl.u32 s19, $0x3;
	s19 =	sadd.s32 $0x1, s19;
	v5 =	vadd.f32 $-1.258291200e+07, v5  }
0x56b: {  	s19 =	smul.u32 $0x6000, s20  }
0x56c: {  	s17 =	sadd.s32 $0x80, s17;
	v5 =	vmul.f32 v5, v3  }
0x56d: {  	s17 =	sand.u32 $0x380, s17;
	s19 =	sshra.s32 s19, $0x2  }
0x56e: {  	s17 =	sor.u32 s17, s19;
	[tilespmem:s18+$0x1620] =	vst v5  }
0x56f: {  	v5 =	vld [tilespmem:s17+$0x1620];
	_ =	sdelay $0x4  }
0x570: {  	v4 =	vmul.f32 v5, v4;
	_ =	sdelay $0x1  }
0x571: {  	v4 =	vadd.f32 $1.258291200e+07, v4;
	_ =	sdelay $0x1  }
0x572: {  	v4 =	vadd.f32 $-1.258291200e+07, v4;
	_ =	sdelay $0x1  }
0x573: {  	v3 =	vmul.f32 v4, v3;
	_ =	sdelay $0x1  }
0x574: {  	[tilespmem:s17+$0x1620] =	vst v3  }
0x575: {  	v3 =	vld [tilespmem:$0xC4B0];
	_ =	sdelay $0x4  }
0x576: {  	s19 =	simm.s32 $0x0;
	(erf) = vrcp.f32 v3  }
0x577: {  	s20 =	smul.u32 $0x6000, s19  }
0x578: {  	s17 =	simm.s32 $0x0  }
0x579: {  	s18 =	sshra.s32 s20, $0x2;
	s21 =	sand.u32 $0x380, s17  }
0x57a: {  	s18 =	sor.u32 s21, s18  }
0x57b: {  	v5 =	vld [tilespmem:s18+$0x1630];
	_ =	sdelay $0x3  }
0x57c: {  	v4 =	vpop (erf)  }
0x57d: {  	v5 =	vmul.f32 v5, v4;
	_ =	sdelay $0x1  }
0x57e: {  	v5 =	vadd.f32 $1.258291200e+07, v5;
	_ =	sdelay $0x1  }
0x57f: {  	s19 =	simm.s32 $0x2;
	s20 =	simm.s32 $0x0;
	v5 =	vadd.f32 $-1.258291200e+07, v5  }
.LBB2_89:
0x580: {  	p0 =	sne.s32 s19, $0x3F;
	s20 =	smul.u32 $0x6000, s20  }
0x581: {  	s17 =	sadd.s32 $0x80, s17;
	v5 =	vmul.f32 v5, v3  }
0x582: {  	s21 =	sand.u32 $0x380, s17;
	s20 =	sshra.s32 s20, $0x2  }
0x583: {  	[tilespmem:s18+$0x1630] =	vst v5;
	s18 =	sor.u32 s21, s20  }
0x584: {  	v5 =	vld [tilespmem:s18+$0x1630];
	_ =	sdelay $0x4  }
.Ltmp43:
0x585: {  	v5 =	vmul.f32 v5, v4;
	(pc) =	sbr.rel @p0 .LBB2_89-.Ltmp43, $3  }
0x586: {  	_ = 	snop  }
0x587: {  	v5 =	vadd.f32 $1.258291200e+07, v5;
	_ =	sdelay $0x1  }
0x588: {  	s20 =	sshrl.u32 s19, $0x3;
	s19 =	sadd.s32 $0x1, s19;
	v5 =	vadd.f32 $-1.258291200e+07, v5  }
0x589: {  	s19 =	smul.u32 $0x6000, s20  }
0x58a: {  	s17 =	sadd.s32 $0x80, s17;
	v5 =	vmul.f32 v5, v3  }
0x58b: {  	s17 =	sand.u32 $0x380, s17;
	s19 =	sshra.s32 s19, $0x2  }
0x58c: {  	s17 =	sor.u32 s17, s19;
	[tilespmem:s18+$0x1630] =	vst v5  }
0x58d: {  	v5 =	vld [tilespmem:s17+$0x1630];
	_ =	sdelay $0x4  }
0x58e: {  	v4 =	vmul.f32 v5, v4;
	_ =	sdelay $0x1  }
0x58f: {  	v4 =	vadd.f32 $1.258291200e+07, v4;
	_ =	sdelay $0x1  }
0x590: {  	v4 =	vadd.f32 $-1.258291200e+07, v4;
	_ =	sdelay $0x1  }
0x591: {  	v3 =	vmul.f32 v4, v3;
	_ =	sdelay $0x1  }
0x592: {  	[tilespmem:s17+$0x1630] =	vst v3  }
0x593: {  	v3 =	vld [tilespmem:$0xC4C0];
	_ =	sdelay $0x4  }
0x594: {  	s19 =	simm.s32 $0x0;
	(erf) = vrcp.f32 v3  }
0x595: {  	s20 =	smul.u32 $0x6000, s19  }
0x596: {  	s17 =	simm.s32 $0x0  }
0x597: {  	s18 =	sshra.s32 s20, $0x2;
	s21 =	sand.u32 $0x380, s17  }
0x598: {  	s18 =	sor.u32 s21, s18  }
0x599: {  	v5 =	vld [tilespmem:s18+$0x1640];
	_ =	sdelay $0x3  }
0x59a: {  	v4 =	vpop (erf)  }
0x59b: {  	v5 =	vmul.f32 v5, v4;
	_ =	sdelay $0x1  }
0x59c: {  	v5 =	vadd.f32 $1.258291200e+07, v5;
	_ =	sdelay $0x1  }
0x59d: {  	s19 =	simm.s32 $0x2;
	s20 =	simm.s32 $0x0;
	v5 =	vadd.f32 $-1.258291200e+07, v5  }
.LBB2_91:
0x59e: {  	p0 =	sne.s32 s19, $0x3F;
	s20 =	smul.u32 $0x6000, s20  }
0x59f: {  	s17 =	sadd.s32 $0x80, s17;
	v5 =	vmul.f32 v5, v3  }
0x5a0: {  	s21 =	sand.u32 $0x380, s17;
	s20 =	sshra.s32 s20, $0x2  }
0x5a1: {  	[tilespmem:s18+$0x1640] =	vst v5;
	s18 =	sor.u32 s21, s20  }
0x5a2: {  	v5 =	vld [tilespmem:s18+$0x1640];
	_ =	sdelay $0x4  }
.Ltmp44:
0x5a3: {  	v5 =	vmul.f32 v5, v4;
	(pc) =	sbr.rel @p0 .LBB2_91-.Ltmp44, $3  }
0x5a4: {  	_ = 	snop  }
0x5a5: {  	v5 =	vadd.f32 $1.258291200e+07, v5;
	_ =	sdelay $0x1  }
0x5a6: {  	s20 =	sshrl.u32 s19, $0x3;
	s19 =	sadd.s32 $0x1, s19;
	v5 =	vadd.f32 $-1.258291200e+07, v5  }
0x5a7: {  	s19 =	smul.u32 $0x6000, s20  }
0x5a8: {  	s17 =	sadd.s32 $0x80, s17;
	v5 =	vmul.f32 v5, v3  }
0x5a9: {  	s17 =	sand.u32 $0x380, s17;
	s19 =	sshra.s32 s19, $0x2  }
0x5aa: {  	s17 =	sor.u32 s17, s19;
	[tilespmem:s18+$0x1640] =	vst v5  }
0x5ab: {  	v5 =	vld [tilespmem:s17+$0x1640];
	_ =	sdelay $0x4  }
0x5ac: {  	v4 =	vmul.f32 v5, v4;
	_ =	sdelay $0x1  }
0x5ad: {  	v4 =	vadd.f32 $1.258291200e+07, v4;
	_ =	sdelay $0x1  }
0x5ae: {  	v4 =	vadd.f32 $-1.258291200e+07, v4;
	_ =	sdelay $0x1  }
0x5af: {  	v3 =	vmul.f32 v4, v3;
	_ =	sdelay $0x1  }
0x5b0: {  	[tilespmem:s17+$0x1640] =	vst v3  }
0x5b1: {  	v3 =	vld [tilespmem:$0xC4D0];
	_ =	sdelay $0x4  }
0x5b2: {  	s19 =	simm.s32 $0x0;
	(erf) = vrcp.f32 v3  }
0x5b3: {  	s20 =	smul.u32 $0x6000, s19  }
0x5b4: {  	s17 =	simm.s32 $0x0  }
0x5b5: {  	s18 =	sshra.s32 s20, $0x2;
	s21 =	sand.u32 $0x380, s17  }
0x5b6: {  	s18 =	sor.u32 s21, s18  }
0x5b7: {  	v5 =	vld [tilespmem:s18+$0x1650];
	_ =	sdelay $0x3  }
0x5b8: {  	v4 =	vpop (erf)  }
0x5b9: {  	v5 =	vmul.f32 v5, v4;
	_ =	sdelay $0x1  }
0x5ba: {  	v5 =	vadd.f32 $1.258291200e+07, v5;
	_ =	sdelay $0x1  }
0x5bb: {  	s19 =	simm.s32 $0x2;
	s20 =	simm.s32 $0x0;
	v5 =	vadd.f32 $-1.258291200e+07, v5  }
.LBB2_93:
0x5bc: {  	p0 =	sne.s32 s19, $0x3F;
	s20 =	smul.u32 $0x6000, s20  }
0x5bd: {  	s17 =	sadd.s32 $0x80, s17;
	v5 =	vmul.f32 v5, v3  }
0x5be: {  	s21 =	sand.u32 $0x380, s17;
	s20 =	sshra.s32 s20, $0x2  }
0x5bf: {  	[tilespmem:s18+$0x1650] =	vst v5;
	s18 =	sor.u32 s21, s20  }
0x5c0: {  	v5 =	vld [tilespmem:s18+$0x1650];
	_ =	sdelay $0x4  }
.Ltmp45:
0x5c1: {  	v5 =	vmul.f32 v5, v4;
	(pc) =	sbr.rel @p0 .LBB2_93-.Ltmp45, $3  }
0x5c2: {  	_ = 	snop  }
0x5c3: {  	v5 =	vadd.f32 $1.258291200e+07, v5;
	_ =	sdelay $0x1  }
0x5c4: {  	s20 =	sshrl.u32 s19, $0x3;
	s19 =	sadd.s32 $0x1, s19;
	v5 =	vadd.f32 $-1.258291200e+07, v5  }
0x5c5: {  	s19 =	smul.u32 $0x6000, s20  }
0x5c6: {  	s17 =	sadd.s32 $0x80, s17;
	v5 =	vmul.f32 v5, v3  }
0x5c7: {  	s17 =	sand.u32 $0x380, s17;
	s19 =	sshra.s32 s19, $0x2  }
0x5c8: {  	s17 =	sor.u32 s17, s19;
	[tilespmem:s18+$0x1650] =	vst v5  }
0x5c9: {  	v5 =	vld [tilespmem:s17+$0x1650];
	_ =	sdelay $0x4  }
0x5ca: {  	v4 =	vmul.f32 v5, v4;
	_ =	sdelay $0x1  }
0x5cb: {  	v4 =	vadd.f32 $1.258291200e+07, v4;
	_ =	sdelay $0x1  }
0x5cc: {  	v4 =	vadd.f32 $-1.258291200e+07, v4;
	_ =	sdelay $0x1  }
0x5cd: {  	v3 =	vmul.f32 v4, v3;
	_ =	sdelay $0x1  }
0x5ce: {  	[tilespmem:s17+$0x1650] =	vst v3  }
0x5cf: {  	v3 =	vld [tilespmem:$0xC4E0];
	_ =	sdelay $0x4  }
0x5d0: {  	s19 =	simm.s32 $0x0;
	(erf) = vrcp.f32 v3  }
0x5d1: {  	s20 =	smul.u32 $0x6000, s19  }
0x5d2: {  	s17 =	simm.s32 $0x0  }
0x5d3: {  	s18 =	sshra.s32 s20, $0x2;
	s21 =	sand.u32 $0x380, s17  }
0x5d4: {  	s18 =	sor.u32 s21, s18  }
0x5d5: {  	v5 =	vld [tilespmem:s18+$0x1660];
	_ =	sdelay $0x3  }
0x5d6: {  	v4 =	vpop (erf)  }
0x5d7: {  	v5 =	vmul.f32 v5, v4;
	_ =	sdelay $0x1  }
0x5d8: {  	v5 =	vadd.f32 $1.258291200e+07, v5;
	_ =	sdelay $0x1  }
0x5d9: {  	s19 =	simm.s32 $0x2;
	s20 =	simm.s32 $0x0;
	v5 =	vadd.f32 $-1.258291200e+07, v5  }
.LBB2_95:
0x5da: {  	p0 =	sne.s32 s19, $0x3F;
	s20 =	smul.u32 $0x6000, s20  }
0x5db: {  	s17 =	sadd.s32 $0x80, s17;
	v5 =	vmul.f32 v5, v3  }
0x5dc: {  	s21 =	sand.u32 $0x380, s17;
	s20 =	sshra.s32 s20, $0x2  }
0x5dd: {  	[tilespmem:s18+$0x1660] =	vst v5;
	s18 =	sor.u32 s21, s20  }
0x5de: {  	v5 =	vld [tilespmem:s18+$0x1660];
	_ =	sdelay $0x4  }
.Ltmp46:
0x5df: {  	v5 =	vmul.f32 v5, v4;
	(pc) =	sbr.rel @p0 .LBB2_95-.Ltmp46, $3  }
0x5e0: {  	_ = 	snop  }
0x5e1: {  	v5 =	vadd.f32 $1.258291200e+07, v5;
	_ =	sdelay $0x1  }
0x5e2: {  	s20 =	sshrl.u32 s19, $0x3;
	s19 =	sadd.s32 $0x1, s19;
	v5 =	vadd.f32 $-1.258291200e+07, v5  }
0x5e3: {  	s19 =	smul.u32 $0x6000, s20  }
0x5e4: {  	s17 =	sadd.s32 $0x80, s17;
	v5 =	vmul.f32 v5, v3  }
0x5e5: {  	s17 =	sand.u32 $0x380, s17;
	s19 =	sshra.s32 s19, $0x2  }
0x5e6: {  	s17 =	sor.u32 s17, s19;
	[tilespmem:s18+$0x1660] =	vst v5  }
0x5e7: {  	v5 =	vld [tilespmem:s17+$0x1660];
	_ =	sdelay $0x4  }
0x5e8: {  	v4 =	vmul.f32 v5, v4;
	_ =	sdelay $0x1  }
0x5e9: {  	v4 =	vadd.f32 $1.258291200e+07, v4;
	_ =	sdelay $0x1  }
0x5ea: {  	v4 =	vadd.f32 $-1.258291200e+07, v4;
	_ =	sdelay $0x1  }
0x5eb: {  	v3 =	vmul.f32 v4, v3;
	_ =	sdelay $0x1  }
0x5ec: {  	[tilespmem:s17+$0x1660] =	vst v3  }
0x5ed: {  	v3 =	vld [tilespmem:$0xC4F0];
	_ =	sdelay $0x4  }
0x5ee: {  	s19 =	simm.s32 $0x0;
	(erf) = vrcp.f32 v3  }
0x5ef: {  	s20 =	smul.u32 $0x6000, s19  }
0x5f0: {  	s17 =	simm.s32 $0x0  }
0x5f1: {  	s18 =	sshra.s32 s20, $0x2;
	s21 =	sand.u32 $0x380, s17  }
0x5f2: {  	s18 =	sor.u32 s21, s18  }
0x5f3: {  	v5 =	vld [tilespmem:s18+$0x1670];
	_ =	sdelay $0x3  }
0x5f4: {  	v4 =	vpop (erf)  }
0x5f5: {  	v5 =	vmul.f32 v5, v4;
	_ =	sdelay $0x1  }
0x5f6: {  	v5 =	vadd.f32 $1.258291200e+07, v5;
	_ =	sdelay $0x1  }
0x5f7: {  	s19 =	simm.s32 $0x2;
	s20 =	simm.s32 $0x0;
	v5 =	vadd.f32 $-1.258291200e+07, v5  }
.LBB2_97:
0x5f8: {  	p0 =	sne.s32 s19, $0x3F;
	s20 =	smul.u32 $0x6000, s20  }
0x5f9: {  	s17 =	sadd.s32 $0x80, s17;
	v5 =	vmul.f32 v5, v3  }
0x5fa: {  	s21 =	sand.u32 $0x380, s17;
	s20 =	sshra.s32 s20, $0x2  }
0x5fb: {  	[tilespmem:s18+$0x1670] =	vst v5;
	s18 =	sor.u32 s21, s20  }
0x5fc: {  	v5 =	vld [tilespmem:s18+$0x1670];
	_ =	sdelay $0x4  }
.Ltmp47:
0x5fd: {  	v5 =	vmul.f32 v5, v4;
	(pc) =	sbr.rel @p0 .LBB2_97-.Ltmp47, $3  }
0x5fe: {  	_ = 	snop  }
0x5ff: {  	v5 =	vadd.f32 $1.258291200e+07, v5;
	_ =	sdelay $0x1  }
0x600: {  	s20 =	sshrl.u32 s19, $0x3;
	s19 =	sadd.s32 $0x1, s19;
	v5 =	vadd.f32 $-1.258291200e+07, v5  }
0x601: {  	s19 =	smul.u32 $0x6000, s20  }
0x602: {  	s17 =	sadd.s32 $0x80, s17;
	v5 =	vmul.f32 v5, v3  }
0x603: {  	s17 =	sand.u32 $0x380, s17;
	s19 =	sshra.s32 s19, $0x2  }
0x604: {  	s17 =	sor.u32 s17, s19;
	[tilespmem:s18+$0x1670] =	vst v5  }
0x605: {  	v5 =	vld [tilespmem:s17+$0x1670];
	_ =	sdelay $0x4  }
0x606: {  	v4 =	vmul.f32 v5, v4;
	_ =	sdelay $0x1  }
0x607: {  	v4 =	vadd.f32 $1.258291200e+07, v4;
	_ =	sdelay $0x1  }
0x608: {  	s16 =	sadd.s32 s5, s16;
	v4 =	vadd.f32 $-1.258291200e+07, v4  }
0x609: {  	s16 =	sshrl.u32 s16, $0x3  }
0x60a: {  	s15 =	sadd.s32 $0x1, s15;
	s16 =	smul.u32 $0x300, s16;
	v3 =	vmul.f32 v4, v3  }
0x60b: {  	s21 =	rddreg [dreg:$0x2];
	p0 =	sne.s32 s15, $0x8  }
.Ltmp48:
0x60c: {  	s16 =	sadd.s32 s21, s16;
	[tilespmem:s17+$0x1670] =	vst v3;
	(pc) =	sbr.rel @p0 .LBB2_2-.Ltmp48, $4  }
0x60d: {  	[hbm4b:s16+s4] =	stream.linear.scatter [tilespmem:s13], [sflag:$0x2], $0xC000, $0x38;
	[tilespmem:$0xC500] =	vst v63  }
0x60e: {  	_ =	swait.ge [sflag:s11], $0xC000  }
0x60f: {  	[sflag:s11] =	ssyncset.done $0x0  }
0x610: {  	[sflag:s11] =	ssyncadd.s32 $0xFFFF4000  }
0x611: {  	s16 =	rddreg [dreg:$0x7]  }
0x612: {  	s15 =	rddreg [dreg:$0x6];
	s16 =	sadd.s32 $0x1, s16  }
0x613: {  	p0 =	sne.s32 s16, s15  }
.Ltmp49:
0x614: {  	_ = 	snop;
	(pc) =	sbr.rel @p0 .LBB2_1-.Ltmp49, $1  }
0x615: {  	_ =	sdelay $0x3  }
0x616: {  	_ =	sfence.sel $0x180000  }
0x617: {  	[bflag:$0x0] =	sbarrier.arrive $0xFFFF  }
0x618: {  	_ =	strace $0x9000004D  }
0x619: {  	s0 =	stileid.u32;
	[bflag:$0x2] =	sbarrier.arrive $0xFFFF  }
0x61a: {  	p0 =	sne.s32 s0, $0x0;
	s0 =	rddreg [dreg:$0x3]  }
0x61b: {  	s0 =	sadd.s32 @!p0 $0x100000, s0  }
0x61c: {  	[sflag:s0] =	ssyncadd.tile.s32 @!p0 $0x1;
	_ =	shalt  }
.Lfunc_end2:
_tile_overlayer_lowered:
.L_overlay_start_2:
0x61d: {  	(tag) =	ssettag $0x2  }
0x61e: {  	s0 =	rddreg [dreg:$0x0];
	s2 =	stileid.u32  }
0x61f: {  	s1 =	rddreg [dreg:$0x1];
	p0 =	sne.s32 s2, $0x0  }
0x620: {  	s3 =	rddreg [dreg:$0x2];
	[bflag:$0x3] =	sbarrier.arrive $0xFFFF;
	s2 =	simm.s32 @!p0 $0x1C02  }
0x621: {  	[timem:s3], [sflag:s2] =	dma.local @!p0 [hbm:s0], s1  }
0x622: {  	s0 =	simm.s32 @!p0 $0x2  }
0x623: {  	_ =	swait.ge @!p0 [sflag:s0], s1  }
0x624: {  	s1 =	ssub.s32 @!p0 $0x0, s1;
	[sflag:s0] =	ssyncset.done @!p0 $0x0  }
0x625: {  	[sflag:s0] =	ssyncadd.s32 @!p0 s1  }
0x626: {  	[bflag:$0x3] =	sbarrier.arrive $0xFFFF  }
0x627: {  	_ =	shalt  }

// kernel: kernel.7.cloned.1.call-start
scs
__scs_entry_jumppad:
0x0: {  	(pc) =	sbr.rel $0x88, $3  }
0x1: {  	(tag) =	ssettag $0x0;
	lr =	simm.s32 $0x1  }
0x2: {  	[smem:$0x3F96] =	sst lr;
	_ =	strace $0xD0000000  }
0x3: {  	_ = 	snop  }
0x4: {  	_ = 	snop  }
0x5: {  	_ = 	snop  }
0x6: {  	_ = 	snop  }
0x7: {  	_ = 	snop  }
__scs_overlays_trampoline_lowered:
0x8: {  	[smem:$0x3FA5] =	sst s0  }
0x9: {  	[smem:$0x3FA6] =	sst s1  }
0xa: {  	[smem:$0x3FA7] =	sst s2  }
0xb: {  	[smem:$0x3FA8] =	sst s3  }
0xc: {  	[smem:$0x3FA9] =	sst s4  }
0xd: {  	[smem:$0x3FAA] =	sst s5  }
0xe: {  	[smem:$0x3FAB] =	sst s6  }
0xf: {  	[smem:$0x3FAC] =	sst s7  }
0x10: {  	[smem:$0x3FAD] =	sst s8  }
0x11: {  	[smem:$0x3FAE] =	sst s9;
	s0 =	simm.s32 @!p0 $0x0  }
0x12: {  	s1 =	sld [smem:$0x3F94];
	s0 =	simm.s32 @p0 $0x1  }
0x13: {  	[smem:$0x3FAF] =	sst s0;
	s0 =	simm.s32 @!p1 $0x0  }
0x14: {  	s2 =	sld [smem:$0x3F93];
	s0 =	simm.s32 @p1 $0x1  }
0x15: {  	[smem:$0x3FB0] =	sst s0;
	s0 =	simm.s32 @!p2 $0x0  }
0x16: {  	s3 =	sld [smem:$0x3FDB];
	s0 =	simm.s32 @p2 $0x1  }
0x17: {  	s4 =	simm.s32 $0x1BF5;
	[smem:$0x3FB2] =	sst s0  }
0x18: {  	s0 =	sld [smem:$0x3F95];
	_ =	swait.ge [sflag:s4], $0x0  }
0x19: {  	s7 =	sld [smem:$0x3F96]  }
0x1a: {  	s8 =	sadd.s32 $0xFFFFE003, lr  }
0x1b: {  	s9 =	sadd.s32 $0xFFFFFEF7, lr;
	s5 =	simm.s32 $0xFFFFFFFF;
	p2 =	slt.u32 s8, $0xFFFFF086  }
0x1c: {  	p1 =	slt.u32 s9, $0xF7A;
	s5 =	simm.s32 @!p2 $0x0  }
0x1d: {  	s5 =	simm.s32 @p1 $0x1;
	p0 =	seq.s32 s7, s2  }
0x1e: {  	s7 =	smul.u32 @!p0 $0xF7A, s2;
	p2 =	seq.s32 @!p0 s5, $0x0  }
0x1f: {  	s9 =	smul.u32 $0xF7A, s1;
	s8 =	simm.s32 @!p0 $0x1BF5;
	p2 =	por !p2, p0  }
0x20: {  	[sflag:s8] =	ssyncset.s32 @!p0 $0xFFFFF086;
	s6 =	sadd.s32 @!p0 s3, s7;
	s7 =	simm.s32 @!p0 $0x108  }
0x21: {  	s3 =	sadd.s32 s3, s9;
	s6 =	sadd.s32 @!p0 $0x88, s6;
	s7 =	simm.s32 @p2 $0x1082  }
0x22: {  	[simem:s7], [sflag:s8] =	dma.local @!p0 [hbm:s6], $0xF7A  }
0x23: {  	s9 =	sor.u32 $0xD0000000, s2;
	s6 =	simm.s32 $0x108;
	_ =	swait.ge @!p0 [sflag:s8], $0x0  }
0x24: {  	s3 =	sadd.s32 $0x88, s3;
	s6 =	simm.s32 @!p1 $0x1082;
	[sflag:s4] =	ssyncset.s32 $0xFFFFF086  }
0x25: {  	[simem:s6], [sflag:s4] =	dma.local [hbm:s3], $0xF7A  }
0x26: {  	[smem:$0x3F96] =	sst s1;
	(tag) =	ssettag s2;
	_ =	strace s9  }
0x27: {  	s1 =	sld [smem:$0x3FA6]  }
0x28: {  	s2 =	sld [smem:$0x3FA7]  }
0x29: {  	s4 =	sld [smem:$0x3FA9]  }
0x2a: {  	p0 =	seq.s32 s5, $0x0;
	s5 =	sld [smem:$0x3FAA]  }
0x2b: {  	s6 =	sld [smem:$0x3FAB]  }
0x2c: {  	s7 =	sld [smem:$0x3FAC]  }
0x2d: {  	s3 =	simm.s32 $0x108;
	s8 =	sld [smem:$0x3FAD]  }
0x2e: {  	s3 =	simm.s32 @!p0 $0x1082;
	s9 =	sld [smem:$0x3FAE]  }
0x2f: {  	lr =	sadd.s32 s0, s3;
	s0 =	sld [smem:$0x3FA5]  }
0x30: {  	s3 =	sld [smem:$0x3FA8]  }
0x31: {  	[smem:$0x3FB1] =	sst s10  }
0x32: {  	s10 =	sld [smem:$0x3FAF];
	_ =	sdelay $0x3  }
0x33: {  	p0 =	seq.s32 s10, $0x1;
	s10 =	sld [smem:$0x3FB1];
	_ =	sdelay $0x3  }
0x34: {  	[smem:$0x3FB1] =	sst s10  }
0x35: {  	s10 =	sld [smem:$0x3FB0];
	_ =	sdelay $0x3  }
0x36: {  	p1 =	seq.s32 s10, $0x1;
	s10 =	sld [smem:$0x3FB1];
	_ =	sdelay $0x3  }
0x37: {  	[smem:$0x3FB1] =	sst s10  }
0x38: {  	s10 =	sld [smem:$0x3FB2]  }
0x39: {  	_ = 	snop;
	(pc) =	sbr.ind lr, $3  }
0x3a: {  	_ = 	snop  }
0x3b: {  	_ = 	snop  }
0x3c: {  	p2 =	seq.s32 s10, $0x1;
	s10 =	sld [smem:$0x3FB1]  }
0x3d: {  	_ =	shalt  }
0x3e: {  	_ =	shalt  }
0x3f: {  	_ =	shalt  }
0x40: {  	_ =	shalt  }
0x41: {  	_ =	shalt  }
0x42: {  	_ =	shalt  }
0x43: {  	_ =	shalt  }
0x44: {  	_ =	shalt  }
0x45: {  	_ =	shalt  }
0x46: {  	_ =	shalt  }
0x47: {  	_ =	shalt  }
0x48: {  	_ =	shalt  }
0x49: {  	_ =	shalt  }
0x4a: {  	_ =	shalt  }
0x4b: {  	_ =	shalt  }
0x4c: {  	_ =	shalt  }
0x4d: {  	_ =	shalt  }
0x4e: {  	_ =	shalt  }
0x4f: {  	_ =	shalt  }
0x50: {  	_ =	shalt  }
0x51: {  	_ =	shalt  }
0x52: {  	_ =	shalt  }
0x53: {  	_ =	shalt  }
0x54: {  	_ =	shalt  }
0x55: {  	_ =	shalt  }
0x56: {  	_ =	shalt  }
0x57: {  	_ =	shalt  }
0x58: {  	_ =	shalt  }
0x59: {  	_ =	shalt  }
0x5a: {  	_ =	shalt  }
0x5b: {  	_ =	shalt  }
0x5c: {  	_ =	shalt  }
0x5d: {  	_ =	shalt  }
0x5e: {  	_ =	shalt  }
0x5f: {  	_ =	shalt  }
0x60: {  	_ =	shalt  }
0x61: {  	_ =	shalt  }
0x62: {  	_ =	shalt  }
0x63: {  	_ =	shalt  }
0x64: {  	_ =	shalt  }
0x65: {  	_ =	shalt  }
0x66: {  	_ =	shalt  }
0x67: {  	_ =	shalt  }
0x68: {  	_ =	shalt  }
0x69: {  	_ =	shalt  }
0x6a: {  	_ =	shalt  }
0x6b: {  	_ =	shalt  }
0x6c: {  	_ =	shalt  }
0x6d: {  	_ =	shalt  }
0x6e: {  	_ =	shalt  }
0x6f: {  	_ =	shalt  }
0x70: {  	_ =	shalt  }
0x71: {  	_ =	shalt  }
0x72: {  	_ =	shalt  }
0x73: {  	_ =	shalt  }
0x74: {  	_ =	shalt  }
0x75: {  	_ =	shalt  }
0x76: {  	_ =	shalt  }
0x77: {  	_ =	shalt  }
0x78: {  	_ =	shalt  }
0x79: {  	_ =	shalt  }
0x7a: {  	_ =	shalt  }
0x7b: {  	_ =	shalt  }
0x7c: {  	_ =	shalt  }
0x7d: {  	_ =	shalt  }
0x7e: {  	_ =	shalt  }
0x7f: {  	_ =	shalt  }
0x80: {  	_ =	shalt  }
0x81: {  	_ =	shalt  }
0x82: {  	_ =	shalt  }
0x83: {  	_ =	shalt  }
0x84: {  	_ =	shalt  }
0x85: {  	_ =	shalt  }
0x86: {  	_ =	shalt  }
0x87: {  	_ =	shalt  }
.Lfunc_end0:
.L_simem_size_0:
called_computation_lowered:
.L_overlay_start_0:
0x88: {  	s2 =	sld [smem:$0x3FD9]  }
0x89: {  	s3 =	sld [smem:$0x3FFE];
	_ =	sdelay $0x1  }
0x8a: {  	s1 =	srdreg.scid  }
0x8b: {  	s0 =	sand.u32 $0x1, s1  }
0x8c: {  	s17 =	sshll.u32 s0, $0xA;
	s2 =	sadd.s32 s3, s2  }
0x8d: {  	s2 =	sadd.s32 s2, s17  }
0x8e: {  	[smem:$0x3FBD] =	sst s2  }
0x8f: {  	_ = 	snop  }
0x90: {  	s2 =	sld [smem:$0x3FD0];
	(tm) =	ssettm $0x1  }
0x91: {  	s18 =	sld [smem:$0x3FFB];
	_ =	sdelay $0x3  }
0x92: {  	_ =	strace s18  }
0x93: {  	s3 =	sld [smem:$0x3FFC];
	_ =	sdelay $0x3  }
0x94: {  	_ =	strace s3  }
0x95: {  	s3 =	sld [smem:$0x3FFD];
	_ =	sdelay $0x3  }
0x96: {  	_ =	strace s3  }
0x97: {  	_ =	strace $0x8FFFFFFF  }
0x98: {  	s19 =	sld [smem:$0x3FDB];
	_ =	sdelay $0x1  }
0x99: {  	s4 =	simm.s32 $_scs_section_size  }
0x9a: {  	s5 =	simm.s32 $_size__tile_overlayer_lowered;
	s6 =	simm.s32 $_tile_overlayer_lowered  }
0x9b: {  	s22 =	simm.s32 $0x1BFF;
	s21 =	sshll.u32 s6, $0x1;
	s3 =	sadd.s32 s4, s19  }
0x9c: {  	s7 =	simm.s32 $0x0;
	s20 =	sshll.u32 s5, $0x1;
	s5 =	sadd.s32 s21, s3  }
0x9d: {  	[timem:s7], [sflag:s22] =	dma.local [hbm:s5], s20  }
0x9e: {  	_ =	swait.ge [sflag:s22], s20  }
0x9f: {  	s4 =	ssub.s32 $0x0, s20;
	[sflag:s22] =	ssyncset.done $0x0  }
0xa0: {  	[sflag:s22] =	ssyncadd.s32 s4;
	_ =	sdelay $0x1  }
0xa1: {  	s23 =	simm.s32 $0x1B8B  }
0xa2: {  	_ =	swait.ge [sflag:s23], $0x1  }
0xa3: {  	[sflag:s23] =	ssyncset.done $0x0  }
0xa4: {  	s25 =	simm.s32 $0x1B8E;
	s24 =	sld [smem:$0x3FFE];
	[sflag:s23] =	ssyncadd.s32 $0xFFFFFFFF  }
0xa5: {  	s26 =	simm.s32 $execute0_lowered;
	[smem:$0x3FD2] =	sst s25  }
0xa6: {  	s5 =	sshll.u32 s26, $0x1;
	_ =	strace $0x80000046;
	[dreg:$0x1] =	wrdreg $0xFFFFFFFF  }
0xa7: {  	s28 =	simm.s32 $_size_execute0_lowered;
	s3 =	sadd.s32 s3, s5;
	[dreg:$0x0] =	wrdreg $0x0  }
0xa8: {  	s5 =	sshll.u32 s28, $0x1;
	[dreg:$0x2] =	wrdreg s3  }
0xa9: {  	[dreg:$0x3] =	wrdreg s5  }
0xaa: {  	[dreg:$0x4] =	wrdreg $0xC0  }
0xab: {  	_ =	task [dreg:s7], $0x5FFFF  }
0xac: {  	[dreg:$0x1] =	wrdreg $0xFFFFFFFF  }
0xad: {  	[dreg:$0x0] =	wrdreg $0x60  }
0xae: {  	[dreg:$0x2] =	wrdreg s2  }
0xaf: {  	[dreg:$0x3] =	wrdreg s24  }
0xb0: {  	[dreg:$0x4] =	wrdreg $0x9  }
0xb1: {  	_ =	task.clear_ibuf [dreg:s7], $0x5FFFF;
	_ =	strace $0x90000046  }
0xb2: {  	s29 =	simm.s32 $0x9;
	_ =	strace $0x80000048  }
0xb3: {  	_ =	swait.ge [sflag:s29], $0x1  }
0xb4: {  	[sflag:s29] =	ssyncadd.s32 $0xFFFFFFFF  }
0xb5: {  	_ =	strace $0x90000048  }
0xb6: {  	_ =	sfence  }
0xb7: {  	s30 =	sld [smem:$0x0];
	_ =	sdelay $0x2  }
0xb8: {  	s31 =	sshll.u32 s1, $0xD;
	s1 =	sshrl.u32 s1, $0x2  }
0xb9: {  	s3 =	sand.u32 $0x4000, s31;
	s1 =	sadd.s32 s1, s30  }
0xba: {  	s0 =	sor.u32 s3, s0;
	s1 =	sshll.u32 s1, $0x11  }
0xbb: {  	s0 =	sor.u32 s1, s0  }
0xbc: {  	s0 =	sadd.s32 $0x8F2B, s0  }
0xbd: {  	[sflag:s0] =	ssyncadd.remote.s32 $0x1  }
0xbe: {  	_ =	sfence.sel $0xFFFF  }
0xbf: {  	[dreg:$0x0] =	wrdreg $0xFFFFFFFF;
	(pc) =	sbr.abs _section_cstart, $3  }
0xc0: {  	[dreg:$0x1] =	wrdreg $0xFFFFFFFF  }
0xc1: {  	_ =	task.clear_ibuf [dreg:s7], $0x2FFFF;
	_ =	strace $0x9FFFFFFF  }
0xc2: {  	(tm) =	ssettm $0x7FFFFFFF  }
0xc3: {  	_ =	shalt  }
tec
execute0_lowered:
.L_overlay_start_1:
0x0: {  	(tag) =	ssettag $0x1  }
0x1: {  	s1 =	stileid.u32  }
0x2: {  	p0 =	sgt.u32 s1, $0x1  }
.Ltmp0:
0x3: {  	_ = 	snop;
	(pc) =	sbr.rel @p0 .LBB2_45-.Ltmp0, $4  }
0x4: {  	s4 =	rddreg [dreg:$0x0]  }
0x5: {  	s3 =	rddreg [dreg:$0x1];
	s2 =	simm.s32 $0x0  }
0x6: {  	[smem:$0x7FF] =	sst s2  }
0x7: {  	s0 =	rddreg [dreg:$0x2];
	_ =	strace $0x80000047  }
0x8: {  	s5 =	srdreg.scid;
	s6 =	sshll.u32 s1, $0x1;
	s8 =	simm.s32 $0x1  }
0x9: {  	s9 =	simm.s32 $0x8000;
	s10 =	simm.s32 $0x4000;
	s5 =	sand.u32 $0x1, s5  }
0xa: {  	s12 =	simm.s32 $0x2000;
	s13 =	simm.s32 $0x0;
	s6 =	sor.u32 s5, s6  }
0xb: {  	v0 =	vlaneseq.u32;
	s5 =	ssub.s32 $0x2, s5;
	s7 =	sshll.u32 s6, $0x4;
	s11 =	sshll.u32 s6, $0xD  }
0xc: {  	v1 =	vmul.u32 $0x200, v0;
	s31 =	sshrl.u32 s5, $0x1;
	s6 =	simm.s32 $0x80;
	s3 =	sadd.s32 s7, s3  }
0xd: {  	s5 =	ssub.s32 s5, s31;
	s4 =	sadd.s32 s4, s7;
	s7 =	simm.s32 $0x200  }
0xe: {  	v3 =	vimm.s32 $0x0;
	v2 =	vor.u32 s11, v1;
	s11 =	simm.s32 $0x6000;
	s3 =	sadd.s32 $0x2200, s3;
	s5 =	smax.u32 s5, $0x1  }
.LBB2_2:
0xf: {  	s14 =	simm.s32 $0x0  }
0x10: {  	[tilespmem:s14], [sflag:$0x1] =	stream.strided.gather [hbm4b:s4+s6], $0x2000, s7, s6, $0x38;
	[tilespmem:$0xC000] =	vst v63  }
0x11: {  	_ =	swait.ge [sflag:s8], $0x2000  }
0x12: {  	[sflag:s8] =	ssyncset.done $0x0  }
0x13: {  	s15 =	simm.s32 $0x40;
	s16 =	simm.s32 $0x0;
	[sflag:s8] =	ssyncadd.s32 $0xFFFFE000  }
.LBB2_3:
0x14: {  	p0 =	sne.s32 s15, $0xFFC0;
	[tilespmem:s16+$0x8000] =	vst v3;
	s16 =	smov.u32 s15;
	s15 =	sadd.s32 $0x40, s15  }
.Ltmp1:
0x15: {  	(pc) =	sbr.rel @p0 .LBB2_3-.Ltmp1, $2  }
0x16: {  	_ =	sdelay $0x2  }
0x17: {  	s16 =	sshra.s32 s16, $0x2  }
0x18: {  	v4 =	vor.u32 s14, v1;
	_ =	sdelay $0x3  }
0x19: {  	[tilespmem:s16+$0x8000] =	vst v3;
	s14 =	simm.s32 $0x0  }
0x1a: {  	v4 =	vld.idx.msk [tilespmem:v4+s14+$0x0], $0xffff;
	_ =	sdelay $0x4  }
0x1b: {  	v4 =	vshll.u32 v4, $0x4  }
0x1c: {  	v4 =	vor.u32 v0, v4  }
0x1d: {  	v4 =	vand.u32 $0x3FFF, v4;
	_ =	sdelay $0x4  }
0x1e: {  	v6 =	vld.idx.msk [tilespmem:v4+s9+$0x0], $0xffff  }
0x1f: {  	s15 =	simm.s32 $0x1  }
0x20: {  	v5 =	vor.u32 s15, v1;
	s15 =	simm.s32 $0x2  }
.LBB2_5:
0x21: {  	p0 =	sne.s32 s15, $0x1FF;
	_ =	sdelay $0x1  }
0x22: {  	v6 =	vadd.s32 $0x1, v6  }
0x23: {  	[tilespmem:v4+s9+$0x0] =	vst.idx.msk $0xffff, v6  }
0x24: {  	v4 =	vld.idx.msk [tilespmem:v5+s14+$0x0], $0xffff;
	_ =	sdelay $0x5  }
0x25: {  	v4 =	vshll.u32 v4, $0x4  }
0x26: {  	v4 =	vor.u32 v0, v4  }
0x27: {  	v4 =	vand.u32 $0x3FFF, v4;
	_ =	sdelay $0x3  }
.Ltmp2:
0x28: {  	(pc) =	sbr.rel @p0 .LBB2_5-.Ltmp2, $2  }
0x29: {  	v6 =	vld.idx.msk [tilespmem:v4+s9+$0x0], $0xffff;
	_ =	sdelay $0x2  }
0x2a: {  	v5 =	vor.u32 s15, v1;
	s15 =	sadd.s32 $0x1, s15  }
0x2b: {  	_ =	sdelay $0x2  }
0x2c: {  	v6 =	vadd.s32 $0x1, v6  }
0x2d: {  	s14 =	simm.s32 $0x0;
	[tilespmem:v4+s9+$0x0] =	vst.idx.msk $0xffff, v6  }
0x2e: {  	v4 =	vld.idx.msk [tilespmem:v5+s14+$0x0], $0xffff;
	_ =	sdelay $0x4  }
0x2f: {  	v4 =	vshll.u32 v4, $0x4  }
0x30: {  	v4 =	vor.u32 v0, v4  }
0x31: {  	v4 =	vand.u32 $0x3FFF, v4;
	_ =	sdelay $0x4  }
0x32: {  	v5 =	vld.idx.msk [tilespmem:v4+s9+$0x0], $0xffff  }
0x33: {  	p1 =	por $0x1, $0x1  }
.Ltmp3:
0x34: {  	_ = 	snop;
	(pc) =	sbr.rel @!p1 .LBB2_7-.Ltmp3, $3  }
0x35: {  	_ =	sdelay $0x1  }
0x36: {  	v5 =	vadd.s32 $0x1, v5  }
0x37: {  	s18 =	simm.s32 $0x0;
	p0 =	por $0x0, $0x0;
	[tilespmem:v4+s9+$0x0] =	vst.idx.msk $0xffff, v5  }
0x38: {  	v4 =	vld [tilespmem:s18+$0x8000];
	_ =	sdelay $0x4  }
0x39: {  	(xrf0) =	vadd.scan.msk.s32 $0xffff, v4;
	_ =	sdelay $0x4  }
0x3a: {  	p2 =	por $0x1, $0x1  }
.Ltmp4:
0x3b: {  	v5, _, _ =	vpop (xrf0);
	(pc) =	sbr.rel @!p2 .LBB2_9-.Ltmp4, $4  }
0x3c: {  	(v2sf) =	vpush v5, $0xF  }
0x3d: {  	v4 =	vsub.s32 s14, v4  }
0x3e: {  	s16 =	simm.s32 $0x10;
	v4 =	vadd.s32 v5, v4  }
0x3f: {  	s17 =	simm.s32 $0x80;
	p1 =	por $0x1, $0x1;
	s15 =	simm.s32 $0x0;
	[tilespmem:s18+$0x8000] =	vst v4  }
.LBB2_10:
0x40: {  	p2 =	sne.s32 s17, $0xFFC0;
	v4 =	vld [tilespmem:s16+$0x8000];
	_ =	sdelay $0x4  }
0x41: {  	(xrf0) =	vadd.scan.msk.s32 $0xffff, v4;
	_ =	sdelay $0x5  }
.Ltmp5:
0x42: {  	v5, _, _ =	vpop (xrf0);
	s18 =	spop (v2sf);
	(pc) =	sbr.rel @p2 .LBB2_10-.Ltmp5, $4  }
0x43: {  	(v2sf) =	vpush v5, $0xF;
	s15 =	sadd.s32 s15, s18  }
0x44: {  	v4 =	vsub.s32 s15, v4  }
0x45: {  	v4 =	vadd.s32 v5, v4  }
0x46: {  	[tilespmem:s16+$0x8000] =	vst v4;
	s16 =	sshra.s32 s17, $0x2;
	s17 =	sadd.s32 $0x40, s17  }
0x47: {  	s18 =	smov.u32 s16  }
.LBB2_12:
0x48: {  	v4 =	vld [tilespmem:s18+$0x8000];
	_ =	sdelay $0x4  }
0x49: {  	(xrf0) =	vadd.scan.msk.s32 $0xffff, v4;
	_ =	sdelay $0x5  }
0x4a: {  	v5, _, _ =	vpop (xrf0)  }
0x4b: {  	(v2sf) =	vpush v5, $0xF;
	_ =	sdelay $0x7  }
0x4c: {  	s16 =	spop @p1 (v2sf)  }
0x4d: {  	s15 =	sadd.s32 @p1 s15, s16;
	s16 =	simm.s32 $0x0  }
0x4e: {  	s16 =	smov.u32 @p1 s15;
	p1 =	por $0x1, $0x1  }
.Ltmp6:
0x4f: {  	_ = 	snop;
	(pc) =	sbr.rel @!p1 .LBB2_13-.Ltmp6, $4  }
0x50: {  	_ = 	snop  }
0x51: {  	v4 =	vsub.s32 s16, v4  }
0x52: {  	v4 =	vadd.s32 v5, v4  }
0x53: {  	s15 =	simm.s32 $0x1;
	v5 =	vor.u32 s14, v1;
	[tilespmem:s18+$0x8000] =	vst v4;
	s31 =	spop (v2sf)  }
0x54: {  	_ =	sdelay $0x2  }
0x55: {  	s16 =	simm.s32 $0x0  }
0x56: {  	v8 =	vld.idx.msk [tilespmem:v5+s16+$0x0], $0xffff;
	_ =	sdelay $0x4  }
0x57: {  	v4 =	vshll.u32 v8, $0x4  }
0x58: {  	v4 =	vor.u32 v0, v4  }
0x59: {  	v4 =	vand.u32 $0x3FFF, v4;
	_ =	sdelay $0x4  }
0x5a: {  	v6 =	vld.idx.msk [tilespmem:v4+s9+$0x0], $0xffff;
	_ =	sdelay $0x2  }
0x5b: {  	p1 =	por $0x1, $0x1  }
.Ltmp7:
0x5c: {  	_ = 	snop;
	(pc) =	sbr.rel @!p1 .LBB2_15-.Ltmp7, $3  }
0x5d: {  	_ = 	snop  }
0x5e: {  	v5 =	vor.u32 s15, v1;
	_ =	sdelay $0x1  }
0x5f: {  	s17 =	simm.s32 $0x2;
	v7 =	vor.u32 s14, v2;
	p0 =	por $0x1, $0x1;
	[tilespmem:v6+s10+$0x0] =	vst.idx.msk $0xffff, v8  }
.LBB2_16:
0x60: {  	p1 =	sne.s32 s17, $0x1FF;
	[tilespmem:v6+s11+$0x0] =	vst.idx.msk $0xffff, v7;
	v6 =	vadd.s32 $0x1, v6  }
0x61: {  	[tilespmem:v4+s9+$0x0] =	vst.idx.msk $0xffff, v6  }
0x62: {  	v8 =	vld.idx.msk [tilespmem:v5+s16+$0x0], $0xffff;
	_ =	sdelay $0x5  }
0x63: {  	v4 =	vshll.u32 v8, $0x4  }
0x64: {  	v4 =	vor.u32 v0, v4  }
0x65: {  	v4 =	vand.u32 $0x3FFF, v4;
	_ =	sdelay $0x4  }
0x66: {  	v6 =	vld.idx.msk [tilespmem:v4+s9+$0x0], $0xffff;
	_ =	sdelay $0x3  }
.Ltmp8:
0x67: {  	(pc) =	sbr.rel @p1 .LBB2_16-.Ltmp8, $3  }
0x68: {  	_ = 	snop  }
0x69: {  	v5 =	vor.u32 s17, v1;
	_ =	sdelay $0x1  }
0x6a: {  	v7 =	vor.u32 s15, v2;
	s15 =	smov.u32 s17;
	s17 =	sadd.s32 $0x1, s17;
	[tilespmem:v6+s10+$0x0] =	vst.idx.msk $0xffff, v8  }
0x6b: {  	s14 =	smov.u32 s15  }
.LBB2_18:
0x6c: {  	_ =	sdelay $0x3  }
0x6d: {  	[tilespmem:v6+s11+$0x0] =	vst.idx.msk @p0 $0xffff, v7;
	v6 =	vadd.s32 @p0 $0x1, v6  }
0x6e: {  	s15 =	simm.s32 $0x0;
	[tilespmem:v4+s9+$0x0] =	vst.idx.msk @p0 $0xffff, v6  }
0x6f: {  	v4 =	vld.idx.msk [tilespmem:v5+s15+$0x0], $0xffff;
	_ =	sdelay $0x4  }
0x70: {  	v5 =	vshll.u32 v4, $0x4  }
0x71: {  	v5 =	vor.u32 v0, v5  }
0x72: {  	v5 =	vand.u32 $0x3FFF, v5;
	_ =	sdelay $0x4  }
0x73: {  	v6 =	vld.idx.msk [tilespmem:v5+s9+$0x0], $0xffff;
	_ =	sdelay $0x4  }
0x74: {  	p0 =	por $0x1, $0x1  }
.Ltmp9:
0x75: {  	_ = 	snop;
	(pc) =	sbr.rel @!p0 .LBB2_20-.Ltmp9, $4  }
0x76: {  	_ = 	snop  }
0x77: {  	v63 =	vor.u32 s14, v2;
	[tilespmem:v6+s10+$0x0] =	vst.idx.msk $0xffff, v4  }
0x78: {  	v4 =	vadd.s32 $0x1, v6;
	[tilespmem:v6+s11+$0x0] =	vst.idx.msk $0xffff, v63  }
0x79: {  	s14 =	simm.s32 $0x40;
	s16 =	simm.s32 $0x0;
	[tilespmem:v5+s9+$0x0] =	vst.idx.msk $0xffff, v4  }
.LBB2_19:
0x7a: {  	p0 =	sne.s32 s14, $0xFFC0;
	[tilespmem:s16+$0x8000] =	vst v3;
	s16 =	smov.u32 s14;
	s14 =	sadd.s32 $0x40, s14  }
.Ltmp10:
0x7b: {  	(pc) =	sbr.rel @p0 .LBB2_19-.Ltmp10, $2  }
0x7c: {  	_ =	sdelay $0x2  }
0x7d: {  	s16 =	sshra.s32 s16, $0x2  }
.LBB2_20:
0x7e: {  	p1 =	por $0x1, $0x1  }
.Ltmp11:
0x7f: {  	_ = 	snop;
	(pc) =	sbr.rel @!p1 .LBB2_21-.Ltmp11, $2  }
0x80: {  	_ =	sdelay $0x2  }
0x81: {  	[tilespmem:s16+$0x8000] =	vst v3;
	v5 =	vor.u32 s15, v1;
	s14 =	simm.s32 $0x1;
	p0 =	por $0x0, $0x0  }
0x82: {  	_ =	sdelay $0x3  }
0x83: {  	v4 =	vld.idx.msk [tilespmem:v5+s10+$0x0], $0xffff;
	_ =	sdelay $0x4  }
0x84: {  	v4 =	vshrl.u32 v4, $0x6  }
0x85: {  	v4 =	vand.u32 $0x3FF0, v4  }
0x86: {  	v4 =	vor.u32 v0, v4;
	_ =	sdelay $0x1  }
0x87: {  	p1 =	por $0x1, $0x1  }
.Ltmp12:
0x88: {  	_ = 	snop;
	(pc) =	sbr.rel @!p1 .LBB2_24-.Ltmp12, $3  }
0x89: {  	_ = 	snop  }
0x8a: {  	v6 =	vld.idx.msk [tilespmem:v4+s9+$0x0], $0xffff;
	_ =	sdelay $0x1  }
0x8b: {  	v5 =	vor.u32 s14, v1;
	s14 =	simm.s32 $0x2;
	p0 =	por $0x1, $0x1  }
.LBB2_23:
0x8c: {  	p1 =	sne.s32 s14, $0x1FF;
	_ =	sdelay $0x1  }
0x8d: {  	v6 =	vadd.s32 $0x1, v6  }
0x8e: {  	[tilespmem:v4+s9+$0x0] =	vst.idx.msk $0xffff, v6  }
0x8f: {  	v4 =	vld.idx.msk [tilespmem:v5+s10+$0x0], $0xffff;
	_ =	sdelay $0x5  }
0x90: {  	v4 =	vshrl.u32 v4, $0x6  }
0x91: {  	v4 =	vand.u32 $0x3FF0, v4  }
0x92: {  	v4 =	vor.u32 v0, v4;
	_ =	sdelay $0x3  }
.Ltmp13:
0x93: {  	(pc) =	sbr.rel @p1 .LBB2_23-.Ltmp13, $2  }
0x94: {  	v6 =	vld.idx.msk [tilespmem:v4+s9+$0x0], $0xffff;
	_ =	sdelay $0x2  }
0x95: {  	v5 =	vor.u32 s14, v1;
	s14 =	sadd.s32 $0x1, s14  }
.LBB2_24:
0x96: {  	_ =	sdelay $0x2  }
0x97: {  	v6 =	vadd.s32 @p0 $0x1, v6  }
0x98: {  	[tilespmem:v4+s9+$0x0] =	vst.idx.msk @p0 $0xffff, v6  }
0x99: {  	v4 =	vld.idx.msk [tilespmem:v5+s10+$0x0], $0xffff;
	_ =	sdelay $0x4  }
0x9a: {  	v4 =	vshrl.u32 v4, $0x6  }
0x9b: {  	v4 =	vand.u32 $0x3FF0, v4  }
0x9c: {  	v4 =	vor.u32 v0, v4;
	_ =	sdelay $0x4  }
0x9d: {  	v5 =	vld.idx.msk [tilespmem:v4+s9+$0x0], $0xffff;
	_ =	sdelay $0x4  }
0x9e: {  	v5 =	vadd.s32 $0x1, v5  }
0x9f: {  	s16 =	simm.s32 $0x0;
	[tilespmem:v4+s9+$0x0] =	vst.idx.msk $0xffff, v5  }
0xa0: {  	v4 =	vld [tilespmem:s16+$0x8000];
	_ =	sdelay $0x4  }
0xa1: {  	(xrf0) =	vadd.scan.msk.s32 $0xffff, v4;
	_ =	sdelay $0x5  }
0xa2: {  	v5, _, _ =	vpop (xrf0)  }
0xa3: {  	s14 =	simm.s32 $0x0;
	(v2sf) =	vpush v5, $0xF  }
0xa4: {  	v4 =	vsub.s32 s14, v4  }
0xa5: {  	v4 =	vadd.s32 v5, v4  }
0xa6: {  	s15 =	simm.s32 $0x10;
	s17 =	simm.s32 $0x80;
	[tilespmem:s16+$0x8000] =	vst v4;
	s16 =	simm.s32 $0x0  }
.LBB2_25:
0xa7: {  	p0 =	sne.s32 s17, $0xFFC0;
	v4 =	vld [tilespmem:s15+$0x8000];
	_ =	sdelay $0x4  }
0xa8: {  	(xrf0) =	vadd.scan.msk.s32 $0xffff, v4;
	_ =	sdelay $0x5  }
.Ltmp14:
0xa9: {  	v5, _, _ =	vpop (xrf0);
	s18 =	spop (v2sf);
	(pc) =	sbr.rel @p0 .LBB2_25-.Ltmp14, $4  }
0xaa: {  	(v2sf) =	vpush v5, $0xF;
	s16 =	sadd.s32 s16, s18  }
0xab: {  	v4 =	vsub.s32 s16, v4  }
0xac: {  	v4 =	vadd.s32 v5, v4  }
0xad: {  	[tilespmem:s15+$0x8000] =	vst v4;
	s15 =	sshra.s32 s17, $0x2;
	s17 =	sadd.s32 $0x40, s17  }
0xae: {  	_ =	sdelay $0x1  }
0xaf: {  	v4 =	vld [tilespmem:s15+$0x8000];
	_ =	sdelay $0x4  }
0xb0: {  	(xrf0) =	vadd.scan.msk.s32 $0xffff, v4;
	_ =	sdelay $0x3  }
0xb1: {  	v6 =	vor.u32 s14, v1;
	s17 =	spop (v2sf)  }
0xb2: {  	s29 =	sadd.s32 s16, s17  }
0xb3: {  	v5, _, _ =	vpop (xrf0);
	v4 =	vsub.s32 s29, v4  }
0xb4: {  	v4 =	vadd.s32 v5, v4  }
0xb5: {  	[tilespmem:s15+$0x8000] =	vst v4  }
0xb6: {  	v4 =	vld.idx.msk [tilespmem:v6+s10+$0x0], $0xffff;
	_ =	sdelay $0x4  }
0xb7: {  	v7 =	vshrl.u32 v4, $0x6  }
0xb8: {  	(v2sf) =	vpush v5, $0xF;
	v5 =	vand.u32 $0x3FF0, v7  }
0xb9: {  	v5 =	vor.u32 v0, v5;
	_ =	sdelay $0x4  }
0xba: {  	v7 =	vld.idx.msk [tilespmem:v5+s9+$0x0], $0xffff;
	_ =	sdelay $0x5  }
0xbb: {  	v6 =	vld.idx.msk [tilespmem:v6+s11+$0x0], $0xffff  }
0xbc: {  	s14 =	simm.s32 $0x0;
	s30 =	simm.s32 $0x1  }
0xbd: {  	[tilespmem:v7+s14+$0x0] =	vst.idx.msk $0xffff, v4;
	v4 =	vor.u32 s30, v1;
	_ =	sdelay $0x2  }
0xbe: {  	s15 =	simm.s32 $0x2;
	s31 =	spop (v2sf);
	[tilespmem:v7+s12+$0x0] =	vst.idx.msk $0xffff, v6;
	v6 =	vadd.s32 $0x1, v7  }
.LBB2_27:
0xbf: {  	p0 =	sne.s32 s15, $0x1FF;
	[tilespmem:v5+s9+$0x0] =	vst.idx.msk $0xffff, v6;
	s16 =	smov.u32 s15;
	s15 =	sadd.s32 $0x1, s15  }
0xc0: {  	v6 =	vld.idx.msk [tilespmem:v4+s10+$0x0], $0xffff;
	_ =	sdelay $0x5  }
0xc1: {  	v5 =	vshrl.u32 v6, $0x6  }
0xc2: {  	v5 =	vand.u32 $0x3FF0, v5  }
0xc3: {  	v5 =	vor.u32 v0, v5;
	_ =	sdelay $0x4  }
0xc4: {  	v7 =	vld.idx.msk [tilespmem:v5+s9+$0x0], $0xffff;
	_ =	sdelay $0x2  }
0xc5: {  	v8 =	vld.idx.msk [tilespmem:v4+s11+$0x0], $0xffff;
	_ =	sdelay $0x1  }
.Ltmp15:
0xc6: {  	(pc) =	sbr.rel @p0 .LBB2_27-.Ltmp15, $3  }
0xc7: {  	v4 =	vor.u32 s16, v1;
	_ =	sdelay $0x1  }
0xc8: {  	[tilespmem:v7+s14+$0x0] =	vst.idx.msk $0xffff, v6  }
0xc9: {  	v6 =	vadd.s32 $0x1, v7;
	[tilespmem:v7+s12+$0x0] =	vst.idx.msk $0xffff, v8  }
0xca: {  	_ =	sdelay $0x3  }
0xcb: {  	[tilespmem:v5+s9+$0x0] =	vst.idx.msk $0xffff, v6  }
0xcc: {  	v5 =	vld.idx.msk [tilespmem:v4+s10+$0x0], $0xffff;
	_ =	sdelay $0x4  }
0xcd: {  	v63 =	vshrl.u32 v5, $0x6  }
0xce: {  	v6 =	vand.u32 $0x3FF0, v63  }
0xcf: {  	v6 =	vor.u32 v0, v6;
	_ =	sdelay $0x4  }
0xd0: {  	v7 =	vld.idx.msk [tilespmem:v6+s9+$0x0], $0xffff;
	_ =	sdelay $0x3  }
0xd1: {  	v4 =	vld.idx.msk [tilespmem:v4+s11+$0x0], $0xffff  }
0xd2: {  	p0 =	por $0x1, $0x1  }
.Ltmp16:
0xd3: {  	_ = 	snop;
	(pc) =	sbr.rel @!p0 .LBB2_30-.Ltmp16, $4  }
0xd4: {  	s14 =	simm.s32 $0x0  }
0xd5: {  	[tilespmem:v7+s14+$0x0] =	vst.idx.msk $0xffff, v5  }
0xd6: {  	[tilespmem:v7+s12+$0x0] =	vst.idx.msk $0xffff, v4;
	v4 =	vadd.s32 $0x1, v7  }
0xd7: {  	s15 =	simm.s32 $0x40;
	s16 =	simm.s32 $0x0;
	[tilespmem:v6+s9+$0x0] =	vst.idx.msk $0xffff, v4  }
.LBB2_29:
0xd8: {  	p0 =	sne.s32 s15, $0xFFC0;
	[tilespmem:s16+$0x8000] =	vst v3;
	s16 =	smov.u32 s15;
	s15 =	sadd.s32 $0x40, s15  }
.Ltmp17:
0xd9: {  	(pc) =	sbr.rel @p0 .LBB2_29-.Ltmp17, $2  }
0xda: {  	_ =	sdelay $0x2  }
0xdb: {  	s16 =	sshra.s32 s16, $0x2  }
.LBB2_30:
0xdc: {  	p1 =	por $0x1, $0x1  }
.Ltmp18:
0xdd: {  	_ = 	snop;
	(pc) =	sbr.rel @!p1 .LBB2_31-.Ltmp18, $2  }
0xde: {  	_ =	sdelay $0x2  }
0xdf: {  	[tilespmem:s16+$0x8000] =	vst v3;
	v5 =	vor.u32 s14, v1;
	s15 =	simm.s32 $0x1;
	p0 =	por $0x0, $0x0  }
0xe0: {  	_ =	sdelay $0x2  }
0xe1: {  	s14 =	simm.s32 $0x0  }
0xe2: {  	v4 =	vld.idx.msk [tilespmem:v5+s14+$0x0], $0xffff;
	_ =	sdelay $0x4  }
0xe3: {  	v4 =	vshrl.u32 v4, $0x10  }
0xe4: {  	v4 =	vand.u32 $0x3FF0, v4  }
0xe5: {  	v4 =	vor.u32 v0, v4;
	_ =	sdelay $0x1  }
0xe6: {  	p2 =	por $0x1, $0x1  }
.Ltmp19:
0xe7: {  	_ = 	snop;
	(pc) =	sbr.rel @!p2 .LBB2_34-.Ltmp19, $3  }
0xe8: {  	_ = 	snop  }
0xe9: {  	v6 =	vld.idx.msk [tilespmem:v4+s9+$0x0], $0xffff;
	_ =	sdelay $0x1  }
0xea: {  	p1 =	por $0x1, $0x1;
	v5 =	vor.u32 s15, v1;
	s15 =	simm.s32 $0x2  }
.LBB2_33:
0xeb: {  	p2 =	sne.s32 s15, $0x1FF;
	_ =	sdelay $0x1  }
0xec: {  	v6 =	vadd.s32 $0x1, v6  }
0xed: {  	[tilespmem:v4+s9+$0x0] =	vst.idx.msk $0xffff, v6  }
0xee: {  	v4 =	vld.idx.msk [tilespmem:v5+s14+$0x0], $0xffff;
	_ =	sdelay $0x5  }
0xef: {  	v4 =	vshrl.u32 v4, $0x10  }
0xf0: {  	v4 =	vand.u32 $0x3FF0, v4  }
0xf1: {  	v4 =	vor.u32 v0, v4;
	_ =	sdelay $0x3  }
.Ltmp20:
0xf2: {  	(pc) =	sbr.rel @p2 .LBB2_33-.Ltmp20, $2  }
0xf3: {  	v6 =	vld.idx.msk [tilespmem:v4+s9+$0x0], $0xffff;
	_ =	sdelay $0x2  }
0xf4: {  	v5 =	vor.u32 s15, v1;
	s15 =	sadd.s32 $0x1, s15  }
.LBB2_34:
0xf5: {  	_ =	sdelay $0x2  }
0xf6: {  	v6 =	vadd.s32 @p1 $0x1, v6  }
0xf7: {  	s14 =	simm.s32 $0x0;
	[tilespmem:v4+s9+$0x0] =	vst.idx.msk @p1 $0xffff, v6  }
0xf8: {  	v4 =	vld.idx.msk [tilespmem:v5+s14+$0x0], $0xffff;
	_ =	sdelay $0x4  }
0xf9: {  	v4 =	vshrl.u32 v4, $0x10  }
0xfa: {  	v4 =	vand.u32 $0x3FF0, v4  }
0xfb: {  	v4 =	vor.u32 v0, v4;
	_ =	sdelay $0x4  }
0xfc: {  	v5 =	vld.idx.msk [tilespmem:v4+s9+$0x0], $0xffff  }
0xfd: {  	p1 =	por $0x1, $0x1  }
.Ltmp21:
0xfe: {  	_ = 	snop;
	(pc) =	sbr.rel @!p1 .LBB2_35-.Ltmp21, $3  }
0xff: {  	_ =	sdelay $0x1  }
0x100: {  	v5 =	vadd.s32 $0x1, v5  }
0x101: {  	s18 =	simm.s32 $0x0;
	[tilespmem:v4+s9+$0x0] =	vst.idx.msk $0xffff, v5  }
0x102: {  	v4 =	vld [tilespmem:s18+$0x8000];
	_ =	sdelay $0x4  }
0x103: {  	(xrf0) =	vadd.scan.msk.s32 $0xffff, v4;
	_ =	sdelay $0x4  }
0x104: {  	p1 =	por $0x1, $0x1  }
.Ltmp22:
0x105: {  	v5, _, _ =	vpop (xrf0);
	(pc) =	sbr.rel @!p1 .LBB2_37-.Ltmp22, $4  }
0x106: {  	(v2sf) =	vpush v5, $0xF  }
0x107: {  	v4 =	vsub.s32 s14, v4  }
0x108: {  	s16 =	simm.s32 $0x10;
	v4 =	vadd.s32 v5, v4  }
0x109: {  	s17 =	simm.s32 $0x80;
	p0 =	por $0x1, $0x1;
	s15 =	simm.s32 $0x0;
	[tilespmem:s18+$0x8000] =	vst v4  }
.LBB2_38:
0x10a: {  	p1 =	sne.s32 s17, $0xFFC0;
	v4 =	vld [tilespmem:s16+$0x8000];
	_ =	sdelay $0x4  }
0x10b: {  	(xrf0) =	vadd.scan.msk.s32 $0xffff, v4;
	_ =	sdelay $0x5  }
.Ltmp23:
0x10c: {  	v5, _, _ =	vpop (xrf0);
	s18 =	spop (v2sf);
	(pc) =	sbr.rel @p1 .LBB2_38-.Ltmp23, $4  }
0x10d: {  	(v2sf) =	vpush v5, $0xF;
	s15 =	sadd.s32 s15, s18  }
0x10e: {  	v4 =	vsub.s32 s15, v4  }
0x10f: {  	v4 =	vadd.s32 v5, v4  }
0x110: {  	[tilespmem:s16+$0x8000] =	vst v4;
	s16 =	sshra.s32 s17, $0x2;
	s17 =	sadd.s32 $0x40, s17  }
0x111: {  	s18 =	smov.u32 s16  }
.LBB2_40:
0x112: {  	v5 =	vld [tilespmem:s18+$0x8000];
	_ =	sdelay $0x4  }
0x113: {  	(xrf0) =	vadd.scan.msk.s32 $0xffff, v5;
	_ =	sdelay $0x5  }
0x114: {  	v6, _, _ =	vpop (xrf0)  }
0x115: {  	(v2sf) =	vpush v6, $0xF;
	_ =	sdelay $0x9  }
0x116: {  	p1 =	por $0x1, $0x1;
	s16 =	spop @p0 (v2sf)  }
.Ltmp24:
0x117: {  	s15 =	sadd.s32 @p0 s15, s16;
	(pc) =	sbr.rel @!p1 .LBB2_41-.Ltmp24, $4  }
0x118: {  	v4 =	vor.u32 s14, v1;
	s14 =	smov.u32 @p0 s15  }
0x119: {  	v5 =	vsub.s32 s14, v5  }
0x11a: {  	v5 =	vadd.s32 v6, v5  }
0x11b: {  	s15 =	simm.s32 $0x1;
	p0 =	por $0x0, $0x0;
	[tilespmem:s18+$0x8000] =	vst v5;
	s31 =	spop (v2sf)  }
0x11c: {  	_ =	sdelay $0x3  }
0x11d: {  	v6 =	vld.idx.msk [tilespmem:v4+s2+$0x0], $0xffff;
	_ =	sdelay $0x4  }
0x11e: {  	v5 =	vshrl.u32 v6, $0x10  }
0x11f: {  	v5 =	vand.u32 $0x3FF0, v5  }
0x120: {  	v5 =	vor.u32 v0, v5;
	_ =	sdelay $0x4  }
0x121: {  	v7 =	vld.idx.msk [tilespmem:v5+s9+$0x0], $0xffff;
	_ =	sdelay $0x3  }
0x122: {  	v8 =	vld.idx.msk [tilespmem:v4+s12+$0x0], $0xffff;
	p1 =	por $0x1, $0x1  }
.Ltmp25:
0x123: {  	_ = 	snop;
	(pc) =	sbr.rel @!p1 .LBB2_44-.Ltmp25, $3  }
0x124: {  	v4 =	vor.u32 s15, v1;
	_ =	sdelay $0x1  }
0x125: {  	[tilespmem:v7+s10+$0x0] =	vst.idx.msk $0xffff, v6  }
0x126: {  	s14 =	simm.s32 $0x2;
	p0 =	por $0x1, $0x1;
	v6 =	vadd.s32 $0x1, v7;
	[tilespmem:v7+s11+$0x0] =	vst.idx.msk $0xffff, v8  }
.LBB2_43:
0x127: {  	p1 =	sne.s32 s14, $0x1FF;
	[tilespmem:v5+s9+$0x0] =	vst.idx.msk $0xffff, v6;
	s15 =	smov.u32 s14;
	s14 =	sadd.s32 $0x1, s14  }
0x128: {  	v6 =	vld.idx.msk [tilespmem:v4+s2+$0x0], $0xffff;
	_ =	sdelay $0x5  }
0x129: {  	v5 =	vshrl.u32 v6, $0x10  }
0x12a: {  	v5 =	vand.u32 $0x3FF0, v5  }
0x12b: {  	v5 =	vor.u32 v0, v5;
	_ =	sdelay $0x4  }
0x12c: {  	v7 =	vld.idx.msk [tilespmem:v5+s9+$0x0], $0xffff;
	_ =	sdelay $0x2  }
0x12d: {  	v8 =	vld.idx.msk [tilespmem:v4+s12+$0x0], $0xffff;
	_ =	sdelay $0x1  }
.Ltmp26:
0x12e: {  	(pc) =	sbr.rel @p1 .LBB2_43-.Ltmp26, $3  }
0x12f: {  	v4 =	vor.u32 s15, v1;
	_ =	sdelay $0x1  }
0x130: {  	[tilespmem:v7+s10+$0x0] =	vst.idx.msk $0xffff, v6  }
0x131: {  	v6 =	vadd.s32 $0x1, v7;
	[tilespmem:v7+s11+$0x0] =	vst.idx.msk $0xffff, v8  }
.LBB2_44:
0x132: {  	_ =	sdelay $0x3  }
0x133: {  	[tilespmem:v5+s9+$0x0] =	vst.idx.msk @p0 $0xffff, v6  }
0x134: {  	v5 =	vld.idx.msk [tilespmem:v4+s2+$0x0], $0xffff;
	_ =	sdelay $0x4  }
0x135: {  	v63 =	vshrl.u32 v5, $0x10  }
0x136: {  	v6 =	vand.u32 $0x3FF0, v63  }
0x137: {  	v6 =	vor.u32 v0, v6;
	_ =	sdelay $0x4  }
0x138: {  	v7 =	vld.idx.msk [tilespmem:v6+s9+$0x0], $0xffff;
	_ =	sdelay $0x3  }
0x139: {  	v4 =	vld.idx.msk [tilespmem:v4+s12+$0x0], $0xffff;
	_ =	sdelay $0x3  }
0x13a: {  	[tilespmem:v7+s10+$0x0] =	vst.idx.msk $0xffff, v5  }
0x13b: {  	s13 =	sadd.s32 $0x1, s13;
	[tilespmem:v7+s11+$0x0] =	vst.idx.msk $0xffff, v4;
	v4 =	vadd.s32 $0x1, v7  }
0x13c: {  	p0 =	sne.s32 s13, s5;
	[tilespmem:v6+s9+$0x0] =	vst.idx.msk $0xffff, v4  }
0x13d: {  	[hbm4b:s3+s6] =	stream.strided.scatter [tilespmem:s11], [sflag:$0x1], $0x1000, s7, s6, $0x38;
	[tilespmem:$0xC000] =	vst v63  }
.Ltmp27:
0x13e: {  	_ = 	snop;
	(pc) =	sbr.rel @p0 .LBB2_2-.Ltmp27, $4  }
.Ltmp28:
0x13f: {  	_ = 	snop;
	(pc) =	sbr.rel @!p0 .LBB2_45-.Ltmp28, $4  }
0x140: {  	_ =	swait.ge [sflag:s8], $0x1000  }
0x141: {  	[sflag:s8] =	ssyncset.done $0x0  }
0x142: {  	[sflag:s8] =	ssyncadd.s32 $0xFFFFF000  }
0x143: {  	_ = 	snop  }
.LBB2_7:
.Ltmp29:
0x144: {  	(pc) =	sbr.rel .LBB2_12-.Ltmp29, $2  }
0x145: {  	_ =	sdelay $0x2  }
0x146: {  	s15 =	simm.s32 $0x0;
	p1 =	por $0x0, $0x0  }
.LBB2_13:
.Ltmp30:
0x147: {  	(pc) =	sbr.rel .LBB2_18-.Ltmp30, $2  }
0x148: {  	_ =	sdelay $0x2  }
0x149: {  	_ = 	snop  }
.LBB2_21:
.Ltmp31:
0x14a: {  	(pc) =	sbr.rel .LBB2_24-.Ltmp31, $2  }
0x14b: {  	_ =	sdelay $0x2  }
0x14c: {  	_ = 	snop  }
.LBB2_31:
.Ltmp32:
0x14d: {  	(pc) =	sbr.rel .LBB2_34-.Ltmp32, $2  }
0x14e: {  	_ =	sdelay $0x2  }
0x14f: {  	p1 =	por $0x0, $0x0  }
.LBB2_35:
.Ltmp33:
0x150: {  	(pc) =	sbr.rel .LBB2_40-.Ltmp33, $2  }
0x151: {  	_ =	sdelay $0x2  }
0x152: {  	s15 =	simm.s32 $0x0  }
.LBB2_41:
.Ltmp34:
0x153: {  	(pc) =	sbr.rel .LBB2_44-.Ltmp34, $2  }
0x154: {  	_ =	sdelay $0x2  }
0x155: {  	_ = 	snop  }
.LBB2_9:
.Ltmp35:
0x156: {  	(pc) =	sbr.rel .LBB2_12-.Ltmp35, $2  }
0x157: {  	_ =	sdelay $0x2  }
0x158: {  	s18 =	simm.s32 $0x10;
	s15 =	simm.s32 $0x0  }
.LBB2_15:
.Ltmp36:
0x159: {  	(pc) =	sbr.rel .LBB2_18-.Ltmp36, $2  }
0x15a: {  	_ =	sdelay $0x2  }
0x15b: {  	s14 =	simm.s32 $0x1  }
.LBB2_37:
.Ltmp37:
0x15c: {  	(pc) =	sbr.rel .LBB2_40-.Ltmp37, $2  }
0x15d: {  	_ =	sdelay $0x2  }
0x15e: {  	s18 =	simm.s32 $0x10;
	s15 =	simm.s32 $0x0  }
.LBB2_45:
0x15f: {  	_ =	sfence.sel $0x180000  }
0x160: {  	[bflag:$0x0] =	sbarrier.arrive $0xFFFF  }
0x161: {  	p0 =	sne.s32 s1, $0x0;
	_ =	strace $0x90000047  }
0x162: {  	s0 =	sadd.s32 @!p0 $0x100000, s0;
	[bflag:$0x2] =	sbarrier.arrive $0xFFFF  }
0x163: {  	[sflag:s0] =	ssyncadd.tile.s32 @!p0 $0x1;
	_ =	shalt  }
.Lfunc_end2:
_tile_overlayer_lowered:
.L_overlay_start_2:
0x164: {  	(tag) =	ssettag $0x2  }
0x165: {  	s0 =	rddreg [dreg:$0x0];
	s2 =	stileid.u32  }
0x166: {  	s1 =	rddreg [dreg:$0x1];
	p0 =	sne.s32 s2, $0x0  }
0x167: {  	s3 =	rddreg [dreg:$0x2];
	[bflag:$0x3] =	sbarrier.arrive $0xFFFF;
	s2 =	simm.s32 @!p0 $0x1C01  }
0x168: {  	[timem:s3], [sflag:s2] =	dma.local @!p0 [hbm:s0], s1  }
0x169: {  	s0 =	simm.s32 @!p0 $0x1  }
0x16a: {  	_ =	swait.ge @!p0 [sflag:s0], s1  }
0x16b: {  	s1 =	ssub.s32 @!p0 $0x0, s1;
	[sflag:s0] =	ssyncset.done @!p0 $0x0  }
0x16c: {  	[sflag:s0] =	ssyncadd.s32 @!p0 s1  }
0x16d: {  	[bflag:$0x3] =	sbarrier.arrive $0xFFFF  }
0x16e: {  	_ =	shalt  }

</sc_bundles>
